<compile_context>
chip_gen: v7x
topology: tpu7x:2x2x1
jax: 0.10.2.dev20260603
libtpu: 0.0.44.dev20260713+nightly
codegen_flags: <defaults>
</compile_context>

<pallas_src>
import functools

import jax
import jax.numpy as jnp
from jax import lax
from jax.experimental import pallas as pl
from jax.experimental.pallas import tpu as pltpu
from jax.experimental.pallas import tpu_sc as plsc

_NC = 2
_NS = 16
_C = 80


def _w_body(x_ref, wmat_ref, o_ref):
    er = jnp.dot(x_ref[...], wmat_ref[...], preferred_element_type=jnp.float32)
    e = jnp.where(er > 0, er, 0.01 * er)
    o_ref[...] = jnp.exp(e)


def kernel(feat_src, feat_dst, metapath_idx, attn_r):
    M, HD = feat_src.shape
    N = feat_dst.shape[0]
    H, D = attn_r.shape[1], attn_r.shape[2]
    HP = 16

    r_flat = attn_r.reshape(H * D).astype(jnp.float32)
    j = jnp.arange(HD)
    wmat = (j[:, None] // D == jnp.arange(HP)[None, :]) * r_flat[:, None]

    BM = 8000
    seg = metapath_idx[:, 0]
    w_edges = pl.pallas_call(
        _w_body,
        grid=(M // BM,),
        in_specs=[
            pl.BlockSpec((BM, HD), lambda i: (i, 0)),
            pl.BlockSpec((HD, HP), lambda i: (0, 0)),
        ],
        out_specs=pl.BlockSpec((BM, HP), lambda i: (i, 0)),
        out_shape=jax.ShapeDtypeStruct((M, HP), jnp.float32),
    )(feat_src, wmat)

    n_work = _NC * _NS
    m_per = M // n_work
    nchunk = m_per // _C
    nz = N // _C
    DR = N * H // HD

    mesh = plsc.VectorSubcoreMesh(core_axis_name="c", subcore_axis_name="s")

    @functools.partial(
        pl.kernel,
        out_type=(
            jax.ShapeDtypeStruct((N, HD), jnp.float32),
            jax.ShapeDtypeStruct((N, HD), jnp.float32),
        ),
        mesh=mesh,
        compiler_params=pltpu.CompilerParams(needs_layout_passes=False),
        scratch_types=[
            pltpu.VMEM((2, _C, HD), jnp.float32),
            pltpu.VMEM((2, _C, HP), jnp.float32),
            pltpu.VMEM((2, _C), jnp.int32),
            pltpu.VMEM_SHARED((N, HD), jnp.float32),
            pltpu.SemaphoreType.DMA((2,)),
            pltpu.SemaphoreType.DMA,
        ],
    )
    def sc_feats(x_hbm, w_hbm, seg_hbm, outf0_hbm, outf1_hbm, xbuf, wbuf,
                 idxbuf, acc, sem_in, sem_sc):
        c = lax.axis_index("c")
        s = lax.axis_index("s")
        wid = s * _NC + c
        zero = jnp.zeros((HP,), jnp.float32)
        base0 = wid * m_per

        def issue_loads(i, b):
            base = pl.multiple_of(base0 + i * _C, 8)
            pltpu.async_copy(x_hbm.at[pl.ds(base, _C)], xbuf.at[b],
                             sem_in.at[b])
            pltpu.async_copy(w_hbm.at[pl.ds(base, _C)], wbuf.at[b],
                             sem_in.at[b])
            pltpu.async_copy(seg_hbm.at[pl.ds(base, _C)], idxbuf.at[b],
                             sem_in.at[b])

        def wait_loads(b):
            pltpu.make_async_copy(x_hbm.at[pl.ds(0, _C)], xbuf.at[b],
                                  sem_in.at[b]).wait()
            pltpu.make_async_copy(w_hbm.at[pl.ds(0, _C)], wbuf.at[b],
                                  sem_in.at[b]).wait()
            pltpu.make_async_copy(seg_hbm.at[pl.ds(0, _C)], idxbuf.at[b],
                                  sem_in.at[b]).wait()

        def scale(b):
            @pl.loop(0, _C, unroll=4)
            def _(e):
                wv = wbuf[b, e, :]
                for h in range(H):
                    xbuf[b, e, h * D:(h + 1) * D] = (
                        xbuf[b, e, h * D:(h + 1) * D] * wv[h])

        def issue_scatter(b):
            pltpu.async_copy(xbuf.at[b], acc.at[idxbuf.at[b]], sem_sc,
                             add=True)

        def wait_scatter(b):
            pltpu.make_async_copy(xbuf.at[b], acc.at[idxbuf.at[b]],
                                  sem_sc).wait()

        @pl.loop(0, _C)
        def _(r):
            for k in range(HD // HP):
                xbuf[0, r, k * HP:(k + 1) * HP] = zero

        @pl.loop(s, nz, step=_NS)
        def _(q):
            off = pl.multiple_of(q * _C, 8)
            pltpu.sync_copy(xbuf.at[0], acc.at[pl.ds(off, _C)])
        plsc.subcore_barrier()

        issue_loads(0, 0)
        wait_loads(0)
        scale(0)
        issue_loads(1, 1)
        issue_scatter(0)

        @pl.loop(0, (nchunk - 1) // 2)
        def _(jj):
            i1 = 2 * jj + 1
            wait_loads(1)
            scale(1)
            wait_scatter(0)
            issue_loads(i1 + 1, 0)
            issue_scatter(1)

            i2 = 2 * jj + 2
            wait_loads(0)
            scale(0)
            wait_scatter(1)

            @pl.when(i2 + 1 < nchunk)
            def _():
                issue_loads(i2 + 1, 1)

            issue_scatter(0)

        wait_scatter((nchunk - 1) & 1)
        plsc.subcore_barrier()

        @pl.loop(s, nz, step=_NS)
        def _(q):
            off = pl.multiple_of(q * _C, 8)

            @pl.when(c == 0)
            def _():
                pltpu.sync_copy(acc.at[pl.ds(off, _C)], outf0_hbm.at[pl.ds(off, _C)])

            @pl.when(c == 1)
            def _():
                pltpu.sync_copy(acc.at[pl.ds(off, _C)], outf1_hbm.at[pl.ds(off, _C)])

    p0, p1 = sc_feats(feat_src, w_edges, seg)

    CD = _C
    nd = m_per // CD

    @functools.partial(
        pl.kernel,
        out_type=jax.ShapeDtypeStruct((n_work, N * H), jnp.float32),
        mesh=mesh,
        compiler_params=pltpu.CompilerParams(needs_layout_passes=False),
        scratch_types=[
            pltpu.VMEM((2, CD, HP), jnp.float32),
            pltpu.VMEM((2, CD), jnp.int32),
            pltpu.VMEM((N * H,), jnp.float32),
            pltpu.SemaphoreType.DMA((2,)),
        ],
    )
    def sc_denom(w_hbm, seg_hbm, outd_hbm, wbuf, idxbuf, dbuf, sem_in):
        c = lax.axis_index("c")
        s = lax.axis_index("s")
        wid = s * _NC + c
        zero = jnp.zeros((HP,), jnp.float32)
        iota = lax.iota(jnp.int32, HP)
        hmask = iota < H
        base0 = wid * m_per

        def issue_loads(i, b):
            base = pl.multiple_of(base0 + i * CD, 8)
            pltpu.async_copy(w_hbm.at[pl.ds(base, CD)], wbuf.at[b],
                             sem_in.at[b])
            pltpu.async_copy(seg_hbm.at[pl.ds(base, CD)], idxbuf.at[b],
                             sem_in.at[b])

        def wait_loads(b):
            pltpu.make_async_copy(w_hbm.at[pl.ds(0, CD)], wbuf.at[b],
                                  sem_in.at[b]).wait()
            pltpu.make_async_copy(seg_hbm.at[pl.ds(0, CD)], idxbuf.at[b],
                                  sem_in.at[b]).wait()

        issue_loads(0, 0)

        @pl.loop(0, N * H // HP)
        def _(r):
            dbuf[pl.ds(r * HP, HP)] = zero

        def den_accum(i, b):
            wait_loads(b)

            @pl.when(i + 1 < nd)
            def _():
                issue_loads(i + 1, 1 - b)

            @pl.loop(0, CD // HP)
            def _(g):
                iv = idxbuf[b, pl.ds(g * HP, HP)]
                for e16 in range(HP):
                    wv = wbuf[b, g * HP + e16, :]
                    flat = iv[e16] * H + iota
                    plsc.addupdate_scatter(dbuf, [flat], wv, mask=hmask)

        den_accum(0, 0)

        @pl.loop(0, (nd - 1) // 2)
        def _(jj):
            den_accum(2 * jj + 1, 1)
            den_accum(2 * jj + 2, 0)

        pltpu.sync_copy(dbuf, outd_hbm.at[wid])

    parts_d = sc_denom(w_edges, seg)

    NPR = HD // H
    FW = NPR * HD
    NR = N // NPR
    cols = jnp.arange(FW)
    expand = (jnp.arange(HD)[:, None]
              == (cols // HD) * H + (cols % HD) // D).astype(jnp.float32)

    p0v = p0.reshape(NR, FW)
    p1v = p1.reshape(NR, FW)
    den_parts = parts_d.reshape(n_work, DR, HD)

    def _combine_body(p0_ref, p1_ref, dp_ref, ex_ref, o_ref):
        u = p0_ref[...] + p1_ref[...]
        den = jnp.sum(dp_ref[...], axis=0)
        den_rep = jnp.dot(den, ex_ref[...],
                          preferred_element_type=jnp.float32)
        v = u / jnp.where(den_rep > 0, den_rep, 1.0)
        o_ref[...] = jnp.where(v > 0, v, jnp.exp(v) - 1.0)

    out = pl.pallas_call(
        _combine_body,
        grid=(1,),
        in_specs=[
            pl.BlockSpec((NR, FW), lambda i: (0, 0)),
            pl.BlockSpec((NR, FW), lambda i: (0, 0)),
            pl.BlockSpec((n_work, NR, HD), lambda i: (0, 0, 0)),
            pl.BlockSpec((HD, FW), lambda i: (0, 0)),
        ],
        out_specs=pl.BlockSpec((NR, FW), lambda i: (0, 0)),
        out_shape=jax.ShapeDtypeStruct((NR, FW), jnp.float32),
    )(p0v, p1v, den_parts, expand)
    return out.reshape(N, HD)

# --- scband reference (transcript-rebuilt; emitter-appended) ---
"""Pipeline reference for scband-magnn-attn-intra-42820823941457 (READ-ONLY COPY).

The authoritative reference and input builder live on the scoring server;
editing this copy changes nothing except your own understanding.
"""

import jax, jax.numpy as jnp
import numpy as np

N_NODES = 10000
M_INST = 320000
H = 8
D = 16


def setup_inputs(seed: int = 0) -> dict:
    key = jax.random.key(seed)
    k1, k2, k3, k4 = jax.random.split(key, 4)
    feat_src = jax.random.normal(k1, (M_INST, H * D), dtype=jnp.float32)
    feat_dst = jax.random.normal(k2, (N_NODES, H * D), dtype=jnp.float32)
    metapath_idx = jax.random.randint(k3, (M_INST, 3), 0, N_NODES, dtype=jnp.int32)
    # xavier_normal_ with gain=1.414 on shape (1, 8, 16): fan_in=128, fan_out=16 -> std ~ 0.1667
    attn_r = jax.random.normal(k4, (1, H, D), dtype=jnp.float32) * 0.1667
    return {"feat_src": feat_src, "feat_dst": feat_dst, "metapath_idx": metapath_idx, "attn_r": attn_r}


def reference(feat_src, feat_dst, metapath_idx, attn_r):
    # feat_drop / attn_drop are identity in eval mode (p irrelevant for reference)
    num_heads, out_feats = attn_r.shape[1], attn_r.shape[2]
    n_dst = feat_dst.shape[0]
    h_meta = feat_src.reshape(-1, num_heads, out_feats)              # [M, H, D]
    er = jnp.sum(h_meta * attn_r, axis=-1, keepdims=True)            # [M, H, 1]
    # copy_u to edges (one edge per metapath instance) then leaky_relu
    e = jnp.where(er > 0, er, 0.01 * er)                             # [M, H, 1]
    seg = metapath_idx[:, 0]                                         # dst node per instance
    # edge_softmax: softmax over edges grouped by destination node
    seg_max = jax.ops.segment_max(e, seg, num_segments=n_dst)        # [N, H, 1]
    seg_max = jnp.where(jnp.isfinite(seg_max), seg_max, 0.0)
    e_exp = jnp.exp(e - jnp.take(seg_max, seg, axis=0))
    denom = jax.ops.segment_sum(e_exp, seg, num_segments=n_dst)
    a = e_exp / jnp.take(denom, seg, axis=0)                         # [M, H, 1]
    # u_mul_e + sum reduce: scatter-add messages into dst nodes
    out = jax.ops.segment_sum(h_meta * a, seg, num_segments=n_dst)   # [N, H, D]
    # activation = F.elu
    out = jnp.where(out > 0, out, jnp.expm1(out))
    return out.reshape(n_dst, num_heads * out_feats)                 # flatten(1)

if __name__ == "__main__":
    import jax
    _d = setup_inputs()
    print(jax.jit(kernel)(*tuple(_d.values())))

</pallas_src>

<mosaic_0001>
#map = affine_map<(d0, d1) -> (0, 0)>
#map1 = affine_map<(d0, d1) -> (0)>
module attributes {stable_mosaic.version = 14 : i64} {
  func.func @sc_denom(%arg0: i32, %arg1: i32, %arg2: memref<320000x16xf32, #tpu.memory_space<hbm>>, %arg3: memref<320000xi32, #tpu.memory_space<hbm>>, %arg4: memref<32x80000xf32, #tpu.memory_space<hbm>>, %arg5: memref<2x80x16xf32, #tpu.memory_space<vmem>>, %arg6: memref<2x80xi32, #tpu.memory_space<vmem>>, %arg7: memref<80000xf32, #tpu.memory_space<vmem>>, %arg8: memref<2x!tpu.dma_semaphore, #tpu.memory_space<semaphore_mem>>) attributes {dimension_semantics = [#tpu.dimension_semantics<core_parallel>, #tpu.dimension_semantics<subcore_parallel>], iteration_bounds = array<i64: 2, 16>, scalar_prefetch = 0 : i64, scratch_operands = 4 : i64, tpu.core_type = #tpu.core_type<sc_vector_subcore>, window_params = [{transform_indices = #map}, {transform_indices = #map1}, {transform_indices = #map}]} {
    %mul3A = arith.constant 2 : i32
    %mul3A_0 = arith.muli %arg1, %mul3A : i32
    %add3A = arith.addi %mul3A_0, %arg0 : i32
    %broadcast_in_dim3A = arith.constant 0.000000e+00 : f32
    %broadcast_in_dim3A_1 = vector.broadcast %broadcast_in_dim3A : f32 to vector<16xf32>
    %iota3A = tpu.iota {dimensions = array<i32: 0>} : vector<16xi32>
    %lt3A = arith.constant 8 : i32
    %lt3A_2 = vector.broadcast %lt3A : i32 to vector<16xi32>
    %lt3A_3 = arith.cmpi slt, %iota3A, %lt3A_2 : vector<16xi32>
    %mul3A_4 = arith.constant 10000 : i32
    %mul3A_5 = arith.muli %add3A, %mul3A_4 : i32
    %add3A_6 = arith.constant 0 : i32
    %add3A_7 = arith.addi %mul3A_5, %add3A_6 : i32
    %multiple_of3A = tpu.assume_multiple %add3A_7, 8 : i32
    %dma_start3A = arith.constant 0 : i32
    %dma_start3A_8 = arith.constant 0 : i32
    %dma_start3A_9 = arith.constant 0 : i32
    %dma_start3A_10 = arith.constant 0 : i32
    %dma_start3A_11 = tpu.memref_slice %arg5[%dma_start3A, %dma_start3A_9, %dma_start3A_10] : memref<2x80x16xf32, #tpu.memory_space<vmem>> -> memref<1x80x16xf32, #tpu.memory_space<vmem>>
    %dma_start3A_12 = tpu.memref_squeeze %dma_start3A_11 : memref<1x80x16xf32, #tpu.memory_space<vmem>> -> memref<80x16xf32, #tpu.memory_space<vmem>>
    %dma_start3A_13 = arith.constant 0 : i32
    %dma_start3A_14 = tpu.memref_slice %arg2[%multiple_of3A, %dma_start3A_13] : memref<320000x16xf32, #tpu.memory_space<hbm>> -> memref<80x16xf32, #tpu.memory_space<hbm>>
    %dma_start3A_15 = tpu.memref_slice %arg8[%dma_start3A_8] : memref<2x!tpu.dma_semaphore, #tpu.memory_space<semaphore_mem>> -> memref<1x!tpu.dma_semaphore, #tpu.memory_space<semaphore_mem>>
    %dma_start3A_16 = tpu.memref_squeeze %dma_start3A_15 : memref<1x!tpu.dma_semaphore, #tpu.memory_space<semaphore_mem>> -> memref<!tpu.dma_semaphore, #tpu.memory_space<semaphore_mem>>
    %dma_start3A_17 = arith.constant 0 : i32
    %dma_start3A_18 = arith.constant 0 : i32
    %dma_start3A_19 = tpu.memref_slice %arg5[%dma_start3A, %dma_start3A_17, %dma_start3A_18] : memref<2x80x16xf32, #tpu.memory_space<vmem>> -> memref<1x80x16xf32, #tpu.memory_space<vmem>>
    %dma_start3A_20 = tpu.memref_squeeze %dma_start3A_19 : memref<1x80x16xf32, #tpu.memory_space<vmem>> -> memref<80x16xf32, #tpu.memory_space<vmem>>
    %dma_start3A_21 = arith.constant 0 : i32
    %dma_start3A_22 = tpu.memref_slice %arg2[%multiple_of3A, %dma_start3A_21] : memref<320000x16xf32, #tpu.memory_space<hbm>> -> memref<80x16xf32, #tpu.memory_space<hbm>>
    tpu.enqueue_dma source(%dma_start3A_22 : memref<80x16xf32, #tpu.memory_space<hbm>>) target(%dma_start3A_20 : memref<80x16xf32, #tpu.memory_space<vmem>>) target_semaphore(%dma_start3A_16 : memref<!tpu.dma_semaphore, #tpu.memory_space<semaphore_mem>>)
    %dma_start3A_23 = arith.constant 0 : i32
    %dma_start3A_24 = arith.constant 0 : i32
    %dma_start3A_25 = arith.constant 0 : i32
    %dma_start3A_26 = tpu.memref_slice %arg6[%dma_start3A_23, %dma_start3A_25] : memref<2x80xi32, #tpu.memory_space<vmem>> -> memref<1x80xi32, #tpu.memory_space<vmem>>
    %dma_start3A_27 = tpu.memref_squeeze %dma_start3A_26 : memref<1x80xi32, #tpu.memory_space<vmem>> -> memref<80xi32, #tpu.memory_space<vmem>>
    %dma_start3A_28 = tpu.memref_slice %arg3[%multiple_of3A] : memref<320000xi32, #tpu.memory_space<hbm>> -> memref<80xi32, #tpu.memory_space<hbm>>
    %dma_start3A_29 = tpu.memref_slice %arg8[%dma_start3A_24] : memref<2x!tpu.dma_semaphore, #tpu.memory_space<semaphore_mem>> -> memref<1x!tpu.dma_semaphore, #tpu.memory_space<semaphore_mem>>
    %dma_start3A_30 = tpu.memref_squeeze %dma_start3A_29 : memref<1x!tpu.dma_semaphore, #tpu.memory_space<semaphore_mem>> -> memref<!tpu.dma_semaphore, #tpu.memory_space<semaphore_mem>>
    %dma_start3A_31 = arith.constant 0 : i32
    %dma_start3A_32 = tpu.memref_slice %arg6[%dma_start3A_23, %dma_start3A_31] : memref<2x80xi32, #tpu.memory_space<vmem>> -> memref<1x80xi32, #tpu.memory_space<vmem>>
    %dma_start3A_33 = tpu.memref_squeeze %dma_start3A_32 : memref<1x80xi32, #tpu.memory_space<vmem>> -> memref<80xi32, #tpu.memory_space<vmem>>
    %dma_start3A_34 = tpu.memref_slice %arg3[%multiple_of3A] : memref<320000xi32, #tpu.memory_space<hbm>> -> memref<80xi32, #tpu.memory_space<hbm>>
    tpu.enqueue_dma source(%dma_start3A_34 : memref<80xi32, #tpu.memory_space<hbm>>) target(%dma_start3A_33 : memref<80xi32, #tpu.memory_space<vmem>>) target_semaphore(%dma_start3A_30 : memref<!tpu.dma_semaphore, #tpu.memory_space<semaphore_mem>>)
    %scan3A = arith.constant 0 : i32
    %scan3A_35 = arith.constant 5000 : i32
    %scan3A_36 = arith.addi %scan3A, %scan3A_35 : i32
    %scan3A_37 = arith.constant 1 : i32
    scf.for %scan3A_111 = %scan3A to %scan3A_36 step %scan3A_37  : i32 {
      %mul3A_112 = arith.constant 1 : i32
      %mul3A_113 = arith.muli %scan3A_111, %mul3A_112 : i32
      %add3A_114 = arith.constant 0 : i32
      %add3A_115 = arith.addi %add3A_114, %mul3A_113 : i32
      %mul3A_116 = arith.constant 16 : i32
      %mul3A_117 = arith.muli %add3A_115, %mul3A_116 : i32
      %swap3A = arith.index_cast %mul3A_117 : i32 to index
      %swap3A_118 = tpu.vector_load %arg7[%swap3A] {strides = array<i32>} : memref<80000xf32, #tpu.memory_space<vmem>>, vector<16xf32>,
      tpu.vector_store %arg7[%swap3A], %broadcast_in_dim3A_1 {strides = array<i32>} : memref<80000xf32, #tpu.memory_space<vmem>>, vector<16xf32>,
    }
    %scan3A_38 = arith.constant 5000 : i32
    %dma_wait3A = arith.constant 0 : i32
    %dma_wait3A_39 = arith.constant 0 : i32
    %dma_wait3A_40 = arith.constant 0 : i32
    %dma_wait3A_41 = arith.constant 0 : i32
    %dma_wait3A_42 = tpu.memref_slice %arg5[%dma_wait3A, %dma_wait3A_40, %dma_wait3A_41] : memref<2x80x16xf32, #tpu.memory_space<vmem>> -> memref<1x80x16xf32, #tpu.memory_space<vmem>>
    %dma_wait3A_43 = tpu.memref_squeeze %dma_wait3A_42 : memref<1x80x16xf32, #tpu.memory_space<vmem>> -> memref<80x16xf32, #tpu.memory_space<vmem>>
    %dma_wait3A_44 = arith.constant 0 : i32
    %dma_wait3A_45 = arith.constant 0 : i32
    %dma_wait3A_46 = tpu.memref_slice %arg2[%dma_wait3A_44, %dma_wait3A_45] : memref<320000x16xf32, #tpu.memory_space<hbm>> -> memref<80x16xf32, #tpu.memory_space<hbm>>
    %dma_wait3A_47 = tpu.memref_slice %arg8[%dma_wait3A_39] : memref<2x!tpu.dma_semaphore, #tpu.memory_space<semaphore_mem>> -> memref<1x!tpu.dma_semaphore, #tpu.memory_space<semaphore_mem>>
    %dma_wait3A_48 = tpu.memref_squeeze %dma_wait3A_47 : memref<1x!tpu.dma_semaphore, #tpu.memory_space<semaphore_mem>> -> memref<!tpu.dma_semaphore, #tpu.memory_space<semaphore_mem>>
    %dma_wait3A_49 = arith.constant 0 : i32
    %dma_wait3A_50 = arith.constant 0 : i32
    %dma_wait3A_51 = tpu.memref_slice %arg5[%dma_wait3A, %dma_wait3A_49, %dma_wait3A_50] : memref<2x80x16xf32, #tpu.memory_space<vmem>> -> memref<1x80x16xf32, #tpu.memory_space<vmem>>
    %dma_wait3A_52 = tpu.memref_squeeze %dma_wait3A_51 : memref<1x80x16xf32, #tpu.memory_space<vmem>> -> memref<80x16xf32, #tpu.memory_space<vmem>>
    %dma_wait3A_53 = arith.constant 0 : i32
    %dma_wait3A_54 = arith.constant 0 : i32
    %dma_wait3A_55 = tpu.memref_slice %arg2[%dma_wait3A_53, %dma_wait3A_54] : memref<320000x16xf32, #tpu.memory_space<hbm>> -> memref<80x16xf32, #tpu.memory_space<hbm>>
    tpu.wait_dma2 semaphore(%dma_wait3A_48 : memref<!tpu.dma_semaphore, #tpu.memory_space<semaphore_mem>>) src(%dma_wait3A_55 : memref<80x16xf32, #tpu.memory_space<hbm>>) dst(%dma_wait3A_52 : memref<80x16xf32, #tpu.memory_space<vmem>>)
    %dma_wait3A_56 = arith.constant 0 : i32
    %dma_wait3A_57 = arith.constant 0 : i32
    %dma_wait3A_58 = arith.constant 0 : i32
    %dma_wait3A_59 = tpu.memref_slice %arg6[%dma_wait3A_56, %dma_wait3A_58] : memref<2x80xi32, #tpu.memory_space<vmem>> -> memref<1x80xi32, #tpu.memory_space<vmem>>
    %dma_wait3A_60 = tpu.memref_squeeze %dma_wait3A_59 : memref<1x80xi32, #tpu.memory_space<vmem>> -> memref<80xi32, #tpu.memory_space<vmem>>
    %dma_wait3A_61 = arith.constant 0 : i32
    %dma_wait3A_62 = tpu.memref_slice %arg3[%dma_wait3A_61] : memref<320000xi32, #tpu.memory_space<hbm>> -> memref<80xi32, #tpu.memory_space<hbm>>
    %dma_wait3A_63 = tpu.memref_slice %arg8[%dma_wait3A_57] : memref<2x!tpu.dma_semaphore, #tpu.memory_space<semaphore_mem>> -> memref<1x!tpu.dma_semaphore, #tpu.memory_space<semaphore_mem>>
    %dma_wait3A_64 = tpu.memref_squeeze %dma_wait3A_63 : memref<1x!tpu.dma_semaphore, #tpu.memory_space<semaphore_mem>> -> memref<!tpu.dma_semaphore, #tpu.memory_space<semaphore_mem>>
    %dma_wait3A_65 = arith.constant 0 : i32
    %dma_wait3A_66 = tpu.memref_slice %arg6[%dma_wait3A_56, %dma_wait3A_65] : memref<2x80xi32, #tpu.memory_space<vmem>> -> memref<1x80xi32, #tpu.memory_space<vmem>>
    %dma_wait3A_67 = tpu.memref_squeeze %dma_wait3A_66 : memref<1x80xi32, #tpu.memory_space<vmem>> -> memref<80xi32, #tpu.memory_space<vmem>>
    %dma_wait3A_68 = arith.constant 0 : i32
    %dma_wait3A_69 = tpu.memref_slice %arg3[%dma_wait3A_68] : memref<320000xi32, #tpu.memory_space<hbm>> -> memref<80xi32, #tpu.memory_space<hbm>>
    tpu.wait_dma2 semaphore(%dma_wait3A_64 : memref<!tpu.dma_semaphore, #tpu.memory_space<semaphore_mem>>) src(%dma_wait3A_69 : memref<80xi32, #tpu.memory_space<hbm>>) dst(%dma_wait3A_67 : memref<80xi32, #tpu.memory_space<vmem>>)
    %add3A_70 = arith.constant 80 : i32
    %add3A_71 = arith.addi %mul3A_5, %add3A_70 : i32
    %multiple_of3A_72 = tpu.assume_multiple %add3A_71, 8 : i32
    %dma_start3A_73 = arith.constant 1 : i32
    %dma_start3A_74 = arith.constant 1 : i32
    %dma_start3A_75 = arith.constant 0 : i32
    %dma_start3A_76 = arith.constant 0 : i32
    %dma_start3A_77 = tpu.memref_slice %arg5[%dma_start3A_73, %dma_start3A_75, %dma_start3A_76] : memref<2x80x16xf32, #tpu.memory_space<vmem>> -> memref<1x80x16xf32, #tpu.memory_space<vmem>>
    %dma_start3A_78 = tpu.memref_squeeze %dma_start3A_77 : memref<1x80x16xf32, #tpu.memory_space<vmem>> -> memref<80x16xf32, #tpu.memory_space<vmem>>
    %dma_start3A_79 = arith.constant 0 : i32
    %dma_start3A_80 = tpu.memref_slice %arg2[%multiple_of3A_72, %dma_start3A_79] : memref<320000x16xf32, #tpu.memory_space<hbm>> -> memref<80x16xf32, #tpu.memory_space<hbm>>
    %dma_start3A_81 = tpu.memref_slice %arg8[%dma_start3A_74] : memref<2x!tpu.dma_semaphore, #tpu.memory_space<semaphore_mem>> -> memref<1x!tpu.dma_semaphore, #tpu.memory_space<semaphore_mem>>
    %dma_start3A_82 = tpu.memref_squeeze %dma_start3A_81 : memref<1x!tpu.dma_semaphore, #tpu.memory_space<semaphore_mem>> -> memref<!tpu.dma_semaphore, #tpu.memory_space<semaphore_mem>>
    %dma_start3A_83 = arith.constant 0 : i32
    %dma_start3A_84 = arith.constant 0 : i32
    %dma_start3A_85 = tpu.memref_slice %arg5[%dma_start3A_73, %dma_start3A_83, %dma_start3A_84] : memref<2x80x16xf32, #tpu.memory_space<vmem>> -> memref<1x80x16xf32, #tpu.memory_space<vmem>>
    %dma_start3A_86 = tpu.memref_squeeze %dma_start3A_85 : memref<1x80x16xf32, #tpu.memory_space<vmem>> -> memref<80x16xf32, #tpu.memory_space<vmem>>
    %dma_start3A_87 = arith.constant 0 : i32
    %dma_start3A_88 = tpu.memref_slice %arg2[%multiple_of3A_72, %dma_start3A_87] : memref<320000x16xf32, #tpu.memory_space<hbm>> -> memref<80x16xf32, #tpu.memory_space<hbm>>
    tpu.enqueue_dma source(%dma_start3A_88 : memref<80x16xf32, #tpu.memory_space<hbm>>) target(%dma_start3A_86 : memref<80x16xf32, #tpu.memory_space<vmem>>) target_semaphore(%dma_start3A_82 : memref<!tpu.dma_semaphore, #tpu.memory_space<semaphore_mem>>)
    %dma_start3A_89 = arith.constant 1 : i32
    %dma_start3A_90 = arith.constant 1 : i32
    %dma_start3A_91 = arith.constant 0 : i32
    %dma_start3A_92 = tpu.memref_slice %arg6[%dma_start3A_89, %dma_start3A_91] : memref<2x80xi32, #tpu.memory_space<vmem>> -> memref<1x80xi32, #tpu.memory_space<vmem>>
    %dma_start3A_93 = tpu.memref_squeeze %dma_start3A_92 : memref<1x80xi32, #tpu.memory_space<vmem>> -> memref<80xi32, #tpu.memory_space<vmem>>
    %dma_start3A_94 = tpu.memref_slice %arg3[%multiple_of3A_72] : memref<320000xi32, #tpu.memory_space<hbm>> -> memref<80xi32, #tpu.memory_space<hbm>>
    %dma_start3A_95 = tpu.memref_slice %arg8[%dma_start3A_90] : memref<2x!tpu.dma_semaphore, #tpu.memory_space<semaphore_mem>> -> memref<1x!tpu.dma_semaphore, #tpu.memory_space<semaphore_mem>>
    %dma_start3A_96 = tpu.memref_squeeze %dma_start3A_95 : memref<1x!tpu.dma_semaphore, #tpu.memory_space<semaphore_mem>> -> memref<!tpu.dma_semaphore, #tpu.memory_space<semaphore_mem>>
    %dma_start3A_97 = arith.constant 0 : i32
    %dma_start3A_98 = tpu.memref_slice %arg6[%dma_start3A_89, %dma_start3A_97] : memref<2x80xi32, #tpu.memory_space<vmem>> -> memref<1x80xi32, #tpu.memory_space<vmem>>
    %dma_start3A_99 = tpu.memref_squeeze %dma_start3A_98 : memref<1x80xi32, #tpu.memory_space<vmem>> -> memref<80xi32, #tpu.memory_space<vmem>>
    %dma_start3A_100 = tpu.memref_slice %arg3[%multiple_of3A_72] : memref<320000xi32, #tpu.memory_space<hbm>> -> memref<80xi32, #tpu.memory_space<hbm>>
    tpu.enqueue_dma source(%dma_start3A_100 : memref<80xi32, #tpu.memory_space<hbm>>) target(%dma_start3A_99 : memref<80xi32, #tpu.memory_space<vmem>>) target_semaphore(%dma_start3A_96 : memref<!tpu.dma_semaphore, #tpu.memory_space<semaphore_mem>>)
    %scan3A_101 = arith.constant 0 : i32
    %scan3A_102 = arith.constant 5 : i32
    %scan3A_103 = arith.addi %scan3A_101, %scan3A_102 : i32
    %scan3A_104 = arith.constant 1 : i32
    scf.for %scan3A_111 = %scan3A_101 to %scan3A_103 step %scan3A_104  : i32 {
      %mul3A_112 = arith.constant 1 : i32
      %mul3A_113 = arith.muli %scan3A_111, %mul3A_112 : i32
      %add3A_114 = arith.constant 0 : i32
      %add3A_115 = arith.addi %add3A_114, %mul3A_113 : i32
      %mul3A_116 = arith.constant 16 : i32
      %mul3A_117 = arith.muli %add3A_115, %mul3A_116 : i32
      %get3A = arith.constant 0 : i32
      %get3A_118 = arith.index_cast %get3A : i32 to index
      %get3A_119 = arith.index_cast %mul3A_117 : i32 to index
      %get3A_120 = tpu.vector_load %arg6[%get3A_118, %get3A_119] {strides = array<i32>} : memref<2x80xi32, #tpu.memory_space<vmem>>, vector<16xi32>,
      %mul3A_121 = arith.constant 16 : i32
      %mul3A_122 = arith.muli %add3A_115, %mul3A_121 : i32
      %add3A_123 = arith.constant 0 : i32
      %add3A_124 = arith.addi %mul3A_122, %add3A_123 : i32
      %get3A_125 = arith.constant 0 : i32
      %get3A_126 = arith.index_cast %get3A_125 : i32 to index
      %get3A_127 = arith.index_cast %add3A_124 : i32 to index
      %get3A_128 = arith.constant 0 : index
      %get3A_129 = tpu.vector_load %arg5[%get3A_126, %get3A_127, %get3A_128] {strides = array<i32>} : memref<2x80x16xf32, #tpu.memory_space<vmem>>, vector<16xf32>,
      %slice3A = vector.extract_strided_slice %get3A_120 {offsets = [0], sizes = [1], strides = [1]} : vector<16xi32> to vector<1xi32>
      %squeeze3A = vector.extract %slice3A[0] : i32 from vector<1xi32>
      %mul3A_130 = arith.constant 8 : i32
      %mul3A_131 = arith.muli %squeeze3A, %mul3A_130 : i32
      %add3A_132 = vector.broadcast %mul3A_131 : i32 to vector<16xi32>
      %add3A_133 = arith.addi %add3A_132, %iota3A : vector<16xi32>
      tpu.vector_store_idx %arg7[%add3A_133], %get3A_129 masked %lt3A_3 {add = true} : memref<80000xf32, #tpu.memory_space<vmem>>[vector<16xi32>], vector<16xf32>, vector<16xi1>
      %mul3A_134 = arith.constant 16 : i32
      %mul3A_135 = arith.muli %add3A_115, %mul3A_134 : i32
      %add3A_136 = arith.constant 1 : i32
      %add3A_137 = arith.addi %mul3A_135, %add3A_136 : i32
      %get3A_138 = arith.constant 0 : i32
      %get3A_139 = arith.index_cast %get3A_138 : i32 to index
      %get3A_140 = arith.index_cast %add3A_137 : i32 to index
      %get3A_141 = arith.constant 0 : index
      %get3A_142 = tpu.vector_load %arg5[%get3A_139, %get3A_140, %get3A_141] {strides = array<i32>} : memref<2x80x16xf32, #tpu.memory_space<vmem>>, vector<16xf32>,
      %slice3A_143 = vector.extract_strided_slice %get3A_120 {offsets = [1], sizes = [1], strides = [1]} : vector<16xi32> to vector<1xi32>
      %squeeze3A_144 = vector.extract %slice3A_143[0] : i32 from vector<1xi32>
      %mul3A_145 = arith.constant 8 : i32
      %mul3A_146 = arith.muli %squeeze3A_144, %mul3A_145 : i32
      %add3A_147 = vector.broadcast %mul3A_146 : i32 to vector<16xi32>
      %add3A_148 = arith.addi %add3A_147, %iota3A : vector<16xi32>
      tpu.vector_store_idx %arg7[%add3A_148], %get3A_142 masked %lt3A_3 {add = true} : memref<80000xf32, #tpu.memory_space<vmem>>[vector<16xi32>], vector<16xf32>, vector<16xi1>
      %mul3A_149 = arith.constant 16 : i32
      %mul3A_150 = arith.muli %add3A_115, %mul3A_149 : i32
      %add3A_151 = arith.constant 2 : i32
      %add3A_152 = arith.addi %mul3A_150, %add3A_151 : i32
      %get3A_153 = arith.constant 0 : i32
      %get3A_154 = arith.index_cast %get3A_153 : i32 to index
      %get3A_155 = arith.index_cast %add3A_152 : i32 to index
      %get3A_156 = arith.constant 0 : index
      %get3A_157 = tpu.vector_load %arg5[%get3A_154, %get3A_155, %get3A_156] {strides = array<i32>} : memref<2x80x16xf32, #tpu.memory_space<vmem>>, vector<16xf32>,
      %slice3A_158 = vector.extract_strided_slice %get3A_120 {offsets = [2], sizes = [1], strides = [1]} : vector<16xi32> to vector<1xi32>
      %squeeze3A_159 = vector.extract %slice3A_158[0] : i32 from vector<1xi32>
      %mul3A_160 = arith.constant 8 : i32
      %mul3A_161 = arith.muli %squeeze3A_159, %mul3A_160 : i32
      %add3A_162 = vector.broadcast %mul3A_161 : i32 to vector<16xi32>
      %add3A_163 = arith.addi %add3A_162, %iota3A : vector<16xi32>
      tpu.vector_store_idx %arg7[%add3A_163], %get3A_157 masked %lt3A_3 {add = true} : memref<80000xf32, #tpu.memory_space<vmem>>[vector<16xi32>], vector<16xf32>, vector<16xi1>
      %mul3A_164 = arith.constant 16 : i32
      %mul3A_165 = arith.muli %add3A_115, %mul3A_164 : i32
      %add3A_166 = arith.constant 3 : i32
      %add3A_167 = arith.addi %mul3A_165, %add3A_166 : i32
      %get3A_168 = arith.constant 0 : i32
      %get3A_169 = arith.index_cast %get3A_168 : i32 to index
      %get3A_170 = arith.index_cast %add3A_167 : i32 to index
      %get3A_171 = arith.constant 0 : index
      %get3A_172 = tpu.vector_load %arg5[%get3A_169, %get3A_170, %get3A_171] {strides = array<i32>} : memref<2x80x16xf32, #tpu.memory_space<vmem>>, vector<16xf32>,
      %slice3A_173 = vector.extract_strided_slice %get3A_120 {offsets = [3], sizes = [1], strides = [1]} : vector<16xi32> to vector<1xi32>
      %squeeze3A_174 = vector.extract %slice3A_173[0] : i32 from vector<1xi32>
      %mul3A_175 = arith.constant 8 : i32
      %mul3A_176 = arith.muli %squeeze3A_174, %mul3A_175 : i32
      %add3A_177 = vector.broadcast %mul3A_176 : i32 to vector<16xi32>
      %add3A_178 = arith.addi %add3A_177, %iota3A : vector<16xi32>
      tpu.vector_store_idx %arg7[%add3A_178], %get3A_172 masked %lt3A_3 {add = true} : memref<80000xf32, #tpu.memory_space<vmem>>[vector<16xi32>], vector<16xf32>, vector<16xi1>
      %mul3A_179 = arith.constant 16 : i32
      %mul3A_180 = arith.muli %add3A_115, %mul3A_179 : i32
      %add3A_181 = arith.constant 4 : i32
      %add3A_182 = arith.addi %mul3A_180, %add3A_181 : i32
      %get3A_183 = arith.constant 0 : i32
      %get3A_184 = arith.index_cast %get3A_183 : i32 to index
      %get3A_185 = arith.index_cast %add3A_182 : i32 to index
      %get3A_186 = arith.constant 0 : index
      %get3A_187 = tpu.vector_load %arg5[%get3A_184, %get3A_185, %get3A_186] {strides = array<i32>} : memref<2x80x16xf32, #tpu.memory_space<vmem>>, vector<16xf32>,
      %slice3A_188 = vector.extract_strided_slice %get3A_120 {offsets = [4], sizes = [1], strides = [1]} : vector<16xi32> to vector<1xi32>
      %squeeze3A_189 = vector.extract %slice3A_188[0] : i32 from vector<1xi32>
      %mul3A_190 = arith.constant 8 : i32
      %mul3A_191 = arith.muli %squeeze3A_189, %mul3A_190 : i32
      %add3A_192 = vector.broadcast %mul3A_191 : i32 to vector<16xi32>
      %add3A_193 = arith.addi %add3A_192, %iota3A : vector<16xi32>
      tpu.vector_store_idx %arg7[%add3A_193], %get3A_187 masked %lt3A_3 {add = true} : memref<80000xf32, #tpu.memory_space<vmem>>[vector<16xi32>], vector<16xf32>, vector<16xi1>
      %mul3A_194 = arith.constant 16 : i32
      %mul3A_195 = arith.muli %add3A_115, %mul3A_194 : i32
      %add3A_196 = arith.constant 5 : i32
      %add3A_197 = arith.addi %mul3A_195, %add3A_196 : i32
      %get3A_198 = arith.constant 0 : i32
      %get3A_199 = arith.index_cast %get3A_198 : i32 to index
      %get3A_200 = arith.index_cast %add3A_197 : i32 to index
      %get3A_201 = arith.constant 0 : index
      %get3A_202 = tpu.vector_load %arg5[%get3A_199, %get3A_200, %get3A_201] {strides = array<i32>} : memref<2x80x16xf32, #tpu.memory_space<vmem>>, vector<16xf32>,
      %slice3A_203 = vector.extract_strided_slice %get3A_120 {offsets = [5], sizes = [1], strides = [1]} : vector<16xi32> to vector<1xi32>
      %squeeze3A_204 = vector.extract %slice3A_203[0] : i32 from vector<1xi32>
      %mul3A_205 = arith.constant 8 : i32
      %mul3A_206 = arith.muli %squeeze3A_204, %mul3A_205 : i32
      %add3A_207 = vector.broadcast %mul3A_206 : i32 to vector<16xi32>
      %add3A_208 = arith.addi %add3A_207, %iota3A : vector<16xi32>
      tpu.vector_store_idx %arg7[%add3A_208], %get3A_202 masked %lt3A_3 {add = true} : memref<80000xf32, #tpu.memory_space<vmem>>[vector<16xi32>], vector<16xf32>, vector<16xi1>
      %mul3A_209 = arith.constant 16 : i32
      %mul3A_210 = arith.muli %add3A_115, %mul3A_209 : i32
      %add3A_211 = arith.constant 6 : i32
      %add3A_212 = arith.addi %mul3A_210, %add3A_211 : i32
      %get3A_213 = arith.constant 0 : i32
      %get3A_214 = arith.index_cast %get3A_213 : i32 to index
      %get3A_215 = arith.index_cast %add3A_212 : i32 to index
      %get3A_216 = arith.constant 0 : index
      %get3A_217 = tpu.vector_load %arg5[%get3A_214, %get3A_215, %get3A_216] {strides = array<i32>} : memref<2x80x16xf32, #tpu.memory_space<vmem>>, vector<16xf32>,
      %slice3A_218 = vector.extract_strided_slice %get3A_120 {offsets = [6], sizes = [1], strides = [1]} : vector<16xi32> to vector<1xi32>
      %squeeze3A_219 = vector.extract %slice3A_218[0] : i32 from vector<1xi32>
      %mul3A_220 = arith.constant 8 : i32
      %mul3A_221 = arith.muli %squeeze3A_219, %mul3A_220 : i32
      %add3A_222 = vector.broadcast %mul3A_221 : i32 to vector<16xi32>
      %add3A_223 = arith.addi %add3A_222, %iota3A : vector<16xi32>
      tpu.vector_store_idx %arg7[%add3A_223], %get3A_217 masked %lt3A_3 {add = true} : memref<80000xf32, #tpu.memory_space<vmem>>[vector<16xi32>], vector<16xf32>, vector<16xi1>
      %mul3A_224 = arith.constant 16 : i32
      %mul3A_225 = arith.muli %add3A_115, %mul3A_224 : i32
      %add3A_226 = arith.constant 7 : i32
      %add3A_227 = arith.addi %mul3A_225, %add3A_226 : i32
      %get3A_228 = arith.constant 0 : i32
      %get3A_229 = arith.index_cast %get3A_228 : i32 to index
      %get3A_230 = arith.index_cast %add3A_227 : i32 to index
      %get3A_231 = arith.constant 0 : index
      %get3A_232 = tpu.vector_load %arg5[%get3A_229, %get3A_230, %get3A_231] {strides = array<i32>} : memref<2x80x16xf32, #tpu.memory_space<vmem>>, vector<16xf32>,
      %slice3A_233 = vector.extract_strided_slice %get3A_120 {offsets = [7], sizes = [1], strides = [1]} : vector<16xi32> to vector<1xi32>
      %squeeze3A_234 = vector.extract %slice3A_233[0] : i32 from vector<1xi32>
      %mul3A_235 = arith.constant 8 : i32
      %mul3A_236 = arith.muli %squeeze3A_234, %mul3A_235 : i32
      %add3A_237 = vector.broadcast %mul3A_236 : i32 to vector<16xi32>
      %add3A_238 = arith.addi %add3A_237, %iota3A : vector<16xi32>
      tpu.vector_store_idx %arg7[%add3A_238], %get3A_232 masked %lt3A_3 {add = true} : memref<80000xf32, #tpu.memory_space<vmem>>[vector<16xi32>], vector<16xf32>, vector<16xi1>
      %mul3A_239 = arith.constant 16 : i32
      %mul3A_240 = arith.muli %add3A_115, %mul3A_239 : i32
      %add3A_241 = arith.constant 8 : i32
      %add3A_242 = arith.addi %mul3A_240, %add3A_241 : i32
      %get3A_243 = arith.constant 0 : i32
      %get3A_244 = arith.index_cast %get3A_243 : i32 to index
      %get3A_245 = arith.index_cast %add3A_242 : i32 to index
      %get3A_246 = arith.constant 0 : index
      %get3A_247 = tpu.vector_load %arg5[%get3A_244, %get3A_245, %get3A_246] {strides = array<i32>} : memref<2x80x16xf32, #tpu.memory_space<vmem>>, vector<16xf32>,
      %slice3A_248 = vector.extract_strided_slice %get3A_120 {offsets = [8], sizes = [1], strides = [1]} : vector<16xi32> to vector<1xi32>
      %squeeze3A_249 = vector.extract %slice3A_248[0] : i32 from vector<1xi32>
      %mul3A_250 = arith.constant 8 : i32
      %mul3A_251 = arith.muli %squeeze3A_249, %mul3A_250 : i32
      %add3A_252 = vector.broadcast %mul3A_251 : i32 to vector<16xi32>
      %add3A_253 = arith.addi %add3A_252, %iota3A : vector<16xi32>
      tpu.vector_store_idx %arg7[%add3A_253], %get3A_247 masked %lt3A_3 {add = true} : memref<80000xf32, #tpu.memory_space<vmem>>[vector<16xi32>], vector<16xf32>, vector<16xi1>
      %mul3A_254 = arith.constant 16 : i32
      %mul3A_255 = arith.muli %add3A_115, %mul3A_254 : i32
      %add3A_256 = arith.constant 9 : i32
      %add3A_257 = arith.addi %mul3A_255, %add3A_256 : i32
      %get3A_258 = arith.constant 0 : i32
      %get3A_259 = arith.index_cast %get3A_258 : i32 to index
      %get3A_260 = arith.index_cast %add3A_257 : i32 to index
      %get3A_261 = arith.constant 0 : index
      %get3A_262 = tpu.vector_load %arg5[%get3A_259, %get3A_260, %get3A_261] {strides = array<i32>} : memref<2x80x16xf32, #tpu.memory_space<vmem>>, vector<16xf32>,
      %slice3A_263 = vector.extract_strided_slice %get3A_120 {offsets = [9], sizes = [1], strides = [1]} : vector<16xi32> to vector<1xi32>
      %squeeze3A_264 = vector.extract %slice3A_263[0] : i32 from vector<1xi32>
      %mul3A_265 = arith.constant 8 : i32
      %mul3A_266 = arith.muli %squeeze3A_264, %mul3A_265 : i32
      %add3A_267 = vector.broadcast %mul3A_266 : i32 to vector<16xi32>
      %add3A_268 = arith.addi %add3A_267, %iota3A : vector<16xi32>
      tpu.vector_store_idx %arg7[%add3A_268], %get3A_262 masked %lt3A_3 {add = true} : memref<80000xf32, #tpu.memory_space<vmem>>[vector<16xi32>], vector<16xf32>, vector<16xi1>
      %mul3A_269 = arith.constant 16 : i32
      %mul3A_270 = arith.muli %add3A_115, %mul3A_269 : i32
      %add3A_271 = arith.constant 10 : i32
      %add3A_272 = arith.addi %mul3A_270, %add3A_271 : i32
      %get3A_273 = arith.constant 0 : i32
      %get3A_274 = arith.index_cast %get3A_273 : i32 to index
      %get3A_275 = arith.index_cast %add3A_272 : i32 to index
      %get3A_276 = arith.constant 0 : index
      %get3A_277 = tpu.vector_load %arg5[%get3A_274, %get3A_275, %get3A_276] {strides = array<i32>} : memref<2x80x16xf32, #tpu.memory_space<vmem>>, vector<16xf32>,
      %slice3A_278 = vector.extract_strided_slice %get3A_120 {offsets = [10], sizes = [1], strides = [1]} : vector<16xi32> to vector<1xi32>
      %squeeze3A_279 = vector.extract %slice3A_278[0] : i32 from vector<1xi32>
      %mul3A_280 = arith.constant 8 : i32
      %mul3A_281 = arith.muli %squeeze3A_279, %mul3A_280 : i32
      %add3A_282 = vector.broadcast %mul3A_281 : i32 to vector<16xi32>
      %add3A_283 = arith.addi %add3A_282, %iota3A : vector<16xi32>
      tpu.vector_store_idx %arg7[%add3A_283], %get3A_277 masked %lt3A_3 {add = true} : memref<80000xf32, #tpu.memory_space<vmem>>[vector<16xi32>], vector<16xf32>, vector<16xi1>
      %mul3A_284 = arith.constant 16 : i32
      %mul3A_285 = arith.muli %add3A_115, %mul3A_284 : i32
      %add3A_286 = arith.constant 11 : i32
      %add3A_287 = arith.addi %mul3A_285, %add3A_286 : i32
      %get3A_288 = arith.constant 0 : i32
      %get3A_289 = arith.index_cast %get3A_288 : i32 to index
      %get3A_290 = arith.index_cast %add3A_287 : i32 to index
      %get3A_291 = arith.constant 0 : index
      %get3A_292 = tpu.vector_load %arg5[%get3A_289, %get3A_290, %get3A_291] {strides = array<i32>} : memref<2x80x16xf32, #tpu.memory_space<vmem>>, vector<16xf32>,
      %slice3A_293 = vector.extract_strided_slice %get3A_120 {offsets = [11], sizes = [1], strides = [1]} : vector<16xi32> to vector<1xi32>
      %squeeze3A_294 = vector.extract %slice3A_293[0] : i32 from vector<1xi32>
      %mul3A_295 = arith.constant 8 : i32
      %mul3A_296 = arith.muli %squeeze3A_294, %mul3A_295 : i32
      %add3A_297 = vector.broadcast %mul3A_296 : i32 to vector<16xi32>
      %add3A_298 = arith.addi %add3A_297, %iota3A : vector<16xi32>
      tpu.vector_store_idx %arg7[%add3A_298], %get3A_292 masked %lt3A_3 {add = true} : memref<80000xf32, #tpu.memory_space<vmem>>[vector<16xi32>], vector<16xf32>, vector<16xi1>
      %mul3A_299 = arith.constant 16 : i32
      %mul3A_300 = arith.muli %add3A_115, %mul3A_299 : i32
      %add3A_301 = arith.constant 12 : i32
      %add3A_302 = arith.addi %mul3A_300, %add3A_301 : i32
      %get3A_303 = arith.constant 0 : i32
      %get3A_304 = arith.index_cast %get3A_303 : i32 to index
      %get3A_305 = arith.index_cast %add3A_302 : i32 to index
      %get3A_306 = arith.constant 0 : index
      %get3A_307 = tpu.vector_load %arg5[%get3A_304, %get3A_305, %get3A_306] {strides = array<i32>} : memref<2x80x16xf32, #tpu.memory_space<vmem>>, vector<16xf32>,
      %slice3A_308 = vector.extract_strided_slice %get3A_120 {offsets = [12], sizes = [1], strides = [1]} : vector<16xi32> to vector<1xi32>
      %squeeze3A_309 = vector.extract %slice3A_308[0] : i32 from vector<1xi32>
      %mul3A_310 = arith.constant 8 : i32
      %mul3A_311 = arith.muli %squeeze3A_309, %mul3A_310 : i32
      %add3A_312 = vector.broadcast %mul3A_311 : i32 to vector<16xi32>
      %add3A_313 = arith.addi %add3A_312, %iota3A : vector<16xi32>
      tpu.vector_store_idx %arg7[%add3A_313], %get3A_307 masked %lt3A_3 {add = true} : memref<80000xf32, #tpu.memory_space<vmem>>[vector<16xi32>], vector<16xf32>, vector<16xi1>
      %mul3A_314 = arith.constant 16 : i32
      %mul3A_315 = arith.muli %add3A_115, %mul3A_314 : i32
      %add3A_316 = arith.constant 13 : i32
      %add3A_317 = arith.addi %mul3A_315, %add3A_316 : i32
      %get3A_318 = arith.constant 0 : i32
      %get3A_319 = arith.index_cast %get3A_318 : i32 to index
      %get3A_320 = arith.index_cast %add3A_317 : i32 to index
      %get3A_321 = arith.constant 0 : index
      %get3A_322 = tpu.vector_load %arg5[%get3A_319, %get3A_320, %get3A_321] {strides = array<i32>} : memref<2x80x16xf32, #tpu.memory_space<vmem>>, vector<16xf32>,
      %slice3A_323 = vector.extract_strided_slice %get3A_120 {offsets = [13], sizes = [1], strides = [1]} : vector<16xi32> to vector<1xi32>
      %squeeze3A_324 = vector.extract %slice3A_323[0] : i32 from vector<1xi32>
      %mul3A_325 = arith.constant 8 : i32
      %mul3A_326 = arith.muli %squeeze3A_324, %mul3A_325 : i32
      %add3A_327 = vector.broadcast %mul3A_326 : i32 to vector<16xi32>
      %add3A_328 = arith.addi %add3A_327, %iota3A : vector<16xi32>
      tpu.vector_store_idx %arg7[%add3A_328], %get3A_322 masked %lt3A_3 {add = true} : memref<80000xf32, #tpu.memory_space<vmem>>[vector<16xi32>], vector<16xf32>, vector<16xi1>
      %mul3A_329 = arith.constant 16 : i32
      %mul3A_330 = arith.muli %add3A_115, %mul3A_329 : i32
      %add3A_331 = arith.constant 14 : i32
      %add3A_332 = arith.addi %mul3A_330, %add3A_331 : i32
      %get3A_333 = arith.constant 0 : i32
      %get3A_334 = arith.index_cast %get3A_333 : i32 to index
      %get3A_335 = arith.index_cast %add3A_332 : i32 to index
      %get3A_336 = arith.constant 0 : index
      %get3A_337 = tpu.vector_load %arg5[%get3A_334, %get3A_335, %get3A_336] {strides = array<i32>} : memref<2x80x16xf32, #tpu.memory_space<vmem>>, vector<16xf32>,
      %slice3A_338 = vector.extract_strided_slice %get3A_120 {offsets = [14], sizes = [1], strides = [1]} : vector<16xi32> to vector<1xi32>
      %squeeze3A_339 = vector.extract %slice3A_338[0] : i32 from vector<1xi32>
      %mul3A_340 = arith.constant 8 : i32
      %mul3A_341 = arith.muli %squeeze3A_339, %mul3A_340 : i32
      %add3A_342 = vector.broadcast %mul3A_341 : i32 to vector<16xi32>
      %add3A_343 = arith.addi %add3A_342, %iota3A : vector<16xi32>
      tpu.vector_store_idx %arg7[%add3A_343], %get3A_337 masked %lt3A_3 {add = true} : memref<80000xf32, #tpu.memory_space<vmem>>[vector<16xi32>], vector<16xf32>, vector<16xi1>
      %mul3A_344 = arith.constant 16 : i32
      %mul3A_345 = arith.muli %add3A_115, %mul3A_344 : i32
      %add3A_346 = arith.constant 15 : i32
      %add3A_347 = arith.addi %mul3A_345, %add3A_346 : i32
      %get3A_348 = arith.constant 0 : i32
      %get3A_349 = arith.index_cast %get3A_348 : i32 to index
      %get3A_350 = arith.index_cast %add3A_347 : i32 to index
      %get3A_351 = arith.constant 0 : index
      %get3A_352 = tpu.vector_load %arg5[%get3A_349, %get3A_350, %get3A_351] {strides = array<i32>} : memref<2x80x16xf32, #tpu.memory_space<vmem>>, vector<16xf32>,
      %slice3A_353 = vector.extract_strided_slice %get3A_120 {offsets = [15], sizes = [1], strides = [1]} : vector<16xi32> to vector<1xi32>
      %squeeze3A_354 = vector.extract %slice3A_353[0] : i32 from vector<1xi32>
      %mul3A_355 = arith.constant 8 : i32
      %mul3A_356 = arith.muli %squeeze3A_354, %mul3A_355 : i32
      %add3A_357 = vector.broadcast %mul3A_356 : i32 to vector<16xi32>
      %add3A_358 = arith.addi %add3A_357, %iota3A : vector<16xi32>
      tpu.vector_store_idx %arg7[%add3A_358], %get3A_352 masked %lt3A_3 {add = true} : memref<80000xf32, #tpu.memory_space<vmem>>[vector<16xi32>], vector<16xf32>, vector<16xi1>
    }
    %scan3A_105 = arith.constant 5 : i32
    %scan3A_106 = arith.constant 0 : i32
    %scan3A_107 = arith.constant 62 : i32
    %scan3A_108 = arith.addi %scan3A_106, %scan3A_107 : i32
    %scan3A_109 = arith.constant 1 : i32
    scf.for %scan3A_111 = %scan3A_106 to %scan3A_108 step %scan3A_109  : i32 {
      %mul3A_112 = arith.constant 1 : i32
      %mul3A_113 = arith.muli %scan3A_111, %mul3A_112 : i32
      %add3A_114 = arith.constant 0 : i32
      %add3A_115 = arith.addi %add3A_114, %mul3A_113 : i32
      %mul3A_116 = arith.constant 2 : i32
      %mul3A_117 = arith.muli %mul3A_116, %add3A_115 : i32
      %add3A_118 = arith.constant 1 : i32
      %add3A_119 = arith.addi %mul3A_117, %add3A_118 : i32
      %dma_wait3A_120 = arith.constant 1 : i32
      %dma_wait3A_121 = arith.constant 1 : i32
      %dma_wait3A_122 = arith.constant 0 : i32
      %dma_wait3A_123 = arith.constant 0 : i32
      %dma_wait3A_124 = tpu.memref_slice %arg5[%dma_wait3A_120, %dma_wait3A_122, %dma_wait3A_123] : memref<2x80x16xf32, #tpu.memory_space<vmem>> -> memref<1x80x16xf32, #tpu.memory_space<vmem>>
      %dma_wait3A_125 = tpu.memref_squeeze %dma_wait3A_124 : memref<1x80x16xf32, #tpu.memory_space<vmem>> -> memref<80x16xf32, #tpu.memory_space<vmem>>
      %dma_wait3A_126 = arith.constant 0 : i32
      %dma_wait3A_127 = arith.constant 0 : i32
      %dma_wait3A_128 = tpu.memref_slice %arg2[%dma_wait3A_126, %dma_wait3A_127] : memref<320000x16xf32, #tpu.memory_space<hbm>> -> memref<80x16xf32, #tpu.memory_space<hbm>>
      %dma_wait3A_129 = tpu.memref_slice %arg8[%dma_wait3A_121] : memref<2x!tpu.dma_semaphore, #tpu.memory_space<semaphore_mem>> -> memref<1x!tpu.dma_semaphore, #tpu.memory_space<semaphore_mem>>
      %dma_wait3A_130 = tpu.memref_squeeze %dma_wait3A_129 : memref<1x!tpu.dma_semaphore, #tpu.memory_space<semaphore_mem>> -> memref<!tpu.dma_semaphore, #tpu.memory_space<semaphore_mem>>
      %dma_wait3A_131 = arith.constant 0 : i32
      %dma_wait3A_132 = arith.constant 0 : i32
      %dma_wait3A_133 = tpu.memref_slice %arg5[%dma_wait3A_120, %dma_wait3A_131, %dma_wait3A_132] : memref<2x80x16xf32, #tpu.memory_space<vmem>> -> memref<1x80x16xf32, #tpu.memory_space<vmem>>
      %dma_wait3A_134 = tpu.memref_squeeze %dma_wait3A_133 : memref<1x80x16xf32, #tpu.memory_space<vmem>> -> memref<80x16xf32, #tpu.memory_space<vmem>>
      %dma_wait3A_135 = arith.constant 0 : i32
      %dma_wait3A_136 = arith.constant 0 : i32
      %dma_wait3A_137 = tpu.memref_slice %arg2[%dma_wait3A_135, %dma_wait3A_136] : memref<320000x16xf32, #tpu.memory_space<hbm>> -> memref<80x16xf32, #tpu.memory_space<hbm>>
      tpu.wait_dma2 semaphore(%dma_wait3A_130 : memref<!tpu.dma_semaphore, #tpu.memory_space<semaphore_mem>>) src(%dma_wait3A_137 : memref<80x16xf32, #tpu.memory_space<hbm>>) dst(%dma_wait3A_134 : memref<80x16xf32, #tpu.memory_space<vmem>>)
      %dma_wait3A_138 = arith.constant 1 : i32
      %dma_wait3A_139 = arith.constant 1 : i32
      %dma_wait3A_140 = arith.constant 0 : i32
      %dma_wait3A_141 = tpu.memref_slice %arg6[%dma_wait3A_138, %dma_wait3A_140] : memref<2x80xi32, #tpu.memory_space<vmem>> -> memref<1x80xi32, #tpu.memory_space<vmem>>
      %dma_wait3A_142 = tpu.memref_squeeze %dma_wait3A_141 : memref<1x80xi32, #tpu.memory_space<vmem>> -> memref<80xi32, #tpu.memory_space<vmem>>
      %dma_wait3A_143 = arith.constant 0 : i32
      %dma_wait3A_144 = tpu.memref_slice %arg3[%dma_wait3A_143] : memref<320000xi32, #tpu.memory_space<hbm>> -> memref<80xi32, #tpu.memory_space<hbm>>
      %dma_wait3A_145 = tpu.memref_slice %arg8[%dma_wait3A_139] : memref<2x!tpu.dma_semaphore, #tpu.memory_space<semaphore_mem>> -> memref<1x!tpu.dma_semaphore, #tpu.memory_space<semaphore_mem>>
      %dma_wait3A_146 = tpu.memref_squeeze %dma_wait3A_145 : memref<1x!tpu.dma_semaphore, #tpu.memory_space<semaphore_mem>> -> memref<!tpu.dma_semaphore, #tpu.memory_space<semaphore_mem>>
      %dma_wait3A_147 = arith.constant 0 : i32
      %dma_wait3A_148 = tpu.memref_slice %arg6[%dma_wait3A_138, %dma_wait3A_147] : memref<2x80xi32, #tpu.memory_space<vmem>> -> memref<1x80xi32, #tpu.memory_space<vmem>>
      %dma_wait3A_149 = tpu.memref_squeeze %dma_wait3A_148 : memref<1x80xi32, #tpu.memory_space<vmem>> -> memref<80xi32, #tpu.memory_space<vmem>>
      %dma_wait3A_150 = arith.constant 0 : i32
      %dma_wait3A_151 = tpu.memref_slice %arg3[%dma_wait3A_150] : memref<320000xi32, #tpu.memory_space<hbm>> -> memref<80xi32, #tpu.memory_space<hbm>>
      tpu.wait_dma2 semaphore(%dma_wait3A_146 : memref<!tpu.dma_semaphore, #tpu.memory_space<semaphore_mem>>) src(%dma_wait3A_151 : memref<80xi32, #tpu.memory_space<hbm>>) dst(%dma_wait3A_149 : memref<80xi32, #tpu.memory_space<vmem>>)
      %add3A_152 = arith.constant 1 : i32
      %add3A_153 = arith.addi %add3A_119, %add3A_152 : i32
      %lt3A_154 = arith.constant 125 : i32
      %lt3A_155 = arith.cmpi slt, %add3A_153, %lt3A_154 : i32
      %convert_element_type3A = arith.extui %lt3A_155 : i1 to i32
      %cond3A = arith.constant 0 : i32
      %cond3A_156 = arith.cmpi ne, %convert_element_type3A, %cond3A : i32
      scf.if %cond3A_156 {
        %add3A_210 = arith.constant 1 : i32
        %add3A_211 = arith.addi %add3A_119, %add3A_210 : i32
        %mul3A_212 = arith.constant 80 : i32
        %mul3A_213 = arith.muli %add3A_211, %mul3A_212 : i32
        %add3A_214 = arith.addi %mul3A_5, %mul3A_213 : i32
        %multiple_of3A_215 = tpu.assume_multiple %add3A_214, 8 : i32
        %dma_start3A_216 = arith.constant 0 : i32
        %dma_start3A_217 = arith.constant 0 : i32
        %dma_start3A_218 = arith.constant 0 : i32
        %dma_start3A_219 = arith.constant 0 : i32
        %dma_start3A_220 = tpu.memref_slice %arg5[%dma_start3A_216, %dma_start3A_218, %dma_start3A_219] : memref<2x80x16xf32, #tpu.memory_space<vmem>> -> memref<1x80x16xf32, #tpu.memory_space<vmem>>
        %dma_start3A_221 = tpu.memref_squeeze %dma_start3A_220 : memref<1x80x16xf32, #tpu.memory_space<vmem>> -> memref<80x16xf32, #tpu.memory_space<vmem>>
        %dma_start3A_222 = arith.constant 0 : i32
        %dma_start3A_223 = tpu.memref_slice %arg2[%multiple_of3A_215, %dma_start3A_222] : memref<320000x16xf32, #tpu.memory_space<hbm>> -> memref<80x16xf32, #tpu.memory_space<hbm>>
        %dma_start3A_224 = tpu.memref_slice %arg8[%dma_start3A_217] : memref<2x!tpu.dma_semaphore, #tpu.memory_space<semaphore_mem>> -> memref<1x!tpu.dma_semaphore, #tpu.memory_space<semaphore_mem>>
        %dma_start3A_225 = tpu.memref_squeeze %dma_start3A_224 : memref<1x!tpu.dma_semaphore, #tpu.memory_space<semaphore_mem>> -> memref<!tpu.dma_semaphore, #tpu.memory_space<semaphore_mem>>
        %dma_start3A_226 = arith.constant 0 : i32
        %dma_start3A_227 = arith.constant 0 : i32
        %dma_start3A_228 = tpu.memref_slice %arg5[%dma_start3A_216, %dma_start3A_226, %dma_start3A_227] : memref<2x80x16xf32, #tpu.memory_space<vmem>> -> memref<1x80x16xf32, #tpu.memory_space<vmem>>
        %dma_start3A_229 = tpu.memref_squeeze %dma_start3A_228 : memref<1x80x16xf32, #tpu.memory_space<vmem>> -> memref<80x16xf32, #tpu.memory_space<vmem>>
        %dma_start3A_230 = arith.constant 0 : i32
        %dma_start3A_231 = tpu.memref_slice %arg2[%multiple_of3A_215, %dma_start3A_230] : memref<320000x16xf32, #tpu.memory_space<hbm>> -> memref<80x16xf32, #tpu.memory_space<hbm>>
        tpu.enqueue_dma source(%dma_start3A_231 : memref<80x16xf32, #tpu.memory_space<hbm>>) target(%dma_start3A_229 : memref<80x16xf32, #tpu.memory_space<vmem>>) target_semaphore(%dma_start3A_225 : memref<!tpu.dma_semaphore, #tpu.memory_space<semaphore_mem>>)
        %dma_start3A_232 = arith.constant 0 : i32
        %dma_start3A_233 = arith.constant 0 : i32
        %dma_start3A_234 = arith.constant 0 : i32
        %dma_start3A_235 = tpu.memref_slice %arg6[%dma_start3A_232, %dma_start3A_234] : memref<2x80xi32, #tpu.memory_space<vmem>> -> memref<1x80xi32, #tpu.memory_space<vmem>>
        %dma_start3A_236 = tpu.memref_squeeze %dma_start3A_235 : memref<1x80xi32, #tpu.memory_space<vmem>> -> memref<80xi32, #tpu.memory_space<vmem>>
        %dma_start3A_237 = tpu.memref_slice %arg3[%multiple_of3A_215] : memref<320000xi32, #tpu.memory_space<hbm>> -> memref<80xi32, #tpu.memory_space<hbm>>
        %dma_start3A_238 = tpu.memref_slice %arg8[%dma_start3A_233] : memref<2x!tpu.dma_semaphore, #tpu.memory_space<semaphore_mem>> -> memref<1x!tpu.dma_semaphore, #tpu.memory_space<semaphore_mem>>
        %dma_start3A_239 = tpu.memref_squeeze %dma_start3A_238 : memref<1x!tpu.dma_semaphore, #tpu.memory_space<semaphore_mem>> -> memref<!tpu.dma_semaphore, #tpu.memory_space<semaphore_mem>>
        %dma_start3A_240 = arith.constant 0 : i32
        %dma_start3A_241 = tpu.memref_slice %arg6[%dma_start3A_232, %dma_start3A_240] : memref<2x80xi32, #tpu.memory_space<vmem>> -> memref<1x80xi32, #tpu.memory_space<vmem>>
        %dma_start3A_242 = tpu.memref_squeeze %dma_start3A_241 : memref<1x80xi32, #tpu.memory_space<vmem>> -> memref<80xi32, #tpu.memory_space<vmem>>
        %dma_start3A_243 = tpu.memref_slice %arg3[%multiple_of3A_215] : memref<320000xi32, #tpu.memory_space<hbm>> -> memref<80xi32, #tpu.memory_space<hbm>>
        tpu.enqueue_dma source(%dma_start3A_243 : memref<80xi32, #tpu.memory_space<hbm>>) target(%dma_start3A_242 : memref<80xi32, #tpu.memory_space<vmem>>) target_semaphore(%dma_start3A_239 : memref<!tpu.dma_semaphore, #tpu.memory_space<semaphore_mem>>)
      } else {
      }
      %scan3A_157 = arith.constant 0 : i32
      %scan3A_158 = arith.constant 5 : i32
      %scan3A_159 = arith.addi %scan3A_157, %scan3A_158 : i32
      %scan3A_160 = arith.constant 1 : i32
      scf.for %scan3A_210 = %scan3A_157 to %scan3A_159 step %scan3A_160  : i32 {
        %mul3A_211 = arith.constant 1 : i32
        %mul3A_212 = arith.muli %scan3A_210, %mul3A_211 : i32
        %add3A_213 = arith.constant 0 : i32
        %add3A_214 = arith.addi %add3A_213, %mul3A_212 : i32
        %mul3A_215 = arith.constant 16 : i32
        %mul3A_216 = arith.muli %add3A_214, %mul3A_215 : i32
        %get3A = arith.constant 1 : i32
        %get3A_217 = arith.index_cast %get3A : i32 to index
        %get3A_218 = arith.index_cast %mul3A_216 : i32 to index
        %get3A_219 = tpu.vector_load %arg6[%get3A_217, %get3A_218] {strides = array<i32>} : memref<2x80xi32, #tpu.memory_space<vmem>>, vector<16xi32>,
        %mul3A_220 = arith.constant 16 : i32
        %mul3A_221 = arith.muli %add3A_214, %mul3A_220 : i32
        %add3A_222 = arith.constant 0 : i32
        %add3A_223 = arith.addi %mul3A_221, %add3A_222 : i32
        %get3A_224 = arith.constant 1 : i32
        %get3A_225 = arith.index_cast %get3A_224 : i32 to index
        %get3A_226 = arith.index_cast %add3A_223 : i32 to index
        %get3A_227 = arith.constant 0 : index
        %get3A_228 = tpu.vector_load %arg5[%get3A_225, %get3A_226, %get3A_227] {strides = array<i32>} : memref<2x80x16xf32, #tpu.memory_space<vmem>>, vector<16xf32>,
        %slice3A = vector.extract_strided_slice %get3A_219 {offsets = [0], sizes = [1], strides = [1]} : vector<16xi32> to vector<1xi32>
        %squeeze3A = vector.extract %slice3A[0] : i32 from vector<1xi32>
        %mul3A_229 = arith.constant 8 : i32
        %mul3A_230 = arith.muli %squeeze3A, %mul3A_229 : i32
        %add3A_231 = vector.broadcast %mul3A_230 : i32 to vector<16xi32>
        %add3A_232 = arith.addi %add3A_231, %iota3A : vector<16xi32>
        tpu.vector_store_idx %arg7[%add3A_232], %get3A_228 masked %lt3A_3 {add = true} : memref<80000xf32, #tpu.memory_space<vmem>>[vector<16xi32>], vector<16xf32>, vector<16xi1>
        %mul3A_233 = arith.constant 16 : i32
        %mul3A_234 = arith.muli %add3A_214, %mul3A_233 : i32
        %add3A_235 = arith.constant 1 : i32
        %add3A_236 = arith.addi %mul3A_234, %add3A_235 : i32
        %get3A_237 = arith.constant 1 : i32
        %get3A_238 = arith.index_cast %get3A_237 : i32 to index
        %get3A_239 = arith.index_cast %add3A_236 : i32 to index
        %get3A_240 = arith.constant 0 : index
        %get3A_241 = tpu.vector_load %arg5[%get3A_238, %get3A_239, %get3A_240] {strides = array<i32>} : memref<2x80x16xf32, #tpu.memory_space<vmem>>, vector<16xf32>,
        %slice3A_242 = vector.extract_strided_slice %get3A_219 {offsets = [1], sizes = [1], strides = [1]} : vector<16xi32> to vector<1xi32>
        %squeeze3A_243 = vector.extract %slice3A_242[0] : i32 from vector<1xi32>
        %mul3A_244 = arith.constant 8 : i32
        %mul3A_245 = arith.muli %squeeze3A_243, %mul3A_244 : i32
        %add3A_246 = vector.broadcast %mul3A_245 : i32 to vector<16xi32>
        %add3A_247 = arith.addi %add3A_246, %iota3A : vector<16xi32>
        tpu.vector_store_idx %arg7[%add3A_247], %get3A_241 masked %lt3A_3 {add = true} : memref<80000xf32, #tpu.memory_space<vmem>>[vector<16xi32>], vector<16xf32>, vector<16xi1>
        %mul3A_248 = arith.constant 16 : i32
        %mul3A_249 = arith.muli %add3A_214, %mul3A_248 : i32
        %add3A_250 = arith.constant 2 : i32
        %add3A_251 = arith.addi %mul3A_249, %add3A_250 : i32
        %get3A_252 = arith.constant 1 : i32
        %get3A_253 = arith.index_cast %get3A_252 : i32 to index
        %get3A_254 = arith.index_cast %add3A_251 : i32 to index
        %get3A_255 = arith.constant 0 : index
        %get3A_256 = tpu.vector_load %arg5[%get3A_253, %get3A_254, %get3A_255] {strides = array<i32>} : memref<2x80x16xf32, #tpu.memory_space<vmem>>, vector<16xf32>,
        %slice3A_257 = vector.extract_strided_slice %get3A_219 {offsets = [2], sizes = [1], strides = [1]} : vector<16xi32> to vector<1xi32>
        %squeeze3A_258 = vector.extract %slice3A_257[0] : i32 from vector<1xi32>
        %mul3A_259 = arith.constant 8 : i32
        %mul3A_260 = arith.muli %squeeze3A_258, %mul3A_259 : i32
        %add3A_261 = vector.broadcast %mul3A_260 : i32 to vector<16xi32>
        %add3A_262 = arith.addi %add3A_261, %iota3A : vector<16xi32>
        tpu.vector_store_idx %arg7[%add3A_262], %get3A_256 masked %lt3A_3 {add = true} : memref<80000xf32, #tpu.memory_space<vmem>>[vector<16xi32>], vector<16xf32>, vector<16xi1>
        %mul3A_263 = arith.constant 16 : i32
        %mul3A_264 = arith.muli %add3A_214, %mul3A_263 : i32
        %add3A_265 = arith.constant 3 : i32
        %add3A_266 = arith.addi %mul3A_264, %add3A_265 : i32
        %get3A_267 = arith.constant 1 : i32
        %get3A_268 = arith.index_cast %get3A_267 : i32 to index
        %get3A_269 = arith.index_cast %add3A_266 : i32 to index
        %get3A_270 = arith.constant 0 : index
        %get3A_271 = tpu.vector_load %arg5[%get3A_268, %get3A_269, %get3A_270] {strides = array<i32>} : memref<2x80x16xf32, #tpu.memory_space<vmem>>, vector<16xf32>,
        %slice3A_272 = vector.extract_strided_slice %get3A_219 {offsets = [3], sizes = [1], strides = [1]} : vector<16xi32> to vector<1xi32>
        %squeeze3A_273 = vector.extract %slice3A_272[0] : i32 from vector<1xi32>
        %mul3A_274 = arith.constant 8 : i32
        %mul3A_275 = arith.muli %squeeze3A_273, %mul3A_274 : i32
        %add3A_276 = vector.broadcast %mul3A_275 : i32 to vector<16xi32>
        %add3A_277 = arith.addi %add3A_276, %iota3A : vector<16xi32>
        tpu.vector_store_idx %arg7[%add3A_277], %get3A_271 masked %lt3A_3 {add = true} : memref<80000xf32, #tpu.memory_space<vmem>>[vector<16xi32>], vector<16xf32>, vector<16xi1>
        %mul3A_278 = arith.constant 16 : i32
        %mul3A_279 = arith.muli %add3A_214, %mul3A_278 : i32
        %add3A_280 = arith.constant 4 : i32
        %add3A_281 = arith.addi %mul3A_279, %add3A_280 : i32
        %get3A_282 = arith.constant 1 : i32
        %get3A_283 = arith.index_cast %get3A_282 : i32 to index
        %get3A_284 = arith.index_cast %add3A_281 : i32 to index
        %get3A_285 = arith.constant 0 : index
        %get3A_286 = tpu.vector_load %arg5[%get3A_283, %get3A_284, %get3A_285] {strides = array<i32>} : memref<2x80x16xf32, #tpu.memory_space<vmem>>, vector<16xf32>,
        %slice3A_287 = vector.extract_strided_slice %get3A_219 {offsets = [4], sizes = [1], strides = [1]} : vector<16xi32> to vector<1xi32>
        %squeeze3A_288 = vector.extract %slice3A_287[0] : i32 from vector<1xi32>
        %mul3A_289 = arith.constant 8 : i32
        %mul3A_290 = arith.muli %squeeze3A_288, %mul3A_289 : i32
        %add3A_291 = vector.broadcast %mul3A_290 : i32 to vector<16xi32>
        %add3A_292 = arith.addi %add3A_291, %iota3A : vector<16xi32>
        tpu.vector_store_idx %arg7[%add3A_292], %get3A_286 masked %lt3A_3 {add = true} : memref<80000xf32, #tpu.memory_space<vmem>>[vector<16xi32>], vector<16xf32>, vector<16xi1>
        %mul3A_293 = arith.constant 16 : i32
        %mul3A_294 = arith.muli %add3A_214, %mul3A_293 : i32
        %add3A_295 = arith.constant 5 : i32
        %add3A_296 = arith.addi %mul3A_294, %add3A_295 : i32
        %get3A_297 = arith.constant 1 : i32
        %get3A_298 = arith.index_cast %get3A_297 : i32 to index
        %get3A_299 = arith.index_cast %add3A_296 : i32 to index
        %get3A_300 = arith.constant 0 : index
        %get3A_301 = tpu.vector_load %arg5[%get3A_298, %get3A_299, %get3A_300] {strides = array<i32>} : memref<2x80x16xf32, #tpu.memory_space<vmem>>, vector<16xf32>,
        %slice3A_302 = vector.extract_strided_slice %get3A_219 {offsets = [5], sizes = [1], strides = [1]} : vector<16xi32> to vector<1xi32>
        %squeeze3A_303 = vector.extract %slice3A_302[0] : i32 from vector<1xi32>
        %mul3A_304 = arith.constant 8 : i32
        %mul3A_305 = arith.muli %squeeze3A_303, %mul3A_304 : i32
        %add3A_306 = vector.broadcast %mul3A_305 : i32 to vector<16xi32>
        %add3A_307 = arith.addi %add3A_306, %iota3A : vector<16xi32>
        tpu.vector_store_idx %arg7[%add3A_307], %get3A_301 masked %lt3A_3 {add = true} : memref<80000xf32, #tpu.memory_space<vmem>>[vector<16xi32>], vector<16xf32>, vector<16xi1>
        %mul3A_308 = arith.constant 16 : i32
        %mul3A_309 = arith.muli %add3A_214, %mul3A_308 : i32
        %add3A_310 = arith.constant 6 : i32
        %add3A_311 = arith.addi %mul3A_309, %add3A_310 : i32
        %get3A_312 = arith.constant 1 : i32
        %get3A_313 = arith.index_cast %get3A_312 : i32 to index
        %get3A_314 = arith.index_cast %add3A_311 : i32 to index
        %get3A_315 = arith.constant 0 : index
        %get3A_316 = tpu.vector_load %arg5[%get3A_313, %get3A_314, %get3A_315] {strides = array<i32>} : memref<2x80x16xf32, #tpu.memory_space<vmem>>, vector<16xf32>,
        %slice3A_317 = vector.extract_strided_slice %get3A_219 {offsets = [6], sizes = [1], strides = [1]} : vector<16xi32> to vector<1xi32>
        %squeeze3A_318 = vector.extract %slice3A_317[0] : i32 from vector<1xi32>
        %mul3A_319 = arith.constant 8 : i32
        %mul3A_320 = arith.muli %squeeze3A_318, %mul3A_319 : i32
        %add3A_321 = vector.broadcast %mul3A_320 : i32 to vector<16xi32>
        %add3A_322 = arith.addi %add3A_321, %iota3A : vector<16xi32>
        tpu.vector_store_idx %arg7[%add3A_322], %get3A_316 masked %lt3A_3 {add = true} : memref<80000xf32, #tpu.memory_space<vmem>>[vector<16xi32>], vector<16xf32>, vector<16xi1>
        %mul3A_323 = arith.constant 16 : i32
        %mul3A_324 = arith.muli %add3A_214, %mul3A_323 : i32
        %add3A_325 = arith.constant 7 : i32
        %add3A_326 = arith.addi %mul3A_324, %add3A_325 : i32
        %get3A_327 = arith.constant 1 : i32
        %get3A_328 = arith.index_cast %get3A_327 : i32 to index
        %get3A_329 = arith.index_cast %add3A_326 : i32 to index
        %get3A_330 = arith.constant 0 : index
        %get3A_331 = tpu.vector_load %arg5[%get3A_328, %get3A_329, %get3A_330] {strides = array<i32>} : memref<2x80x16xf32, #tpu.memory_space<vmem>>, vector<16xf32>,
        %slice3A_332 = vector.extract_strided_slice %get3A_219 {offsets = [7], sizes = [1], strides = [1]} : vector<16xi32> to vector<1xi32>
        %squeeze3A_333 = vector.extract %slice3A_332[0] : i32 from vector<1xi32>
        %mul3A_334 = arith.constant 8 : i32
        %mul3A_335 = arith.muli %squeeze3A_333, %mul3A_334 : i32
        %add3A_336 = vector.broadcast %mul3A_335 : i32 to vector<16xi32>
        %add3A_337 = arith.addi %add3A_336, %iota3A : vector<16xi32>
        tpu.vector_store_idx %arg7[%add3A_337], %get3A_331 masked %lt3A_3 {add = true} : memref<80000xf32, #tpu.memory_space<vmem>>[vector<16xi32>], vector<16xf32>, vector<16xi1>
        %mul3A_338 = arith.constant 16 : i32
        %mul3A_339 = arith.muli %add3A_214, %mul3A_338 : i32
        %add3A_340 = arith.constant 8 : i32
        %add3A_341 = arith.addi %mul3A_339, %add3A_340 : i32
        %get3A_342 = arith.constant 1 : i32
        %get3A_343 = arith.index_cast %get3A_342 : i32 to index
        %get3A_344 = arith.index_cast %add3A_341 : i32 to index
        %get3A_345 = arith.constant 0 : index
        %get3A_346 = tpu.vector_load %arg5[%get3A_343, %get3A_344, %get3A_345] {strides = array<i32>} : memref<2x80x16xf32, #tpu.memory_space<vmem>>, vector<16xf32>,
        %slice3A_347 = vector.extract_strided_slice %get3A_219 {offsets = [8], sizes = [1], strides = [1]} : vector<16xi32> to vector<1xi32>
        %squeeze3A_348 = vector.extract %slice3A_347[0] : i32 from vector<1xi32>
        %mul3A_349 = arith.constant 8 : i32
        %mul3A_350 = arith.muli %squeeze3A_348, %mul3A_349 : i32
        %add3A_351 = vector.broadcast %mul3A_350 : i32 to vector<16xi32>
        %add3A_352 = arith.addi %add3A_351, %iota3A : vector<16xi32>
        tpu.vector_store_idx %arg7[%add3A_352], %get3A_346 masked %lt3A_3 {add = true} : memref<80000xf32, #tpu.memory_space<vmem>>[vector<16xi32>], vector<16xf32>, vector<16xi1>
        %mul3A_353 = arith.constant 16 : i32
        %mul3A_354 = arith.muli %add3A_214, %mul3A_353 : i32
        %add3A_355 = arith.constant 9 : i32
        %add3A_356 = arith.addi %mul3A_354, %add3A_355 : i32
        %get3A_357 = arith.constant 1 : i32
        %get3A_358 = arith.index_cast %get3A_357 : i32 to index
        %get3A_359 = arith.index_cast %add3A_356 : i32 to index
        %get3A_360 = arith.constant 0 : index
        %get3A_361 = tpu.vector_load %arg5[%get3A_358, %get3A_359, %get3A_360] {strides = array<i32>} : memref<2x80x16xf32, #tpu.memory_space<vmem>>, vector<16xf32>,
        %slice3A_362 = vector.extract_strided_slice %get3A_219 {offsets = [9], sizes = [1], strides = [1]} : vector<16xi32> to vector<1xi32>
        %squeeze3A_363 = vector.extract %slice3A_362[0] : i32 from vector<1xi32>
        %mul3A_364 = arith.constant 8 : i32
        %mul3A_365 = arith.muli %squeeze3A_363, %mul3A_364 : i32
        %add3A_366 = vector.broadcast %mul3A_365 : i32 to vector<16xi32>
        %add3A_367 = arith.addi %add3A_366, %iota3A : vector<16xi32>
        tpu.vector_store_idx %arg7[%add3A_367], %get3A_361 masked %lt3A_3 {add = true} : memref<80000xf32, #tpu.memory_space<vmem>>[vector<16xi32>], vector<16xf32>, vector<16xi1>
        %mul3A_368 = arith.constant 16 : i32
        %mul3A_369 = arith.muli %add3A_214, %mul3A_368 : i32
        %add3A_370 = arith.constant 10 : i32
        %add3A_371 = arith.addi %mul3A_369, %add3A_370 : i32
        %get3A_372 = arith.constant 1 : i32
        %get3A_373 = arith.index_cast %get3A_372 : i32 to index
        %get3A_374 = arith.index_cast %add3A_371 : i32 to index
        %get3A_375 = arith.constant 0 : index
        %get3A_376 = tpu.vector_load %arg5[%get3A_373, %get3A_374, %get3A_375] {strides = array<i32>} : memref<2x80x16xf32, #tpu.memory_space<vmem>>, vector<16xf32>,
        %slice3A_377 = vector.extract_strided_slice %get3A_219 {offsets = [10], sizes = [1], strides = [1]} : vector<16xi32> to vector<1xi32>
        %squeeze3A_378 = vector.extract %slice3A_377[0] : i32 from vector<1xi32>
        %mul3A_379 = arith.constant 8 : i32
        %mul3A_380 = arith.muli %squeeze3A_378, %mul3A_379 : i32
        %add3A_381 = vector.broadcast %mul3A_380 : i32 to vector<16xi32>
        %add3A_382 = arith.addi %add3A_381, %iota3A : vector<16xi32>
        tpu.vector_store_idx %arg7[%add3A_382], %get3A_376 masked %lt3A_3 {add = true} : memref<80000xf32, #tpu.memory_space<vmem>>[vector<16xi32>], vector<16xf32>, vector<16xi1>
        %mul3A_383 = arith.constant 16 : i32
        %mul3A_384 = arith.muli %add3A_214, %mul3A_383 : i32
        %add3A_385 = arith.constant 11 : i32
        %add3A_386 = arith.addi %mul3A_384, %add3A_385 : i32
        %get3A_387 = arith.constant 1 : i32
        %get3A_388 = arith.index_cast %get3A_387 : i32 to index
        %get3A_389 = arith.index_cast %add3A_386 : i32 to index
        %get3A_390 = arith.constant 0 : index
        %get3A_391 = tpu.vector_load %arg5[%get3A_388, %get3A_389, %get3A_390] {strides = array<i32>} : memref<2x80x16xf32, #tpu.memory_space<vmem>>, vector<16xf32>,
        %slice3A_392 = vector.extract_strided_slice %get3A_219 {offsets = [11], sizes = [1], strides = [1]} : vector<16xi32> to vector<1xi32>
        %squeeze3A_393 = vector.extract %slice3A_392[0] : i32 from vector<1xi32>
        %mul3A_394 = arith.constant 8 : i32
        %mul3A_395 = arith.muli %squeeze3A_393, %mul3A_394 : i32
        %add3A_396 = vector.broadcast %mul3A_395 : i32 to vector<16xi32>
        %add3A_397 = arith.addi %add3A_396, %iota3A : vector<16xi32>
        tpu.vector_store_idx %arg7[%add3A_397], %get3A_391 masked %lt3A_3 {add = true} : memref<80000xf32, #tpu.memory_space<vmem>>[vector<16xi32>], vector<16xf32>, vector<16xi1>
        %mul3A_398 = arith.constant 16 : i32
        %mul3A_399 = arith.muli %add3A_214, %mul3A_398 : i32
        %add3A_400 = arith.constant 12 : i32
        %add3A_401 = arith.addi %mul3A_399, %add3A_400 : i32
        %get3A_402 = arith.constant 1 : i32
        %get3A_403 = arith.index_cast %get3A_402 : i32 to index
        %get3A_404 = arith.index_cast %add3A_401 : i32 to index
        %get3A_405 = arith.constant 0 : index
        %get3A_406 = tpu.vector_load %arg5[%get3A_403, %get3A_404, %get3A_405] {strides = array<i32>} : memref<2x80x16xf32, #tpu.memory_space<vmem>>, vector<16xf32>,
        %slice3A_407 = vector.extract_strided_slice %get3A_219 {offsets = [12], sizes = [1], strides = [1]} : vector<16xi32> to vector<1xi32>
        %squeeze3A_408 = vector.extract %slice3A_407[0] : i32 from vector<1xi32>
        %mul3A_409 = arith.constant 8 : i32
        %mul3A_410 = arith.muli %squeeze3A_408, %mul3A_409 : i32
        %add3A_411 = vector.broadcast %mul3A_410 : i32 to vector<16xi32>
        %add3A_412 = arith.addi %add3A_411, %iota3A : vector<16xi32>
        tpu.vector_store_idx %arg7[%add3A_412], %get3A_406 masked %lt3A_3 {add = true} : memref<80000xf32, #tpu.memory_space<vmem>>[vector<16xi32>], vector<16xf32>, vector<16xi1>
        %mul3A_413 = arith.constant 16 : i32
        %mul3A_414 = arith.muli %add3A_214, %mul3A_413 : i32
        %add3A_415 = arith.constant 13 : i32
        %add3A_416 = arith.addi %mul3A_414, %add3A_415 : i32
        %get3A_417 = arith.constant 1 : i32
        %get3A_418 = arith.index_cast %get3A_417 : i32 to index
        %get3A_419 = arith.index_cast %add3A_416 : i32 to index
        %get3A_420 = arith.constant 0 : index
        %get3A_421 = tpu.vector_load %arg5[%get3A_418, %get3A_419, %get3A_420] {strides = array<i32>} : memref<2x80x16xf32, #tpu.memory_space<vmem>>, vector<16xf32>,
        %slice3A_422 = vector.extract_strided_slice %get3A_219 {offsets = [13], sizes = [1], strides = [1]} : vector<16xi32> to vector<1xi32>
        %squeeze3A_423 = vector.extract %slice3A_422[0] : i32 from vector<1xi32>
        %mul3A_424 = arith.constant 8 : i32
        %mul3A_425 = arith.muli %squeeze3A_423, %mul3A_424 : i32
        %add3A_426 = vector.broadcast %mul3A_425 : i32 to vector<16xi32>
        %add3A_427 = arith.addi %add3A_426, %iota3A : vector<16xi32>
        tpu.vector_store_idx %arg7[%add3A_427], %get3A_421 masked %lt3A_3 {add = true} : memref<80000xf32, #tpu.memory_space<vmem>>[vector<16xi32>], vector<16xf32>, vector<16xi1>
        %mul3A_428 = arith.constant 16 : i32
        %mul3A_429 = arith.muli %add3A_214, %mul3A_428 : i32
        %add3A_430 = arith.constant 14 : i32
        %add3A_431 = arith.addi %mul3A_429, %add3A_430 : i32
        %get3A_432 = arith.constant 1 : i32
        %get3A_433 = arith.index_cast %get3A_432 : i32 to index
        %get3A_434 = arith.index_cast %add3A_431 : i32 to index
        %get3A_435 = arith.constant 0 : index
        %get3A_436 = tpu.vector_load %arg5[%get3A_433, %get3A_434, %get3A_435] {strides = array<i32>} : memref<2x80x16xf32, #tpu.memory_space<vmem>>, vector<16xf32>,
        %slice3A_437 = vector.extract_strided_slice %get3A_219 {offsets = [14], sizes = [1], strides = [1]} : vector<16xi32> to vector<1xi32>
        %squeeze3A_438 = vector.extract %slice3A_437[0] : i32 from vector<1xi32>
        %mul3A_439 = arith.constant 8 : i32
        %mul3A_440 = arith.muli %squeeze3A_438, %mul3A_439 : i32
        %add3A_441 = vector.broadcast %mul3A_440 : i32 to vector<16xi32>
        %add3A_442 = arith.addi %add3A_441, %iota3A : vector<16xi32>
        tpu.vector_store_idx %arg7[%add3A_442], %get3A_436 masked %lt3A_3 {add = true} : memref<80000xf32, #tpu.memory_space<vmem>>[vector<16xi32>], vector<16xf32>, vector<16xi1>
        %mul3A_443 = arith.constant 16 : i32
        %mul3A_444 = arith.muli %add3A_214, %mul3A_443 : i32
        %add3A_445 = arith.constant 15 : i32
        %add3A_446 = arith.addi %mul3A_444, %add3A_445 : i32
        %get3A_447 = arith.constant 1 : i32
        %get3A_448 = arith.index_cast %get3A_447 : i32 to index
        %get3A_449 = arith.index_cast %add3A_446 : i32 to index
        %get3A_450 = arith.constant 0 : index
        %get3A_451 = tpu.vector_load %arg5[%get3A_448, %get3A_449, %get3A_450] {strides = array<i32>} : memref<2x80x16xf32, #tpu.memory_space<vmem>>, vector<16xf32>,
        %slice3A_452 = vector.extract_strided_slice %get3A_219 {offsets = [15], sizes = [1], strides = [1]} : vector<16xi32> to vector<1xi32>
        %squeeze3A_453 = vector.extract %slice3A_452[0] : i32 from vector<1xi32>
        %mul3A_454 = arith.constant 8 : i32
        %mul3A_455 = arith.muli %squeeze3A_453, %mul3A_454 : i32
        %add3A_456 = vector.broadcast %mul3A_455 : i32 to vector<16xi32>
        %add3A_457 = arith.addi %add3A_456, %iota3A : vector<16xi32>
        tpu.vector_store_idx %arg7[%add3A_457], %get3A_451 masked %lt3A_3 {add = true} : memref<80000xf32, #tpu.memory_space<vmem>>[vector<16xi32>], vector<16xf32>, vector<16xi1>
      }
      %scan3A_161 = arith.constant 5 : i32
      %mul3A_162 = arith.constant 2 : i32
      %mul3A_163 = arith.muli %mul3A_162, %add3A_115 : i32
      %add3A_164 = arith.constant 2 : i32
      %add3A_165 = arith.addi %mul3A_163, %add3A_164 : i32
      %dma_wait3A_166 = arith.constant 0 : i32
      %dma_wait3A_167 = arith.constant 0 : i32
      %dma_wait3A_168 = arith.constant 0 : i32
      %dma_wait3A_169 = arith.constant 0 : i32
      %dma_wait3A_170 = tpu.memref_slice %arg5[%dma_wait3A_166, %dma_wait3A_168, %dma_wait3A_169] : memref<2x80x16xf32, #tpu.memory_space<vmem>> -> memref<1x80x16xf32, #tpu.memory_space<vmem>>
      %dma_wait3A_171 = tpu.memref_squeeze %dma_wait3A_170 : memref<1x80x16xf32, #tpu.memory_space<vmem>> -> memref<80x16xf32, #tpu.memory_space<vmem>>
      %dma_wait3A_172 = arith.constant 0 : i32
      %dma_wait3A_173 = arith.constant 0 : i32
      %dma_wait3A_174 = tpu.memref_slice %arg2[%dma_wait3A_172, %dma_wait3A_173] : memref<320000x16xf32, #tpu.memory_space<hbm>> -> memref<80x16xf32, #tpu.memory_space<hbm>>
      %dma_wait3A_175 = tpu.memref_slice %arg8[%dma_wait3A_167] : memref<2x!tpu.dma_semaphore, #tpu.memory_space<semaphore_mem>> -> memref<1x!tpu.dma_semaphore, #tpu.memory_space<semaphore_mem>>
      %dma_wait3A_176 = tpu.memref_squeeze %dma_wait3A_175 : memref<1x!tpu.dma_semaphore, #tpu.memory_space<semaphore_mem>> -> memref<!tpu.dma_semaphore, #tpu.memory_space<semaphore_mem>>
      %dma_wait3A_177 = arith.constant 0 : i32
      %dma_wait3A_178 = arith.constant 0 : i32
      %dma_wait3A_179 = tpu.memref_slice %arg5[%dma_wait3A_166, %dma_wait3A_177, %dma_wait3A_178] : memref<2x80x16xf32, #tpu.memory_space<vmem>> -> memref<1x80x16xf32, #tpu.memory_space<vmem>>
      %dma_wait3A_180 = tpu.memref_squeeze %dma_wait3A_179 : memref<1x80x16xf32, #tpu.memory_space<vmem>> -> memref<80x16xf32, #tpu.memory_space<vmem>>
      %dma_wait3A_181 = arith.constant 0 : i32
      %dma_wait3A_182 = arith.constant 0 : i32
      %dma_wait3A_183 = tpu.memref_slice %arg2[%dma_wait3A_181, %dma_wait3A_182] : memref<320000x16xf32, #tpu.memory_space<hbm>> -> memref<80x16xf32, #tpu.memory_space<hbm>>
      tpu.wait_dma2 semaphore(%dma_wait3A_176 : memref<!tpu.dma_semaphore, #tpu.memory_space<semaphore_mem>>) src(%dma_wait3A_183 : memref<80x16xf32, #tpu.memory_space<hbm>>) dst(%dma_wait3A_180 : memref<80x16xf32, #tpu.memory_space<vmem>>)
      %dma_wait3A_184 = arith.constant 0 : i32
      %dma_wait3A_185 = arith.constant 0 : i32
      %dma_wait3A_186 = arith.constant 0 : i32
      %dma_wait3A_187 = tpu.memref_slice %arg6[%dma_wait3A_184, %dma_wait3A_186] : memref<2x80xi32, #tpu.memory_space<vmem>> -> memref<1x80xi32, #tpu.memory_space<vmem>>
      %dma_wait3A_188 = tpu.memref_squeeze %dma_wait3A_187 : memref<1x80xi32, #tpu.memory_space<vmem>> -> memref<80xi32, #tpu.memory_space<vmem>>
      %dma_wait3A_189 = arith.constant 0 : i32
      %dma_wait3A_190 = tpu.memref_slice %arg3[%dma_wait3A_189] : memref<320000xi32, #tpu.memory_space<hbm>> -> memref<80xi32, #tpu.memory_space<hbm>>
      %dma_wait3A_191 = tpu.memref_slice %arg8[%dma_wait3A_185] : memref<2x!tpu.dma_semaphore, #tpu.memory_space<semaphore_mem>> -> memref<1x!tpu.dma_semaphore, #tpu.memory_space<semaphore_mem>>
      %dma_wait3A_192 = tpu.memref_squeeze %dma_wait3A_191 : memref<1x!tpu.dma_semaphore, #tpu.memory_space<semaphore_mem>> -> memref<!tpu.dma_semaphore, #tpu.memory_space<semaphore_mem>>
      %dma_wait3A_193 = arith.constant 0 : i32
      %dma_wait3A_194 = tpu.memref_slice %arg6[%dma_wait3A_184, %dma_wait3A_193] : memref<2x80xi32, #tpu.memory_space<vmem>> -> memref<1x80xi32, #tpu.memory_space<vmem>>
      %dma_wait3A_195 = tpu.memref_squeeze %dma_wait3A_194 : memref<1x80xi32, #tpu.memory_space<vmem>> -> memref<80xi32, #tpu.memory_space<vmem>>
      %dma_wait3A_196 = arith.constant 0 : i32
      %dma_wait3A_197 = tpu.memref_slice %arg3[%dma_wait3A_196] : memref<320000xi32, #tpu.memory_space<hbm>> -> memref<80xi32, #tpu.memory_space<hbm>>
      tpu.wait_dma2 semaphore(%dma_wait3A_192 : memref<!tpu.dma_semaphore, #tpu.memory_space<semaphore_mem>>) src(%dma_wait3A_197 : memref<80xi32, #tpu.memory_space<hbm>>) dst(%dma_wait3A_195 : memref<80xi32, #tpu.memory_space<vmem>>)
      %add3A_198 = arith.constant 1 : i32
      %add3A_199 = arith.addi %add3A_165, %add3A_198 : i32
      %lt3A_200 = arith.constant 125 : i32
      %lt3A_201 = arith.cmpi slt, %add3A_199, %lt3A_200 : i32
      %convert_element_type3A_202 = arith.extui %lt3A_201 : i1 to i32
      %cond3A_203 = arith.constant 0 : i32
      %cond3A_204 = arith.cmpi ne, %convert_element_type3A_202, %cond3A_203 : i32
      scf.if %cond3A_204 {
        %add3A_210 = arith.constant 1 : i32
        %add3A_211 = arith.addi %add3A_165, %add3A_210 : i32
        %mul3A_212 = arith.constant 80 : i32
        %mul3A_213 = arith.muli %add3A_211, %mul3A_212 : i32
        %add3A_214 = arith.addi %mul3A_5, %mul3A_213 : i32
        %multiple_of3A_215 = tpu.assume_multiple %add3A_214, 8 : i32
        %dma_start3A_216 = arith.constant 1 : i32
        %dma_start3A_217 = arith.constant 1 : i32
        %dma_start3A_218 = arith.constant 0 : i32
        %dma_start3A_219 = arith.constant 0 : i32
        %dma_start3A_220 = tpu.memref_slice %arg5[%dma_start3A_216, %dma_start3A_218, %dma_start3A_219] : memref<2x80x16xf32, #tpu.memory_space<vmem>> -> memref<1x80x16xf32, #tpu.memory_space<vmem>>
        %dma_start3A_221 = tpu.memref_squeeze %dma_start3A_220 : memref<1x80x16xf32, #tpu.memory_space<vmem>> -> memref<80x16xf32, #tpu.memory_space<vmem>>
        %dma_start3A_222 = arith.constant 0 : i32
        %dma_start3A_223 = tpu.memref_slice %arg2[%multiple_of3A_215, %dma_start3A_222] : memref<320000x16xf32, #tpu.memory_space<hbm>> -> memref<80x16xf32, #tpu.memory_space<hbm>>
        %dma_start3A_224 = tpu.memref_slice %arg8[%dma_start3A_217] : memref<2x!tpu.dma_semaphore, #tpu.memory_space<semaphore_mem>> -> memref<1x!tpu.dma_semaphore, #tpu.memory_space<semaphore_mem>>
        %dma_start3A_225 = tpu.memref_squeeze %dma_start3A_224 : memref<1x!tpu.dma_semaphore, #tpu.memory_space<semaphore_mem>> -> memref<!tpu.dma_semaphore, #tpu.memory_space<semaphore_mem>>
        %dma_start3A_226 = arith.constant 0 : i32
        %dma_start3A_227 = arith.constant 0 : i32
        %dma_start3A_228 = tpu.memref_slice %arg5[%dma_start3A_216, %dma_start3A_226, %dma_start3A_227] : memref<2x80x16xf32, #tpu.memory_space<vmem>> -> memref<1x80x16xf32, #tpu.memory_space<vmem>>
        %dma_start3A_229 = tpu.memref_squeeze %dma_start3A_228 : memref<1x80x16xf32, #tpu.memory_space<vmem>> -> memref<80x16xf32, #tpu.memory_space<vmem>>
        %dma_start3A_230 = arith.constant 0 : i32
        %dma_start3A_231 = tpu.memref_slice %arg2[%multiple_of3A_215, %dma_start3A_230] : memref<320000x16xf32, #tpu.memory_space<hbm>> -> memref<80x16xf32, #tpu.memory_space<hbm>>
        tpu.enqueue_dma source(%dma_start3A_231 : memref<80x16xf32, #tpu.memory_space<hbm>>) target(%dma_start3A_229 : memref<80x16xf32, #tpu.memory_space<vmem>>) target_semaphore(%dma_start3A_225 : memref<!tpu.dma_semaphore, #tpu.memory_space<semaphore_mem>>)
        %dma_start3A_232 = arith.constant 1 : i32
        %dma_start3A_233 = arith.constant 1 : i32
        %dma_start3A_234 = arith.constant 0 : i32
        %dma_start3A_235 = tpu.memref_slice %arg6[%dma_start3A_232, %dma_start3A_234] : memref<2x80xi32, #tpu.memory_space<vmem>> -> memref<1x80xi32, #tpu.memory_space<vmem>>
        %dma_start3A_236 = tpu.memref_squeeze %dma_start3A_235 : memref<1x80xi32, #tpu.memory_space<vmem>> -> memref<80xi32, #tpu.memory_space<vmem>>
        %dma_start3A_237 = tpu.memref_slice %arg3[%multiple_of3A_215] : memref<320000xi32, #tpu.memory_space<hbm>> -> memref<80xi32, #tpu.memory_space<hbm>>
        %dma_start3A_238 = tpu.memref_slice %arg8[%dma_start3A_233] : memref<2x!tpu.dma_semaphore, #tpu.memory_space<semaphore_mem>> -> memref<1x!tpu.dma_semaphore, #tpu.memory_space<semaphore_mem>>
        %dma_start3A_239 = tpu.memref_squeeze %dma_start3A_238 : memref<1x!tpu.dma_semaphore, #tpu.memory_space<semaphore_mem>> -> memref<!tpu.dma_semaphore, #tpu.memory_space<semaphore_mem>>
        %dma_start3A_240 = arith.constant 0 : i32
        %dma_start3A_241 = tpu.memref_slice %arg6[%dma_start3A_232, %dma_start3A_240] : memref<2x80xi32, #tpu.memory_space<vmem>> -> memref<1x80xi32, #tpu.memory_space<vmem>>
        %dma_start3A_242 = tpu.memref_squeeze %dma_start3A_241 : memref<1x80xi32, #tpu.memory_space<vmem>> -> memref<80xi32, #tpu.memory_space<vmem>>
        %dma_start3A_243 = tpu.memref_slice %arg3[%multiple_of3A_215] : memref<320000xi32, #tpu.memory_space<hbm>> -> memref<80xi32, #tpu.memory_space<hbm>>
        tpu.enqueue_dma source(%dma_start3A_243 : memref<80xi32, #tpu.memory_space<hbm>>) target(%dma_start3A_242 : memref<80xi32, #tpu.memory_space<vmem>>) target_semaphore(%dma_start3A_239 : memref<!tpu.dma_semaphore, #tpu.memory_space<semaphore_mem>>)
      } else {
      }
      %scan3A_205 = arith.constant 0 : i32
      %scan3A_206 = arith.constant 5 : i32
      %scan3A_207 = arith.addi %scan3A_205, %scan3A_206 : i32
      %scan3A_208 = arith.constant 1 : i32
      scf.for %scan3A_210 = %scan3A_205 to %scan3A_207 step %scan3A_208  : i32 {
        %mul3A_211 = arith.constant 1 : i32
        %mul3A_212 = arith.muli %scan3A_210, %mul3A_211 : i32
        %add3A_213 = arith.constant 0 : i32
        %add3A_214 = arith.addi %add3A_213, %mul3A_212 : i32
        %mul3A_215 = arith.constant 16 : i32
        %mul3A_216 = arith.muli %add3A_214, %mul3A_215 : i32
        %get3A = arith.constant 0 : i32
        %get3A_217 = arith.index_cast %get3A : i32 to index
        %get3A_218 = arith.index_cast %mul3A_216 : i32 to index
        %get3A_219 = tpu.vector_load %arg6[%get3A_217, %get3A_218] {strides = array<i32>} : memref<2x80xi32, #tpu.memory_space<vmem>>, vector<16xi32>,
        %mul3A_220 = arith.constant 16 : i32
        %mul3A_221 = arith.muli %add3A_214, %mul3A_220 : i32
        %add3A_222 = arith.constant 0 : i32
        %add3A_223 = arith.addi %mul3A_221, %add3A_222 : i32
        %get3A_224 = arith.constant 0 : i32
        %get3A_225 = arith.index_cast %get3A_224 : i32 to index
        %get3A_226 = arith.index_cast %add3A_223 : i32 to index
        %get3A_227 = arith.constant 0 : index
        %get3A_228 = tpu.vector_load %arg5[%get3A_225, %get3A_226, %get3A_227] {strides = array<i32>} : memref<2x80x16xf32, #tpu.memory_space<vmem>>, vector<16xf32>,
        %slice3A = vector.extract_strided_slice %get3A_219 {offsets = [0], sizes = [1], strides = [1]} : vector<16xi32> to vector<1xi32>
        %squeeze3A = vector.extract %slice3A[0] : i32 from vector<1xi32>
        %mul3A_229 = arith.constant 8 : i32
        %mul3A_230 = arith.muli %squeeze3A, %mul3A_229 : i32
        %add3A_231 = vector.broadcast %mul3A_230 : i32 to vector<16xi32>
        %add3A_232 = arith.addi %add3A_231, %iota3A : vector<16xi32>
        tpu.vector_store_idx %arg7[%add3A_232], %get3A_228 masked %lt3A_3 {add = true} : memref<80000xf32, #tpu.memory_space<vmem>>[vector<16xi32>], vector<16xf32>, vector<16xi1>
        %mul3A_233 = arith.constant 16 : i32
        %mul3A_234 = arith.muli %add3A_214, %mul3A_233 : i32
        %add3A_235 = arith.constant 1 : i32
        %add3A_236 = arith.addi %mul3A_234, %add3A_235 : i32
        %get3A_237 = arith.constant 0 : i32
        %get3A_238 = arith.index_cast %get3A_237 : i32 to index
        %get3A_239 = arith.index_cast %add3A_236 : i32 to index
        %get3A_240 = arith.constant 0 : index
        %get3A_241 = tpu.vector_load %arg5[%get3A_238, %get3A_239, %get3A_240] {strides = array<i32>} : memref<2x80x16xf32, #tpu.memory_space<vmem>>, vector<16xf32>,
        %slice3A_242 = vector.extract_strided_slice %get3A_219 {offsets = [1], sizes = [1], strides = [1]} : vector<16xi32> to vector<1xi32>
        %squeeze3A_243 = vector.extract %slice3A_242[0] : i32 from vector<1xi32>
        %mul3A_244 = arith.constant 8 : i32
        %mul3A_245 = arith.muli %squeeze3A_243, %mul3A_244 : i32
        %add3A_246 = vector.broadcast %mul3A_245 : i32 to vector<16xi32>
        %add3A_247 = arith.addi %add3A_246, %iota3A : vector<16xi32>
        tpu.vector_store_idx %arg7[%add3A_247], %get3A_241 masked %lt3A_3 {add = true} : memref<80000xf32, #tpu.memory_space<vmem>>[vector<16xi32>], vector<16xf32>, vector<16xi1>
        %mul3A_248 = arith.constant 16 : i32
        %mul3A_249 = arith.muli %add3A_214, %mul3A_248 : i32
        %add3A_250 = arith.constant 2 : i32
        %add3A_251 = arith.addi %mul3A_249, %add3A_250 : i32
        %get3A_252 = arith.constant 0 : i32
        %get3A_253 = arith.index_cast %get3A_252 : i32 to index
        %get3A_254 = arith.index_cast %add3A_251 : i32 to index
        %get3A_255 = arith.constant 0 : index
        %get3A_256 = tpu.vector_load %arg5[%get3A_253, %get3A_254, %get3A_255] {strides = array<i32>} : memref<2x80x16xf32, #tpu.memory_space<vmem>>, vector<16xf32>,
        %slice3A_257 = vector.extract_strided_slice %get3A_219 {offsets = [2], sizes = [1], strides = [1]} : vector<16xi32> to vector<1xi32>
        %squeeze3A_258 = vector.extract %slice3A_257[0] : i32 from vector<1xi32>
        %mul3A_259 = arith.constant 8 : i32
        %mul3A_260 = arith.muli %squeeze3A_258, %mul3A_259 : i32
        %add3A_261 = vector.broadcast %mul3A_260 : i32 to vector<16xi32>
        %add3A_262 = arith.addi %add3A_261, %iota3A : vector<16xi32>
        tpu.vector_store_idx %arg7[%add3A_262], %get3A_256 masked %lt3A_3 {add = true} : memref<80000xf32, #tpu.memory_space<vmem>>[vector<16xi32>], vector<16xf32>, vector<16xi1>
        %mul3A_263 = arith.constant 16 : i32
        %mul3A_264 = arith.muli %add3A_214, %mul3A_263 : i32
        %add3A_265 = arith.constant 3 : i32
        %add3A_266 = arith.addi %mul3A_264, %add3A_265 : i32
        %get3A_267 = arith.constant 0 : i32
        %get3A_268 = arith.index_cast %get3A_267 : i32 to index
        %get3A_269 = arith.index_cast %add3A_266 : i32 to index
        %get3A_270 = arith.constant 0 : index
        %get3A_271 = tpu.vector_load %arg5[%get3A_268, %get3A_269, %get3A_270] {strides = array<i32>} : memref<2x80x16xf32, #tpu.memory_space<vmem>>, vector<16xf32>,
        %slice3A_272 = vector.extract_strided_slice %get3A_219 {offsets = [3], sizes = [1], strides = [1]} : vector<16xi32> to vector<1xi32>
        %squeeze3A_273 = vector.extract %slice3A_272[0] : i32 from vector<1xi32>
        %mul3A_274 = arith.constant 8 : i32
        %mul3A_275 = arith.muli %squeeze3A_273, %mul3A_274 : i32
        %add3A_276 = vector.broadcast %mul3A_275 : i32 to vector<16xi32>
        %add3A_277 = arith.addi %add3A_276, %iota3A : vector<16xi32>
        tpu.vector_store_idx %arg7[%add3A_277], %get3A_271 masked %lt3A_3 {add = true} : memref<80000xf32, #tpu.memory_space<vmem>>[vector<16xi32>], vector<16xf32>, vector<16xi1>
        %mul3A_278 = arith.constant 16 : i32
        %mul3A_279 = arith.muli %add3A_214, %mul3A_278 : i32
        %add3A_280 = arith.constant 4 : i32
        %add3A_281 = arith.addi %mul3A_279, %add3A_280 : i32
        %get3A_282 = arith.constant 0 : i32
        %get3A_283 = arith.index_cast %get3A_282 : i32 to index
        %get3A_284 = arith.index_cast %add3A_281 : i32 to index
        %get3A_285 = arith.constant 0 : index
        %get3A_286 = tpu.vector_load %arg5[%get3A_283, %get3A_284, %get3A_285] {strides = array<i32>} : memref<2x80x16xf32, #tpu.memory_space<vmem>>, vector<16xf32>,
        %slice3A_287 = vector.extract_strided_slice %get3A_219 {offsets = [4], sizes = [1], strides = [1]} : vector<16xi32> to vector<1xi32>
        %squeeze3A_288 = vector.extract %slice3A_287[0] : i32 from vector<1xi32>
        %mul3A_289 = arith.constant 8 : i32
        %mul3A_290 = arith.muli %squeeze3A_288, %mul3A_289 : i32
        %add3A_291 = vector.broadcast %mul3A_290 : i32 to vector<16xi32>
        %add3A_292 = arith.addi %add3A_291, %iota3A : vector<16xi32>
        tpu.vector_store_idx %arg7[%add3A_292], %get3A_286 masked %lt3A_3 {add = true} : memref<80000xf32, #tpu.memory_space<vmem>>[vector<16xi32>], vector<16xf32>, vector<16xi1>
        %mul3A_293 = arith.constant 16 : i32
        %mul3A_294 = arith.muli %add3A_214, %mul3A_293 : i32
        %add3A_295 = arith.constant 5 : i32
        %add3A_296 = arith.addi %mul3A_294, %add3A_295 : i32
        %get3A_297 = arith.constant 0 : i32
        %get3A_298 = arith.index_cast %get3A_297 : i32 to index
        %get3A_299 = arith.index_cast %add3A_296 : i32 to index
        %get3A_300 = arith.constant 0 : index
        %get3A_301 = tpu.vector_load %arg5[%get3A_298, %get3A_299, %get3A_300] {strides = array<i32>} : memref<2x80x16xf32, #tpu.memory_space<vmem>>, vector<16xf32>,
        %slice3A_302 = vector.extract_strided_slice %get3A_219 {offsets = [5], sizes = [1], strides = [1]} : vector<16xi32> to vector<1xi32>
        %squeeze3A_303 = vector.extract %slice3A_302[0] : i32 from vector<1xi32>
        %mul3A_304 = arith.constant 8 : i32
        %mul3A_305 = arith.muli %squeeze3A_303, %mul3A_304 : i32
        %add3A_306 = vector.broadcast %mul3A_305 : i32 to vector<16xi32>
        %add3A_307 = arith.addi %add3A_306, %iota3A : vector<16xi32>
        tpu.vector_store_idx %arg7[%add3A_307], %get3A_301 masked %lt3A_3 {add = true} : memref<80000xf32, #tpu.memory_space<vmem>>[vector<16xi32>], vector<16xf32>, vector<16xi1>
        %mul3A_308 = arith.constant 16 : i32
        %mul3A_309 = arith.muli %add3A_214, %mul3A_308 : i32
        %add3A_310 = arith.constant 6 : i32
        %add3A_311 = arith.addi %mul3A_309, %add3A_310 : i32
        %get3A_312 = arith.constant 0 : i32
        %get3A_313 = arith.index_cast %get3A_312 : i32 to index
        %get3A_314 = arith.index_cast %add3A_311 : i32 to index
        %get3A_315 = arith.constant 0 : index
        %get3A_316 = tpu.vector_load %arg5[%get3A_313, %get3A_314, %get3A_315] {strides = array<i32>} : memref<2x80x16xf32, #tpu.memory_space<vmem>>, vector<16xf32>,
        %slice3A_317 = vector.extract_strided_slice %get3A_219 {offsets = [6], sizes = [1], strides = [1]} : vector<16xi32> to vector<1xi32>
        %squeeze3A_318 = vector.extract %slice3A_317[0] : i32 from vector<1xi32>
        %mul3A_319 = arith.constant 8 : i32
        %mul3A_320 = arith.muli %squeeze3A_318, %mul3A_319 : i32
        %add3A_321 = vector.broadcast %mul3A_320 : i32 to vector<16xi32>
        %add3A_322 = arith.addi %add3A_321, %iota3A : vector<16xi32>
        tpu.vector_store_idx %arg7[%add3A_322], %get3A_316 masked %lt3A_3 {add = true} : memref<80000xf32, #tpu.memory_space<vmem>>[vector<16xi32>], vector<16xf32>, vector<16xi1>
        %mul3A_323 = arith.constant 16 : i32
        %mul3A_324 = arith.muli %add3A_214, %mul3A_323 : i32
        %add3A_325 = arith.constant 7 : i32
        %add3A_326 = arith.addi %mul3A_324, %add3A_325 : i32
        %get3A_327 = arith.constant 0 : i32
        %get3A_328 = arith.index_cast %get3A_327 : i32 to index
        %get3A_329 = arith.index_cast %add3A_326 : i32 to index
        %get3A_330 = arith.constant 0 : index
        %get3A_331 = tpu.vector_load %arg5[%get3A_328, %get3A_329, %get3A_330] {strides = array<i32>} : memref<2x80x16xf32, #tpu.memory_space<vmem>>, vector<16xf32>,
        %slice3A_332 = vector.extract_strided_slice %get3A_219 {offsets = [7], sizes = [1], strides = [1]} : vector<16xi32> to vector<1xi32>
        %squeeze3A_333 = vector.extract %slice3A_332[0] : i32 from vector<1xi32>
        %mul3A_334 = arith.constant 8 : i32
        %mul3A_335 = arith.muli %squeeze3A_333, %mul3A_334 : i32
        %add3A_336 = vector.broadcast %mul3A_335 : i32 to vector<16xi32>
        %add3A_337 = arith.addi %add3A_336, %iota3A : vector<16xi32>
        tpu.vector_store_idx %arg7[%add3A_337], %get3A_331 masked %lt3A_3 {add = true} : memref<80000xf32, #tpu.memory_space<vmem>>[vector<16xi32>], vector<16xf32>, vector<16xi1>
        %mul3A_338 = arith.constant 16 : i32
        %mul3A_339 = arith.muli %add3A_214, %mul3A_338 : i32
        %add3A_340 = arith.constant 8 : i32
        %add3A_341 = arith.addi %mul3A_339, %add3A_340 : i32
        %get3A_342 = arith.constant 0 : i32
        %get3A_343 = arith.index_cast %get3A_342 : i32 to index
        %get3A_344 = arith.index_cast %add3A_341 : i32 to index
        %get3A_345 = arith.constant 0 : index
        %get3A_346 = tpu.vector_load %arg5[%get3A_343, %get3A_344, %get3A_345] {strides = array<i32>} : memref<2x80x16xf32, #tpu.memory_space<vmem>>, vector<16xf32>,
        %slice3A_347 = vector.extract_strided_slice %get3A_219 {offsets = [8], sizes = [1], strides = [1]} : vector<16xi32> to vector<1xi32>
        %squeeze3A_348 = vector.extract %slice3A_347[0] : i32 from vector<1xi32>
        %mul3A_349 = arith.constant 8 : i32
        %mul3A_350 = arith.muli %squeeze3A_348, %mul3A_349 : i32
        %add3A_351 = vector.broadcast %mul3A_350 : i32 to vector<16xi32>
        %add3A_352 = arith.addi %add3A_351, %iota3A : vector<16xi32>
        tpu.vector_store_idx %arg7[%add3A_352], %get3A_346 masked %lt3A_3 {add = true} : memref<80000xf32, #tpu.memory_space<vmem>>[vector<16xi32>], vector<16xf32>, vector<16xi1>
        %mul3A_353 = arith.constant 16 : i32
        %mul3A_354 = arith.muli %add3A_214, %mul3A_353 : i32
        %add3A_355 = arith.constant 9 : i32
        %add3A_356 = arith.addi %mul3A_354, %add3A_355 : i32
        %get3A_357 = arith.constant 0 : i32
        %get3A_358 = arith.index_cast %get3A_357 : i32 to index
        %get3A_359 = arith.index_cast %add3A_356 : i32 to index
        %get3A_360 = arith.constant 0 : index
        %get3A_361 = tpu.vector_load %arg5[%get3A_358, %get3A_359, %get3A_360] {strides = array<i32>} : memref<2x80x16xf32, #tpu.memory_space<vmem>>, vector<16xf32>,
        %slice3A_362 = vector.extract_strided_slice %get3A_219 {offsets = [9], sizes = [1], strides = [1]} : vector<16xi32> to vector<1xi32>
        %squeeze3A_363 = vector.extract %slice3A_362[0] : i32 from vector<1xi32>
        %mul3A_364 = arith.constant 8 : i32
        %mul3A_365 = arith.muli %squeeze3A_363, %mul3A_364 : i32
        %add3A_366 = vector.broadcast %mul3A_365 : i32 to vector<16xi32>
        %add3A_367 = arith.addi %add3A_366, %iota3A : vector<16xi32>
        tpu.vector_store_idx %arg7[%add3A_367], %get3A_361 masked %lt3A_3 {add = true} : memref<80000xf32, #tpu.memory_space<vmem>>[vector<16xi32>], vector<16xf32>, vector<16xi1>
        %mul3A_368 = arith.constant 16 : i32
        %mul3A_369 = arith.muli %add3A_214, %mul3A_368 : i32
        %add3A_370 = arith.constant 10 : i32
        %add3A_371 = arith.addi %mul3A_369, %add3A_370 : i32
        %get3A_372 = arith.constant 0 : i32
        %get3A_373 = arith.index_cast %get3A_372 : i32 to index
        %get3A_374 = arith.index_cast %add3A_371 : i32 to index
        %get3A_375 = arith.constant 0 : index
        %get3A_376 = tpu.vector_load %arg5[%get3A_373, %get3A_374, %get3A_375] {strides = array<i32>} : memref<2x80x16xf32, #tpu.memory_space<vmem>>, vector<16xf32>,
        %slice3A_377 = vector.extract_strided_slice %get3A_219 {offsets = [10], sizes = [1], strides = [1]} : vector<16xi32> to vector<1xi32>
        %squeeze3A_378 = vector.extract %slice3A_377[0] : i32 from vector<1xi32>
        %mul3A_379 = arith.constant 8 : i32
        %mul3A_380 = arith.muli %squeeze3A_378, %mul3A_379 : i32
        %add3A_381 = vector.broadcast %mul3A_380 : i32 to vector<16xi32>
        %add3A_382 = arith.addi %add3A_381, %iota3A : vector<16xi32>
        tpu.vector_store_idx %arg7[%add3A_382], %get3A_376 masked %lt3A_3 {add = true} : memref<80000xf32, #tpu.memory_space<vmem>>[vector<16xi32>], vector<16xf32>, vector<16xi1>
        %mul3A_383 = arith.constant 16 : i32
        %mul3A_384 = arith.muli %add3A_214, %mul3A_383 : i32
        %add3A_385 = arith.constant 11 : i32
        %add3A_386 = arith.addi %mul3A_384, %add3A_385 : i32
        %get3A_387 = arith.constant 0 : i32
        %get3A_388 = arith.index_cast %get3A_387 : i32 to index
        %get3A_389 = arith.index_cast %add3A_386 : i32 to index
        %get3A_390 = arith.constant 0 : index
        %get3A_391 = tpu.vector_load %arg5[%get3A_388, %get3A_389, %get3A_390] {strides = array<i32>} : memref<2x80x16xf32, #tpu.memory_space<vmem>>, vector<16xf32>,
        %slice3A_392 = vector.extract_strided_slice %get3A_219 {offsets = [11], sizes = [1], strides = [1]} : vector<16xi32> to vector<1xi32>
        %squeeze3A_393 = vector.extract %slice3A_392[0] : i32 from vector<1xi32>
        %mul3A_394 = arith.constant 8 : i32
        %mul3A_395 = arith.muli %squeeze3A_393, %mul3A_394 : i32
        %add3A_396 = vector.broadcast %mul3A_395 : i32 to vector<16xi32>
        %add3A_397 = arith.addi %add3A_396, %iota3A : vector<16xi32>
        tpu.vector_store_idx %arg7[%add3A_397], %get3A_391 masked %lt3A_3 {add = true} : memref<80000xf32, #tpu.memory_space<vmem>>[vector<16xi32>], vector<16xf32>, vector<16xi1>
        %mul3A_398 = arith.constant 16 : i32
        %mul3A_399 = arith.muli %add3A_214, %mul3A_398 : i32
        %add3A_400 = arith.constant 12 : i32
        %add3A_401 = arith.addi %mul3A_399, %add3A_400 : i32
        %get3A_402 = arith.constant 0 : i32
        %get3A_403 = arith.index_cast %get3A_402 : i32 to index
        %get3A_404 = arith.index_cast %add3A_401 : i32 to index
        %get3A_405 = arith.constant 0 : index
        %get3A_406 = tpu.vector_load %arg5[%get3A_403, %get3A_404, %get3A_405] {strides = array<i32>} : memref<2x80x16xf32, #tpu.memory_space<vmem>>, vector<16xf32>,
        %slice3A_407 = vector.extract_strided_slice %get3A_219 {offsets = [12], sizes = [1], strides = [1]} : vector<16xi32> to vector<1xi32>
        %squeeze3A_408 = vector.extract %slice3A_407[0] : i32 from vector<1xi32>
        %mul3A_409 = arith.constant 8 : i32
        %mul3A_410 = arith.muli %squeeze3A_408, %mul3A_409 : i32
        %add3A_411 = vector.broadcast %mul3A_410 : i32 to vector<16xi32>
        %add3A_412 = arith.addi %add3A_411, %iota3A : vector<16xi32>
        tpu.vector_store_idx %arg7[%add3A_412], %get3A_406 masked %lt3A_3 {add = true} : memref<80000xf32, #tpu.memory_space<vmem>>[vector<16xi32>], vector<16xf32>, vector<16xi1>
        %mul3A_413 = arith.constant 16 : i32
        %mul3A_414 = arith.muli %add3A_214, %mul3A_413 : i32
        %add3A_415 = arith.constant 13 : i32
        %add3A_416 = arith.addi %mul3A_414, %add3A_415 : i32
        %get3A_417 = arith.constant 0 : i32
        %get3A_418 = arith.index_cast %get3A_417 : i32 to index
        %get3A_419 = arith.index_cast %add3A_416 : i32 to index
        %get3A_420 = arith.constant 0 : index
        %get3A_421 = tpu.vector_load %arg5[%get3A_418, %get3A_419, %get3A_420] {strides = array<i32>} : memref<2x80x16xf32, #tpu.memory_space<vmem>>, vector<16xf32>,
        %slice3A_422 = vector.extract_strided_slice %get3A_219 {offsets = [13], sizes = [1], strides = [1]} : vector<16xi32> to vector<1xi32>
        %squeeze3A_423 = vector.extract %slice3A_422[0] : i32 from vector<1xi32>
        %mul3A_424 = arith.constant 8 : i32
        %mul3A_425 = arith.muli %squeeze3A_423, %mul3A_424 : i32
        %add3A_426 = vector.broadcast %mul3A_425 : i32 to vector<16xi32>
        %add3A_427 = arith.addi %add3A_426, %iota3A : vector<16xi32>
        tpu.vector_store_idx %arg7[%add3A_427], %get3A_421 masked %lt3A_3 {add = true} : memref<80000xf32, #tpu.memory_space<vmem>>[vector<16xi32>], vector<16xf32>, vector<16xi1>
        %mul3A_428 = arith.constant 16 : i32
        %mul3A_429 = arith.muli %add3A_214, %mul3A_428 : i32
        %add3A_430 = arith.constant 14 : i32
        %add3A_431 = arith.addi %mul3A_429, %add3A_430 : i32
        %get3A_432 = arith.constant 0 : i32
        %get3A_433 = arith.index_cast %get3A_432 : i32 to index
        %get3A_434 = arith.index_cast %add3A_431 : i32 to index
        %get3A_435 = arith.constant 0 : index
        %get3A_436 = tpu.vector_load %arg5[%get3A_433, %get3A_434, %get3A_435] {strides = array<i32>} : memref<2x80x16xf32, #tpu.memory_space<vmem>>, vector<16xf32>,
        %slice3A_437 = vector.extract_strided_slice %get3A_219 {offsets = [14], sizes = [1], strides = [1]} : vector<16xi32> to vector<1xi32>
        %squeeze3A_438 = vector.extract %slice3A_437[0] : i32 from vector<1xi32>
        %mul3A_439 = arith.constant 8 : i32
        %mul3A_440 = arith.muli %squeeze3A_438, %mul3A_439 : i32
        %add3A_441 = vector.broadcast %mul3A_440 : i32 to vector<16xi32>
        %add3A_442 = arith.addi %add3A_441, %iota3A : vector<16xi32>
        tpu.vector_store_idx %arg7[%add3A_442], %get3A_436 masked %lt3A_3 {add = true} : memref<80000xf32, #tpu.memory_space<vmem>>[vector<16xi32>], vector<16xf32>, vector<16xi1>
        %mul3A_443 = arith.constant 16 : i32
        %mul3A_444 = arith.muli %add3A_214, %mul3A_443 : i32
        %add3A_445 = arith.constant 15 : i32
        %add3A_446 = arith.addi %mul3A_444, %add3A_445 : i32
        %get3A_447 = arith.constant 0 : i32
        %get3A_448 = arith.index_cast %get3A_447 : i32 to index
        %get3A_449 = arith.index_cast %add3A_446 : i32 to index
        %get3A_450 = arith.constant 0 : index
        %get3A_451 = tpu.vector_load %arg5[%get3A_448, %get3A_449, %get3A_450] {strides = array<i32>} : memref<2x80x16xf32, #tpu.memory_space<vmem>>, vector<16xf32>,
        %slice3A_452 = vector.extract_strided_slice %get3A_219 {offsets = [15], sizes = [1], strides = [1]} : vector<16xi32> to vector<1xi32>
        %squeeze3A_453 = vector.extract %slice3A_452[0] : i32 from vector<1xi32>
        %mul3A_454 = arith.constant 8 : i32
        %mul3A_455 = arith.muli %squeeze3A_453, %mul3A_454 : i32
        %add3A_456 = vector.broadcast %mul3A_455 : i32 to vector<16xi32>
        %add3A_457 = arith.addi %add3A_456, %iota3A : vector<16xi32>
        tpu.vector_store_idx %arg7[%add3A_457], %get3A_451 masked %lt3A_3 {add = true} : memref<80000xf32, #tpu.memory_space<vmem>>[vector<16xi32>], vector<16xf32>, vector<16xi1>
      }
      %scan3A_209 = arith.constant 5 : i32
    }
    %scan3A_110 = arith.constant 62 : i32
    "tpu.region"() ({
      %run_scoped3A = tpu.sem_alloc : memref<!tpu.dma_semaphore, #tpu.memory_space<semaphore_mem>>
      %dma_start3A_111 = arith.constant 0 : i32
      %dma_start3A_112 = tpu.memref_slice %arg4[%add3A, %dma_start3A_111] : memref<32x80000xf32, #tpu.memory_space<hbm>> -> memref<1x80000xf32, #tpu.memory_space<hbm>>
      %dma_start3A_113 = tpu.memref_squeeze %dma_start3A_112 : memref<1x80000xf32, #tpu.memory_space<hbm>> -> memref<80000xf32, #tpu.memory_space<hbm>>
      %dma_start3A_114 = arith.constant 0 : i32
      %dma_start3A_115 = tpu.memref_slice %arg4[%add3A, %dma_start3A_114] : memref<32x80000xf32, #tpu.memory_space<hbm>> -> memref<1x80000xf32, #tpu.memory_space<hbm>>
      %dma_start3A_116 = tpu.memref_squeeze %dma_start3A_115 : memref<1x80000xf32, #tpu.memory_space<hbm>> -> memref<80000xf32, #tpu.memory_space<hbm>>
      tpu.enqueue_dma source(%arg7 : memref<80000xf32, #tpu.memory_space<vmem>>) target(%dma_start3A_116 : memref<80000xf32, #tpu.memory_space<hbm>>) target_semaphore(%run_scoped3A : memref<!tpu.dma_semaphore, #tpu.memory_space<semaphore_mem>>)
      %dma_wait3A_117 = arith.constant 0 : i32
      %dma_wait3A_118 = tpu.memref_slice %arg4[%add3A, %dma_wait3A_117] : memref<32x80000xf32, #tpu.memory_space<hbm>> -> memref<1x80000xf32, #tpu.memory_space<hbm>>
      %dma_wait3A_119 = tpu.memref_squeeze %dma_wait3A_118 : memref<1x80000xf32, #tpu.memory_space<hbm>> -> memref<80000xf32, #tpu.memory_space<hbm>>
      %dma_wait3A_120 = arith.constant 0 : i32
      %dma_wait3A_121 = tpu.memref_slice %arg4[%add3A, %dma_wait3A_120] : memref<32x80000xf32, #tpu.memory_space<hbm>> -> memref<1x80000xf32, #tpu.memory_space<hbm>>
      %dma_wait3A_122 = tpu.memref_squeeze %dma_wait3A_121 : memref<1x80000xf32, #tpu.memory_space<hbm>> -> memref<80000xf32, #tpu.memory_space<hbm>>
      tpu.wait_dma2 semaphore(%run_scoped3A : memref<!tpu.dma_semaphore, #tpu.memory_space<semaphore_mem>>) src(%arg7 : memref<80000xf32, #tpu.memory_space<vmem>>) dst(%dma_wait3A_122 : memref<80000xf32, #tpu.memory_space<hbm>>)
      tpu.yield
    }) : () -> ()
    return
  }
}

#map = affine_map<(d0, d1) -> (0, 0)>
#map1 = affine_map<(d0, d1) -> (0)>
module attributes {stable_mosaic.version = 14 : i64} {
  func.func @sc_feats(%arg0: i32, %arg1: i32, %arg2: memref<320000x128xf32, #tpu.memory_space<hbm>>, %arg3: memref<320000x16xf32, #tpu.memory_space<hbm>>, %arg4: memref<320000xi32, #tpu.memory_space<hbm>>, %arg5: memref<10000x128xf32, #tpu.memory_space<hbm>>, %arg6: memref<10000x128xf32, #tpu.memory_space<hbm>>, %arg7: memref<2x80x128xf32, #tpu.memory_space<vmem>>, %arg8: memref<2x80x16xf32, #tpu.memory_space<vmem>>, %arg9: memref<2x80xi32, #tpu.memory_space<vmem>>, %arg10: memref<10000x128xf32, #tpu.memory_space<vmem_shared>>, %arg11: memref<2x!tpu.dma_semaphore, #tpu.memory_space<semaphore_mem>>, %arg12: memref<!tpu.dma_semaphore, #tpu.memory_space<semaphore_mem>>) attributes {dimension_semantics = [#tpu.dimension_semantics<core_parallel>, #tpu.dimension_semantics<subcore_parallel>], iteration_bounds = array<i64: 2, 16>, scalar_prefetch = 0 : i64, scratch_operands = 6 : i64, tpu.core_type = #tpu.core_type<sc_vector_subcore>, window_params = [{transform_indices = #map}, {transform_indices = #map}, {transform_indices = #map1}, {transform_indices = #map}, {transform_indices = #map}]} {
    %mul3A = arith.constant 2 : i32
    %mul3A_0 = arith.muli %arg1, %mul3A : i32
    %add3A = arith.addi %mul3A_0, %arg0 : i32
    %broadcast_in_dim3A = arith.constant 0.000000e+00 : f32
    %broadcast_in_dim3A_1 = vector.broadcast %broadcast_in_dim3A : f32 to vector<16xf32>
    %mul3A_2 = arith.constant 10000 : i32
    %mul3A_3 = arith.muli %add3A, %mul3A_2 : i32
    %scan3A = arith.constant 0 : i32
    %scan3A_4 = arith.constant 80 : i32
    %scan3A_5 = arith.addi %scan3A, %scan3A_4 : i32
    %scan3A_6 = arith.constant 1 : i32
    scf.for %scan3A_217 = %scan3A to %scan3A_5 step %scan3A_6  : i32 {
      %mul3A_218 = arith.constant 1 : i32
      %mul3A_219 = arith.muli %scan3A_217, %mul3A_218 : i32
      %add3A_220 = arith.constant 0 : i32
      %add3A_221 = arith.addi %add3A_220, %mul3A_219 : i32
      %swap3A = arith.constant 0 : i32
      %swap3A_222 = arith.index_cast %swap3A : i32 to index
      %swap3A_223 = arith.index_cast %add3A_221 : i32 to index
      %swap3A_224 = arith.constant 0 : index
      %swap3A_225 = tpu.vector_load %arg7[%swap3A_222, %swap3A_223, %swap3A_224] {strides = array<i32>} : memref<2x80x128xf32, #tpu.memory_space<vmem>>, vector<16xf32>,
      tpu.vector_store %arg7[%swap3A_222, %swap3A_223, %swap3A_224], %broadcast_in_dim3A_1 {strides = array<i32>} : memref<2x80x128xf32, #tpu.memory_space<vmem>>, vector<16xf32>,
      %swap3A_226 = arith.constant 0 : i32
      %swap3A_227 = arith.index_cast %swap3A_226 : i32 to index
      %swap3A_228 = arith.index_cast %add3A_221 : i32 to index
      %swap3A_229 = arith.constant 16 : index
      %swap3A_230 = tpu.vector_load %arg7[%swap3A_227, %swap3A_228, %swap3A_229] {strides = array<i32>} : memref<2x80x128xf32, #tpu.memory_space<vmem>>, vector<16xf32>,
      tpu.vector_store %arg7[%swap3A_227, %swap3A_228, %swap3A_229], %broadcast_in_dim3A_1 {strides = array<i32>} : memref<2x80x128xf32, #tpu.memory_space<vmem>>, vector<16xf32>,
      %swap3A_231 = arith.constant 0 : i32
      %swap3A_232 = arith.index_cast %swap3A_231 : i32 to index
      %swap3A_233 = arith.index_cast %add3A_221 : i32 to index
      %swap3A_234 = arith.constant 32 : index
      %swap3A_235 = tpu.vector_load %arg7[%swap3A_232, %swap3A_233, %swap3A_234] {strides = array<i32>} : memref<2x80x128xf32, #tpu.memory_space<vmem>>, vector<16xf32>,
      tpu.vector_store %arg7[%swap3A_232, %swap3A_233, %swap3A_234], %broadcast_in_dim3A_1 {strides = array<i32>} : memref<2x80x128xf32, #tpu.memory_space<vmem>>, vector<16xf32>,
      %swap3A_236 = arith.constant 0 : i32
      %swap3A_237 = arith.index_cast %swap3A_236 : i32 to index
      %swap3A_238 = arith.index_cast %add3A_221 : i32 to index
      %swap3A_239 = arith.constant 48 : index
      %swap3A_240 = tpu.vector_load %arg7[%swap3A_237, %swap3A_238, %swap3A_239] {strides = array<i32>} : memref<2x80x128xf32, #tpu.memory_space<vmem>>, vector<16xf32>,
      tpu.vector_store %arg7[%swap3A_237, %swap3A_238, %swap3A_239], %broadcast_in_dim3A_1 {strides = array<i32>} : memref<2x80x128xf32, #tpu.memory_space<vmem>>, vector<16xf32>,
      %swap3A_241 = arith.constant 0 : i32
      %swap3A_242 = arith.index_cast %swap3A_241 : i32 to index
      %swap3A_243 = arith.index_cast %add3A_221 : i32 to index
      %swap3A_244 = arith.constant 64 : index
      %swap3A_245 = tpu.vector_load %arg7[%swap3A_242, %swap3A_243, %swap3A_244] {strides = array<i32>} : memref<2x80x128xf32, #tpu.memory_space<vmem>>, vector<16xf32>,
      tpu.vector_store %arg7[%swap3A_242, %swap3A_243, %swap3A_244], %broadcast_in_dim3A_1 {strides = array<i32>} : memref<2x80x128xf32, #tpu.memory_space<vmem>>, vector<16xf32>,
      %swap3A_246 = arith.constant 0 : i32
      %swap3A_247 = arith.index_cast %swap3A_246 : i32 to index
      %swap3A_248 = arith.index_cast %add3A_221 : i32 to index
      %swap3A_249 = arith.constant 80 : index
      %swap3A_250 = tpu.vector_load %arg7[%swap3A_247, %swap3A_248, %swap3A_249] {strides = array<i32>} : memref<2x80x128xf32, #tpu.memory_space<vmem>>, vector<16xf32>,
      tpu.vector_store %arg7[%swap3A_247, %swap3A_248, %swap3A_249], %broadcast_in_dim3A_1 {strides = array<i32>} : memref<2x80x128xf32, #tpu.memory_space<vmem>>, vector<16xf32>,
      %swap3A_251 = arith.constant 0 : i32
      %swap3A_252 = arith.index_cast %swap3A_251 : i32 to index
      %swap3A_253 = arith.index_cast %add3A_221 : i32 to index
      %swap3A_254 = arith.constant 96 : index
      %swap3A_255 = tpu.vector_load %arg7[%swap3A_252, %swap3A_253, %swap3A_254] {strides = array<i32>} : memref<2x80x128xf32, #tpu.memory_space<vmem>>, vector<16xf32>,
      tpu.vector_store %arg7[%swap3A_252, %swap3A_253, %swap3A_254], %broadcast_in_dim3A_1 {strides = array<i32>} : memref<2x80x128xf32, #tpu.memory_space<vmem>>, vector<16xf32>,
      %swap3A_256 = arith.constant 0 : i32
      %swap3A_257 = arith.index_cast %swap3A_256 : i32 to index
      %swap3A_258 = arith.index_cast %add3A_221 : i32 to index
      %swap3A_259 = arith.constant 112 : index
      %swap3A_260 = tpu.vector_load %arg7[%swap3A_257, %swap3A_258, %swap3A_259] {strides = array<i32>} : memref<2x80x128xf32, #tpu.memory_space<vmem>>, vector<16xf32>,
      tpu.vector_store %arg7[%swap3A_257, %swap3A_258, %swap3A_259], %broadcast_in_dim3A_1 {strides = array<i32>} : memref<2x80x128xf32, #tpu.memory_space<vmem>>, vector<16xf32>,
    }
    %scan3A_7 = arith.constant 80 : i32
    %sub3A = arith.constant 125 : i32
    %sub3A_8 = arith.subi %sub3A, %arg1 : i32
    %sub3A_9 = arith.constant 16 : i32
    %sub3A_10 = arith.constant 1 : i32
    %sub3A_11 = arith.subi %sub3A_9, %sub3A_10 : i32
    %add3A_12 = arith.addi %sub3A_8, %sub3A_11 : i32
    %div3A = arith.constant 16 : i32
    %div3A_13 = arith.divsi %add3A_12, %div3A : i32
    %while3A = arith.constant 16 : i32
    %while3A_14 = arith.constant 0 : i32
    %while3A_15 = arith.subi %div3A_13, %while3A_14 : i32
    %while3A_16 = arith.addi %while3A_14, %while3A_15 : i32
    %while3A_17 = arith.constant 1 : i32
    %while3A_18 = arith.divsi %while3A_15, %while3A_17 : i32
    %while3A_19 = arith.muli %while3A_18, %while3A_17 : i32
    %while3A_20 = arith.addi %while3A_14, %while3A_19 : i32
    %while3A_21 = arith.constant 1 : i32
    scf.for %while3A_217 = %while3A_14 to %while3A_20 step %while3A_21  : i32 {
      %mul3A_218 = arith.muli %while3A_217, %while3A : i32
      %add3A_219 = arith.addi %arg1, %mul3A_218 : i32
      %mul3A_220 = arith.constant 80 : i32
      %mul3A_221 = arith.muli %add3A_219, %mul3A_220 : i32
      %multiple_of3A_222 = tpu.assume_multiple %mul3A_221, 8 : i32
      %run_scoped3A = arith.constant 0 : i32
      "tpu.region"() ({
        %run_scoped3A_223 = tpu.sem_alloc : memref<!tpu.dma_semaphore, #tpu.memory_space<semaphore_mem>>
        %dma_start3A_224 = arith.constant 0 : i32
        %dma_start3A_225 = arith.constant 0 : i32
        %dma_start3A_226 = tpu.memref_slice %arg7[%run_scoped3A, %dma_start3A_224, %dma_start3A_225] : memref<2x80x128xf32, #tpu.memory_space<vmem>> -> memref<1x80x128xf32, #tpu.memory_space<vmem>>
        %dma_start3A_227 = tpu.memref_squeeze %dma_start3A_226 : memref<1x80x128xf32, #tpu.memory_space<vmem>> -> memref<80x128xf32, #tpu.memory_space<vmem>>
        %dma_start3A_228 = arith.constant 0 : i32
        %dma_start3A_229 = tpu.memref_slice %arg10[%multiple_of3A_222, %dma_start3A_228] : memref<10000x128xf32, #tpu.memory_space<vmem_shared>> -> memref<80x128xf32, #tpu.memory_space<vmem_shared>>
        %dma_start3A_230 = arith.constant 0 : i32
        %dma_start3A_231 = tpu.memref_slice %arg10[%multiple_of3A_222, %dma_start3A_230] : memref<10000x128xf32, #tpu.memory_space<vmem_shared>> -> memref<80x128xf32, #tpu.memory_space<vmem_shared>>
        %dma_start3A_232 = arith.constant 0 : i32
        %dma_start3A_233 = arith.constant 0 : i32
        %dma_start3A_234 = tpu.memref_slice %arg7[%run_scoped3A, %dma_start3A_232, %dma_start3A_233] : memref<2x80x128xf32, #tpu.memory_space<vmem>> -> memref<1x80x128xf32, #tpu.memory_space<vmem>>
        %dma_start3A_235 = tpu.memref_squeeze %dma_start3A_234 : memref<1x80x128xf32, #tpu.memory_space<vmem>> -> memref<80x128xf32, #tpu.memory_space<vmem>>
        tpu.enqueue_dma source(%dma_start3A_235 : memref<80x128xf32, #tpu.memory_space<vmem>>) target(%dma_start3A_231 : memref<80x128xf32, #tpu.memory_space<vmem_shared>>) target_semaphore(%run_scoped3A_223 : memref<!tpu.dma_semaphore, #tpu.memory_space<semaphore_mem>>)
        %dma_wait3A_236 = arith.constant 0 : i32
        %dma_wait3A_237 = arith.constant 0 : i32
        %dma_wait3A_238 = tpu.memref_slice %arg7[%run_scoped3A, %dma_wait3A_236, %dma_wait3A_237] : memref<2x80x128xf32, #tpu.memory_space<vmem>> -> memref<1x80x128xf32, #tpu.memory_space<vmem>>
        %dma_wait3A_239 = tpu.memref_squeeze %dma_wait3A_238 : memref<1x80x128xf32, #tpu.memory_space<vmem>> -> memref<80x128xf32, #tpu.memory_space<vmem>>
        %dma_wait3A_240 = arith.constant 0 : i32
        %dma_wait3A_241 = tpu.memref_slice %arg10[%multiple_of3A_222, %dma_wait3A_240] : memref<10000x128xf32, #tpu.memory_space<vmem_shared>> -> memref<80x128xf32, #tpu.memory_space<vmem_shared>>
        %dma_wait3A_242 = arith.constant 0 : i32
        %dma_wait3A_243 = tpu.memref_slice %arg10[%multiple_of3A_222, %dma_wait3A_242] : memref<10000x128xf32, #tpu.memory_space<vmem_shared>> -> memref<80x128xf32, #tpu.memory_space<vmem_shared>>
        %dma_wait3A_244 = arith.constant 0 : i32
        %dma_wait3A_245 = arith.constant 0 : i32
        %dma_wait3A_246 = tpu.memref_slice %arg7[%run_scoped3A, %dma_wait3A_244, %dma_wait3A_245] : memref<2x80x128xf32, #tpu.memory_space<vmem>> -> memref<1x80x128xf32, #tpu.memory_space<vmem>>
        %dma_wait3A_247 = tpu.memref_squeeze %dma_wait3A_246 : memref<1x80x128xf32, #tpu.memory_space<vmem>> -> memref<80x128xf32, #tpu.memory_space<vmem>>
        tpu.wait_dma2 semaphore(%run_scoped3A_223 : memref<!tpu.dma_semaphore, #tpu.memory_space<semaphore_mem>>) src(%dma_wait3A_247 : memref<80x128xf32, #tpu.memory_space<vmem>>) dst(%dma_wait3A_243 : memref<80x128xf32, #tpu.memory_space<vmem_shared>>)
        tpu.yield
      }) : () -> ()
    }
    %while3A_22 = arith.constant 1 : i32
    scf.for %while3A_217 = %while3A_20 to %while3A_16 step %while3A_22  : i32 {
      %mul3A_218 = arith.muli %while3A_217, %while3A : i32
      %add3A_219 = arith.addi %arg1, %mul3A_218 : i32
      %mul3A_220 = arith.constant 80 : i32
      %mul3A_221 = arith.muli %add3A_219, %mul3A_220 : i32
      %multiple_of3A_222 = tpu.assume_multiple %mul3A_221, 8 : i32
      %run_scoped3A = arith.constant 0 : i32
      "tpu.region"() ({
        %run_scoped3A_223 = tpu.sem_alloc : memref<!tpu.dma_semaphore, #tpu.memory_space<semaphore_mem>>
        %dma_start3A_224 = arith.constant 0 : i32
        %dma_start3A_225 = arith.constant 0 : i32
        %dma_start3A_226 = tpu.memref_slice %arg7[%run_scoped3A, %dma_start3A_224, %dma_start3A_225] : memref<2x80x128xf32, #tpu.memory_space<vmem>> -> memref<1x80x128xf32, #tpu.memory_space<vmem>>
        %dma_start3A_227 = tpu.memref_squeeze %dma_start3A_226 : memref<1x80x128xf32, #tpu.memory_space<vmem>> -> memref<80x128xf32, #tpu.memory_space<vmem>>
        %dma_start3A_228 = arith.constant 0 : i32
        %dma_start3A_229 = tpu.memref_slice %arg10[%multiple_of3A_222, %dma_start3A_228] : memref<10000x128xf32, #tpu.memory_space<vmem_shared>> -> memref<80x128xf32, #tpu.memory_space<vmem_shared>>
        %dma_start3A_230 = arith.constant 0 : i32
        %dma_start3A_231 = tpu.memref_slice %arg10[%multiple_of3A_222, %dma_start3A_230] : memref<10000x128xf32, #tpu.memory_space<vmem_shared>> -> memref<80x128xf32, #tpu.memory_space<vmem_shared>>
        %dma_start3A_232 = arith.constant 0 : i32
        %dma_start3A_233 = arith.constant 0 : i32
        %dma_start3A_234 = tpu.memref_slice %arg7[%run_scoped3A, %dma_start3A_232, %dma_start3A_233] : memref<2x80x128xf32, #tpu.memory_space<vmem>> -> memref<1x80x128xf32, #tpu.memory_space<vmem>>
        %dma_start3A_235 = tpu.memref_squeeze %dma_start3A_234 : memref<1x80x128xf32, #tpu.memory_space<vmem>> -> memref<80x128xf32, #tpu.memory_space<vmem>>
        tpu.enqueue_dma source(%dma_start3A_235 : memref<80x128xf32, #tpu.memory_space<vmem>>) target(%dma_start3A_231 : memref<80x128xf32, #tpu.memory_space<vmem_shared>>) target_semaphore(%run_scoped3A_223 : memref<!tpu.dma_semaphore, #tpu.memory_space<semaphore_mem>>)
        %dma_wait3A_236 = arith.constant 0 : i32
        %dma_wait3A_237 = arith.constant 0 : i32
        %dma_wait3A_238 = tpu.memref_slice %arg7[%run_scoped3A, %dma_wait3A_236, %dma_wait3A_237] : memref<2x80x128xf32, #tpu.memory_space<vmem>> -> memref<1x80x128xf32, #tpu.memory_space<vmem>>
        %dma_wait3A_239 = tpu.memref_squeeze %dma_wait3A_238 : memref<1x80x128xf32, #tpu.memory_space<vmem>> -> memref<80x128xf32, #tpu.memory_space<vmem>>
        %dma_wait3A_240 = arith.constant 0 : i32
        %dma_wait3A_241 = tpu.memref_slice %arg10[%multiple_of3A_222, %dma_wait3A_240] : memref<10000x128xf32, #tpu.memory_space<vmem_shared>> -> memref<80x128xf32, #tpu.memory_space<vmem_shared>>
        %dma_wait3A_242 = arith.constant 0 : i32
        %dma_wait3A_243 = tpu.memref_slice %arg10[%multiple_of3A_222, %dma_wait3A_242] : memref<10000x128xf32, #tpu.memory_space<vmem_shared>> -> memref<80x128xf32, #tpu.memory_space<vmem_shared>>
        %dma_wait3A_244 = arith.constant 0 : i32
        %dma_wait3A_245 = arith.constant 0 : i32
        %dma_wait3A_246 = tpu.memref_slice %arg7[%run_scoped3A, %dma_wait3A_244, %dma_wait3A_245] : memref<2x80x128xf32, #tpu.memory_space<vmem>> -> memref<1x80x128xf32, #tpu.memory_space<vmem>>
        %dma_wait3A_247 = tpu.memref_squeeze %dma_wait3A_246 : memref<1x80x128xf32, #tpu.memory_space<vmem>> -> memref<80x128xf32, #tpu.memory_space<vmem>>
        tpu.wait_dma2 semaphore(%run_scoped3A_223 : memref<!tpu.dma_semaphore, #tpu.memory_space<semaphore_mem>>) src(%dma_wait3A_247 : memref<80x128xf32, #tpu.memory_space<vmem>>) dst(%dma_wait3A_243 : memref<80x128xf32, #tpu.memory_space<vmem_shared>>)
        tpu.yield
      }) : () -> ()
    }
    %barrier3A = arith.constant 0 : index
    tpu.barrier barrier_id(%barrier3A)
    %add3A_23 = arith.constant 0 : i32
    %add3A_24 = arith.addi %mul3A_3, %add3A_23 : i32
    %multiple_of3A = tpu.assume_multiple %add3A_24, 8 : i32
    %dma_start3A = arith.constant 0 : i32
    %dma_start3A_25 = arith.constant 0 : i32
    %dma_start3A_26 = arith.constant 0 : i32
    %dma_start3A_27 = arith.constant 0 : i32
    %dma_start3A_28 = tpu.memref_slice %arg7[%dma_start3A, %dma_start3A_26, %dma_start3A_27] : memref<2x80x128xf32, #tpu.memory_space<vmem>> -> memref<1x80x128xf32, #tpu.memory_space<vmem>>
    %dma_start3A_29 = tpu.memref_squeeze %dma_start3A_28 : memref<1x80x128xf32, #tpu.memory_space<vmem>> -> memref<80x128xf32, #tpu.memory_space<vmem>>
    %dma_start3A_30 = arith.constant 0 : i32
    %dma_start3A_31 = tpu.memref_slice %arg2[%multiple_of3A, %dma_start3A_30] : memref<320000x128xf32, #tpu.memory_space<hbm>> -> memref<80x128xf32, #tpu.memory_space<hbm>>
    %dma_start3A_32 = tpu.memref_slice %arg11[%dma_start3A_25] : memref<2x!tpu.dma_semaphore, #tpu.memory_space<semaphore_mem>> -> memref<1x!tpu.dma_semaphore, #tpu.memory_space<semaphore_mem>>
    %dma_start3A_33 = tpu.memref_squeeze %dma_start3A_32 : memref<1x!tpu.dma_semaphore, #tpu.memory_space<semaphore_mem>> -> memref<!tpu.dma_semaphore, #tpu.memory_space<semaphore_mem>>
    %dma_start3A_34 = arith.constant 0 : i32
    %dma_start3A_35 = arith.constant 0 : i32
    %dma_start3A_36 = tpu.memref_slice %arg7[%dma_start3A, %dma_start3A_34, %dma_start3A_35] : memref<2x80x128xf32, #tpu.memory_space<vmem>> -> memref<1x80x128xf32, #tpu.memory_space<vmem>>
    %dma_start3A_37 = tpu.memref_squeeze %dma_start3A_36 : memref<1x80x128xf32, #tpu.memory_space<vmem>> -> memref<80x128xf32, #tpu.memory_space<vmem>>
    %dma_start3A_38 = arith.constant 0 : i32
    %dma_start3A_39 = tpu.memref_slice %arg2[%multiple_of3A, %dma_start3A_38] : memref<320000x128xf32, #tpu.memory_space<hbm>> -> memref<80x128xf32, #tpu.memory_space<hbm>>
    tpu.enqueue_dma source(%dma_start3A_39 : memref<80x128xf32, #tpu.memory_space<hbm>>) target(%dma_start3A_37 : memref<80x128xf32, #tpu.memory_space<vmem>>) target_semaphore(%dma_start3A_33 : memref<!tpu.dma_semaphore, #tpu.memory_space<semaphore_mem>>)
    %dma_start3A_40 = arith.constant 0 : i32
    %dma_start3A_41 = arith.constant 0 : i32
    %dma_start3A_42 = arith.constant 0 : i32
    %dma_start3A_43 = arith.constant 0 : i32
    %dma_start3A_44 = tpu.memref_slice %arg8[%dma_start3A_40, %dma_start3A_42, %dma_start3A_43] : memref<2x80x16xf32, #tpu.memory_space<vmem>> -> memref<1x80x16xf32, #tpu.memory_space<vmem>>
    %dma_start3A_45 = tpu.memref_squeeze %dma_start3A_44 : memref<1x80x16xf32, #tpu.memory_space<vmem>> -> memref<80x16xf32, #tpu.memory_space<vmem>>
    %dma_start3A_46 = arith.constant 0 : i32
    %dma_start3A_47 = tpu.memref_slice %arg3[%multiple_of3A, %dma_start3A_46] : memref<320000x16xf32, #tpu.memory_space<hbm>> -> memref<80x16xf32, #tpu.memory_space<hbm>>
    %dma_start3A_48 = tpu.memref_slice %arg11[%dma_start3A_41] : memref<2x!tpu.dma_semaphore, #tpu.memory_space<semaphore_mem>> -> memref<1x!tpu.dma_semaphore, #tpu.memory_space<semaphore_mem>>
    %dma_start3A_49 = tpu.memref_squeeze %dma_start3A_48 : memref<1x!tpu.dma_semaphore, #tpu.memory_space<semaphore_mem>> -> memref<!tpu.dma_semaphore, #tpu.memory_space<semaphore_mem>>
    %dma_start3A_50 = arith.constant 0 : i32
    %dma_start3A_51 = arith.constant 0 : i32
    %dma_start3A_52 = tpu.memref_slice %arg8[%dma_start3A_40, %dma_start3A_50, %dma_start3A_51] : memref<2x80x16xf32, #tpu.memory_space<vmem>> -> memref<1x80x16xf32, #tpu.memory_space<vmem>>
    %dma_start3A_53 = tpu.memref_squeeze %dma_start3A_52 : memref<1x80x16xf32, #tpu.memory_space<vmem>> -> memref<80x16xf32, #tpu.memory_space<vmem>>
    %dma_start3A_54 = arith.constant 0 : i32
    %dma_start3A_55 = tpu.memref_slice %arg3[%multiple_of3A, %dma_start3A_54] : memref<320000x16xf32, #tpu.memory_space<hbm>> -> memref<80x16xf32, #tpu.memory_space<hbm>>
    tpu.enqueue_dma source(%dma_start3A_55 : memref<80x16xf32, #tpu.memory_space<hbm>>) target(%dma_start3A_53 : memref<80x16xf32, #tpu.memory_space<vmem>>) target_semaphore(%dma_start3A_49 : memref<!tpu.dma_semaphore, #tpu.memory_space<semaphore_mem>>)
    %dma_start3A_56 = arith.constant 0 : i32
    %dma_start3A_57 = arith.constant 0 : i32
    %dma_start3A_58 = arith.constant 0 : i32
    %dma_start3A_59 = tpu.memref_slice %arg9[%dma_start3A_56, %dma_start3A_58] : memref<2x80xi32, #tpu.memory_space<vmem>> -> memref<1x80xi32, #tpu.memory_space<vmem>>
    %dma_start3A_60 = tpu.memref_squeeze %dma_start3A_59 : memref<1x80xi32, #tpu.memory_space<vmem>> -> memref<80xi32, #tpu.memory_space<vmem>>
    %dma_start3A_61 = tpu.memref_slice %arg4[%multiple_of3A] : memref<320000xi32, #tpu.memory_space<hbm>> -> memref<80xi32, #tpu.memory_space<hbm>>
    %dma_start3A_62 = tpu.memref_slice %arg11[%dma_start3A_57] : memref<2x!tpu.dma_semaphore, #tpu.memory_space<semaphore_mem>> -> memref<1x!tpu.dma_semaphore, #tpu.memory_space<semaphore_mem>>
    %dma_start3A_63 = tpu.memref_squeeze %dma_start3A_62 : memref<1x!tpu.dma_semaphore, #tpu.memory_space<semaphore_mem>> -> memref<!tpu.dma_semaphore, #tpu.memory_space<semaphore_mem>>
    %dma_start3A_64 = arith.constant 0 : i32
    %dma_start3A_65 = tpu.memref_slice %arg9[%dma_start3A_56, %dma_start3A_64] : memref<2x80xi32, #tpu.memory_space<vmem>> -> memref<1x80xi32, #tpu.memory_space<vmem>>
    %dma_start3A_66 = tpu.memref_squeeze %dma_start3A_65 : memref<1x80xi32, #tpu.memory_space<vmem>> -> memref<80xi32, #tpu.memory_space<vmem>>
    %dma_start3A_67 = tpu.memref_slice %arg4[%multiple_of3A] : memref<320000xi32, #tpu.memory_space<hbm>> -> memref<80xi32, #tpu.memory_space<hbm>>
    tpu.enqueue_dma source(%dma_start3A_67 : memref<80xi32, #tpu.memory_space<hbm>>) target(%dma_start3A_66 : memref<80xi32, #tpu.memory_space<vmem>>) target_semaphore(%dma_start3A_63 : memref<!tpu.dma_semaphore, #tpu.memory_space<semaphore_mem>>)
    %dma_wait3A = arith.constant 0 : i32
    %dma_wait3A_68 = arith.constant 0 : i32
    %dma_wait3A_69 = arith.constant 0 : i32
    %dma_wait3A_70 = arith.constant 0 : i32
    %dma_wait3A_71 = tpu.memref_slice %arg7[%dma_wait3A, %dma_wait3A_69, %dma_wait3A_70] : memref<2x80x128xf32, #tpu.memory_space<vmem>> -> memref<1x80x128xf32, #tpu.memory_space<vmem>>
    %dma_wait3A_72 = tpu.memref_squeeze %dma_wait3A_71 : memref<1x80x128xf32, #tpu.memory_space<vmem>> -> memref<80x128xf32, #tpu.memory_space<vmem>>
    %dma_wait3A_73 = arith.constant 0 : i32
    %dma_wait3A_74 = arith.constant 0 : i32
    %dma_wait3A_75 = tpu.memref_slice %arg2[%dma_wait3A_73, %dma_wait3A_74] : memref<320000x128xf32, #tpu.memory_space<hbm>> -> memref<80x128xf32, #tpu.memory_space<hbm>>
    %dma_wait3A_76 = tpu.memref_slice %arg11[%dma_wait3A_68] : memref<2x!tpu.dma_semaphore, #tpu.memory_space<semaphore_mem>> -> memref<1x!tpu.dma_semaphore, #tpu.memory_space<semaphore_mem>>
    %dma_wait3A_77 = tpu.memref_squeeze %dma_wait3A_76 : memref<1x!tpu.dma_semaphore, #tpu.memory_space<semaphore_mem>> -> memref<!tpu.dma_semaphore, #tpu.memory_space<semaphore_mem>>
    %dma_wait3A_78 = arith.constant 0 : i32
    %dma_wait3A_79 = arith.constant 0 : i32
    %dma_wait3A_80 = tpu.memref_slice %arg7[%dma_wait3A, %dma_wait3A_78, %dma_wait3A_79] : memref<2x80x128xf32, #tpu.memory_space<vmem>> -> memref<1x80x128xf32, #tpu.memory_space<vmem>>
    %dma_wait3A_81 = tpu.memref_squeeze %dma_wait3A_80 : memref<1x80x128xf32, #tpu.memory_space<vmem>> -> memref<80x128xf32, #tpu.memory_space<vmem>>
    %dma_wait3A_82 = arith.constant 0 : i32
    %dma_wait3A_83 = arith.constant 0 : i32
    %dma_wait3A_84 = tpu.memref_slice %arg2[%dma_wait3A_82, %dma_wait3A_83] : memref<320000x128xf32, #tpu.memory_space<hbm>> -> memref<80x128xf32, #tpu.memory_space<hbm>>
    tpu.wait_dma2 semaphore(%dma_wait3A_77 : memref<!tpu.dma_semaphore, #tpu.memory_space<semaphore_mem>>) src(%dma_wait3A_84 : memref<80x128xf32, #tpu.memory_space<hbm>>) dst(%dma_wait3A_81 : memref<80x128xf32, #tpu.memory_space<vmem>>)
    %dma_wait3A_85 = arith.constant 0 : i32
    %dma_wait3A_86 = arith.constant 0 : i32
    %dma_wait3A_87 = arith.constant 0 : i32
    %dma_wait3A_88 = arith.constant 0 : i32
    %dma_wait3A_89 = tpu.memref_slice %arg8[%dma_wait3A_85, %dma_wait3A_87, %dma_wait3A_88] : memref<2x80x16xf32, #tpu.memory_space<vmem>> -> memref<1x80x16xf32, #tpu.memory_space<vmem>>
    %dma_wait3A_90 = tpu.memref_squeeze %dma_wait3A_89 : memref<1x80x16xf32, #tpu.memory_space<vmem>> -> memref<80x16xf32, #tpu.memory_space<vmem>>
    %dma_wait3A_91 = arith.constant 0 : i32
    %dma_wait3A_92 = arith.constant 0 : i32
    %dma_wait3A_93 = tpu.memref_slice %arg3[%dma_wait3A_91, %dma_wait3A_92] : memref<320000x16xf32, #tpu.memory_space<hbm>> -> memref<80x16xf32, #tpu.memory_space<hbm>>
    %dma_wait3A_94 = tpu.memref_slice %arg11[%dma_wait3A_86] : memref<2x!tpu.dma_semaphore, #tpu.memory_space<semaphore_mem>> -> memref<1x!tpu.dma_semaphore, #tpu.memory_space<semaphore_mem>>
    %dma_wait3A_95 = tpu.memref_squeeze %dma_wait3A_94 : memref<1x!tpu.dma_semaphore, #tpu.memory_space<semaphore_mem>> -> memref<!tpu.dma_semaphore, #tpu.memory_space<semaphore_mem>>
    %dma_wait3A_96 = arith.constant 0 : i32
    %dma_wait3A_97 = arith.constant 0 : i32
    %dma_wait3A_98 = tpu.memref_slice %arg8[%dma_wait3A_85, %dma_wait3A_96, %dma_wait3A_97] : memref<2x80x16xf32, #tpu.memory_space<vmem>> -> memref<1x80x16xf32, #tpu.memory_space<vmem>>
    %dma_wait3A_99 = tpu.memref_squeeze %dma_wait3A_98 : memref<1x80x16xf32, #tpu.memory_space<vmem>> -> memref<80x16xf32, #tpu.memory_space<vmem>>
    %dma_wait3A_100 = arith.constant 0 : i32
    %dma_wait3A_101 = arith.constant 0 : i32
    %dma_wait3A_102 = tpu.memref_slice %arg3[%dma_wait3A_100, %dma_wait3A_101] : memref<320000x16xf32, #tpu.memory_space<hbm>> -> memref<80x16xf32, #tpu.memory_space<hbm>>
    tpu.wait_dma2 semaphore(%dma_wait3A_95 : memref<!tpu.dma_semaphore, #tpu.memory_space<semaphore_mem>>) src(%dma_wait3A_102 : memref<80x16xf32, #tpu.memory_space<hbm>>) dst(%dma_wait3A_99 : memref<80x16xf32, #tpu.memory_space<vmem>>)
    %dma_wait3A_103 = arith.constant 0 : i32
    %dma_wait3A_104 = arith.constant 0 : i32
    %dma_wait3A_105 = arith.constant 0 : i32
    %dma_wait3A_106 = tpu.memref_slice %arg9[%dma_wait3A_103, %dma_wait3A_105] : memref<2x80xi32, #tpu.memory_space<vmem>> -> memref<1x80xi32, #tpu.memory_space<vmem>>
    %dma_wait3A_107 = tpu.memref_squeeze %dma_wait3A_106 : memref<1x80xi32, #tpu.memory_space<vmem>> -> memref<80xi32, #tpu.memory_space<vmem>>
    %dma_wait3A_108 = arith.constant 0 : i32
    %dma_wait3A_109 = tpu.memref_slice %arg4[%dma_wait3A_108] : memref<320000xi32, #tpu.memory_space<hbm>> -> memref<80xi32, #tpu.memory_space<hbm>>
    %dma_wait3A_110 = tpu.memref_slice %arg11[%dma_wait3A_104] : memref<2x!tpu.dma_semaphore, #tpu.memory_space<semaphore_mem>> -> memref<1x!tpu.dma_semaphore, #tpu.memory_space<semaphore_mem>>
    %dma_wait3A_111 = tpu.memref_squeeze %dma_wait3A_110 : memref<1x!tpu.dma_semaphore, #tpu.memory_space<semaphore_mem>> -> memref<!tpu.dma_semaphore, #tpu.memory_space<semaphore_mem>>
    %dma_wait3A_112 = arith.constant 0 : i32
    %dma_wait3A_113 = tpu.memref_slice %arg9[%dma_wait3A_103, %dma_wait3A_112] : memref<2x80xi32, #tpu.memory_space<vmem>> -> memref<1x80xi32, #tpu.memory_space<vmem>>
    %dma_wait3A_114 = tpu.memref_squeeze %dma_wait3A_113 : memref<1x80xi32, #tpu.memory_space<vmem>> -> memref<80xi32, #tpu.memory_space<vmem>>
    %dma_wait3A_115 = arith.constant 0 : i32
    %dma_wait3A_116 = tpu.memref_slice %arg4[%dma_wait3A_115] : memref<320000xi32, #tpu.memory_space<hbm>> -> memref<80xi32, #tpu.memory_space<hbm>>
    tpu.wait_dma2 semaphore(%dma_wait3A_111 : memref<!tpu.dma_semaphore, #tpu.memory_space<semaphore_mem>>) src(%dma_wait3A_116 : memref<80xi32, #tpu.memory_space<hbm>>) dst(%dma_wait3A_114 : memref<80xi32, #tpu.memory_space<vmem>>)
    %scan3A_117 = arith.constant 0 : i32
    %scan3A_118 = arith.constant 80 : i32
    %scan3A_119 = arith.addi %scan3A_117, %scan3A_118 : i32
    %scan3A_120 = arith.constant 4 : i32
    scf.for %scan3A_217 = %scan3A_117 to %scan3A_119 step %scan3A_120  : i32 {
      %mul3A_218 = arith.constant 1 : i32
      %mul3A_219 = arith.muli %scan3A_217, %mul3A_218 : i32
      %add3A_220 = arith.constant 0 : i32
      %add3A_221 = arith.addi %add3A_220, %mul3A_219 : i32
      %get3A = arith.constant 0 : i32
      %get3A_222 = arith.index_cast %get3A : i32 to index
      %get3A_223 = arith.index_cast %add3A_221 : i32 to index
      %get3A_224 = arith.constant 0 : index
      %get3A_225 = tpu.vector_load %arg8[%get3A_222, %get3A_223, %get3A_224] {strides = array<i32>} : memref<2x80x16xf32, #tpu.memory_space<vmem>>, vector<16xf32>,
      %get3A_226 = arith.constant 0 : i32
      %get3A_227 = arith.index_cast %get3A_226 : i32 to index
      %get3A_228 = arith.index_cast %add3A_221 : i32 to index
      %get3A_229 = arith.constant 0 : index
      %get3A_230 = tpu.vector_load %arg7[%get3A_227, %get3A_228, %get3A_229] {strides = array<i32>} : memref<2x80x128xf32, #tpu.memory_space<vmem>>, vector<16xf32>,
      %slice3A = vector.extract_strided_slice %get3A_225 {offsets = [0], sizes = [1], strides = [1]} : vector<16xf32> to vector<1xf32>
      %squeeze3A = vector.extract %slice3A[0] : f32 from vector<1xf32>
      %mul3A_231 = vector.broadcast %squeeze3A : f32 to vector<16xf32>
      %mul3A_232 = arith.mulf %get3A_230, %mul3A_231 : vector<16xf32>
      %swap3A = arith.constant 0 : i32
      %swap3A_233 = arith.index_cast %swap3A : i32 to index
      %swap3A_234 = arith.index_cast %add3A_221 : i32 to index
      %swap3A_235 = arith.constant 0 : index
      %swap3A_236 = tpu.vector_load %arg7[%swap3A_233, %swap3A_234, %swap3A_235] {strides = array<i32>} : memref<2x80x128xf32, #tpu.memory_space<vmem>>, vector<16xf32>,
      tpu.vector_store %arg7[%swap3A_233, %swap3A_234, %swap3A_235], %mul3A_232 {strides = array<i32>} : memref<2x80x128xf32, #tpu.memory_space<vmem>>, vector<16xf32>,
      %get3A_237 = arith.constant 0 : i32
      %get3A_238 = arith.index_cast %get3A_237 : i32 to index
      %get3A_239 = arith.index_cast %add3A_221 : i32 to index
      %get3A_240 = arith.constant 16 : index
      %get3A_241 = tpu.vector_load %arg7[%get3A_238, %get3A_239, %get3A_240] {strides = array<i32>} : memref<2x80x128xf32, #tpu.memory_space<vmem>>, vector<16xf32>,
      %slice3A_242 = vector.extract_strided_slice %get3A_225 {offsets = [1], sizes = [1], strides = [1]} : vector<16xf32> to vector<1xf32>
      %squeeze3A_243 = vector.extract %slice3A_242[0] : f32 from vector<1xf32>
      %mul3A_244 = vector.broadcast %squeeze3A_243 : f32 to vector<16xf32>
      %mul3A_245 = arith.mulf %get3A_241, %mul3A_244 : vector<16xf32>
      %swap3A_246 = arith.constant 0 : i32
      %swap3A_247 = arith.index_cast %swap3A_246 : i32 to index
      %swap3A_248 = arith.index_cast %add3A_221 : i32 to index
      %swap3A_249 = arith.constant 16 : index
      %swap3A_250 = tpu.vector_load %arg7[%swap3A_247, %swap3A_248, %swap3A_249] {strides = array<i32>} : memref<2x80x128xf32, #tpu.memory_space<vmem>>, vector<16xf32>,
      tpu.vector_store %arg7[%swap3A_247, %swap3A_248, %swap3A_249], %mul3A_245 {strides = array<i32>} : memref<2x80x128xf32, #tpu.memory_space<vmem>>, vector<16xf32>,
      %get3A_251 = arith.constant 0 : i32
      %get3A_252 = arith.index_cast %get3A_251 : i32 to index
      %get3A_253 = arith.index_cast %add3A_221 : i32 to index
      %get3A_254 = arith.constant 32 : index
      %get3A_255 = tpu.vector_load %arg7[%get3A_252, %get3A_253, %get3A_254] {strides = array<i32>} : memref<2x80x128xf32, #tpu.memory_space<vmem>>, vector<16xf32>,
      %slice3A_256 = vector.extract_strided_slice %get3A_225 {offsets = [2], sizes = [1], strides = [1]} : vector<16xf32> to vector<1xf32>
      %squeeze3A_257 = vector.extract %slice3A_256[0] : f32 from vector<1xf32>
      %mul3A_258 = vector.broadcast %squeeze3A_257 : f32 to vector<16xf32>
      %mul3A_259 = arith.mulf %get3A_255, %mul3A_258 : vector<16xf32>
      %swap3A_260 = arith.constant 0 : i32
      %swap3A_261 = arith.index_cast %swap3A_260 : i32 to index
      %swap3A_262 = arith.index_cast %add3A_221 : i32 to index
      %swap3A_263 = arith.constant 32 : index
      %swap3A_264 = tpu.vector_load %arg7[%swap3A_261, %swap3A_262, %swap3A_263] {strides = array<i32>} : memref<2x80x128xf32, #tpu.memory_space<vmem>>, vector<16xf32>,
      tpu.vector_store %arg7[%swap3A_261, %swap3A_262, %swap3A_263], %mul3A_259 {strides = array<i32>} : memref<2x80x128xf32, #tpu.memory_space<vmem>>, vector<16xf32>,
      %get3A_265 = arith.constant 0 : i32
      %get3A_266 = arith.index_cast %get3A_265 : i32 to index
      %get3A_267 = arith.index_cast %add3A_221 : i32 to index
      %get3A_268 = arith.constant 48 : index
      %get3A_269 = tpu.vector_load %arg7[%get3A_266, %get3A_267, %get3A_268] {strides = array<i32>} : memref<2x80x128xf32, #tpu.memory_space<vmem>>, vector<16xf32>,
      %slice3A_270 = vector.extract_strided_slice %get3A_225 {offsets = [3], sizes = [1], strides = [1]} : vector<16xf32> to vector<1xf32>
      %squeeze3A_271 = vector.extract %slice3A_270[0] : f32 from vector<1xf32>
      %mul3A_272 = vector.broadcast %squeeze3A_271 : f32 to vector<16xf32>
      %mul3A_273 = arith.mulf %get3A_269, %mul3A_272 : vector<16xf32>
      %swap3A_274 = arith.constant 0 : i32
      %swap3A_275 = arith.index_cast %swap3A_274 : i32 to index
      %swap3A_276 = arith.index_cast %add3A_221 : i32 to index
      %swap3A_277 = arith.constant 48 : index
      %swap3A_278 = tpu.vector_load %arg7[%swap3A_275, %swap3A_276, %swap3A_277] {strides = array<i32>} : memref<2x80x128xf32, #tpu.memory_space<vmem>>, vector<16xf32>,
      tpu.vector_store %arg7[%swap3A_275, %swap3A_276, %swap3A_277], %mul3A_273 {strides = array<i32>} : memref<2x80x128xf32, #tpu.memory_space<vmem>>, vector<16xf32>,
      %get3A_279 = arith.constant 0 : i32
      %get3A_280 = arith.index_cast %get3A_279 : i32 to index
      %get3A_281 = arith.index_cast %add3A_221 : i32 to index
      %get3A_282 = arith.constant 64 : index
      %get3A_283 = tpu.vector_load %arg7[%get3A_280, %get3A_281, %get3A_282] {strides = array<i32>} : memref<2x80x128xf32, #tpu.memory_space<vmem>>, vector<16xf32>,
      %slice3A_284 = vector.extract_strided_slice %get3A_225 {offsets = [4], sizes = [1], strides = [1]} : vector<16xf32> to vector<1xf32>
      %squeeze3A_285 = vector.extract %slice3A_284[0] : f32 from vector<1xf32>
      %mul3A_286 = vector.broadcast %squeeze3A_285 : f32 to vector<16xf32>
      %mul3A_287 = arith.mulf %get3A_283, %mul3A_286 : vector<16xf32>
      %swap3A_288 = arith.constant 0 : i32
      %swap3A_289 = arith.index_cast %swap3A_288 : i32 to index
      %swap3A_290 = arith.index_cast %add3A_221 : i32 to index
      %swap3A_291 = arith.constant 64 : index
      %swap3A_292 = tpu.vector_load %arg7[%swap3A_289, %swap3A_290, %swap3A_291] {strides = array<i32>} : memref<2x80x128xf32, #tpu.memory_space<vmem>>, vector<16xf32>,
      tpu.vector_store %arg7[%swap3A_289, %swap3A_290, %swap3A_291], %mul3A_287 {strides = array<i32>} : memref<2x80x128xf32, #tpu.memory_space<vmem>>, vector<16xf32>,
      %get3A_293 = arith.constant 0 : i32
      %get3A_294 = arith.index_cast %get3A_293 : i32 to index
      %get3A_295 = arith.index_cast %add3A_221 : i32 to index
      %get3A_296 = arith.constant 80 : index
      %get3A_297 = tpu.vector_load %arg7[%get3A_294, %get3A_295, %get3A_296] {strides = array<i32>} : memref<2x80x128xf32, #tpu.memory_space<vmem>>, vector<16xf32>,
      %slice3A_298 = vector.extract_strided_slice %get3A_225 {offsets = [5], sizes = [1], strides = [1]} : vector<16xf32> to vector<1xf32>
      %squeeze3A_299 = vector.extract %slice3A_298[0] : f32 from vector<1xf32>
      %mul3A_300 = vector.broadcast %squeeze3A_299 : f32 to vector<16xf32>
      %mul3A_301 = arith.mulf %get3A_297, %mul3A_300 : vector<16xf32>
      %swap3A_302 = arith.constant 0 : i32
      %swap3A_303 = arith.index_cast %swap3A_302 : i32 to index
      %swap3A_304 = arith.index_cast %add3A_221 : i32 to index
      %swap3A_305 = arith.constant 80 : index
      %swap3A_306 = tpu.vector_load %arg7[%swap3A_303, %swap3A_304, %swap3A_305] {strides = array<i32>} : memref<2x80x128xf32, #tpu.memory_space<vmem>>, vector<16xf32>,
      tpu.vector_store %arg7[%swap3A_303, %swap3A_304, %swap3A_305], %mul3A_301 {strides = array<i32>} : memref<2x80x128xf32, #tpu.memory_space<vmem>>, vector<16xf32>,
      %get3A_307 = arith.constant 0 : i32
      %get3A_308 = arith.index_cast %get3A_307 : i32 to index
      %get3A_309 = arith.index_cast %add3A_221 : i32 to index
      %get3A_310 = arith.constant 96 : index
      %get3A_311 = tpu.vector_load %arg7[%get3A_308, %get3A_309, %get3A_310] {strides = array<i32>} : memref<2x80x128xf32, #tpu.memory_space<vmem>>, vector<16xf32>,
      %slice3A_312 = vector.extract_strided_slice %get3A_225 {offsets = [6], sizes = [1], strides = [1]} : vector<16xf32> to vector<1xf32>
      %squeeze3A_313 = vector.extract %slice3A_312[0] : f32 from vector<1xf32>
      %mul3A_314 = vector.broadcast %squeeze3A_313 : f32 to vector<16xf32>
      %mul3A_315 = arith.mulf %get3A_311, %mul3A_314 : vector<16xf32>
      %swap3A_316 = arith.constant 0 : i32
      %swap3A_317 = arith.index_cast %swap3A_316 : i32 to index
      %swap3A_318 = arith.index_cast %add3A_221 : i32 to index
      %swap3A_319 = arith.constant 96 : index
      %swap3A_320 = tpu.vector_load %arg7[%swap3A_317, %swap3A_318, %swap3A_319] {strides = array<i32>} : memref<2x80x128xf32, #tpu.memory_space<vmem>>, vector<16xf32>,
      tpu.vector_store %arg7[%swap3A_317, %swap3A_318, %swap3A_319], %mul3A_315 {strides = array<i32>} : memref<2x80x128xf32, #tpu.memory_space<vmem>>, vector<16xf32>,
      %get3A_321 = arith.constant 0 : i32
      %get3A_322 = arith.index_cast %get3A_321 : i32 to index
      %get3A_323 = arith.index_cast %add3A_221 : i32 to index
      %get3A_324 = arith.constant 112 : index
      %get3A_325 = tpu.vector_load %arg7[%get3A_322, %get3A_323, %get3A_324] {strides = array<i32>} : memref<2x80x128xf32, #tpu.memory_space<vmem>>, vector<16xf32>,
      %slice3A_326 = vector.extract_strided_slice %get3A_225 {offsets = [7], sizes = [1], strides = [1]} : vector<16xf32> to vector<1xf32>
      %squeeze3A_327 = vector.extract %slice3A_326[0] : f32 from vector<1xf32>
      %mul3A_328 = vector.broadcast %squeeze3A_327 : f32 to vector<16xf32>
      %mul3A_329 = arith.mulf %get3A_325, %mul3A_328 : vector<16xf32>
      %swap3A_330 = arith.constant 0 : i32
      %swap3A_331 = arith.index_cast %swap3A_330 : i32 to index
      %swap3A_332 = arith.index_cast %add3A_221 : i32 to index
      %swap3A_333 = arith.constant 112 : index
      %swap3A_334 = tpu.vector_load %arg7[%swap3A_331, %swap3A_332, %swap3A_333] {strides = array<i32>} : memref<2x80x128xf32, #tpu.memory_space<vmem>>, vector<16xf32>,
      tpu.vector_store %arg7[%swap3A_331, %swap3A_332, %swap3A_333], %mul3A_329 {strides = array<i32>} : memref<2x80x128xf32, #tpu.memory_space<vmem>>, vector<16xf32>,
      %scan3A_335 = arith.constant 1 : i32
      %scan3A_336 = arith.addi %scan3A_217, %scan3A_335 : i32
      %mul3A_337 = arith.constant 1 : i32
      %mul3A_338 = arith.muli %scan3A_336, %mul3A_337 : i32
      %add3A_339 = arith.constant 0 : i32
      %add3A_340 = arith.addi %add3A_339, %mul3A_338 : i32
      %get3A_341 = arith.constant 0 : i32
      %get3A_342 = arith.index_cast %get3A_341 : i32 to index
      %get3A_343 = arith.index_cast %add3A_340 : i32 to index
      %get3A_344 = arith.constant 0 : index
      %get3A_345 = tpu.vector_load %arg8[%get3A_342, %get3A_343, %get3A_344] {strides = array<i32>} : memref<2x80x16xf32, #tpu.memory_space<vmem>>, vector<16xf32>,
      %get3A_346 = arith.constant 0 : i32
      %get3A_347 = arith.index_cast %get3A_346 : i32 to index
      %get3A_348 = arith.index_cast %add3A_340 : i32 to index
      %get3A_349 = arith.constant 0 : index
      %get3A_350 = tpu.vector_load %arg7[%get3A_347, %get3A_348, %get3A_349] {strides = array<i32>} : memref<2x80x128xf32, #tpu.memory_space<vmem>>, vector<16xf32>,
      %slice3A_351 = vector.extract_strided_slice %get3A_345 {offsets = [0], sizes = [1], strides = [1]} : vector<16xf32> to vector<1xf32>
      %squeeze3A_352 = vector.extract %slice3A_351[0] : f32 from vector<1xf32>
      %mul3A_353 = vector.broadcast %squeeze3A_352 : f32 to vector<16xf32>
      %mul3A_354 = arith.mulf %get3A_350, %mul3A_353 : vector<16xf32>
      %swap3A_355 = arith.constant 0 : i32
      %swap3A_356 = arith.index_cast %swap3A_355 : i32 to index
      %swap3A_357 = arith.index_cast %add3A_340 : i32 to index
      %swap3A_358 = arith.constant 0 : index
      %swap3A_359 = tpu.vector_load %arg7[%swap3A_356, %swap3A_357, %swap3A_358] {strides = array<i32>} : memref<2x80x128xf32, #tpu.memory_space<vmem>>, vector<16xf32>,
      tpu.vector_store %arg7[%swap3A_356, %swap3A_357, %swap3A_358], %mul3A_354 {strides = array<i32>} : memref<2x80x128xf32, #tpu.memory_space<vmem>>, vector<16xf32>,
      %get3A_360 = arith.constant 0 : i32
      %get3A_361 = arith.index_cast %get3A_360 : i32 to index
      %get3A_362 = arith.index_cast %add3A_340 : i32 to index
      %get3A_363 = arith.constant 16 : index
      %get3A_364 = tpu.vector_load %arg7[%get3A_361, %get3A_362, %get3A_363] {strides = array<i32>} : memref<2x80x128xf32, #tpu.memory_space<vmem>>, vector<16xf32>,
      %slice3A_365 = vector.extract_strided_slice %get3A_345 {offsets = [1], sizes = [1], strides = [1]} : vector<16xf32> to vector<1xf32>
      %squeeze3A_366 = vector.extract %slice3A_365[0] : f32 from vector<1xf32>
      %mul3A_367 = vector.broadcast %squeeze3A_366 : f32 to vector<16xf32>
      %mul3A_368 = arith.mulf %get3A_364, %mul3A_367 : vector<16xf32>
      %swap3A_369 = arith.constant 0 : i32
      %swap3A_370 = arith.index_cast %swap3A_369 : i32 to index
      %swap3A_371 = arith.index_cast %add3A_340 : i32 to index
      %swap3A_372 = arith.constant 16 : index
      %swap3A_373 = tpu.vector_load %arg7[%swap3A_370, %swap3A_371, %swap3A_372] {strides = array<i32>} : memref<2x80x128xf32, #tpu.memory_space<vmem>>, vector<16xf32>,
      tpu.vector_store %arg7[%swap3A_370, %swap3A_371, %swap3A_372], %mul3A_368 {strides = array<i32>} : memref<2x80x128xf32, #tpu.memory_space<vmem>>, vector<16xf32>,
      %get3A_374 = arith.constant 0 : i32
      %get3A_375 = arith.index_cast %get3A_374 : i32 to index
      %get3A_376 = arith.index_cast %add3A_340 : i32 to index
      %get3A_377 = arith.constant 32 : index
      %get3A_378 = tpu.vector_load %arg7[%get3A_375, %get3A_376, %get3A_377] {strides = array<i32>} : memref<2x80x128xf32, #tpu.memory_space<vmem>>, vector<16xf32>,
      %slice3A_379 = vector.extract_strided_slice %get3A_345 {offsets = [2], sizes = [1], strides = [1]} : vector<16xf32> to vector<1xf32>
      %squeeze3A_380 = vector.extract %slice3A_379[0] : f32 from vector<1xf32>
      %mul3A_381 = vector.broadcast %squeeze3A_380 : f32 to vector<16xf32>
      %mul3A_382 = arith.mulf %get3A_378, %mul3A_381 : vector<16xf32>
      %swap3A_383 = arith.constant 0 : i32
      %swap3A_384 = arith.index_cast %swap3A_383 : i32 to index
      %swap3A_385 = arith.index_cast %add3A_340 : i32 to index
      %swap3A_386 = arith.constant 32 : index
      %swap3A_387 = tpu.vector_load %arg7[%swap3A_384, %swap3A_385, %swap3A_386] {strides = array<i32>} : memref<2x80x128xf32, #tpu.memory_space<vmem>>, vector<16xf32>,
      tpu.vector_store %arg7[%swap3A_384, %swap3A_385, %swap3A_386], %mul3A_382 {strides = array<i32>} : memref<2x80x128xf32, #tpu.memory_space<vmem>>, vector<16xf32>,
      %get3A_388 = arith.constant 0 : i32
      %get3A_389 = arith.index_cast %get3A_388 : i32 to index
      %get3A_390 = arith.index_cast %add3A_340 : i32 to index
      %get3A_391 = arith.constant 48 : index
      %get3A_392 = tpu.vector_load %arg7[%get3A_389, %get3A_390, %get3A_391] {strides = array<i32>} : memref<2x80x128xf32, #tpu.memory_space<vmem>>, vector<16xf32>,
      %slice3A_393 = vector.extract_strided_slice %get3A_345 {offsets = [3], sizes = [1], strides = [1]} : vector<16xf32> to vector<1xf32>
      %squeeze3A_394 = vector.extract %slice3A_393[0] : f32 from vector<1xf32>
      %mul3A_395 = vector.broadcast %squeeze3A_394 : f32 to vector<16xf32>
      %mul3A_396 = arith.mulf %get3A_392, %mul3A_395 : vector<16xf32>
      %swap3A_397 = arith.constant 0 : i32
      %swap3A_398 = arith.index_cast %swap3A_397 : i32 to index
      %swap3A_399 = arith.index_cast %add3A_340 : i32 to index
      %swap3A_400 = arith.constant 48 : index
      %swap3A_401 = tpu.vector_load %arg7[%swap3A_398, %swap3A_399, %swap3A_400] {strides = array<i32>} : memref<2x80x128xf32, #tpu.memory_space<vmem>>, vector<16xf32>,
      tpu.vector_store %arg7[%swap3A_398, %swap3A_399, %swap3A_400], %mul3A_396 {strides = array<i32>} : memref<2x80x128xf32, #tpu.memory_space<vmem>>, vector<16xf32>,
      %get3A_402 = arith.constant 0 : i32
      %get3A_403 = arith.index_cast %get3A_402 : i32 to index
      %get3A_404 = arith.index_cast %add3A_340 : i32 to index
      %get3A_405 = arith.constant 64 : index
      %get3A_406 = tpu.vector_load %arg7[%get3A_403, %get3A_404, %get3A_405] {strides = array<i32>} : memref<2x80x128xf32, #tpu.memory_space<vmem>>, vector<16xf32>,
      %slice3A_407 = vector.extract_strided_slice %get3A_345 {offsets = [4], sizes = [1], strides = [1]} : vector<16xf32> to vector<1xf32>
      %squeeze3A_408 = vector.extract %slice3A_407[0] : f32 from vector<1xf32>
      %mul3A_409 = vector.broadcast %squeeze3A_408 : f32 to vector<16xf32>
      %mul3A_410 = arith.mulf %get3A_406, %mul3A_409 : vector<16xf32>
      %swap3A_411 = arith.constant 0 : i32
      %swap3A_412 = arith.index_cast %swap3A_411 : i32 to index
      %swap3A_413 = arith.index_cast %add3A_340 : i32 to index
      %swap3A_414 = arith.constant 64 : index
      %swap3A_415 = tpu.vector_load %arg7[%swap3A_412, %swap3A_413, %swap3A_414] {strides = array<i32>} : memref<2x80x128xf32, #tpu.memory_space<vmem>>, vector<16xf32>,
      tpu.vector_store %arg7[%swap3A_412, %swap3A_413, %swap3A_414], %mul3A_410 {strides = array<i32>} : memref<2x80x128xf32, #tpu.memory_space<vmem>>, vector<16xf32>,
      %get3A_416 = arith.constant 0 : i32
      %get3A_417 = arith.index_cast %get3A_416 : i32 to index
      %get3A_418 = arith.index_cast %add3A_340 : i32 to index
      %get3A_419 = arith.constant 80 : index
      %get3A_420 = tpu.vector_load %arg7[%get3A_417, %get3A_418, %get3A_419] {strides = array<i32>} : memref<2x80x128xf32, #tpu.memory_space<vmem>>, vector<16xf32>,
      %slice3A_421 = vector.extract_strided_slice %get3A_345 {offsets = [5], sizes = [1], strides = [1]} : vector<16xf32> to vector<1xf32>
      %squeeze3A_422 = vector.extract %slice3A_421[0] : f32 from vector<1xf32>
      %mul3A_423 = vector.broadcast %squeeze3A_422 : f32 to vector<16xf32>
      %mul3A_424 = arith.mulf %get3A_420, %mul3A_423 : vector<16xf32>
      %swap3A_425 = arith.constant 0 : i32
      %swap3A_426 = arith.index_cast %swap3A_425 : i32 to index
      %swap3A_427 = arith.index_cast %add3A_340 : i32 to index
      %swap3A_428 = arith.constant 80 : index
      %swap3A_429 = tpu.vector_load %arg7[%swap3A_426, %swap3A_427, %swap3A_428] {strides = array<i32>} : memref<2x80x128xf32, #tpu.memory_space<vmem>>, vector<16xf32>,
      tpu.vector_store %arg7[%swap3A_426, %swap3A_427, %swap3A_428], %mul3A_424 {strides = array<i32>} : memref<2x80x128xf32, #tpu.memory_space<vmem>>, vector<16xf32>,
      %get3A_430 = arith.constant 0 : i32
      %get3A_431 = arith.index_cast %get3A_430 : i32 to index
      %get3A_432 = arith.index_cast %add3A_340 : i32 to index
      %get3A_433 = arith.constant 96 : index
      %get3A_434 = tpu.vector_load %arg7[%get3A_431, %get3A_432, %get3A_433] {strides = array<i32>} : memref<2x80x128xf32, #tpu.memory_space<vmem>>, vector<16xf32>,
      %slice3A_435 = vector.extract_strided_slice %get3A_345 {offsets = [6], sizes = [1], strides = [1]} : vector<16xf32> to vector<1xf32>
      %squeeze3A_436 = vector.extract %slice3A_435[0] : f32 from vector<1xf32>
      %mul3A_437 = vector.broadcast %squeeze3A_436 : f32 to vector<16xf32>
      %mul3A_438 = arith.mulf %get3A_434, %mul3A_437 : vector<16xf32>
      %swap3A_439 = arith.constant 0 : i32
      %swap3A_440 = arith.index_cast %swap3A_439 : i32 to index
      %swap3A_441 = arith.index_cast %add3A_340 : i32 to index
      %swap3A_442 = arith.constant 96 : index
      %swap3A_443 = tpu.vector_load %arg7[%swap3A_440, %swap3A_441, %swap3A_442] {strides = array<i32>} : memref<2x80x128xf32, #tpu.memory_space<vmem>>, vector<16xf32>,
      tpu.vector_store %arg7[%swap3A_440, %swap3A_441, %swap3A_442], %mul3A_438 {strides = array<i32>} : memref<2x80x128xf32, #tpu.memory_space<vmem>>, vector<16xf32>,
      %get3A_444 = arith.constant 0 : i32
      %get3A_445 = arith.index_cast %get3A_444 : i32 to index
      %get3A_446 = arith.index_cast %add3A_340 : i32 to index
      %get3A_447 = arith.constant 112 : index
      %get3A_448 = tpu.vector_load %arg7[%get3A_445, %get3A_446, %get3A_447] {strides = array<i32>} : memref<2x80x128xf32, #tpu.memory_space<vmem>>, vector<16xf32>,
      %slice3A_449 = vector.extract_strided_slice %get3A_345 {offsets = [7], sizes = [1], strides = [1]} : vector<16xf32> to vector<1xf32>
      %squeeze3A_450 = vector.extract %slice3A_449[0] : f32 from vector<1xf32>
      %mul3A_451 = vector.broadcast %squeeze3A_450 : f32 to vector<16xf32>
      %mul3A_452 = arith.mulf %get3A_448, %mul3A_451 : vector<16xf32>
      %swap3A_453 = arith.constant 0 : i32
      %swap3A_454 = arith.index_cast %swap3A_453 : i32 to index
      %swap3A_455 = arith.index_cast %add3A_340 : i32 to index
      %swap3A_456 = arith.constant 112 : index
      %swap3A_457 = tpu.vector_load %arg7[%swap3A_454, %swap3A_455, %swap3A_456] {strides = array<i32>} : memref<2x80x128xf32, #tpu.memory_space<vmem>>, vector<16xf32>,
      tpu.vector_store %arg7[%swap3A_454, %swap3A_455, %swap3A_456], %mul3A_452 {strides = array<i32>} : memref<2x80x128xf32, #tpu.memory_space<vmem>>, vector<16xf32>,
      %scan3A_458 = arith.constant 2 : i32
      %scan3A_459 = arith.addi %scan3A_217, %scan3A_458 : i32
      %mul3A_460 = arith.constant 1 : i32
      %mul3A_461 = arith.muli %scan3A_459, %mul3A_460 : i32
      %add3A_462 = arith.constant 0 : i32
      %add3A_463 = arith.addi %add3A_462, %mul3A_461 : i32
      %get3A_464 = arith.constant 0 : i32
      %get3A_465 = arith.index_cast %get3A_464 : i32 to index
      %get3A_466 = arith.index_cast %add3A_463 : i32 to index
      %get3A_467 = arith.constant 0 : index
      %get3A_468 = tpu.vector_load %arg8[%get3A_465, %get3A_466, %get3A_467] {strides = array<i32>} : memref<2x80x16xf32, #tpu.memory_space<vmem>>, vector<16xf32>,
      %get3A_469 = arith.constant 0 : i32
      %get3A_470 = arith.index_cast %get3A_469 : i32 to index
      %get3A_471 = arith.index_cast %add3A_463 : i32 to index
      %get3A_472 = arith.constant 0 : index
      %get3A_473 = tpu.vector_load %arg7[%get3A_470, %get3A_471, %get3A_472] {strides = array<i32>} : memref<2x80x128xf32, #tpu.memory_space<vmem>>, vector<16xf32>,
      %slice3A_474 = vector.extract_strided_slice %get3A_468 {offsets = [0], sizes = [1], strides = [1]} : vector<16xf32> to vector<1xf32>
      %squeeze3A_475 = vector.extract %slice3A_474[0] : f32 from vector<1xf32>
      %mul3A_476 = vector.broadcast %squeeze3A_475 : f32 to vector<16xf32>
      %mul3A_477 = arith.mulf %get3A_473, %mul3A_476 : vector<16xf32>
      %swap3A_478 = arith.constant 0 : i32
      %swap3A_479 = arith.index_cast %swap3A_478 : i32 to index
      %swap3A_480 = arith.index_cast %add3A_463 : i32 to index
      %swap3A_481 = arith.constant 0 : index
      %swap3A_482 = tpu.vector_load %arg7[%swap3A_479, %swap3A_480, %swap3A_481] {strides = array<i32>} : memref<2x80x128xf32, #tpu.memory_space<vmem>>, vector<16xf32>,
      tpu.vector_store %arg7[%swap3A_479, %swap3A_480, %swap3A_481], %mul3A_477 {strides = array<i32>} : memref<2x80x128xf32, #tpu.memory_space<vmem>>, vector<16xf32>,
      %get3A_483 = arith.constant 0 : i32
      %get3A_484 = arith.index_cast %get3A_483 : i32 to index
      %get3A_485 = arith.index_cast %add3A_463 : i32 to index
      %get3A_486 = arith.constant 16 : index
      %get3A_487 = tpu.vector_load %arg7[%get3A_484, %get3A_485, %get3A_486] {strides = array<i32>} : memref<2x80x128xf32, #tpu.memory_space<vmem>>, vector<16xf32>,
      %slice3A_488 = vector.extract_strided_slice %get3A_468 {offsets = [1], sizes = [1], strides = [1]} : vector<16xf32> to vector<1xf32>
      %squeeze3A_489 = vector.extract %slice3A_488[0] : f32 from vector<1xf32>
      %mul3A_490 = vector.broadcast %squeeze3A_489 : f32 to vector<16xf32>
      %mul3A_491 = arith.mulf %get3A_487, %mul3A_490 : vector<16xf32>
      %swap3A_492 = arith.constant 0 : i32
      %swap3A_493 = arith.index_cast %swap3A_492 : i32 to index
      %swap3A_494 = arith.index_cast %add3A_463 : i32 to index
      %swap3A_495 = arith.constant 16 : index
      %swap3A_496 = tpu.vector_load %arg7[%swap3A_493, %swap3A_494, %swap3A_495] {strides = array<i32>} : memref<2x80x128xf32, #tpu.memory_space<vmem>>, vector<16xf32>,
      tpu.vector_store %arg7[%swap3A_493, %swap3A_494, %swap3A_495], %mul3A_491 {strides = array<i32>} : memref<2x80x128xf32, #tpu.memory_space<vmem>>, vector<16xf32>,
      %get3A_497 = arith.constant 0 : i32
      %get3A_498 = arith.index_cast %get3A_497 : i32 to index
      %get3A_499 = arith.index_cast %add3A_463 : i32 to index
      %get3A_500 = arith.constant 32 : index
      %get3A_501 = tpu.vector_load %arg7[%get3A_498, %get3A_499, %get3A_500] {strides = array<i32>} : memref<2x80x128xf32, #tpu.memory_space<vmem>>, vector<16xf32>,
      %slice3A_502 = vector.extract_strided_slice %get3A_468 {offsets = [2], sizes = [1], strides = [1]} : vector<16xf32> to vector<1xf32>
      %squeeze3A_503 = vector.extract %slice3A_502[0] : f32 from vector<1xf32>
      %mul3A_504 = vector.broadcast %squeeze3A_503 : f32 to vector<16xf32>
      %mul3A_505 = arith.mulf %get3A_501, %mul3A_504 : vector<16xf32>
      %swap3A_506 = arith.constant 0 : i32
      %swap3A_507 = arith.index_cast %swap3A_506 : i32 to index
      %swap3A_508 = arith.index_cast %add3A_463 : i32 to index
      %swap3A_509 = arith.constant 32 : index
      %swap3A_510 = tpu.vector_load %arg7[%swap3A_507, %swap3A_508, %swap3A_509] {strides = array<i32>} : memref<2x80x128xf32, #tpu.memory_space<vmem>>, vector<16xf32>,
      tpu.vector_store %arg7[%swap3A_507, %swap3A_508, %swap3A_509], %mul3A_505 {strides = array<i32>} : memref<2x80x128xf32, #tpu.memory_space<vmem>>, vector<16xf32>,
      %get3A_511 = arith.constant 0 : i32
      %get3A_512 = arith.index_cast %get3A_511 : i32 to index
      %get3A_513 = arith.index_cast %add3A_463 : i32 to index
      %get3A_514 = arith.constant 48 : index
      %get3A_515 = tpu.vector_load %arg7[%get3A_512, %get3A_513, %get3A_514] {strides = array<i32>} : memref<2x80x128xf32, #tpu.memory_space<vmem>>, vector<16xf32>,
      %slice3A_516 = vector.extract_strided_slice %get3A_468 {offsets = [3], sizes = [1], strides = [1]} : vector<16xf32> to vector<1xf32>
      %squeeze3A_517 = vector.extract %slice3A_516[0] : f32 from vector<1xf32>
      %mul3A_518 = vector.broadcast %squeeze3A_517 : f32 to vector<16xf32>
      %mul3A_519 = arith.mulf %get3A_515, %mul3A_518 : vector<16xf32>
      %swap3A_520 = arith.constant 0 : i32
      %swap3A_521 = arith.index_cast %swap3A_520 : i32 to index
      %swap3A_522 = arith.index_cast %add3A_463 : i32 to index
      %swap3A_523 = arith.constant 48 : index
      %swap3A_524 = tpu.vector_load %arg7[%swap3A_521, %swap3A_522, %swap3A_523] {strides = array<i32>} : memref<2x80x128xf32, #tpu.memory_space<vmem>>, vector<16xf32>,
      tpu.vector_store %arg7[%swap3A_521, %swap3A_522, %swap3A_523], %mul3A_519 {strides = array<i32>} : memref<2x80x128xf32, #tpu.memory_space<vmem>>, vector<16xf32>,
      %get3A_525 = arith.constant 0 : i32
      %get3A_526 = arith.index_cast %get3A_525 : i32 to index
      %get3A_527 = arith.index_cast %add3A_463 : i32 to index
      %get3A_528 = arith.constant 64 : index
      %get3A_529 = tpu.vector_load %arg7[%get3A_526, %get3A_527, %get3A_528] {strides = array<i32>} : memref<2x80x128xf32, #tpu.memory_space<vmem>>, vector<16xf32>,
      %slice3A_530 = vector.extract_strided_slice %get3A_468 {offsets = [4], sizes = [1], strides = [1]} : vector<16xf32> to vector<1xf32>
      %squeeze3A_531 = vector.extract %slice3A_530[0] : f32 from vector<1xf32>
      %mul3A_532 = vector.broadcast %squeeze3A_531 : f32 to vector<16xf32>
      %mul3A_533 = arith.mulf %get3A_529, %mul3A_532 : vector<16xf32>
      %swap3A_534 = arith.constant 0 : i32
      %swap3A_535 = arith.index_cast %swap3A_534 : i32 to index
      %swap3A_536 = arith.index_cast %add3A_463 : i32 to index
      %swap3A_537 = arith.constant 64 : index
      %swap3A_538 = tpu.vector_load %arg7[%swap3A_535, %swap3A_536, %swap3A_537] {strides = array<i32>} : memref<2x80x128xf32, #tpu.memory_space<vmem>>, vector<16xf32>,
      tpu.vector_store %arg7[%swap3A_535, %swap3A_536, %swap3A_537], %mul3A_533 {strides = array<i32>} : memref<2x80x128xf32, #tpu.memory_space<vmem>>, vector<16xf32>,
      %get3A_539 = arith.constant 0 : i32
      %get3A_540 = arith.index_cast %get3A_539 : i32 to index
      %get3A_541 = arith.index_cast %add3A_463 : i32 to index
      %get3A_542 = arith.constant 80 : index
      %get3A_543 = tpu.vector_load %arg7[%get3A_540, %get3A_541, %get3A_542] {strides = array<i32>} : memref<2x80x128xf32, #tpu.memory_space<vmem>>, vector<16xf32>,
      %slice3A_544 = vector.extract_strided_slice %get3A_468 {offsets = [5], sizes = [1], strides = [1]} : vector<16xf32> to vector<1xf32>
      %squeeze3A_545 = vector.extract %slice3A_544[0] : f32 from vector<1xf32>
      %mul3A_546 = vector.broadcast %squeeze3A_545 : f32 to vector<16xf32>
      %mul3A_547 = arith.mulf %get3A_543, %mul3A_546 : vector<16xf32>
      %swap3A_548 = arith.constant 0 : i32
      %swap3A_549 = arith.index_cast %swap3A_548 : i32 to index
      %swap3A_550 = arith.index_cast %add3A_463 : i32 to index
      %swap3A_551 = arith.constant 80 : index
      %swap3A_552 = tpu.vector_load %arg7[%swap3A_549, %swap3A_550, %swap3A_551] {strides = array<i32>} : memref<2x80x128xf32, #tpu.memory_space<vmem>>, vector<16xf32>,
      tpu.vector_store %arg7[%swap3A_549, %swap3A_550, %swap3A_551], %mul3A_547 {strides = array<i32>} : memref<2x80x128xf32, #tpu.memory_space<vmem>>, vector<16xf32>,
      %get3A_553 = arith.constant 0 : i32
      %get3A_554 = arith.index_cast %get3A_553 : i32 to index
      %get3A_555 = arith.index_cast %add3A_463 : i32 to index
      %get3A_556 = arith.constant 96 : index
      %get3A_557 = tpu.vector_load %arg7[%get3A_554, %get3A_555, %get3A_556] {strides = array<i32>} : memref<2x80x128xf32, #tpu.memory_space<vmem>>, vector<16xf32>,
      %slice3A_558 = vector.extract_strided_slice %get3A_468 {offsets = [6], sizes = [1], strides = [1]} : vector<16xf32> to vector<1xf32>
      %squeeze3A_559 = vector.extract %slice3A_558[0] : f32 from vector<1xf32>
      %mul3A_560 = vector.broadcast %squeeze3A_559 : f32 to vector<16xf32>
      %mul3A_561 = arith.mulf %get3A_557, %mul3A_560 : vector<16xf32>
      %swap3A_562 = arith.constant 0 : i32
      %swap3A_563 = arith.index_cast %swap3A_562 : i32 to index
      %swap3A_564 = arith.index_cast %add3A_463 : i32 to index
      %swap3A_565 = arith.constant 96 : index
      %swap3A_566 = tpu.vector_load %arg7[%swap3A_563, %swap3A_564, %swap3A_565] {strides = array<i32>} : memref<2x80x128xf32, #tpu.memory_space<vmem>>, vector<16xf32>,
      tpu.vector_store %arg7[%swap3A_563, %swap3A_564, %swap3A_565], %mul3A_561 {strides = array<i32>} : memref<2x80x128xf32, #tpu.memory_space<vmem>>, vector<16xf32>,
      %get3A_567 = arith.constant 0 : i32
      %get3A_568 = arith.index_cast %get3A_567 : i32 to index
      %get3A_569 = arith.index_cast %add3A_463 : i32 to index
      %get3A_570 = arith.constant 112 : index
      %get3A_571 = tpu.vector_load %arg7[%get3A_568, %get3A_569, %get3A_570] {strides = array<i32>} : memref<2x80x128xf32, #tpu.memory_space<vmem>>, vector<16xf32>,
      %slice3A_572 = vector.extract_strided_slice %get3A_468 {offsets = [7], sizes = [1], strides = [1]} : vector<16xf32> to vector<1xf32>
      %squeeze3A_573 = vector.extract %slice3A_572[0] : f32 from vector<1xf32>
      %mul3A_574 = vector.broadcast %squeeze3A_573 : f32 to vector<16xf32>
      %mul3A_575 = arith.mulf %get3A_571, %mul3A_574 : vector<16xf32>
      %swap3A_576 = arith.constant 0 : i32
      %swap3A_577 = arith.index_cast %swap3A_576 : i32 to index
      %swap3A_578 = arith.index_cast %add3A_463 : i32 to index
      %swap3A_579 = arith.constant 112 : index
      %swap3A_580 = tpu.vector_load %arg7[%swap3A_577, %swap3A_578, %swap3A_579] {strides = array<i32>} : memref<2x80x128xf32, #tpu.memory_space<vmem>>, vector<16xf32>,
      tpu.vector_store %arg7[%swap3A_577, %swap3A_578, %swap3A_579], %mul3A_575 {strides = array<i32>} : memref<2x80x128xf32, #tpu.memory_space<vmem>>, vector<16xf32>,
      %scan3A_581 = arith.constant 3 : i32
      %scan3A_582 = arith.addi %scan3A_217, %scan3A_581 : i32
      %mul3A_583 = arith.constant 1 : i32
      %mul3A_584 = arith.muli %scan3A_582, %mul3A_583 : i32
      %add3A_585 = arith.constant 0 : i32
      %add3A_586 = arith.addi %add3A_585, %mul3A_584 : i32
      %get3A_587 = arith.constant 0 : i32
      %get3A_588 = arith.index_cast %get3A_587 : i32 to index
      %get3A_589 = arith.index_cast %add3A_586 : i32 to index
      %get3A_590 = arith.constant 0 : index
      %get3A_591 = tpu.vector_load %arg8[%get3A_588, %get3A_589, %get3A_590] {strides = array<i32>} : memref<2x80x16xf32, #tpu.memory_space<vmem>>, vector<16xf32>,
      %get3A_592 = arith.constant 0 : i32
      %get3A_593 = arith.index_cast %get3A_592 : i32 to index
      %get3A_594 = arith.index_cast %add3A_586 : i32 to index
      %get3A_595 = arith.constant 0 : index
      %get3A_596 = tpu.vector_load %arg7[%get3A_593, %get3A_594, %get3A_595] {strides = array<i32>} : memref<2x80x128xf32, #tpu.memory_space<vmem>>, vector<16xf32>,
      %slice3A_597 = vector.extract_strided_slice %get3A_591 {offsets = [0], sizes = [1], strides = [1]} : vector<16xf32> to vector<1xf32>
      %squeeze3A_598 = vector.extract %slice3A_597[0] : f32 from vector<1xf32>
      %mul3A_599 = vector.broadcast %squeeze3A_598 : f32 to vector<16xf32>
      %mul3A_600 = arith.mulf %get3A_596, %mul3A_599 : vector<16xf32>
      %swap3A_601 = arith.constant 0 : i32
      %swap3A_602 = arith.index_cast %swap3A_601 : i32 to index
      %swap3A_603 = arith.index_cast %add3A_586 : i32 to index
      %swap3A_604 = arith.constant 0 : index
      %swap3A_605 = tpu.vector_load %arg7[%swap3A_602, %swap3A_603, %swap3A_604] {strides = array<i32>} : memref<2x80x128xf32, #tpu.memory_space<vmem>>, vector<16xf32>,
      tpu.vector_store %arg7[%swap3A_602, %swap3A_603, %swap3A_604], %mul3A_600 {strides = array<i32>} : memref<2x80x128xf32, #tpu.memory_space<vmem>>, vector<16xf32>,
      %get3A_606 = arith.constant 0 : i32
      %get3A_607 = arith.index_cast %get3A_606 : i32 to index
      %get3A_608 = arith.index_cast %add3A_586 : i32 to index
      %get3A_609 = arith.constant 16 : index
      %get3A_610 = tpu.vector_load %arg7[%get3A_607, %get3A_608, %get3A_609] {strides = array<i32>} : memref<2x80x128xf32, #tpu.memory_space<vmem>>, vector<16xf32>,
      %slice3A_611 = vector.extract_strided_slice %get3A_591 {offsets = [1], sizes = [1], strides = [1]} : vector<16xf32> to vector<1xf32>
      %squeeze3A_612 = vector.extract %slice3A_611[0] : f32 from vector<1xf32>
      %mul3A_613 = vector.broadcast %squeeze3A_612 : f32 to vector<16xf32>
      %mul3A_614 = arith.mulf %get3A_610, %mul3A_613 : vector<16xf32>
      %swap3A_615 = arith.constant 0 : i32
      %swap3A_616 = arith.index_cast %swap3A_615 : i32 to index
      %swap3A_617 = arith.index_cast %add3A_586 : i32 to index
      %swap3A_618 = arith.constant 16 : index
      %swap3A_619 = tpu.vector_load %arg7[%swap3A_616, %swap3A_617, %swap3A_618] {strides = array<i32>} : memref<2x80x128xf32, #tpu.memory_space<vmem>>, vector<16xf32>,
      tpu.vector_store %arg7[%swap3A_616, %swap3A_617, %swap3A_618], %mul3A_614 {strides = array<i32>} : memref<2x80x128xf32, #tpu.memory_space<vmem>>, vector<16xf32>,
      %get3A_620 = arith.constant 0 : i32
      %get3A_621 = arith.index_cast %get3A_620 : i32 to index
      %get3A_622 = arith.index_cast %add3A_586 : i32 to index
      %get3A_623 = arith.constant 32 : index
      %get3A_624 = tpu.vector_load %arg7[%get3A_621, %get3A_622, %get3A_623] {strides = array<i32>} : memref<2x80x128xf32, #tpu.memory_space<vmem>>, vector<16xf32>,
      %slice3A_625 = vector.extract_strided_slice %get3A_591 {offsets = [2], sizes = [1], strides = [1]} : vector<16xf32> to vector<1xf32>
      %squeeze3A_626 = vector.extract %slice3A_625[0] : f32 from vector<1xf32>
      %mul3A_627 = vector.broadcast %squeeze3A_626 : f32 to vector<16xf32>
      %mul3A_628 = arith.mulf %get3A_624, %mul3A_627 : vector<16xf32>
      %swap3A_629 = arith.constant 0 : i32
      %swap3A_630 = arith.index_cast %swap3A_629 : i32 to index
      %swap3A_631 = arith.index_cast %add3A_586 : i32 to index
      %swap3A_632 = arith.constant 32 : index
      %swap3A_633 = tpu.vector_load %arg7[%swap3A_630, %swap3A_631, %swap3A_632] {strides = array<i32>} : memref<2x80x128xf32, #tpu.memory_space<vmem>>, vector<16xf32>,
      tpu.vector_store %arg7[%swap3A_630, %swap3A_631, %swap3A_632], %mul3A_628 {strides = array<i32>} : memref<2x80x128xf32, #tpu.memory_space<vmem>>, vector<16xf32>,
      %get3A_634 = arith.constant 0 : i32
      %get3A_635 = arith.index_cast %get3A_634 : i32 to index
      %get3A_636 = arith.index_cast %add3A_586 : i32 to index
      %get3A_637 = arith.constant 48 : index
      %get3A_638 = tpu.vector_load %arg7[%get3A_635, %get3A_636, %get3A_637] {strides = array<i32>} : memref<2x80x128xf32, #tpu.memory_space<vmem>>, vector<16xf32>,
      %slice3A_639 = vector.extract_strided_slice %get3A_591 {offsets = [3], sizes = [1], strides = [1]} : vector<16xf32> to vector<1xf32>
      %squeeze3A_640 = vector.extract %slice3A_639[0] : f32 from vector<1xf32>
      %mul3A_641 = vector.broadcast %squeeze3A_640 : f32 to vector<16xf32>
      %mul3A_642 = arith.mulf %get3A_638, %mul3A_641 : vector<16xf32>
      %swap3A_643 = arith.constant 0 : i32
      %swap3A_644 = arith.index_cast %swap3A_643 : i32 to index
      %swap3A_645 = arith.index_cast %add3A_586 : i32 to index
      %swap3A_646 = arith.constant 48 : index
      %swap3A_647 = tpu.vector_load %arg7[%swap3A_644, %swap3A_645, %swap3A_646] {strides = array<i32>} : memref<2x80x128xf32, #tpu.memory_space<vmem>>, vector<16xf32>,
      tpu.vector_store %arg7[%swap3A_644, %swap3A_645, %swap3A_646], %mul3A_642 {strides = array<i32>} : memref<2x80x128xf32, #tpu.memory_space<vmem>>, vector<16xf32>,
      %get3A_648 = arith.constant 0 : i32
      %get3A_649 = arith.index_cast %get3A_648 : i32 to index
      %get3A_650 = arith.index_cast %add3A_586 : i32 to index
      %get3A_651 = arith.constant 64 : index
      %get3A_652 = tpu.vector_load %arg7[%get3A_649, %get3A_650, %get3A_651] {strides = array<i32>} : memref<2x80x128xf32, #tpu.memory_space<vmem>>, vector<16xf32>,
      %slice3A_653 = vector.extract_strided_slice %get3A_591 {offsets = [4], sizes = [1], strides = [1]} : vector<16xf32> to vector<1xf32>
      %squeeze3A_654 = vector.extract %slice3A_653[0] : f32 from vector<1xf32>
      %mul3A_655 = vector.broadcast %squeeze3A_654 : f32 to vector<16xf32>
      %mul3A_656 = arith.mulf %get3A_652, %mul3A_655 : vector<16xf32>
      %swap3A_657 = arith.constant 0 : i32
      %swap3A_658 = arith.index_cast %swap3A_657 : i32 to index
      %swap3A_659 = arith.index_cast %add3A_586 : i32 to index
      %swap3A_660 = arith.constant 64 : index
      %swap3A_661 = tpu.vector_load %arg7[%swap3A_658, %swap3A_659, %swap3A_660] {strides = array<i32>} : memref<2x80x128xf32, #tpu.memory_space<vmem>>, vector<16xf32>,
      tpu.vector_store %arg7[%swap3A_658, %swap3A_659, %swap3A_660], %mul3A_656 {strides = array<i32>} : memref<2x80x128xf32, #tpu.memory_space<vmem>>, vector<16xf32>,
      %get3A_662 = arith.constant 0 : i32
      %get3A_663 = arith.index_cast %get3A_662 : i32 to index
      %get3A_664 = arith.index_cast %add3A_586 : i32 to index
      %get3A_665 = arith.constant 80 : index
      %get3A_666 = tpu.vector_load %arg7[%get3A_663, %get3A_664, %get3A_665] {strides = array<i32>} : memref<2x80x128xf32, #tpu.memory_space<vmem>>, vector<16xf32>,
      %slice3A_667 = vector.extract_strided_slice %get3A_591 {offsets = [5], sizes = [1], strides = [1]} : vector<16xf32> to vector<1xf32>
      %squeeze3A_668 = vector.extract %slice3A_667[0] : f32 from vector<1xf32>
      %mul3A_669 = vector.broadcast %squeeze3A_668 : f32 to vector<16xf32>
      %mul3A_670 = arith.mulf %get3A_666, %mul3A_669 : vector<16xf32>
      %swap3A_671 = arith.constant 0 : i32
      %swap3A_672 = arith.index_cast %swap3A_671 : i32 to index
      %swap3A_673 = arith.index_cast %add3A_586 : i32 to index
      %swap3A_674 = arith.constant 80 : index
      %swap3A_675 = tpu.vector_load %arg7[%swap3A_672, %swap3A_673, %swap3A_674] {strides = array<i32>} : memref<2x80x128xf32, #tpu.memory_space<vmem>>, vector<16xf32>,
      tpu.vector_store %arg7[%swap3A_672, %swap3A_673, %swap3A_674], %mul3A_670 {strides = array<i32>} : memref<2x80x128xf32, #tpu.memory_space<vmem>>, vector<16xf32>,
      %get3A_676 = arith.constant 0 : i32
      %get3A_677 = arith.index_cast %get3A_676 : i32 to index
      %get3A_678 = arith.index_cast %add3A_586 : i32 to index
      %get3A_679 = arith.constant 96 : index
      %get3A_680 = tpu.vector_load %arg7[%get3A_677, %get3A_678, %get3A_679] {strides = array<i32>} : memref<2x80x128xf32, #tpu.memory_space<vmem>>, vector<16xf32>,
      %slice3A_681 = vector.extract_strided_slice %get3A_591 {offsets = [6], sizes = [1], strides = [1]} : vector<16xf32> to vector<1xf32>
      %squeeze3A_682 = vector.extract %slice3A_681[0] : f32 from vector<1xf32>
      %mul3A_683 = vector.broadcast %squeeze3A_682 : f32 to vector<16xf32>
      %mul3A_684 = arith.mulf %get3A_680, %mul3A_683 : vector<16xf32>
      %swap3A_685 = arith.constant 0 : i32
      %swap3A_686 = arith.index_cast %swap3A_685 : i32 to index
      %swap3A_687 = arith.index_cast %add3A_586 : i32 to index
      %swap3A_688 = arith.constant 96 : index
      %swap3A_689 = tpu.vector_load %arg7[%swap3A_686, %swap3A_687, %swap3A_688] {strides = array<i32>} : memref<2x80x128xf32, #tpu.memory_space<vmem>>, vector<16xf32>,
      tpu.vector_store %arg7[%swap3A_686, %swap3A_687, %swap3A_688], %mul3A_684 {strides = array<i32>} : memref<2x80x128xf32, #tpu.memory_space<vmem>>, vector<16xf32>,
      %get3A_690 = arith.constant 0 : i32
      %get3A_691 = arith.index_cast %get3A_690 : i32 to index
      %get3A_692 = arith.index_cast %add3A_586 : i32 to index
      %get3A_693 = arith.constant 112 : index
      %get3A_694 = tpu.vector_load %arg7[%get3A_691, %get3A_692, %get3A_693] {strides = array<i32>} : memref<2x80x128xf32, #tpu.memory_space<vmem>>, vector<16xf32>,
      %slice3A_695 = vector.extract_strided_slice %get3A_591 {offsets = [7], sizes = [1], strides = [1]} : vector<16xf32> to vector<1xf32>
      %squeeze3A_696 = vector.extract %slice3A_695[0] : f32 from vector<1xf32>
      %mul3A_697 = vector.broadcast %squeeze3A_696 : f32 to vector<16xf32>
      %mul3A_698 = arith.mulf %get3A_694, %mul3A_697 : vector<16xf32>
      %swap3A_699 = arith.constant 0 : i32
      %swap3A_700 = arith.index_cast %swap3A_699 : i32 to index
      %swap3A_701 = arith.index_cast %add3A_586 : i32 to index
      %swap3A_702 = arith.constant 112 : index
      %swap3A_703 = tpu.vector_load %arg7[%swap3A_700, %swap3A_701, %swap3A_702] {strides = array<i32>} : memref<2x80x128xf32, #tpu.memory_space<vmem>>, vector<16xf32>,
      tpu.vector_store %arg7[%swap3A_700, %swap3A_701, %swap3A_702], %mul3A_698 {strides = array<i32>} : memref<2x80x128xf32, #tpu.memory_space<vmem>>, vector<16xf32>,
    }
    %scan3A_121 = arith.constant 80 : i32
    %add3A_122 = arith.constant 80 : i32
    %add3A_123 = arith.addi %mul3A_3, %add3A_122 : i32
    %multiple_of3A_124 = tpu.assume_multiple %add3A_123, 8 : i32
    %dma_start3A_125 = arith.constant 1 : i32
    %dma_start3A_126 = arith.constant 1 : i32
    %dma_start3A_127 = arith.constant 0 : i32
    %dma_start3A_128 = arith.constant 0 : i32
    %dma_start3A_129 = tpu.memref_slice %arg7[%dma_start3A_125, %dma_start3A_127, %dma_start3A_128] : memref<2x80x128xf32, #tpu.memory_space<vmem>> -> memref<1x80x128xf32, #tpu.memory_space<vmem>>
    %dma_start3A_130 = tpu.memref_squeeze %dma_start3A_129 : memref<1x80x128xf32, #tpu.memory_space<vmem>> -> memref<80x128xf32, #tpu.memory_space<vmem>>
    %dma_start3A_131 = arith.constant 0 : i32
    %dma_start3A_132 = tpu.memref_slice %arg2[%multiple_of3A_124, %dma_start3A_131] : memref<320000x128xf32, #tpu.memory_space<hbm>> -> memref<80x128xf32, #tpu.memory_space<hbm>>
    %dma_start3A_133 = tpu.memref_slice %arg11[%dma_start3A_126] : memref<2x!tpu.dma_semaphore, #tpu.memory_space<semaphore_mem>> -> memref<1x!tpu.dma_semaphore, #tpu.memory_space<semaphore_mem>>
    %dma_start3A_134 = tpu.memref_squeeze %dma_start3A_133 : memref<1x!tpu.dma_semaphore, #tpu.memory_space<semaphore_mem>> -> memref<!tpu.dma_semaphore, #tpu.memory_space<semaphore_mem>>
    %dma_start3A_135 = arith.constant 0 : i32
    %dma_start3A_136 = arith.constant 0 : i32
    %dma_start3A_137 = tpu.memref_slice %arg7[%dma_start3A_125, %dma_start3A_135, %dma_start3A_136] : memref<2x80x128xf32, #tpu.memory_space<vmem>> -> memref<1x80x128xf32, #tpu.memory_space<vmem>>
    %dma_start3A_138 = tpu.memref_squeeze %dma_start3A_137 : memref<1x80x128xf32, #tpu.memory_space<vmem>> -> memref<80x128xf32, #tpu.memory_space<vmem>>
    %dma_start3A_139 = arith.constant 0 : i32
    %dma_start3A_140 = tpu.memref_slice %arg2[%multiple_of3A_124, %dma_start3A_139] : memref<320000x128xf32, #tpu.memory_space<hbm>> -> memref<80x128xf32, #tpu.memory_space<hbm>>
    tpu.enqueue_dma source(%dma_start3A_140 : memref<80x128xf32, #tpu.memory_space<hbm>>) target(%dma_start3A_138 : memref<80x128xf32, #tpu.memory_space<vmem>>) target_semaphore(%dma_start3A_134 : memref<!tpu.dma_semaphore, #tpu.memory_space<semaphore_mem>>)
    %dma_start3A_141 = arith.constant 1 : i32
    %dma_start3A_142 = arith.constant 1 : i32
    %dma_start3A_143 = arith.constant 0 : i32
    %dma_start3A_144 = arith.constant 0 : i32
    %dma_start3A_145 = tpu.memref_slice %arg8[%dma_start3A_141, %dma_start3A_143, %dma_start3A_144] : memref<2x80x16xf32, #tpu.memory_space<vmem>> -> memref<1x80x16xf32, #tpu.memory_space<vmem>>
    %dma_start3A_146 = tpu.memref_squeeze %dma_start3A_145 : memref<1x80x16xf32, #tpu.memory_space<vmem>> -> memref<80x16xf32, #tpu.memory_space<vmem>>
    %dma_start3A_147 = arith.constant 0 : i32
    %dma_start3A_148 = tpu.memref_slice %arg3[%multiple_of3A_124, %dma_start3A_147] : memref<320000x16xf32, #tpu.memory_space<hbm>> -> memref<80x16xf32, #tpu.memory_space<hbm>>
    %dma_start3A_149 = tpu.memref_slice %arg11[%dma_start3A_142] : memref<2x!tpu.dma_semaphore, #tpu.memory_space<semaphore_mem>> -> memref<1x!tpu.dma_semaphore, #tpu.memory_space<semaphore_mem>>
    %dma_start3A_150 = tpu.memref_squeeze %dma_start3A_149 : memref<1x!tpu.dma_semaphore, #tpu.memory_space<semaphore_mem>> -> memref<!tpu.dma_semaphore, #tpu.memory_space<semaphore_mem>>
    %dma_start3A_151 = arith.constant 0 : i32
    %dma_start3A_152 = arith.constant 0 : i32
    %dma_start3A_153 = tpu.memref_slice %arg8[%dma_start3A_141, %dma_start3A_151, %dma_start3A_152] : memref<2x80x16xf32, #tpu.memory_space<vmem>> -> memref<1x80x16xf32, #tpu.memory_space<vmem>>
    %dma_start3A_154 = tpu.memref_squeeze %dma_start3A_153 : memref<1x80x16xf32, #tpu.memory_space<vmem>> -> memref<80x16xf32, #tpu.memory_space<vmem>>
    %dma_start3A_155 = arith.constant 0 : i32
    %dma_start3A_156 = tpu.memref_slice %arg3[%multiple_of3A_124, %dma_start3A_155] : memref<320000x16xf32, #tpu.memory_space<hbm>> -> memref<80x16xf32, #tpu.memory_space<hbm>>
    tpu.enqueue_dma source(%dma_start3A_156 : memref<80x16xf32, #tpu.memory_space<hbm>>) target(%dma_start3A_154 : memref<80x16xf32, #tpu.memory_space<vmem>>) target_semaphore(%dma_start3A_150 : memref<!tpu.dma_semaphore, #tpu.memory_space<semaphore_mem>>)
    %dma_start3A_157 = arith.constant 1 : i32
    %dma_start3A_158 = arith.constant 1 : i32
    %dma_start3A_159 = arith.constant 0 : i32
    %dma_start3A_160 = tpu.memref_slice %arg9[%dma_start3A_157, %dma_start3A_159] : memref<2x80xi32, #tpu.memory_space<vmem>> -> memref<1x80xi32, #tpu.memory_space<vmem>>
    %dma_start3A_161 = tpu.memref_squeeze %dma_start3A_160 : memref<1x80xi32, #tpu.memory_space<vmem>> -> memref<80xi32, #tpu.memory_space<vmem>>
    %dma_start3A_162 = tpu.memref_slice %arg4[%multiple_of3A_124] : memref<320000xi32, #tpu.memory_space<hbm>> -> memref<80xi32, #tpu.memory_space<hbm>>
    %dma_start3A_163 = tpu.memref_slice %arg11[%dma_start3A_158] : memref<2x!tpu.dma_semaphore, #tpu.memory_space<semaphore_mem>> -> memref<1x!tpu.dma_semaphore, #tpu.memory_space<semaphore_mem>>
    %dma_start3A_164 = tpu.memref_squeeze %dma_start3A_163 : memref<1x!tpu.dma_semaphore, #tpu.memory_space<semaphore_mem>> -> memref<!tpu.dma_semaphore, #tpu.memory_space<semaphore_mem>>
    %dma_start3A_165 = arith.constant 0 : i32
    %dma_start3A_166 = tpu.memref_slice %arg9[%dma_start3A_157, %dma_start3A_165] : memref<2x80xi32, #tpu.memory_space<vmem>> -> memref<1x80xi32, #tpu.memory_space<vmem>>
    %dma_start3A_167 = tpu.memref_squeeze %dma_start3A_166 : memref<1x80xi32, #tpu.memory_space<vmem>> -> memref<80xi32, #tpu.memory_space<vmem>>
    %dma_start3A_168 = tpu.memref_slice %arg4[%multiple_of3A_124] : memref<320000xi32, #tpu.memory_space<hbm>> -> memref<80xi32, #tpu.memory_space<hbm>>
    tpu.enqueue_dma source(%dma_start3A_168 : memref<80xi32, #tpu.memory_space<hbm>>) target(%dma_start3A_167 : memref<80xi32, #tpu.memory_space<vmem>>) target_semaphore(%dma_start3A_164 : memref<!tpu.dma_semaphore, #tpu.memory_space<semaphore_mem>>)
    %dma_start3A_169 = arith.constant 0 : i32
    %dma_start3A_170 = arith.constant 0 : i32
    %dma_start3A_171 = arith.constant 0 : i32
    %dma_start3A_172 = arith.constant 0 : i32
    %dma_start3A_173 = tpu.memref_slice %arg7[%dma_start3A_169, %dma_start3A_171, %dma_start3A_172] : memref<2x80x128xf32, #tpu.memory_space<vmem>> -> memref<1x80x128xf32, #tpu.memory_space<vmem>>
    %dma_start3A_174 = tpu.memref_squeeze %dma_start3A_173 : memref<1x80x128xf32, #tpu.memory_space<vmem>> -> memref<80x128xf32, #tpu.memory_space<vmem>>
    %dma_start3A_175 = arith.constant 0 : i32
    %dma_start3A_176 = tpu.memref_slice %arg9[%dma_start3A_170, %dma_start3A_175] : memref<2x80xi32, #tpu.memory_space<vmem>> -> memref<1x80xi32, #tpu.memory_space<vmem>>
    %dma_start3A_177 = tpu.memref_squeeze %dma_start3A_176 : memref<1x80xi32, #tpu.memory_space<vmem>> -> memref<80xi32, #tpu.memory_space<vmem>>
    %dma_start3A_178 = arith.constant 0 : i32
    %dma_start3A_179 = arith.constant 0 : i32
    %dma_start3A_180 = tpu.memref_slice %arg10[%dma_start3A_178, %dma_start3A_179] : memref<10000x128xf32, #tpu.memory_space<vmem_shared>> -> memref<10000x128xf32, #tpu.memory_space<vmem_shared>>
    tpu.enqueue_indirect_dma source(%dma_start3A_174 : memref<80x128xf32, #tpu.memory_space<vmem>>) target(%dma_start3A_180 : memref<10000x128xf32, #tpu.memory_space<vmem_shared>>) offsets(%dma_start3A_177 : memref<80xi32, #tpu.memory_space<vmem>>) semaphore(%arg12 : memref<!tpu.dma_semaphore, #tpu.memory_space<semaphore_mem>>) {add = true}
    %scan3A_181 = arith.constant 0 : i32
    %scan3A_182 = arith.constant 62 : i32
    %scan3A_183 = arith.addi %scan3A_181, %scan3A_182 : i32
    %scan3A_184 = arith.constant 1 : i32
    scf.for %scan3A_217 = %scan3A_181 to %scan3A_183 step %scan3A_184  : i32 {
      %mul3A_218 = arith.constant 1 : i32
      %mul3A_219 = arith.muli %scan3A_217, %mul3A_218 : i32
      %add3A_220 = arith.constant 0 : i32
      %add3A_221 = arith.addi %add3A_220, %mul3A_219 : i32
      %mul3A_222 = arith.constant 2 : i32
      %mul3A_223 = arith.muli %mul3A_222, %add3A_221 : i32
      %add3A_224 = arith.constant 1 : i32
      %add3A_225 = arith.addi %mul3A_223, %add3A_224 : i32
      %dma_wait3A_226 = arith.constant 1 : i32
      %dma_wait3A_227 = arith.constant 1 : i32
      %dma_wait3A_228 = arith.constant 0 : i32
      %dma_wait3A_229 = arith.constant 0 : i32
      %dma_wait3A_230 = tpu.memref_slice %arg7[%dma_wait3A_226, %dma_wait3A_228, %dma_wait3A_229] : memref<2x80x128xf32, #tpu.memory_space<vmem>> -> memref<1x80x128xf32, #tpu.memory_space<vmem>>
      %dma_wait3A_231 = tpu.memref_squeeze %dma_wait3A_230 : memref<1x80x128xf32, #tpu.memory_space<vmem>> -> memref<80x128xf32, #tpu.memory_space<vmem>>
      %dma_wait3A_232 = arith.constant 0 : i32
      %dma_wait3A_233 = arith.constant 0 : i32
      %dma_wait3A_234 = tpu.memref_slice %arg2[%dma_wait3A_232, %dma_wait3A_233] : memref<320000x128xf32, #tpu.memory_space<hbm>> -> memref<80x128xf32, #tpu.memory_space<hbm>>
      %dma_wait3A_235 = tpu.memref_slice %arg11[%dma_wait3A_227] : memref<2x!tpu.dma_semaphore, #tpu.memory_space<semaphore_mem>> -> memref<1x!tpu.dma_semaphore, #tpu.memory_space<semaphore_mem>>
      %dma_wait3A_236 = tpu.memref_squeeze %dma_wait3A_235 : memref<1x!tpu.dma_semaphore, #tpu.memory_space<semaphore_mem>> -> memref<!tpu.dma_semaphore, #tpu.memory_space<semaphore_mem>>
      %dma_wait3A_237 = arith.constant 0 : i32
      %dma_wait3A_238 = arith.constant 0 : i32
      %dma_wait3A_239 = tpu.memref_slice %arg7[%dma_wait3A_226, %dma_wait3A_237, %dma_wait3A_238] : memref<2x80x128xf32, #tpu.memory_space<vmem>> -> memref<1x80x128xf32, #tpu.memory_space<vmem>>
      %dma_wait3A_240 = tpu.memref_squeeze %dma_wait3A_239 : memref<1x80x128xf32, #tpu.memory_space<vmem>> -> memref<80x128xf32, #tpu.memory_space<vmem>>
      %dma_wait3A_241 = arith.constant 0 : i32
      %dma_wait3A_242 = arith.constant 0 : i32
      %dma_wait3A_243 = tpu.memref_slice %arg2[%dma_wait3A_241, %dma_wait3A_242] : memref<320000x128xf32, #tpu.memory_space<hbm>> -> memref<80x128xf32, #tpu.memory_space<hbm>>
      tpu.wait_dma2 semaphore(%dma_wait3A_236 : memref<!tpu.dma_semaphore, #tpu.memory_space<semaphore_mem>>) src(%dma_wait3A_243 : memref<80x128xf32, #tpu.memory_space<hbm>>) dst(%dma_wait3A_240 : memref<80x128xf32, #tpu.memory_space<vmem>>)
      %dma_wait3A_244 = arith.constant 1 : i32
      %dma_wait3A_245 = arith.constant 1 : i32
      %dma_wait3A_246 = arith.constant 0 : i32
      %dma_wait3A_247 = arith.constant 0 : i32
      %dma_wait3A_248 = tpu.memref_slice %arg8[%dma_wait3A_244, %dma_wait3A_246, %dma_wait3A_247] : memref<2x80x16xf32, #tpu.memory_space<vmem>> -> memref<1x80x16xf32, #tpu.memory_space<vmem>>
      %dma_wait3A_249 = tpu.memref_squeeze %dma_wait3A_248 : memref<1x80x16xf32, #tpu.memory_space<vmem>> -> memref<80x16xf32, #tpu.memory_space<vmem>>
      %dma_wait3A_250 = arith.constant 0 : i32
      %dma_wait3A_251 = arith.constant 0 : i32
      %dma_wait3A_252 = tpu.memref_slice %arg3[%dma_wait3A_250, %dma_wait3A_251] : memref<320000x16xf32, #tpu.memory_space<hbm>> -> memref<80x16xf32, #tpu.memory_space<hbm>>
      %dma_wait3A_253 = tpu.memref_slice %arg11[%dma_wait3A_245] : memref<2x!tpu.dma_semaphore, #tpu.memory_space<semaphore_mem>> -> memref<1x!tpu.dma_semaphore, #tpu.memory_space<semaphore_mem>>
      %dma_wait3A_254 = tpu.memref_squeeze %dma_wait3A_253 : memref<1x!tpu.dma_semaphore, #tpu.memory_space<semaphore_mem>> -> memref<!tpu.dma_semaphore, #tpu.memory_space<semaphore_mem>>
      %dma_wait3A_255 = arith.constant 0 : i32
      %dma_wait3A_256 = arith.constant 0 : i32
      %dma_wait3A_257 = tpu.memref_slice %arg8[%dma_wait3A_244, %dma_wait3A_255, %dma_wait3A_256] : memref<2x80x16xf32, #tpu.memory_space<vmem>> -> memref<1x80x16xf32, #tpu.memory_space<vmem>>
      %dma_wait3A_258 = tpu.memref_squeeze %dma_wait3A_257 : memref<1x80x16xf32, #tpu.memory_space<vmem>> -> memref<80x16xf32, #tpu.memory_space<vmem>>
      %dma_wait3A_259 = arith.constant 0 : i32
      %dma_wait3A_260 = arith.constant 0 : i32
      %dma_wait3A_261 = tpu.memref_slice %arg3[%dma_wait3A_259, %dma_wait3A_260] : memref<320000x16xf32, #tpu.memory_space<hbm>> -> memref<80x16xf32, #tpu.memory_space<hbm>>
      tpu.wait_dma2 semaphore(%dma_wait3A_254 : memref<!tpu.dma_semaphore, #tpu.memory_space<semaphore_mem>>) src(%dma_wait3A_261 : memref<80x16xf32, #tpu.memory_space<hbm>>) dst(%dma_wait3A_258 : memref<80x16xf32, #tpu.memory_space<vmem>>)
      %dma_wait3A_262 = arith.constant 1 : i32
      %dma_wait3A_263 = arith.constant 1 : i32
      %dma_wait3A_264 = arith.constant 0 : i32
      %dma_wait3A_265 = tpu.memref_slice %arg9[%dma_wait3A_262, %dma_wait3A_264] : memref<2x80xi32, #tpu.memory_space<vmem>> -> memref<1x80xi32, #tpu.memory_space<vmem>>
      %dma_wait3A_266 = tpu.memref_squeeze %dma_wait3A_265 : memref<1x80xi32, #tpu.memory_space<vmem>> -> memref<80xi32, #tpu.memory_space<vmem>>
      %dma_wait3A_267 = arith.constant 0 : i32
      %dma_wait3A_268 = tpu.memref_slice %arg4[%dma_wait3A_267] : memref<320000xi32, #tpu.memory_space<hbm>> -> memref<80xi32, #tpu.memory_space<hbm>>
      %dma_wait3A_269 = tpu.memref_slice %arg11[%dma_wait3A_263] : memref<2x!tpu.dma_semaphore, #tpu.memory_space<semaphore_mem>> -> memref<1x!tpu.dma_semaphore, #tpu.memory_space<semaphore_mem>>
      %dma_wait3A_270 = tpu.memref_squeeze %dma_wait3A_269 : memref<1x!tpu.dma_semaphore, #tpu.memory_space<semaphore_mem>> -> memref<!tpu.dma_semaphore, #tpu.memory_space<semaphore_mem>>
      %dma_wait3A_271 = arith.constant 0 : i32
      %dma_wait3A_272 = tpu.memref_slice %arg9[%dma_wait3A_262, %dma_wait3A_271] : memref<2x80xi32, #tpu.memory_space<vmem>> -> memref<1x80xi32, #tpu.memory_space<vmem>>
      %dma_wait3A_273 = tpu.memref_squeeze %dma_wait3A_272 : memref<1x80xi32, #tpu.memory_space<vmem>> -> memref<80xi32, #tpu.memory_space<vmem>>
      %dma_wait3A_274 = arith.constant 0 : i32
      %dma_wait3A_275 = tpu.memref_slice %arg4[%dma_wait3A_274] : memref<320000xi32, #tpu.memory_space<hbm>> -> memref<80xi32, #tpu.memory_space<hbm>>
      tpu.wait_dma2 semaphore(%dma_wait3A_270 : memref<!tpu.dma_semaphore, #tpu.memory_space<semaphore_mem>>) src(%dma_wait3A_275 : memref<80xi32, #tpu.memory_space<hbm>>) dst(%dma_wait3A_273 : memref<80xi32, #tpu.memory_space<vmem>>)
      %scan3A_276 = arith.constant 0 : i32
      %scan3A_277 = arith.constant 80 : i32
      %scan3A_278 = arith.addi %scan3A_276, %scan3A_277 : i32
      %scan3A_279 = arith.constant 4 : i32
      scf.for %scan3A_442 = %scan3A_276 to %scan3A_278 step %scan3A_279  : i32 {
        %mul3A_443 = arith.constant 1 : i32
        %mul3A_444 = arith.muli %scan3A_442, %mul3A_443 : i32
        %add3A_445 = arith.constant 0 : i32
        %add3A_446 = arith.addi %add3A_445, %mul3A_444 : i32
        %get3A = arith.constant 1 : i32
        %get3A_447 = arith.index_cast %get3A : i32 to index
        %get3A_448 = arith.index_cast %add3A_446 : i32 to index
        %get3A_449 = arith.constant 0 : index
        %get3A_450 = tpu.vector_load %arg8[%get3A_447, %get3A_448, %get3A_449] {strides = array<i32>} : memref<2x80x16xf32, #tpu.memory_space<vmem>>, vector<16xf32>,
        %get3A_451 = arith.constant 1 : i32
        %get3A_452 = arith.index_cast %get3A_451 : i32 to index
        %get3A_453 = arith.index_cast %add3A_446 : i32 to index
        %get3A_454 = arith.constant 0 : index
        %get3A_455 = tpu.vector_load %arg7[%get3A_452, %get3A_453, %get3A_454] {strides = array<i32>} : memref<2x80x128xf32, #tpu.memory_space<vmem>>, vector<16xf32>,
        %slice3A = vector.extract_strided_slice %get3A_450 {offsets = [0], sizes = [1], strides = [1]} : vector<16xf32> to vector<1xf32>
        %squeeze3A = vector.extract %slice3A[0] : f32 from vector<1xf32>
        %mul3A_456 = vector.broadcast %squeeze3A : f32 to vector<16xf32>
        %mul3A_457 = arith.mulf %get3A_455, %mul3A_456 : vector<16xf32>
        %swap3A = arith.constant 1 : i32
        %swap3A_458 = arith.index_cast %swap3A : i32 to index
        %swap3A_459 = arith.index_cast %add3A_446 : i32 to index
        %swap3A_460 = arith.constant 0 : index
        %swap3A_461 = tpu.vector_load %arg7[%swap3A_458, %swap3A_459, %swap3A_460] {strides = array<i32>} : memref<2x80x128xf32, #tpu.memory_space<vmem>>, vector<16xf32>,
        tpu.vector_store %arg7[%swap3A_458, %swap3A_459, %swap3A_460], %mul3A_457 {strides = array<i32>} : memref<2x80x128xf32, #tpu.memory_space<vmem>>, vector<16xf32>,
        %get3A_462 = arith.constant 1 : i32
        %get3A_463 = arith.index_cast %get3A_462 : i32 to index
        %get3A_464 = arith.index_cast %add3A_446 : i32 to index
        %get3A_465 = arith.constant 16 : index
        %get3A_466 = tpu.vector_load %arg7[%get3A_463, %get3A_464, %get3A_465] {strides = array<i32>} : memref<2x80x128xf32, #tpu.memory_space<vmem>>, vector<16xf32>,
        %slice3A_467 = vector.extract_strided_slice %get3A_450 {offsets = [1], sizes = [1], strides = [1]} : vector<16xf32> to vector<1xf32>
        %squeeze3A_468 = vector.extract %slice3A_467[0] : f32 from vector<1xf32>
        %mul3A_469 = vector.broadcast %squeeze3A_468 : f32 to vector<16xf32>
        %mul3A_470 = arith.mulf %get3A_466, %mul3A_469 : vector<16xf32>
        %swap3A_471 = arith.constant 1 : i32
        %swap3A_472 = arith.index_cast %swap3A_471 : i32 to index
        %swap3A_473 = arith.index_cast %add3A_446 : i32 to index
        %swap3A_474 = arith.constant 16 : index
        %swap3A_475 = tpu.vector_load %arg7[%swap3A_472, %swap3A_473, %swap3A_474] {strides = array<i32>} : memref<2x80x128xf32, #tpu.memory_space<vmem>>, vector<16xf32>,
        tpu.vector_store %arg7[%swap3A_472, %swap3A_473, %swap3A_474], %mul3A_470 {strides = array<i32>} : memref<2x80x128xf32, #tpu.memory_space<vmem>>, vector<16xf32>,
        %get3A_476 = arith.constant 1 : i32
        %get3A_477 = arith.index_cast %get3A_476 : i32 to index
        %get3A_478 = arith.index_cast %add3A_446 : i32 to index
        %get3A_479 = arith.constant 32 : index
        %get3A_480 = tpu.vector_load %arg7[%get3A_477, %get3A_478, %get3A_479] {strides = array<i32>} : memref<2x80x128xf32, #tpu.memory_space<vmem>>, vector<16xf32>,
        %slice3A_481 = vector.extract_strided_slice %get3A_450 {offsets = [2], sizes = [1], strides = [1]} : vector<16xf32> to vector<1xf32>
        %squeeze3A_482 = vector.extract %slice3A_481[0] : f32 from vector<1xf32>
        %mul3A_483 = vector.broadcast %squeeze3A_482 : f32 to vector<16xf32>
        %mul3A_484 = arith.mulf %get3A_480, %mul3A_483 : vector<16xf32>
        %swap3A_485 = arith.constant 1 : i32
        %swap3A_486 = arith.index_cast %swap3A_485 : i32 to index
        %swap3A_487 = arith.index_cast %add3A_446 : i32 to index
        %swap3A_488 = arith.constant 32 : index
        %swap3A_489 = tpu.vector_load %arg7[%swap3A_486, %swap3A_487, %swap3A_488] {strides = array<i32>} : memref<2x80x128xf32, #tpu.memory_space<vmem>>, vector<16xf32>,
        tpu.vector_store %arg7[%swap3A_486, %swap3A_487, %swap3A_488], %mul3A_484 {strides = array<i32>} : memref<2x80x128xf32, #tpu.memory_space<vmem>>, vector<16xf32>,
        %get3A_490 = arith.constant 1 : i32
        %get3A_491 = arith.index_cast %get3A_490 : i32 to index
        %get3A_492 = arith.index_cast %add3A_446 : i32 to index
        %get3A_493 = arith.constant 48 : index
        %get3A_494 = tpu.vector_load %arg7[%get3A_491, %get3A_492, %get3A_493] {strides = array<i32>} : memref<2x80x128xf32, #tpu.memory_space<vmem>>, vector<16xf32>,
        %slice3A_495 = vector.extract_strided_slice %get3A_450 {offsets = [3], sizes = [1], strides = [1]} : vector<16xf32> to vector<1xf32>
        %squeeze3A_496 = vector.extract %slice3A_495[0] : f32 from vector<1xf32>
        %mul3A_497 = vector.broadcast %squeeze3A_496 : f32 to vector<16xf32>
        %mul3A_498 = arith.mulf %get3A_494, %mul3A_497 : vector<16xf32>
        %swap3A_499 = arith.constant 1 : i32
        %swap3A_500 = arith.index_cast %swap3A_499 : i32 to index
        %swap3A_501 = arith.index_cast %add3A_446 : i32 to index
        %swap3A_502 = arith.constant 48 : index
        %swap3A_503 = tpu.vector_load %arg7[%swap3A_500, %swap3A_501, %swap3A_502] {strides = array<i32>} : memref<2x80x128xf32, #tpu.memory_space<vmem>>, vector<16xf32>,
        tpu.vector_store %arg7[%swap3A_500, %swap3A_501, %swap3A_502], %mul3A_498 {strides = array<i32>} : memref<2x80x128xf32, #tpu.memory_space<vmem>>, vector<16xf32>,
        %get3A_504 = arith.constant 1 : i32
        %get3A_505 = arith.index_cast %get3A_504 : i32 to index
        %get3A_506 = arith.index_cast %add3A_446 : i32 to index
        %get3A_507 = arith.constant 64 : index
        %get3A_508 = tpu.vector_load %arg7[%get3A_505, %get3A_506, %get3A_507] {strides = array<i32>} : memref<2x80x128xf32, #tpu.memory_space<vmem>>, vector<16xf32>,
        %slice3A_509 = vector.extract_strided_slice %get3A_450 {offsets = [4], sizes = [1], strides = [1]} : vector<16xf32> to vector<1xf32>
        %squeeze3A_510 = vector.extract %slice3A_509[0] : f32 from vector<1xf32>
        %mul3A_511 = vector.broadcast %squeeze3A_510 : f32 to vector<16xf32>
        %mul3A_512 = arith.mulf %get3A_508, %mul3A_511 : vector<16xf32>
        %swap3A_513 = arith.constant 1 : i32
        %swap3A_514 = arith.index_cast %swap3A_513 : i32 to index
        %swap3A_515 = arith.index_cast %add3A_446 : i32 to index
        %swap3A_516 = arith.constant 64 : index
        %swap3A_517 = tpu.vector_load %arg7[%swap3A_514, %swap3A_515, %swap3A_516] {strides = array<i32>} : memref<2x80x128xf32, #tpu.memory_space<vmem>>, vector<16xf32>,
        tpu.vector_store %arg7[%swap3A_514, %swap3A_515, %swap3A_516], %mul3A_512 {strides = array<i32>} : memref<2x80x128xf32, #tpu.memory_space<vmem>>, vector<16xf32>,
        %get3A_518 = arith.constant 1 : i32
        %get3A_519 = arith.index_cast %get3A_518 : i32 to index
        %get3A_520 = arith.index_cast %add3A_446 : i32 to index
        %get3A_521 = arith.constant 80 : index
        %get3A_522 = tpu.vector_load %arg7[%get3A_519, %get3A_520, %get3A_521] {strides = array<i32>} : memref<2x80x128xf32, #tpu.memory_space<vmem>>, vector<16xf32>,
        %slice3A_523 = vector.extract_strided_slice %get3A_450 {offsets = [5], sizes = [1], strides = [1]} : vector<16xf32> to vector<1xf32>
        %squeeze3A_524 = vector.extract %slice3A_523[0] : f32 from vector<1xf32>
        %mul3A_525 = vector.broadcast %squeeze3A_524 : f32 to vector<16xf32>
        %mul3A_526 = arith.mulf %get3A_522, %mul3A_525 : vector<16xf32>
        %swap3A_527 = arith.constant 1 : i32
        %swap3A_528 = arith.index_cast %swap3A_527 : i32 to index
        %swap3A_529 = arith.index_cast %add3A_446 : i32 to index
        %swap3A_530 = arith.constant 80 : index
        %swap3A_531 = tpu.vector_load %arg7[%swap3A_528, %swap3A_529, %swap3A_530] {strides = array<i32>} : memref<2x80x128xf32, #tpu.memory_space<vmem>>, vector<16xf32>,
        tpu.vector_store %arg7[%swap3A_528, %swap3A_529, %swap3A_530], %mul3A_526 {strides = array<i32>} : memref<2x80x128xf32, #tpu.memory_space<vmem>>, vector<16xf32>,
        %get3A_532 = arith.constant 1 : i32
        %get3A_533 = arith.index_cast %get3A_532 : i32 to index
        %get3A_534 = arith.index_cast %add3A_446 : i32 to index
        %get3A_535 = arith.constant 96 : index
        %get3A_536 = tpu.vector_load %arg7[%get3A_533, %get3A_534, %get3A_535] {strides = array<i32>} : memref<2x80x128xf32, #tpu.memory_space<vmem>>, vector<16xf32>,
        %slice3A_537 = vector.extract_strided_slice %get3A_450 {offsets = [6], sizes = [1], strides = [1]} : vector<16xf32> to vector<1xf32>
        %squeeze3A_538 = vector.extract %slice3A_537[0] : f32 from vector<1xf32>
        %mul3A_539 = vector.broadcast %squeeze3A_538 : f32 to vector<16xf32>
        %mul3A_540 = arith.mulf %get3A_536, %mul3A_539 : vector<16xf32>
        %swap3A_541 = arith.constant 1 : i32
        %swap3A_542 = arith.index_cast %swap3A_541 : i32 to index
        %swap3A_543 = arith.index_cast %add3A_446 : i32 to index
        %swap3A_544 = arith.constant 96 : index
        %swap3A_545 = tpu.vector_load %arg7[%swap3A_542, %swap3A_543, %swap3A_544] {strides = array<i32>} : memref<2x80x128xf32, #tpu.memory_space<vmem>>, vector<16xf32>,
        tpu.vector_store %arg7[%swap3A_542, %swap3A_543, %swap3A_544], %mul3A_540 {strides = array<i32>} : memref<2x80x128xf32, #tpu.memory_space<vmem>>, vector<16xf32>,
        %get3A_546 = arith.constant 1 : i32
        %get3A_547 = arith.index_cast %get3A_546 : i32 to index
        %get3A_548 = arith.index_cast %add3A_446 : i32 to index
        %get3A_549 = arith.constant 112 : index
        %get3A_550 = tpu.vector_load %arg7[%get3A_547, %get3A_548, %get3A_549] {strides = array<i32>} : memref<2x80x128xf32, #tpu.memory_space<vmem>>, vector<16xf32>,
        %slice3A_551 = vector.extract_strided_slice %get3A_450 {offsets = [7], sizes = [1], strides = [1]} : vector<16xf32> to vector<1xf32>
        %squeeze3A_552 = vector.extract %slice3A_551[0] : f32 from vector<1xf32>
        %mul3A_553 = vector.broadcast %squeeze3A_552 : f32 to vector<16xf32>
        %mul3A_554 = arith.mulf %get3A_550, %mul3A_553 : vector<16xf32>
        %swap3A_555 = arith.constant 1 : i32
        %swap3A_556 = arith.index_cast %swap3A_555 : i32 to index
        %swap3A_557 = arith.index_cast %add3A_446 : i32 to index
        %swap3A_558 = arith.constant 112 : index
        %swap3A_559 = tpu.vector_load %arg7[%swap3A_556, %swap3A_557, %swap3A_558] {strides = array<i32>} : memref<2x80x128xf32, #tpu.memory_space<vmem>>, vector<16xf32>,
        tpu.vector_store %arg7[%swap3A_556, %swap3A_557, %swap3A_558], %mul3A_554 {strides = array<i32>} : memref<2x80x128xf32, #tpu.memory_space<vmem>>, vector<16xf32>,
        %scan3A_560 = arith.constant 1 : i32
        %scan3A_561 = arith.addi %scan3A_442, %scan3A_560 : i32
        %mul3A_562 = arith.constant 1 : i32
        %mul3A_563 = arith.muli %scan3A_561, %mul3A_562 : i32
        %add3A_564 = arith.constant 0 : i32
        %add3A_565 = arith.addi %add3A_564, %mul3A_563 : i32
        %get3A_566 = arith.constant 1 : i32
        %get3A_567 = arith.index_cast %get3A_566 : i32 to index
        %get3A_568 = arith.index_cast %add3A_565 : i32 to index
        %get3A_569 = arith.constant 0 : index
        %get3A_570 = tpu.vector_load %arg8[%get3A_567, %get3A_568, %get3A_569] {strides = array<i32>} : memref<2x80x16xf32, #tpu.memory_space<vmem>>, vector<16xf32>,
        %get3A_571 = arith.constant 1 : i32
        %get3A_572 = arith.index_cast %get3A_571 : i32 to index
        %get3A_573 = arith.index_cast %add3A_565 : i32 to index
        %get3A_574 = arith.constant 0 : index
        %get3A_575 = tpu.vector_load %arg7[%get3A_572, %get3A_573, %get3A_574] {strides = array<i32>} : memref<2x80x128xf32, #tpu.memory_space<vmem>>, vector<16xf32>,
        %slice3A_576 = vector.extract_strided_slice %get3A_570 {offsets = [0], sizes = [1], strides = [1]} : vector<16xf32> to vector<1xf32>
        %squeeze3A_577 = vector.extract %slice3A_576[0] : f32 from vector<1xf32>
        %mul3A_578 = vector.broadcast %squeeze3A_577 : f32 to vector<16xf32>
        %mul3A_579 = arith.mulf %get3A_575, %mul3A_578 : vector<16xf32>
        %swap3A_580 = arith.constant 1 : i32
        %swap3A_581 = arith.index_cast %swap3A_580 : i32 to index
        %swap3A_582 = arith.index_cast %add3A_565 : i32 to index
        %swap3A_583 = arith.constant 0 : index
        %swap3A_584 = tpu.vector_load %arg7[%swap3A_581, %swap3A_582, %swap3A_583] {strides = array<i32>} : memref<2x80x128xf32, #tpu.memory_space<vmem>>, vector<16xf32>,
        tpu.vector_store %arg7[%swap3A_581, %swap3A_582, %swap3A_583], %mul3A_579 {strides = array<i32>} : memref<2x80x128xf32, #tpu.memory_space<vmem>>, vector<16xf32>,
        %get3A_585 = arith.constant 1 : i32
        %get3A_586 = arith.index_cast %get3A_585 : i32 to index
        %get3A_587 = arith.index_cast %add3A_565 : i32 to index
        %get3A_588 = arith.constant 16 : index
        %get3A_589 = tpu.vector_load %arg7[%get3A_586, %get3A_587, %get3A_588] {strides = array<i32>} : memref<2x80x128xf32, #tpu.memory_space<vmem>>, vector<16xf32>,
        %slice3A_590 = vector.extract_strided_slice %get3A_570 {offsets = [1], sizes = [1], strides = [1]} : vector<16xf32> to vector<1xf32>
        %squeeze3A_591 = vector.extract %slice3A_590[0] : f32 from vector<1xf32>
        %mul3A_592 = vector.broadcast %squeeze3A_591 : f32 to vector<16xf32>
        %mul3A_593 = arith.mulf %get3A_589, %mul3A_592 : vector<16xf32>
        %swap3A_594 = arith.constant 1 : i32
        %swap3A_595 = arith.index_cast %swap3A_594 : i32 to index
        %swap3A_596 = arith.index_cast %add3A_565 : i32 to index
        %swap3A_597 = arith.constant 16 : index
        %swap3A_598 = tpu.vector_load %arg7[%swap3A_595, %swap3A_596, %swap3A_597] {strides = array<i32>} : memref<2x80x128xf32, #tpu.memory_space<vmem>>, vector<16xf32>,
        tpu.vector_store %arg7[%swap3A_595, %swap3A_596, %swap3A_597], %mul3A_593 {strides = array<i32>} : memref<2x80x128xf32, #tpu.memory_space<vmem>>, vector<16xf32>,
        %get3A_599 = arith.constant 1 : i32
        %get3A_600 = arith.index_cast %get3A_599 : i32 to index
        %get3A_601 = arith.index_cast %add3A_565 : i32 to index
        %get3A_602 = arith.constant 32 : index
        %get3A_603 = tpu.vector_load %arg7[%get3A_600, %get3A_601, %get3A_602] {strides = array<i32>} : memref<2x80x128xf32, #tpu.memory_space<vmem>>, vector<16xf32>,
        %slice3A_604 = vector.extract_strided_slice %get3A_570 {offsets = [2], sizes = [1], strides = [1]} : vector<16xf32> to vector<1xf32>
        %squeeze3A_605 = vector.extract %slice3A_604[0] : f32 from vector<1xf32>
        %mul3A_606 = vector.broadcast %squeeze3A_605 : f32 to vector<16xf32>
        %mul3A_607 = arith.mulf %get3A_603, %mul3A_606 : vector<16xf32>
        %swap3A_608 = arith.constant 1 : i32
        %swap3A_609 = arith.index_cast %swap3A_608 : i32 to index
        %swap3A_610 = arith.index_cast %add3A_565 : i32 to index
        %swap3A_611 = arith.constant 32 : index
        %swap3A_612 = tpu.vector_load %arg7[%swap3A_609, %swap3A_610, %swap3A_611] {strides = array<i32>} : memref<2x80x128xf32, #tpu.memory_space<vmem>>, vector<16xf32>,
        tpu.vector_store %arg7[%swap3A_609, %swap3A_610, %swap3A_611], %mul3A_607 {strides = array<i32>} : memref<2x80x128xf32, #tpu.memory_space<vmem>>, vector<16xf32>,
        %get3A_613 = arith.constant 1 : i32
        %get3A_614 = arith.index_cast %get3A_613 : i32 to index
        %get3A_615 = arith.index_cast %add3A_565 : i32 to index
        %get3A_616 = arith.constant 48 : index
        %get3A_617 = tpu.vector_load %arg7[%get3A_614, %get3A_615, %get3A_616] {strides = array<i32>} : memref<2x80x128xf32, #tpu.memory_space<vmem>>, vector<16xf32>,
        %slice3A_618 = vector.extract_strided_slice %get3A_570 {offsets = [3], sizes = [1], strides = [1]} : vector<16xf32> to vector<1xf32>
        %squeeze3A_619 = vector.extract %slice3A_618[0] : f32 from vector<1xf32>
        %mul3A_620 = vector.broadcast %squeeze3A_619 : f32 to vector<16xf32>
        %mul3A_621 = arith.mulf %get3A_617, %mul3A_620 : vector<16xf32>
        %swap3A_622 = arith.constant 1 : i32
        %swap3A_623 = arith.index_cast %swap3A_622 : i32 to index
        %swap3A_624 = arith.index_cast %add3A_565 : i32 to index
        %swap3A_625 = arith.constant 48 : index
        %swap3A_626 = tpu.vector_load %arg7[%swap3A_623, %swap3A_624, %swap3A_625] {strides = array<i32>} : memref<2x80x128xf32, #tpu.memory_space<vmem>>, vector<16xf32>,
        tpu.vector_store %arg7[%swap3A_623, %swap3A_624, %swap3A_625], %mul3A_621 {strides = array<i32>} : memref<2x80x128xf32, #tpu.memory_space<vmem>>, vector<16xf32>,
        %get3A_627 = arith.constant 1 : i32
        %get3A_628 = arith.index_cast %get3A_627 : i32 to index
        %get3A_629 = arith.index_cast %add3A_565 : i32 to index
        %get3A_630 = arith.constant 64 : index
        %get3A_631 = tpu.vector_load %arg7[%get3A_628, %get3A_629, %get3A_630] {strides = array<i32>} : memref<2x80x128xf32, #tpu.memory_space<vmem>>, vector<16xf32>,
        %slice3A_632 = vector.extract_strided_slice %get3A_570 {offsets = [4], sizes = [1], strides = [1]} : vector<16xf32> to vector<1xf32>
        %squeeze3A_633 = vector.extract %slice3A_632[0] : f32 from vector<1xf32>
        %mul3A_634 = vector.broadcast %squeeze3A_633 : f32 to vector<16xf32>
        %mul3A_635 = arith.mulf %get3A_631, %mul3A_634 : vector<16xf32>
        %swap3A_636 = arith.constant 1 : i32
        %swap3A_637 = arith.index_cast %swap3A_636 : i32 to index
        %swap3A_638 = arith.index_cast %add3A_565 : i32 to index
        %swap3A_639 = arith.constant 64 : index
        %swap3A_640 = tpu.vector_load %arg7[%swap3A_637, %swap3A_638, %swap3A_639] {strides = array<i32>} : memref<2x80x128xf32, #tpu.memory_space<vmem>>, vector<16xf32>,
        tpu.vector_store %arg7[%swap3A_637, %swap3A_638, %swap3A_639], %mul3A_635 {strides = array<i32>} : memref<2x80x128xf32, #tpu.memory_space<vmem>>, vector<16xf32>,
        %get3A_641 = arith.constant 1 : i32
        %get3A_642 = arith.index_cast %get3A_641 : i32 to index
        %get3A_643 = arith.index_cast %add3A_565 : i32 to index
        %get3A_644 = arith.constant 80 : index
        %get3A_645 = tpu.vector_load %arg7[%get3A_642, %get3A_643, %get3A_644] {strides = array<i32>} : memref<2x80x128xf32, #tpu.memory_space<vmem>>, vector<16xf32>,
        %slice3A_646 = vector.extract_strided_slice %get3A_570 {offsets = [5], sizes = [1], strides = [1]} : vector<16xf32> to vector<1xf32>
        %squeeze3A_647 = vector.extract %slice3A_646[0] : f32 from vector<1xf32>
        %mul3A_648 = vector.broadcast %squeeze3A_647 : f32 to vector<16xf32>
        %mul3A_649 = arith.mulf %get3A_645, %mul3A_648 : vector<16xf32>
        %swap3A_650 = arith.constant 1 : i32
        %swap3A_651 = arith.index_cast %swap3A_650 : i32 to index
        %swap3A_652 = arith.index_cast %add3A_565 : i32 to index
        %swap3A_653 = arith.constant 80 : index
        %swap3A_654 = tpu.vector_load %arg7[%swap3A_651, %swap3A_652, %swap3A_653] {strides = array<i32>} : memref<2x80x128xf32, #tpu.memory_space<vmem>>, vector<16xf32>,
        tpu.vector_store %arg7[%swap3A_651, %swap3A_652, %swap3A_653], %mul3A_649 {strides = array<i32>} : memref<2x80x128xf32, #tpu.memory_space<vmem>>, vector<16xf32>,
        %get3A_655 = arith.constant 1 : i32
        %get3A_656 = arith.index_cast %get3A_655 : i32 to index
        %get3A_657 = arith.index_cast %add3A_565 : i32 to index
        %get3A_658 = arith.constant 96 : index
        %get3A_659 = tpu.vector_load %arg7[%get3A_656, %get3A_657, %get3A_658] {strides = array<i32>} : memref<2x80x128xf32, #tpu.memory_space<vmem>>, vector<16xf32>,
        %slice3A_660 = vector.extract_strided_slice %get3A_570 {offsets = [6], sizes = [1], strides = [1]} : vector<16xf32> to vector<1xf32>
        %squeeze3A_661 = vector.extract %slice3A_660[0] : f32 from vector<1xf32>
        %mul3A_662 = vector.broadcast %squeeze3A_661 : f32 to vector<16xf32>
        %mul3A_663 = arith.mulf %get3A_659, %mul3A_662 : vector<16xf32>
        %swap3A_664 = arith.constant 1 : i32
        %swap3A_665 = arith.index_cast %swap3A_664 : i32 to index
        %swap3A_666 = arith.index_cast %add3A_565 : i32 to index
        %swap3A_667 = arith.constant 96 : index
        %swap3A_668 = tpu.vector_load %arg7[%swap3A_665, %swap3A_666, %swap3A_667] {strides = array<i32>} : memref<2x80x128xf32, #tpu.memory_space<vmem>>, vector<16xf32>,
        tpu.vector_store %arg7[%swap3A_665, %swap3A_666, %swap3A_667], %mul3A_663 {strides = array<i32>} : memref<2x80x128xf32, #tpu.memory_space<vmem>>, vector<16xf32>,
        %get3A_669 = arith.constant 1 : i32
        %get3A_670 = arith.index_cast %get3A_669 : i32 to index
        %get3A_671 = arith.index_cast %add3A_565 : i32 to index
        %get3A_672 = arith.constant 112 : index
        %get3A_673 = tpu.vector_load %arg7[%get3A_670, %get3A_671, %get3A_672] {strides = array<i32>} : memref<2x80x128xf32, #tpu.memory_space<vmem>>, vector<16xf32>,
        %slice3A_674 = vector.extract_strided_slice %get3A_570 {offsets = [7], sizes = [1], strides = [1]} : vector<16xf32> to vector<1xf32>
        %squeeze3A_675 = vector.extract %slice3A_674[0] : f32 from vector<1xf32>
        %mul3A_676 = vector.broadcast %squeeze3A_675 : f32 to vector<16xf32>
        %mul3A_677 = arith.mulf %get3A_673, %mul3A_676 : vector<16xf32>
        %swap3A_678 = arith.constant 1 : i32
        %swap3A_679 = arith.index_cast %swap3A_678 : i32 to index
        %swap3A_680 = arith.index_cast %add3A_565 : i32 to index
        %swap3A_681 = arith.constant 112 : index
        %swap3A_682 = tpu.vector_load %arg7[%swap3A_679, %swap3A_680, %swap3A_681] {strides = array<i32>} : memref<2x80x128xf32, #tpu.memory_space<vmem>>, vector<16xf32>,
        tpu.vector_store %arg7[%swap3A_679, %swap3A_680, %swap3A_681], %mul3A_677 {strides = array<i32>} : memref<2x80x128xf32, #tpu.memory_space<vmem>>, vector<16xf32>,
        %scan3A_683 = arith.constant 2 : i32
        %scan3A_684 = arith.addi %scan3A_442, %scan3A_683 : i32
        %mul3A_685 = arith.constant 1 : i32
        %mul3A_686 = arith.muli %scan3A_684, %mul3A_685 : i32
        %add3A_687 = arith.constant 0 : i32
        %add3A_688 = arith.addi %add3A_687, %mul3A_686 : i32
        %get3A_689 = arith.constant 1 : i32
        %get3A_690 = arith.index_cast %get3A_689 : i32 to index
        %get3A_691 = arith.index_cast %add3A_688 : i32 to index
        %get3A_692 = arith.constant 0 : index
        %get3A_693 = tpu.vector_load %arg8[%get3A_690, %get3A_691, %get3A_692] {strides = array<i32>} : memref<2x80x16xf32, #tpu.memory_space<vmem>>, vector<16xf32>,
        %get3A_694 = arith.constant 1 : i32
        %get3A_695 = arith.index_cast %get3A_694 : i32 to index
        %get3A_696 = arith.index_cast %add3A_688 : i32 to index
        %get3A_697 = arith.constant 0 : index
        %get3A_698 = tpu.vector_load %arg7[%get3A_695, %get3A_696, %get3A_697] {strides = array<i32>} : memref<2x80x128xf32, #tpu.memory_space<vmem>>, vector<16xf32>,
        %slice3A_699 = vector.extract_strided_slice %get3A_693 {offsets = [0], sizes = [1], strides = [1]} : vector<16xf32> to vector<1xf32>
        %squeeze3A_700 = vector.extract %slice3A_699[0] : f32 from vector<1xf32>
        %mul3A_701 = vector.broadcast %squeeze3A_700 : f32 to vector<16xf32>
        %mul3A_702 = arith.mulf %get3A_698, %mul3A_701 : vector<16xf32>
        %swap3A_703 = arith.constant 1 : i32
        %swap3A_704 = arith.index_cast %swap3A_703 : i32 to index
        %swap3A_705 = arith.index_cast %add3A_688 : i32 to index
        %swap3A_706 = arith.constant 0 : index
        %swap3A_707 = tpu.vector_load %arg7[%swap3A_704, %swap3A_705, %swap3A_706] {strides = array<i32>} : memref<2x80x128xf32, #tpu.memory_space<vmem>>, vector<16xf32>,
        tpu.vector_store %arg7[%swap3A_704, %swap3A_705, %swap3A_706], %mul3A_702 {strides = array<i32>} : memref<2x80x128xf32, #tpu.memory_space<vmem>>, vector<16xf32>,
        %get3A_708 = arith.constant 1 : i32
        %get3A_709 = arith.index_cast %get3A_708 : i32 to index
        %get3A_710 = arith.index_cast %add3A_688 : i32 to index
        %get3A_711 = arith.constant 16 : index
        %get3A_712 = tpu.vector_load %arg7[%get3A_709, %get3A_710, %get3A_711] {strides = array<i32>} : memref<2x80x128xf32, #tpu.memory_space<vmem>>, vector<16xf32>,
        %slice3A_713 = vector.extract_strided_slice %get3A_693 {offsets = [1], sizes = [1], strides = [1]} : vector<16xf32> to vector<1xf32>
        %squeeze3A_714 = vector.extract %slice3A_713[0] : f32 from vector<1xf32>
        %mul3A_715 = vector.broadcast %squeeze3A_714 : f32 to vector<16xf32>
        %mul3A_716 = arith.mulf %get3A_712, %mul3A_715 : vector<16xf32>
        %swap3A_717 = arith.constant 1 : i32
        %swap3A_718 = arith.index_cast %swap3A_717 : i32 to index
        %swap3A_719 = arith.index_cast %add3A_688 : i32 to index
        %swap3A_720 = arith.constant 16 : index
        %swap3A_721 = tpu.vector_load %arg7[%swap3A_718, %swap3A_719, %swap3A_720] {strides = array<i32>} : memref<2x80x128xf32, #tpu.memory_space<vmem>>, vector<16xf32>,
        tpu.vector_store %arg7[%swap3A_718, %swap3A_719, %swap3A_720], %mul3A_716 {strides = array<i32>} : memref<2x80x128xf32, #tpu.memory_space<vmem>>, vector<16xf32>,
        %get3A_722 = arith.constant 1 : i32
        %get3A_723 = arith.index_cast %get3A_722 : i32 to index
        %get3A_724 = arith.index_cast %add3A_688 : i32 to index
        %get3A_725 = arith.constant 32 : index
        %get3A_726 = tpu.vector_load %arg7[%get3A_723, %get3A_724, %get3A_725] {strides = array<i32>} : memref<2x80x128xf32, #tpu.memory_space<vmem>>, vector<16xf32>,
        %slice3A_727 = vector.extract_strided_slice %get3A_693 {offsets = [2], sizes = [1], strides = [1]} : vector<16xf32> to vector<1xf32>
        %squeeze3A_728 = vector.extract %slice3A_727[0] : f32 from vector<1xf32>
        %mul3A_729 = vector.broadcast %squeeze3A_728 : f32 to vector<16xf32>
        %mul3A_730 = arith.mulf %get3A_726, %mul3A_729 : vector<16xf32>
        %swap3A_731 = arith.constant 1 : i32
        %swap3A_732 = arith.index_cast %swap3A_731 : i32 to index
        %swap3A_733 = arith.index_cast %add3A_688 : i32 to index
        %swap3A_734 = arith.constant 32 : index
        %swap3A_735 = tpu.vector_load %arg7[%swap3A_732, %swap3A_733, %swap3A_734] {strides = array<i32>} : memref<2x80x128xf32, #tpu.memory_space<vmem>>, vector<16xf32>,
        tpu.vector_store %arg7[%swap3A_732, %swap3A_733, %swap3A_734], %mul3A_730 {strides = array<i32>} : memref<2x80x128xf32, #tpu.memory_space<vmem>>, vector<16xf32>,
        %get3A_736 = arith.constant 1 : i32
        %get3A_737 = arith.index_cast %get3A_736 : i32 to index
        %get3A_738 = arith.index_cast %add3A_688 : i32 to index
        %get3A_739 = arith.constant 48 : index
        %get3A_740 = tpu.vector_load %arg7[%get3A_737, %get3A_738, %get3A_739] {strides = array<i32>} : memref<2x80x128xf32, #tpu.memory_space<vmem>>, vector<16xf32>,
        %slice3A_741 = vector.extract_strided_slice %get3A_693 {offsets = [3], sizes = [1], strides = [1]} : vector<16xf32> to vector<1xf32>
        %squeeze3A_742 = vector.extract %slice3A_741[0] : f32 from vector<1xf32>
        %mul3A_743 = vector.broadcast %squeeze3A_742 : f32 to vector<16xf32>
        %mul3A_744 = arith.mulf %get3A_740, %mul3A_743 : vector<16xf32>
        %swap3A_745 = arith.constant 1 : i32
        %swap3A_746 = arith.index_cast %swap3A_745 : i32 to index
        %swap3A_747 = arith.index_cast %add3A_688 : i32 to index
        %swap3A_748 = arith.constant 48 : index
        %swap3A_749 = tpu.vector_load %arg7[%swap3A_746, %swap3A_747, %swap3A_748] {strides = array<i32>} : memref<2x80x128xf32, #tpu.memory_space<vmem>>, vector<16xf32>,
        tpu.vector_store %arg7[%swap3A_746, %swap3A_747, %swap3A_748], %mul3A_744 {strides = array<i32>} : memref<2x80x128xf32, #tpu.memory_space<vmem>>, vector<16xf32>,
        %get3A_750 = arith.constant 1 : i32
        %get3A_751 = arith.index_cast %get3A_750 : i32 to index
        %get3A_752 = arith.index_cast %add3A_688 : i32 to index
        %get3A_753 = arith.constant 64 : index
        %get3A_754 = tpu.vector_load %arg7[%get3A_751, %get3A_752, %get3A_753] {strides = array<i32>} : memref<2x80x128xf32, #tpu.memory_space<vmem>>, vector<16xf32>,
        %slice3A_755 = vector.extract_strided_slice %get3A_693 {offsets = [4], sizes = [1], strides = [1]} : vector<16xf32> to vector<1xf32>
        %squeeze3A_756 = vector.extract %slice3A_755[0] : f32 from vector<1xf32>
        %mul3A_757 = vector.broadcast %squeeze3A_756 : f32 to vector<16xf32>
        %mul3A_758 = arith.mulf %get3A_754, %mul3A_757 : vector<16xf32>
        %swap3A_759 = arith.constant 1 : i32
        %swap3A_760 = arith.index_cast %swap3A_759 : i32 to index
        %swap3A_761 = arith.index_cast %add3A_688 : i32 to index
        %swap3A_762 = arith.constant 64 : index
        %swap3A_763 = tpu.vector_load %arg7[%swap3A_760, %swap3A_761, %swap3A_762] {strides = array<i32>} : memref<2x80x128xf32, #tpu.memory_space<vmem>>, vector<16xf32>,
        tpu.vector_store %arg7[%swap3A_760, %swap3A_761, %swap3A_762], %mul3A_758 {strides = array<i32>} : memref<2x80x128xf32, #tpu.memory_space<vmem>>, vector<16xf32>,
        %get3A_764 = arith.constant 1 : i32
        %get3A_765 = arith.index_cast %get3A_764 : i32 to index
        %get3A_766 = arith.index_cast %add3A_688 : i32 to index
        %get3A_767 = arith.constant 80 : index
        %get3A_768 = tpu.vector_load %arg7[%get3A_765, %get3A_766, %get3A_767] {strides = array<i32>} : memref<2x80x128xf32, #tpu.memory_space<vmem>>, vector<16xf32>,
        %slice3A_769 = vector.extract_strided_slice %get3A_693 {offsets = [5], sizes = [1], strides = [1]} : vector<16xf32> to vector<1xf32>
        %squeeze3A_770 = vector.extract %slice3A_769[0] : f32 from vector<1xf32>
        %mul3A_771 = vector.broadcast %squeeze3A_770 : f32 to vector<16xf32>
        %mul3A_772 = arith.mulf %get3A_768, %mul3A_771 : vector<16xf32>
        %swap3A_773 = arith.constant 1 : i32
        %swap3A_774 = arith.index_cast %swap3A_773 : i32 to index
        %swap3A_775 = arith.index_cast %add3A_688 : i32 to index
        %swap3A_776 = arith.constant 80 : index
        %swap3A_777 = tpu.vector_load %arg7[%swap3A_774, %swap3A_775, %swap3A_776] {strides = array<i32>} : memref<2x80x128xf32, #tpu.memory_space<vmem>>, vector<16xf32>,
        tpu.vector_store %arg7[%swap3A_774, %swap3A_775, %swap3A_776], %mul3A_772 {strides = array<i32>} : memref<2x80x128xf32, #tpu.memory_space<vmem>>, vector<16xf32>,
        %get3A_778 = arith.constant 1 : i32
        %get3A_779 = arith.index_cast %get3A_778 : i32 to index
        %get3A_780 = arith.index_cast %add3A_688 : i32 to index
        %get3A_781 = arith.constant 96 : index
        %get3A_782 = tpu.vector_load %arg7[%get3A_779, %get3A_780, %get3A_781] {strides = array<i32>} : memref<2x80x128xf32, #tpu.memory_space<vmem>>, vector<16xf32>,
        %slice3A_783 = vector.extract_strided_slice %get3A_693 {offsets = [6], sizes = [1], strides = [1]} : vector<16xf32> to vector<1xf32>
        %squeeze3A_784 = vector.extract %slice3A_783[0] : f32 from vector<1xf32>
        %mul3A_785 = vector.broadcast %squeeze3A_784 : f32 to vector<16xf32>
        %mul3A_786 = arith.mulf %get3A_782, %mul3A_785 : vector<16xf32>
        %swap3A_787 = arith.constant 1 : i32
        %swap3A_788 = arith.index_cast %swap3A_787 : i32 to index
        %swap3A_789 = arith.index_cast %add3A_688 : i32 to index
        %swap3A_790 = arith.constant 96 : index
        %swap3A_791 = tpu.vector_load %arg7[%swap3A_788, %swap3A_789, %swap3A_790] {strides = array<i32>} : memref<2x80x128xf32, #tpu.memory_space<vmem>>, vector<16xf32>,
        tpu.vector_store %arg7[%swap3A_788, %swap3A_789, %swap3A_790], %mul3A_786 {strides = array<i32>} : memref<2x80x128xf32, #tpu.memory_space<vmem>>, vector<16xf32>,
        %get3A_792 = arith.constant 1 : i32
        %get3A_793 = arith.index_cast %get3A_792 : i32 to index
        %get3A_794 = arith.index_cast %add3A_688 : i32 to index
        %get3A_795 = arith.constant 112 : index
        %get3A_796 = tpu.vector_load %arg7[%get3A_793, %get3A_794, %get3A_795] {strides = array<i32>} : memref<2x80x128xf32, #tpu.memory_space<vmem>>, vector<16xf32>,
        %slice3A_797 = vector.extract_strided_slice %get3A_693 {offsets = [7], sizes = [1], strides = [1]} : vector<16xf32> to vector<1xf32>
        %squeeze3A_798 = vector.extract %slice3A_797[0] : f32 from vector<1xf32>
        %mul3A_799 = vector.broadcast %squeeze3A_798 : f32 to vector<16xf32>
        %mul3A_800 = arith.mulf %get3A_796, %mul3A_799 : vector<16xf32>
        %swap3A_801 = arith.constant 1 : i32
        %swap3A_802 = arith.index_cast %swap3A_801 : i32 to index
        %swap3A_803 = arith.index_cast %add3A_688 : i32 to index
        %swap3A_804 = arith.constant 112 : index
        %swap3A_805 = tpu.vector_load %arg7[%swap3A_802, %swap3A_803, %swap3A_804] {strides = array<i32>} : memref<2x80x128xf32, #tpu.memory_space<vmem>>, vector<16xf32>,
        tpu.vector_store %arg7[%swap3A_802, %swap3A_803, %swap3A_804], %mul3A_800 {strides = array<i32>} : memref<2x80x128xf32, #tpu.memory_space<vmem>>, vector<16xf32>,
        %scan3A_806 = arith.constant 3 : i32
        %scan3A_807 = arith.addi %scan3A_442, %scan3A_806 : i32
        %mul3A_808 = arith.constant 1 : i32
        %mul3A_809 = arith.muli %scan3A_807, %mul3A_808 : i32
        %add3A_810 = arith.constant 0 : i32
        %add3A_811 = arith.addi %add3A_810, %mul3A_809 : i32
        %get3A_812 = arith.constant 1 : i32
        %get3A_813 = arith.index_cast %get3A_812 : i32 to index
        %get3A_814 = arith.index_cast %add3A_811 : i32 to index
        %get3A_815 = arith.constant 0 : index
        %get3A_816 = tpu.vector_load %arg8[%get3A_813, %get3A_814, %get3A_815] {strides = array<i32>} : memref<2x80x16xf32, #tpu.memory_space<vmem>>, vector<16xf32>,
        %get3A_817 = arith.constant 1 : i32
        %get3A_818 = arith.index_cast %get3A_817 : i32 to index
        %get3A_819 = arith.index_cast %add3A_811 : i32 to index
        %get3A_820 = arith.constant 0 : index
        %get3A_821 = tpu.vector_load %arg7[%get3A_818, %get3A_819, %get3A_820] {strides = array<i32>} : memref<2x80x128xf32, #tpu.memory_space<vmem>>, vector<16xf32>,
        %slice3A_822 = vector.extract_strided_slice %get3A_816 {offsets = [0], sizes = [1], strides = [1]} : vector<16xf32> to vector<1xf32>
        %squeeze3A_823 = vector.extract %slice3A_822[0] : f32 from vector<1xf32>
        %mul3A_824 = vector.broadcast %squeeze3A_823 : f32 to vector<16xf32>
        %mul3A_825 = arith.mulf %get3A_821, %mul3A_824 : vector<16xf32>
        %swap3A_826 = arith.constant 1 : i32
        %swap3A_827 = arith.index_cast %swap3A_826 : i32 to index
        %swap3A_828 = arith.index_cast %add3A_811 : i32 to index
        %swap3A_829 = arith.constant 0 : index
        %swap3A_830 = tpu.vector_load %arg7[%swap3A_827, %swap3A_828, %swap3A_829] {strides = array<i32>} : memref<2x80x128xf32, #tpu.memory_space<vmem>>, vector<16xf32>,
        tpu.vector_store %arg7[%swap3A_827, %swap3A_828, %swap3A_829], %mul3A_825 {strides = array<i32>} : memref<2x80x128xf32, #tpu.memory_space<vmem>>, vector<16xf32>,
        %get3A_831 = arith.constant 1 : i32
        %get3A_832 = arith.index_cast %get3A_831 : i32 to index
        %get3A_833 = arith.index_cast %add3A_811 : i32 to index
        %get3A_834 = arith.constant 16 : index
        %get3A_835 = tpu.vector_load %arg7[%get3A_832, %get3A_833, %get3A_834] {strides = array<i32>} : memref<2x80x128xf32, #tpu.memory_space<vmem>>, vector<16xf32>,
        %slice3A_836 = vector.extract_strided_slice %get3A_816 {offsets = [1], sizes = [1], strides = [1]} : vector<16xf32> to vector<1xf32>
        %squeeze3A_837 = vector.extract %slice3A_836[0] : f32 from vector<1xf32>
        %mul3A_838 = vector.broadcast %squeeze3A_837 : f32 to vector<16xf32>
        %mul3A_839 = arith.mulf %get3A_835, %mul3A_838 : vector<16xf32>
        %swap3A_840 = arith.constant 1 : i32
        %swap3A_841 = arith.index_cast %swap3A_840 : i32 to index
        %swap3A_842 = arith.index_cast %add3A_811 : i32 to index
        %swap3A_843 = arith.constant 16 : index
        %swap3A_844 = tpu.vector_load %arg7[%swap3A_841, %swap3A_842, %swap3A_843] {strides = array<i32>} : memref<2x80x128xf32, #tpu.memory_space<vmem>>, vector<16xf32>,
        tpu.vector_store %arg7[%swap3A_841, %swap3A_842, %swap3A_843], %mul3A_839 {strides = array<i32>} : memref<2x80x128xf32, #tpu.memory_space<vmem>>, vector<16xf32>,
        %get3A_845 = arith.constant 1 : i32
        %get3A_846 = arith.index_cast %get3A_845 : i32 to index
        %get3A_847 = arith.index_cast %add3A_811 : i32 to index
        %get3A_848 = arith.constant 32 : index
        %get3A_849 = tpu.vector_load %arg7[%get3A_846, %get3A_847, %get3A_848] {strides = array<i32>} : memref<2x80x128xf32, #tpu.memory_space<vmem>>, vector<16xf32>,
        %slice3A_850 = vector.extract_strided_slice %get3A_816 {offsets = [2], sizes = [1], strides = [1]} : vector<16xf32> to vector<1xf32>
        %squeeze3A_851 = vector.extract %slice3A_850[0] : f32 from vector<1xf32>
        %mul3A_852 = vector.broadcast %squeeze3A_851 : f32 to vector<16xf32>
        %mul3A_853 = arith.mulf %get3A_849, %mul3A_852 : vector<16xf32>
        %swap3A_854 = arith.constant 1 : i32
        %swap3A_855 = arith.index_cast %swap3A_854 : i32 to index
        %swap3A_856 = arith.index_cast %add3A_811 : i32 to index
        %swap3A_857 = arith.constant 32 : index
        %swap3A_858 = tpu.vector_load %arg7[%swap3A_855, %swap3A_856, %swap3A_857] {strides = array<i32>} : memref<2x80x128xf32, #tpu.memory_space<vmem>>, vector<16xf32>,
        tpu.vector_store %arg7[%swap3A_855, %swap3A_856, %swap3A_857], %mul3A_853 {strides = array<i32>} : memref<2x80x128xf32, #tpu.memory_space<vmem>>, vector<16xf32>,
        %get3A_859 = arith.constant 1 : i32
        %get3A_860 = arith.index_cast %get3A_859 : i32 to index
        %get3A_861 = arith.index_cast %add3A_811 : i32 to index
        %get3A_862 = arith.constant 48 : index
        %get3A_863 = tpu.vector_load %arg7[%get3A_860, %get3A_861, %get3A_862] {strides = array<i32>} : memref<2x80x128xf32, #tpu.memory_space<vmem>>, vector<16xf32>,
        %slice3A_864 = vector.extract_strided_slice %get3A_816 {offsets = [3], sizes = [1], strides = [1]} : vector<16xf32> to vector<1xf32>
        %squeeze3A_865 = vector.extract %slice3A_864[0] : f32 from vector<1xf32>
        %mul3A_866 = vector.broadcast %squeeze3A_865 : f32 to vector<16xf32>
        %mul3A_867 = arith.mulf %get3A_863, %mul3A_866 : vector<16xf32>
        %swap3A_868 = arith.constant 1 : i32
        %swap3A_869 = arith.index_cast %swap3A_868 : i32 to index
        %swap3A_870 = arith.index_cast %add3A_811 : i32 to index
        %swap3A_871 = arith.constant 48 : index
        %swap3A_872 = tpu.vector_load %arg7[%swap3A_869, %swap3A_870, %swap3A_871] {strides = array<i32>} : memref<2x80x128xf32, #tpu.memory_space<vmem>>, vector<16xf32>,
        tpu.vector_store %arg7[%swap3A_869, %swap3A_870, %swap3A_871], %mul3A_867 {strides = array<i32>} : memref<2x80x128xf32, #tpu.memory_space<vmem>>, vector<16xf32>,
        %get3A_873 = arith.constant 1 : i32
        %get3A_874 = arith.index_cast %get3A_873 : i32 to index
        %get3A_875 = arith.index_cast %add3A_811 : i32 to index
        %get3A_876 = arith.constant 64 : index
        %get3A_877 = tpu.vector_load %arg7[%get3A_874, %get3A_875, %get3A_876] {strides = array<i32>} : memref<2x80x128xf32, #tpu.memory_space<vmem>>, vector<16xf32>,
        %slice3A_878 = vector.extract_strided_slice %get3A_816 {offsets = [4], sizes = [1], strides = [1]} : vector<16xf32> to vector<1xf32>
        %squeeze3A_879 = vector.extract %slice3A_878[0] : f32 from vector<1xf32>
        %mul3A_880 = vector.broadcast %squeeze3A_879 : f32 to vector<16xf32>
        %mul3A_881 = arith.mulf %get3A_877, %mul3A_880 : vector<16xf32>
        %swap3A_882 = arith.constant 1 : i32
        %swap3A_883 = arith.index_cast %swap3A_882 : i32 to index
        %swap3A_884 = arith.index_cast %add3A_811 : i32 to index
        %swap3A_885 = arith.constant 64 : index
        %swap3A_886 = tpu.vector_load %arg7[%swap3A_883, %swap3A_884, %swap3A_885] {strides = array<i32>} : memref<2x80x128xf32, #tpu.memory_space<vmem>>, vector<16xf32>,
        tpu.vector_store %arg7[%swap3A_883, %swap3A_884, %swap3A_885], %mul3A_881 {strides = array<i32>} : memref<2x80x128xf32, #tpu.memory_space<vmem>>, vector<16xf32>,
        %get3A_887 = arith.constant 1 : i32
        %get3A_888 = arith.index_cast %get3A_887 : i32 to index
        %get3A_889 = arith.index_cast %add3A_811 : i32 to index
        %get3A_890 = arith.constant 80 : index
        %get3A_891 = tpu.vector_load %arg7[%get3A_888, %get3A_889, %get3A_890] {strides = array<i32>} : memref<2x80x128xf32, #tpu.memory_space<vmem>>, vector<16xf32>,
        %slice3A_892 = vector.extract_strided_slice %get3A_816 {offsets = [5], sizes = [1], strides = [1]} : vector<16xf32> to vector<1xf32>
        %squeeze3A_893 = vector.extract %slice3A_892[0] : f32 from vector<1xf32>
        %mul3A_894 = vector.broadcast %squeeze3A_893 : f32 to vector<16xf32>
        %mul3A_895 = arith.mulf %get3A_891, %mul3A_894 : vector<16xf32>
        %swap3A_896 = arith.constant 1 : i32
        %swap3A_897 = arith.index_cast %swap3A_896 : i32 to index
        %swap3A_898 = arith.index_cast %add3A_811 : i32 to index
        %swap3A_899 = arith.constant 80 : index
        %swap3A_900 = tpu.vector_load %arg7[%swap3A_897, %swap3A_898, %swap3A_899] {strides = array<i32>} : memref<2x80x128xf32, #tpu.memory_space<vmem>>, vector<16xf32>,
        tpu.vector_store %arg7[%swap3A_897, %swap3A_898, %swap3A_899], %mul3A_895 {strides = array<i32>} : memref<2x80x128xf32, #tpu.memory_space<vmem>>, vector<16xf32>,
        %get3A_901 = arith.constant 1 : i32
        %get3A_902 = arith.index_cast %get3A_901 : i32 to index
        %get3A_903 = arith.index_cast %add3A_811 : i32 to index
        %get3A_904 = arith.constant 96 : index
        %get3A_905 = tpu.vector_load %arg7[%get3A_902, %get3A_903, %get3A_904] {strides = array<i32>} : memref<2x80x128xf32, #tpu.memory_space<vmem>>, vector<16xf32>,
        %slice3A_906 = vector.extract_strided_slice %get3A_816 {offsets = [6], sizes = [1], strides = [1]} : vector<16xf32> to vector<1xf32>
        %squeeze3A_907 = vector.extract %slice3A_906[0] : f32 from vector<1xf32>
        %mul3A_908 = vector.broadcast %squeeze3A_907 : f32 to vector<16xf32>
        %mul3A_909 = arith.mulf %get3A_905, %mul3A_908 : vector<16xf32>
        %swap3A_910 = arith.constant 1 : i32
        %swap3A_911 = arith.index_cast %swap3A_910 : i32 to index
        %swap3A_912 = arith.index_cast %add3A_811 : i32 to index
        %swap3A_913 = arith.constant 96 : index
        %swap3A_914 = tpu.vector_load %arg7[%swap3A_911, %swap3A_912, %swap3A_913] {strides = array<i32>} : memref<2x80x128xf32, #tpu.memory_space<vmem>>, vector<16xf32>,
        tpu.vector_store %arg7[%swap3A_911, %swap3A_912, %swap3A_913], %mul3A_909 {strides = array<i32>} : memref<2x80x128xf32, #tpu.memory_space<vmem>>, vector<16xf32>,
        %get3A_915 = arith.constant 1 : i32
        %get3A_916 = arith.index_cast %get3A_915 : i32 to index
        %get3A_917 = arith.index_cast %add3A_811 : i32 to index
        %get3A_918 = arith.constant 112 : index
        %get3A_919 = tpu.vector_load %arg7[%get3A_916, %get3A_917, %get3A_918] {strides = array<i32>} : memref<2x80x128xf32, #tpu.memory_space<vmem>>, vector<16xf32>,
        %slice3A_920 = vector.extract_strided_slice %get3A_816 {offsets = [7], sizes = [1], strides = [1]} : vector<16xf32> to vector<1xf32>
        %squeeze3A_921 = vector.extract %slice3A_920[0] : f32 from vector<1xf32>
        %mul3A_922 = vector.broadcast %squeeze3A_921 : f32 to vector<16xf32>
        %mul3A_923 = arith.mulf %get3A_919, %mul3A_922 : vector<16xf32>
        %swap3A_924 = arith.constant 1 : i32
        %swap3A_925 = arith.index_cast %swap3A_924 : i32 to index
        %swap3A_926 = arith.index_cast %add3A_811 : i32 to index
        %swap3A_927 = arith.constant 112 : index
        %swap3A_928 = tpu.vector_load %arg7[%swap3A_925, %swap3A_926, %swap3A_927] {strides = array<i32>} : memref<2x80x128xf32, #tpu.memory_space<vmem>>, vector<16xf32>,
        tpu.vector_store %arg7[%swap3A_925, %swap3A_926, %swap3A_927], %mul3A_923 {strides = array<i32>} : memref<2x80x128xf32, #tpu.memory_space<vmem>>, vector<16xf32>,
      }
      %scan3A_280 = arith.constant 80 : i32
      %dma_wait3A_281 = arith.constant 0 : i32
      %dma_wait3A_282 = arith.constant 0 : i32
      %dma_wait3A_283 = arith.constant 0 : i32
      %dma_wait3A_284 = arith.constant 0 : i32
      %dma_wait3A_285 = tpu.memref_slice %arg7[%dma_wait3A_281, %dma_wait3A_283, %dma_wait3A_284] : memref<2x80x128xf32, #tpu.memory_space<vmem>> -> memref<1x80x128xf32, #tpu.memory_space<vmem>>
      %dma_wait3A_286 = tpu.memref_squeeze %dma_wait3A_285 : memref<1x80x128xf32, #tpu.memory_space<vmem>> -> memref<80x128xf32, #tpu.memory_space<vmem>>
      %dma_wait3A_287 = arith.constant 0 : i32
      %dma_wait3A_288 = tpu.memref_slice %arg9[%dma_wait3A_282, %dma_wait3A_287] : memref<2x80xi32, #tpu.memory_space<vmem>> -> memref<1x80xi32, #tpu.memory_space<vmem>>
      %dma_wait3A_289 = tpu.memref_squeeze %dma_wait3A_288 : memref<1x80xi32, #tpu.memory_space<vmem>> -> memref<80xi32, #tpu.memory_space<vmem>>
      %dma_wait3A_290 = arith.constant 0 : i32
      %dma_wait3A_291 = arith.constant 0 : i32
      %dma_wait3A_292 = tpu.memref_slice %arg10[%dma_wait3A_290, %dma_wait3A_291] : memref<10000x128xf32, #tpu.memory_space<vmem_shared>> -> memref<10000x128xf32, #tpu.memory_space<vmem_shared>>
      tpu.wait_indirect_dma semaphore(%arg12 : memref<!tpu.dma_semaphore, #tpu.memory_space<semaphore_mem>>) src(%dma_wait3A_286 : memref<80x128xf32, #tpu.memory_space<vmem>>) dst(%dma_wait3A_292 : memref<10000x128xf32, #tpu.memory_space<vmem_shared>>)
      %add3A_293 = arith.constant 1 : i32
      %add3A_294 = arith.addi %add3A_225, %add3A_293 : i32
      %mul3A_295 = arith.constant 80 : i32
      %mul3A_296 = arith.muli %add3A_294, %mul3A_295 : i32
      %add3A_297 = arith.addi %mul3A_3, %mul3A_296 : i32
      %multiple_of3A_298 = tpu.assume_multiple %add3A_297, 8 : i32
      %dma_start3A_299 = arith.constant 0 : i32
      %dma_start3A_300 = arith.constant 0 : i32
      %dma_start3A_301 = arith.constant 0 : i32
      %dma_start3A_302 = arith.constant 0 : i32
      %dma_start3A_303 = tpu.memref_slice %arg7[%dma_start3A_299, %dma_start3A_301, %dma_start3A_302] : memref<2x80x128xf32, #tpu.memory_space<vmem>> -> memref<1x80x128xf32, #tpu.memory_space<vmem>>
      %dma_start3A_304 = tpu.memref_squeeze %dma_start3A_303 : memref<1x80x128xf32, #tpu.memory_space<vmem>> -> memref<80x128xf32, #tpu.memory_space<vmem>>
      %dma_start3A_305 = arith.constant 0 : i32
      %dma_start3A_306 = tpu.memref_slice %arg2[%multiple_of3A_298, %dma_start3A_305] : memref<320000x128xf32, #tpu.memory_space<hbm>> -> memref<80x128xf32, #tpu.memory_space<hbm>>
      %dma_start3A_307 = tpu.memref_slice %arg11[%dma_start3A_300] : memref<2x!tpu.dma_semaphore, #tpu.memory_space<semaphore_mem>> -> memref<1x!tpu.dma_semaphore, #tpu.memory_space<semaphore_mem>>
      %dma_start3A_308 = tpu.memref_squeeze %dma_start3A_307 : memref<1x!tpu.dma_semaphore, #tpu.memory_space<semaphore_mem>> -> memref<!tpu.dma_semaphore, #tpu.memory_space<semaphore_mem>>
      %dma_start3A_309 = arith.constant 0 : i32
      %dma_start3A_310 = arith.constant 0 : i32
      %dma_start3A_311 = tpu.memref_slice %arg7[%dma_start3A_299, %dma_start3A_309, %dma_start3A_310] : memref<2x80x128xf32, #tpu.memory_space<vmem>> -> memref<1x80x128xf32, #tpu.memory_space<vmem>>
      %dma_start3A_312 = tpu.memref_squeeze %dma_start3A_311 : memref<1x80x128xf32, #tpu.memory_space<vmem>> -> memref<80x128xf32, #tpu.memory_space<vmem>>
      %dma_start3A_313 = arith.constant 0 : i32
      %dma_start3A_314 = tpu.memref_slice %arg2[%multiple_of3A_298, %dma_start3A_313] : memref<320000x128xf32, #tpu.memory_space<hbm>> -> memref<80x128xf32, #tpu.memory_space<hbm>>
      tpu.enqueue_dma source(%dma_start3A_314 : memref<80x128xf32, #tpu.memory_space<hbm>>) target(%dma_start3A_312 : memref<80x128xf32, #tpu.memory_space<vmem>>) target_semaphore(%dma_start3A_308 : memref<!tpu.dma_semaphore, #tpu.memory_space<semaphore_mem>>)
      %dma_start3A_315 = arith.constant 0 : i32
      %dma_start3A_316 = arith.constant 0 : i32
      %dma_start3A_317 = arith.constant 0 : i32
      %dma_start3A_318 = arith.constant 0 : i32
      %dma_start3A_319 = tpu.memref_slice %arg8[%dma_start3A_315, %dma_start3A_317, %dma_start3A_318] : memref<2x80x16xf32, #tpu.memory_space<vmem>> -> memref<1x80x16xf32, #tpu.memory_space<vmem>>
      %dma_start3A_320 = tpu.memref_squeeze %dma_start3A_319 : memref<1x80x16xf32, #tpu.memory_space<vmem>> -> memref<80x16xf32, #tpu.memory_space<vmem>>
      %dma_start3A_321 = arith.constant 0 : i32
      %dma_start3A_322 = tpu.memref_slice %arg3[%multiple_of3A_298, %dma_start3A_321] : memref<320000x16xf32, #tpu.memory_space<hbm>> -> memref<80x16xf32, #tpu.memory_space<hbm>>
      %dma_start3A_323 = tpu.memref_slice %arg11[%dma_start3A_316] : memref<2x!tpu.dma_semaphore, #tpu.memory_space<semaphore_mem>> -> memref<1x!tpu.dma_semaphore, #tpu.memory_space<semaphore_mem>>
      %dma_start3A_324 = tpu.memref_squeeze %dma_start3A_323 : memref<1x!tpu.dma_semaphore, #tpu.memory_space<semaphore_mem>> -> memref<!tpu.dma_semaphore, #tpu.memory_space<semaphore_mem>>
      %dma_start3A_325 = arith.constant 0 : i32
      %dma_start3A_326 = arith.constant 0 : i32
      %dma_start3A_327 = tpu.memref_slice %arg8[%dma_start3A_315, %dma_start3A_325, %dma_start3A_326] : memref<2x80x16xf32, #tpu.memory_space<vmem>> -> memref<1x80x16xf32, #tpu.memory_space<vmem>>
      %dma_start3A_328 = tpu.memref_squeeze %dma_start3A_327 : memref<1x80x16xf32, #tpu.memory_space<vmem>> -> memref<80x16xf32, #tpu.memory_space<vmem>>
      %dma_start3A_329 = arith.constant 0 : i32
      %dma_start3A_330 = tpu.memref_slice %arg3[%multiple_of3A_298, %dma_start3A_329] : memref<320000x16xf32, #tpu.memory_space<hbm>> -> memref<80x16xf32, #tpu.memory_space<hbm>>
      tpu.enqueue_dma source(%dma_start3A_330 : memref<80x16xf32, #tpu.memory_space<hbm>>) target(%dma_start3A_328 : memref<80x16xf32, #tpu.memory_space<vmem>>) target_semaphore(%dma_start3A_324 : memref<!tpu.dma_semaphore, #tpu.memory_space<semaphore_mem>>)
      %dma_start3A_331 = arith.constant 0 : i32
      %dma_start3A_332 = arith.constant 0 : i32
      %dma_start3A_333 = arith.constant 0 : i32
      %dma_start3A_334 = tpu.memref_slice %arg9[%dma_start3A_331, %dma_start3A_333] : memref<2x80xi32, #tpu.memory_space<vmem>> -> memref<1x80xi32, #tpu.memory_space<vmem>>
      %dma_start3A_335 = tpu.memref_squeeze %dma_start3A_334 : memref<1x80xi32, #tpu.memory_space<vmem>> -> memref<80xi32, #tpu.memory_space<vmem>>
      %dma_start3A_336 = tpu.memref_slice %arg4[%multiple_of3A_298] : memref<320000xi32, #tpu.memory_space<hbm>> -> memref<80xi32, #tpu.memory_space<hbm>>
      %dma_start3A_337 = tpu.memref_slice %arg11[%dma_start3A_332] : memref<2x!tpu.dma_semaphore, #tpu.memory_space<semaphore_mem>> -> memref<1x!tpu.dma_semaphore, #tpu.memory_space<semaphore_mem>>
      %dma_start3A_338 = tpu.memref_squeeze %dma_start3A_337 : memref<1x!tpu.dma_semaphore, #tpu.memory_space<semaphore_mem>> -> memref<!tpu.dma_semaphore, #tpu.memory_space<semaphore_mem>>
      %dma_start3A_339 = arith.constant 0 : i32
      %dma_start3A_340 = tpu.memref_slice %arg9[%dma_start3A_331, %dma_start3A_339] : memref<2x80xi32, #tpu.memory_space<vmem>> -> memref<1x80xi32, #tpu.memory_space<vmem>>
      %dma_start3A_341 = tpu.memref_squeeze %dma_start3A_340 : memref<1x80xi32, #tpu.memory_space<vmem>> -> memref<80xi32, #tpu.memory_space<vmem>>
      %dma_start3A_342 = tpu.memref_slice %arg4[%multiple_of3A_298] : memref<320000xi32, #tpu.memory_space<hbm>> -> memref<80xi32, #tpu.memory_space<hbm>>
      tpu.enqueue_dma source(%dma_start3A_342 : memref<80xi32, #tpu.memory_space<hbm>>) target(%dma_start3A_341 : memref<80xi32, #tpu.memory_space<vmem>>) target_semaphore(%dma_start3A_338 : memref<!tpu.dma_semaphore, #tpu.memory_space<semaphore_mem>>)
      %dma_start3A_343 = arith.constant 1 : i32
      %dma_start3A_344 = arith.constant 1 : i32
      %dma_start3A_345 = arith.constant 0 : i32
      %dma_start3A_346 = arith.constant 0 : i32
      %dma_start3A_347 = tpu.memref_slice %arg7[%dma_start3A_343, %dma_start3A_345, %dma_start3A_346] : memref<2x80x128xf32, #tpu.memory_space<vmem>> -> memref<1x80x128xf32, #tpu.memory_space<vmem>>
      %dma_start3A_348 = tpu.memref_squeeze %dma_start3A_347 : memref<1x80x128xf32, #tpu.memory_space<vmem>> -> memref<80x128xf32, #tpu.memory_space<vmem>>
      %dma_start3A_349 = arith.constant 0 : i32
      %dma_start3A_350 = tpu.memref_slice %arg9[%dma_start3A_344, %dma_start3A_349] : memref<2x80xi32, #tpu.memory_space<vmem>> -> memref<1x80xi32, #tpu.memory_space<vmem>>
      %dma_start3A_351 = tpu.memref_squeeze %dma_start3A_350 : memref<1x80xi32, #tpu.memory_space<vmem>> -> memref<80xi32, #tpu.memory_space<vmem>>
      %dma_start3A_352 = arith.constant 0 : i32
      %dma_start3A_353 = arith.constant 0 : i32
      %dma_start3A_354 = tpu.memref_slice %arg10[%dma_start3A_352, %dma_start3A_353] : memref<10000x128xf32, #tpu.memory_space<vmem_shared>> -> memref<10000x128xf32, #tpu.memory_space<vmem_shared>>
      tpu.enqueue_indirect_dma source(%dma_start3A_348 : memref<80x128xf32, #tpu.memory_space<vmem>>) target(%dma_start3A_354 : memref<10000x128xf32, #tpu.memory_space<vmem_shared>>) offsets(%dma_start3A_351 : memref<80xi32, #tpu.memory_space<vmem>>) semaphore(%arg12 : memref<!tpu.dma_semaphore, #tpu.memory_space<semaphore_mem>>) {add = true}
      %mul3A_355 = arith.constant 2 : i32
      %mul3A_356 = arith.muli %mul3A_355, %add3A_221 : i32
      %add3A_357 = arith.constant 2 : i32
      %add3A_358 = arith.addi %mul3A_356, %add3A_357 : i32
      %dma_wait3A_359 = arith.constant 0 : i32
      %dma_wait3A_360 = arith.constant 0 : i32
      %dma_wait3A_361 = arith.constant 0 : i32
      %dma_wait3A_362 = arith.constant 0 : i32
      %dma_wait3A_363 = tpu.memref_slice %arg7[%dma_wait3A_359, %dma_wait3A_361, %dma_wait3A_362] : memref<2x80x128xf32, #tpu.memory_space<vmem>> -> memref<1x80x128xf32, #tpu.memory_space<vmem>>
      %dma_wait3A_364 = tpu.memref_squeeze %dma_wait3A_363 : memref<1x80x128xf32, #tpu.memory_space<vmem>> -> memref<80x128xf32, #tpu.memory_space<vmem>>
      %dma_wait3A_365 = arith.constant 0 : i32
      %dma_wait3A_366 = arith.constant 0 : i32
      %dma_wait3A_367 = tpu.memref_slice %arg2[%dma_wait3A_365, %dma_wait3A_366] : memref<320000x128xf32, #tpu.memory_space<hbm>> -> memref<80x128xf32, #tpu.memory_space<hbm>>
      %dma_wait3A_368 = tpu.memref_slice %arg11[%dma_wait3A_360] : memref<2x!tpu.dma_semaphore, #tpu.memory_space<semaphore_mem>> -> memref<1x!tpu.dma_semaphore, #tpu.memory_space<semaphore_mem>>
      %dma_wait3A_369 = tpu.memref_squeeze %dma_wait3A_368 : memref<1x!tpu.dma_semaphore, #tpu.memory_space<semaphore_mem>> -> memref<!tpu.dma_semaphore, #tpu.memory_space<semaphore_mem>>
      %dma_wait3A_370 = arith.constant 0 : i32
      %dma_wait3A_371 = arith.constant 0 : i32
      %dma_wait3A_372 = tpu.memref_slice %arg7[%dma_wait3A_359, %dma_wait3A_370, %dma_wait3A_371] : memref<2x80x128xf32, #tpu.memory_space<vmem>> -> memref<1x80x128xf32, #tpu.memory_space<vmem>>
      %dma_wait3A_373 = tpu.memref_squeeze %dma_wait3A_372 : memref<1x80x128xf32, #tpu.memory_space<vmem>> -> memref<80x128xf32, #tpu.memory_space<vmem>>
      %dma_wait3A_374 = arith.constant 0 : i32
      %dma_wait3A_375 = arith.constant 0 : i32
      %dma_wait3A_376 = tpu.memref_slice %arg2[%dma_wait3A_374, %dma_wait3A_375] : memref<320000x128xf32, #tpu.memory_space<hbm>> -> memref<80x128xf32, #tpu.memory_space<hbm>>
      tpu.wait_dma2 semaphore(%dma_wait3A_369 : memref<!tpu.dma_semaphore, #tpu.memory_space<semaphore_mem>>) src(%dma_wait3A_376 : memref<80x128xf32, #tpu.memory_space<hbm>>) dst(%dma_wait3A_373 : memref<80x128xf32, #tpu.memory_space<vmem>>)
      %dma_wait3A_377 = arith.constant 0 : i32
      %dma_wait3A_378 = arith.constant 0 : i32
      %dma_wait3A_379 = arith.constant 0 : i32
      %dma_wait3A_380 = arith.constant 0 : i32
      %dma_wait3A_381 = tpu.memref_slice %arg8[%dma_wait3A_377, %dma_wait3A_379, %dma_wait3A_380] : memref<2x80x16xf32, #tpu.memory_space<vmem>> -> memref<1x80x16xf32, #tpu.memory_space<vmem>>
      %dma_wait3A_382 = tpu.memref_squeeze %dma_wait3A_381 : memref<1x80x16xf32, #tpu.memory_space<vmem>> -> memref<80x16xf32, #tpu.memory_space<vmem>>
      %dma_wait3A_383 = arith.constant 0 : i32
      %dma_wait3A_384 = arith.constant 0 : i32
      %dma_wait3A_385 = tpu.memref_slice %arg3[%dma_wait3A_383, %dma_wait3A_384] : memref<320000x16xf32, #tpu.memory_space<hbm>> -> memref<80x16xf32, #tpu.memory_space<hbm>>
      %dma_wait3A_386 = tpu.memref_slice %arg11[%dma_wait3A_378] : memref<2x!tpu.dma_semaphore, #tpu.memory_space<semaphore_mem>> -> memref<1x!tpu.dma_semaphore, #tpu.memory_space<semaphore_mem>>
      %dma_wait3A_387 = tpu.memref_squeeze %dma_wait3A_386 : memref<1x!tpu.dma_semaphore, #tpu.memory_space<semaphore_mem>> -> memref<!tpu.dma_semaphore, #tpu.memory_space<semaphore_mem>>
      %dma_wait3A_388 = arith.constant 0 : i32
      %dma_wait3A_389 = arith.constant 0 : i32
      %dma_wait3A_390 = tpu.memref_slice %arg8[%dma_wait3A_377, %dma_wait3A_388, %dma_wait3A_389] : memref<2x80x16xf32, #tpu.memory_space<vmem>> -> memref<1x80x16xf32, #tpu.memory_space<vmem>>
      %dma_wait3A_391 = tpu.memref_squeeze %dma_wait3A_390 : memref<1x80x16xf32, #tpu.memory_space<vmem>> -> memref<80x16xf32, #tpu.memory_space<vmem>>
      %dma_wait3A_392 = arith.constant 0 : i32
      %dma_wait3A_393 = arith.constant 0 : i32
      %dma_wait3A_394 = tpu.memref_slice %arg3[%dma_wait3A_392, %dma_wait3A_393] : memref<320000x16xf32, #tpu.memory_space<hbm>> -> memref<80x16xf32, #tpu.memory_space<hbm>>
      tpu.wait_dma2 semaphore(%dma_wait3A_387 : memref<!tpu.dma_semaphore, #tpu.memory_space<semaphore_mem>>) src(%dma_wait3A_394 : memref<80x16xf32, #tpu.memory_space<hbm>>) dst(%dma_wait3A_391 : memref<80x16xf32, #tpu.memory_space<vmem>>)
      %dma_wait3A_395 = arith.constant 0 : i32
      %dma_wait3A_396 = arith.constant 0 : i32
      %dma_wait3A_397 = arith.constant 0 : i32
      %dma_wait3A_398 = tpu.memref_slice %arg9[%dma_wait3A_395, %dma_wait3A_397] : memref<2x80xi32, #tpu.memory_space<vmem>> -> memref<1x80xi32, #tpu.memory_space<vmem>>
      %dma_wait3A_399 = tpu.memref_squeeze %dma_wait3A_398 : memref<1x80xi32, #tpu.memory_space<vmem>> -> memref<80xi32, #tpu.memory_space<vmem>>
      %dma_wait3A_400 = arith.constant 0 : i32
      %dma_wait3A_401 = tpu.memref_slice %arg4[%dma_wait3A_400] : memref<320000xi32, #tpu.memory_space<hbm>> -> memref<80xi32, #tpu.memory_space<hbm>>
      %dma_wait3A_402 = tpu.memref_slice %arg11[%dma_wait3A_396] : memref<2x!tpu.dma_semaphore, #tpu.memory_space<semaphore_mem>> -> memref<1x!tpu.dma_semaphore, #tpu.memory_space<semaphore_mem>>
      %dma_wait3A_403 = tpu.memref_squeeze %dma_wait3A_402 : memref<1x!tpu.dma_semaphore, #tpu.memory_space<semaphore_mem>> -> memref<!tpu.dma_semaphore, #tpu.memory_space<semaphore_mem>>
      %dma_wait3A_404 = arith.constant 0 : i32
      %dma_wait3A_405 = tpu.memref_slice %arg9[%dma_wait3A_395, %dma_wait3A_404] : memref<2x80xi32, #tpu.memory_space<vmem>> -> memref<1x80xi32, #tpu.memory_space<vmem>>
      %dma_wait3A_406 = tpu.memref_squeeze %dma_wait3A_405 : memref<1x80xi32, #tpu.memory_space<vmem>> -> memref<80xi32, #tpu.memory_space<vmem>>
      %dma_wait3A_407 = arith.constant 0 : i32
      %dma_wait3A_408 = tpu.memref_slice %arg4[%dma_wait3A_407] : memref<320000xi32, #tpu.memory_space<hbm>> -> memref<80xi32, #tpu.memory_space<hbm>>
      tpu.wait_dma2 semaphore(%dma_wait3A_403 : memref<!tpu.dma_semaphore, #tpu.memory_space<semaphore_mem>>) src(%dma_wait3A_408 : memref<80xi32, #tpu.memory_space<hbm>>) dst(%dma_wait3A_406 : memref<80xi32, #tpu.memory_space<vmem>>)
      %scan3A_409 = arith.constant 0 : i32
      %scan3A_410 = arith.constant 80 : i32
      %scan3A_411 = arith.addi %scan3A_409, %scan3A_410 : i32
      %scan3A_412 = arith.constant 4 : i32
      scf.for %scan3A_442 = %scan3A_409 to %scan3A_411 step %scan3A_412  : i32 {
        %mul3A_443 = arith.constant 1 : i32
        %mul3A_444 = arith.muli %scan3A_442, %mul3A_443 : i32
        %add3A_445 = arith.constant 0 : i32
        %add3A_446 = arith.addi %add3A_445, %mul3A_444 : i32
        %get3A = arith.constant 0 : i32
        %get3A_447 = arith.index_cast %get3A : i32 to index
        %get3A_448 = arith.index_cast %add3A_446 : i32 to index
        %get3A_449 = arith.constant 0 : index
        %get3A_450 = tpu.vector_load %arg8[%get3A_447, %get3A_448, %get3A_449] {strides = array<i32>} : memref<2x80x16xf32, #tpu.memory_space<vmem>>, vector<16xf32>,
        %get3A_451 = arith.constant 0 : i32
        %get3A_452 = arith.index_cast %get3A_451 : i32 to index
        %get3A_453 = arith.index_cast %add3A_446 : i32 to index
        %get3A_454 = arith.constant 0 : index
        %get3A_455 = tpu.vector_load %arg7[%get3A_452, %get3A_453, %get3A_454] {strides = array<i32>} : memref<2x80x128xf32, #tpu.memory_space<vmem>>, vector<16xf32>,
        %slice3A = vector.extract_strided_slice %get3A_450 {offsets = [0], sizes = [1], strides = [1]} : vector<16xf32> to vector<1xf32>
        %squeeze3A = vector.extract %slice3A[0] : f32 from vector<1xf32>
        %mul3A_456 = vector.broadcast %squeeze3A : f32 to vector<16xf32>
        %mul3A_457 = arith.mulf %get3A_455, %mul3A_456 : vector<16xf32>
        %swap3A = arith.constant 0 : i32
        %swap3A_458 = arith.index_cast %swap3A : i32 to index
        %swap3A_459 = arith.index_cast %add3A_446 : i32 to index
        %swap3A_460 = arith.constant 0 : index
        %swap3A_461 = tpu.vector_load %arg7[%swap3A_458, %swap3A_459, %swap3A_460] {strides = array<i32>} : memref<2x80x128xf32, #tpu.memory_space<vmem>>, vector<16xf32>,
        tpu.vector_store %arg7[%swap3A_458, %swap3A_459, %swap3A_460], %mul3A_457 {strides = array<i32>} : memref<2x80x128xf32, #tpu.memory_space<vmem>>, vector<16xf32>,
        %get3A_462 = arith.constant 0 : i32
        %get3A_463 = arith.index_cast %get3A_462 : i32 to index
        %get3A_464 = arith.index_cast %add3A_446 : i32 to index
        %get3A_465 = arith.constant 16 : index
        %get3A_466 = tpu.vector_load %arg7[%get3A_463, %get3A_464, %get3A_465] {strides = array<i32>} : memref<2x80x128xf32, #tpu.memory_space<vmem>>, vector<16xf32>,
        %slice3A_467 = vector.extract_strided_slice %get3A_450 {offsets = [1], sizes = [1], strides = [1]} : vector<16xf32> to vector<1xf32>
        %squeeze3A_468 = vector.extract %slice3A_467[0] : f32 from vector<1xf32>
        %mul3A_469 = vector.broadcast %squeeze3A_468 : f32 to vector<16xf32>
        %mul3A_470 = arith.mulf %get3A_466, %mul3A_469 : vector<16xf32>
        %swap3A_471 = arith.constant 0 : i32
        %swap3A_472 = arith.index_cast %swap3A_471 : i32 to index
        %swap3A_473 = arith.index_cast %add3A_446 : i32 to index
        %swap3A_474 = arith.constant 16 : index
        %swap3A_475 = tpu.vector_load %arg7[%swap3A_472, %swap3A_473, %swap3A_474] {strides = array<i32>} : memref<2x80x128xf32, #tpu.memory_space<vmem>>, vector<16xf32>,
        tpu.vector_store %arg7[%swap3A_472, %swap3A_473, %swap3A_474], %mul3A_470 {strides = array<i32>} : memref<2x80x128xf32, #tpu.memory_space<vmem>>, vector<16xf32>,
        %get3A_476 = arith.constant 0 : i32
        %get3A_477 = arith.index_cast %get3A_476 : i32 to index
        %get3A_478 = arith.index_cast %add3A_446 : i32 to index
        %get3A_479 = arith.constant 32 : index
        %get3A_480 = tpu.vector_load %arg7[%get3A_477, %get3A_478, %get3A_479] {strides = array<i32>} : memref<2x80x128xf32, #tpu.memory_space<vmem>>, vector<16xf32>,
        %slice3A_481 = vector.extract_strided_slice %get3A_450 {offsets = [2], sizes = [1], strides = [1]} : vector<16xf32> to vector<1xf32>
        %squeeze3A_482 = vector.extract %slice3A_481[0] : f32 from vector<1xf32>
        %mul3A_483 = vector.broadcast %squeeze3A_482 : f32 to vector<16xf32>
        %mul3A_484 = arith.mulf %get3A_480, %mul3A_483 : vector<16xf32>
        %swap3A_485 = arith.constant 0 : i32
        %swap3A_486 = arith.index_cast %swap3A_485 : i32 to index
        %swap3A_487 = arith.index_cast %add3A_446 : i32 to index
        %swap3A_488 = arith.constant 32 : index
        %swap3A_489 = tpu.vector_load %arg7[%swap3A_486, %swap3A_487, %swap3A_488] {strides = array<i32>} : memref<2x80x128xf32, #tpu.memory_space<vmem>>, vector<16xf32>,
        tpu.vector_store %arg7[%swap3A_486, %swap3A_487, %swap3A_488], %mul3A_484 {strides = array<i32>} : memref<2x80x128xf32, #tpu.memory_space<vmem>>, vector<16xf32>,
        %get3A_490 = arith.constant 0 : i32
        %get3A_491 = arith.index_cast %get3A_490 : i32 to index
        %get3A_492 = arith.index_cast %add3A_446 : i32 to index
        %get3A_493 = arith.constant 48 : index
        %get3A_494 = tpu.vector_load %arg7[%get3A_491, %get3A_492, %get3A_493] {strides = array<i32>} : memref<2x80x128xf32, #tpu.memory_space<vmem>>, vector<16xf32>,
        %slice3A_495 = vector.extract_strided_slice %get3A_450 {offsets = [3], sizes = [1], strides = [1]} : vector<16xf32> to vector<1xf32>
        %squeeze3A_496 = vector.extract %slice3A_495[0] : f32 from vector<1xf32>
        %mul3A_497 = vector.broadcast %squeeze3A_496 : f32 to vector<16xf32>
        %mul3A_498 = arith.mulf %get3A_494, %mul3A_497 : vector<16xf32>
        %swap3A_499 = arith.constant 0 : i32
        %swap3A_500 = arith.index_cast %swap3A_499 : i32 to index
        %swap3A_501 = arith.index_cast %add3A_446 : i32 to index
        %swap3A_502 = arith.constant 48 : index
        %swap3A_503 = tpu.vector_load %arg7[%swap3A_500, %swap3A_501, %swap3A_502] {strides = array<i32>} : memref<2x80x128xf32, #tpu.memory_space<vmem>>, vector<16xf32>,
        tpu.vector_store %arg7[%swap3A_500, %swap3A_501, %swap3A_502], %mul3A_498 {strides = array<i32>} : memref<2x80x128xf32, #tpu.memory_space<vmem>>, vector<16xf32>,
        %get3A_504 = arith.constant 0 : i32
        %get3A_505 = arith.index_cast %get3A_504 : i32 to index
        %get3A_506 = arith.index_cast %add3A_446 : i32 to index
        %get3A_507 = arith.constant 64 : index
        %get3A_508 = tpu.vector_load %arg7[%get3A_505, %get3A_506, %get3A_507] {strides = array<i32>} : memref<2x80x128xf32, #tpu.memory_space<vmem>>, vector<16xf32>,
        %slice3A_509 = vector.extract_strided_slice %get3A_450 {offsets = [4], sizes = [1], strides = [1]} : vector<16xf32> to vector<1xf32>
        %squeeze3A_510 = vector.extract %slice3A_509[0] : f32 from vector<1xf32>
        %mul3A_511 = vector.broadcast %squeeze3A_510 : f32 to vector<16xf32>
        %mul3A_512 = arith.mulf %get3A_508, %mul3A_511 : vector<16xf32>
        %swap3A_513 = arith.constant 0 : i32
        %swap3A_514 = arith.index_cast %swap3A_513 : i32 to index
        %swap3A_515 = arith.index_cast %add3A_446 : i32 to index
        %swap3A_516 = arith.constant 64 : index
        %swap3A_517 = tpu.vector_load %arg7[%swap3A_514, %swap3A_515, %swap3A_516] {strides = array<i32>} : memref<2x80x128xf32, #tpu.memory_space<vmem>>, vector<16xf32>,
        tpu.vector_store %arg7[%swap3A_514, %swap3A_515, %swap3A_516], %mul3A_512 {strides = array<i32>} : memref<2x80x128xf32, #tpu.memory_space<vmem>>, vector<16xf32>,
        %get3A_518 = arith.constant 0 : i32
        %get3A_519 = arith.index_cast %get3A_518 : i32 to index
        %get3A_520 = arith.index_cast %add3A_446 : i32 to index
        %get3A_521 = arith.constant 80 : index
        %get3A_522 = tpu.vector_load %arg7[%get3A_519, %get3A_520, %get3A_521] {strides = array<i32>} : memref<2x80x128xf32, #tpu.memory_space<vmem>>, vector<16xf32>,
        %slice3A_523 = vector.extract_strided_slice %get3A_450 {offsets = [5], sizes = [1], strides = [1]} : vector<16xf32> to vector<1xf32>
        %squeeze3A_524 = vector.extract %slice3A_523[0] : f32 from vector<1xf32>
        %mul3A_525 = vector.broadcast %squeeze3A_524 : f32 to vector<16xf32>
        %mul3A_526 = arith.mulf %get3A_522, %mul3A_525 : vector<16xf32>
        %swap3A_527 = arith.constant 0 : i32
        %swap3A_528 = arith.index_cast %swap3A_527 : i32 to index
        %swap3A_529 = arith.index_cast %add3A_446 : i32 to index
        %swap3A_530 = arith.constant 80 : index
        %swap3A_531 = tpu.vector_load %arg7[%swap3A_528, %swap3A_529, %swap3A_530] {strides = array<i32>} : memref<2x80x128xf32, #tpu.memory_space<vmem>>, vector<16xf32>,
        tpu.vector_store %arg7[%swap3A_528, %swap3A_529, %swap3A_530], %mul3A_526 {strides = array<i32>} : memref<2x80x128xf32, #tpu.memory_space<vmem>>, vector<16xf32>,
        %get3A_532 = arith.constant 0 : i32
        %get3A_533 = arith.index_cast %get3A_532 : i32 to index
        %get3A_534 = arith.index_cast %add3A_446 : i32 to index
        %get3A_535 = arith.constant 96 : index
        %get3A_536 = tpu.vector_load %arg7[%get3A_533, %get3A_534, %get3A_535] {strides = array<i32>} : memref<2x80x128xf32, #tpu.memory_space<vmem>>, vector<16xf32>,
        %slice3A_537 = vector.extract_strided_slice %get3A_450 {offsets = [6], sizes = [1], strides = [1]} : vector<16xf32> to vector<1xf32>
        %squeeze3A_538 = vector.extract %slice3A_537[0] : f32 from vector<1xf32>
        %mul3A_539 = vector.broadcast %squeeze3A_538 : f32 to vector<16xf32>
        %mul3A_540 = arith.mulf %get3A_536, %mul3A_539 : vector<16xf32>
        %swap3A_541 = arith.constant 0 : i32
        %swap3A_542 = arith.index_cast %swap3A_541 : i32 to index
        %swap3A_543 = arith.index_cast %add3A_446 : i32 to index
        %swap3A_544 = arith.constant 96 : index
        %swap3A_545 = tpu.vector_load %arg7[%swap3A_542, %swap3A_543, %swap3A_544] {strides = array<i32>} : memref<2x80x128xf32, #tpu.memory_space<vmem>>, vector<16xf32>,
        tpu.vector_store %arg7[%swap3A_542, %swap3A_543, %swap3A_544], %mul3A_540 {strides = array<i32>} : memref<2x80x128xf32, #tpu.memory_space<vmem>>, vector<16xf32>,
        %get3A_546 = arith.constant 0 : i32
        %get3A_547 = arith.index_cast %get3A_546 : i32 to index
        %get3A_548 = arith.index_cast %add3A_446 : i32 to index
        %get3A_549 = arith.constant 112 : index
        %get3A_550 = tpu.vector_load %arg7[%get3A_547, %get3A_548, %get3A_549] {strides = array<i32>} : memref<2x80x128xf32, #tpu.memory_space<vmem>>, vector<16xf32>,
        %slice3A_551 = vector.extract_strided_slice %get3A_450 {offsets = [7], sizes = [1], strides = [1]} : vector<16xf32> to vector<1xf32>
        %squeeze3A_552 = vector.extract %slice3A_551[0] : f32 from vector<1xf32>
        %mul3A_553 = vector.broadcast %squeeze3A_552 : f32 to vector<16xf32>
        %mul3A_554 = arith.mulf %get3A_550, %mul3A_553 : vector<16xf32>
        %swap3A_555 = arith.constant 0 : i32
        %swap3A_556 = arith.index_cast %swap3A_555 : i32 to index
        %swap3A_557 = arith.index_cast %add3A_446 : i32 to index
        %swap3A_558 = arith.constant 112 : index
        %swap3A_559 = tpu.vector_load %arg7[%swap3A_556, %swap3A_557, %swap3A_558] {strides = array<i32>} : memref<2x80x128xf32, #tpu.memory_space<vmem>>, vector<16xf32>,
        tpu.vector_store %arg7[%swap3A_556, %swap3A_557, %swap3A_558], %mul3A_554 {strides = array<i32>} : memref<2x80x128xf32, #tpu.memory_space<vmem>>, vector<16xf32>,
        %scan3A_560 = arith.constant 1 : i32
        %scan3A_561 = arith.addi %scan3A_442, %scan3A_560 : i32
        %mul3A_562 = arith.constant 1 : i32
        %mul3A_563 = arith.muli %scan3A_561, %mul3A_562 : i32
        %add3A_564 = arith.constant 0 : i32
        %add3A_565 = arith.addi %add3A_564, %mul3A_563 : i32
        %get3A_566 = arith.constant 0 : i32
        %get3A_567 = arith.index_cast %get3A_566 : i32 to index
        %get3A_568 = arith.index_cast %add3A_565 : i32 to index
        %get3A_569 = arith.constant 0 : index
        %get3A_570 = tpu.vector_load %arg8[%get3A_567, %get3A_568, %get3A_569] {strides = array<i32>} : memref<2x80x16xf32, #tpu.memory_space<vmem>>, vector<16xf32>,
        %get3A_571 = arith.constant 0 : i32
        %get3A_572 = arith.index_cast %get3A_571 : i32 to index
        %get3A_573 = arith.index_cast %add3A_565 : i32 to index
        %get3A_574 = arith.constant 0 : index
        %get3A_575 = tpu.vector_load %arg7[%get3A_572, %get3A_573, %get3A_574] {strides = array<i32>} : memref<2x80x128xf32, #tpu.memory_space<vmem>>, vector<16xf32>,
        %slice3A_576 = vector.extract_strided_slice %get3A_570 {offsets = [0], sizes = [1], strides = [1]} : vector<16xf32> to vector<1xf32>
        %squeeze3A_577 = vector.extract %slice3A_576[0] : f32 from vector<1xf32>
        %mul3A_578 = vector.broadcast %squeeze3A_577 : f32 to vector<16xf32>
        %mul3A_579 = arith.mulf %get3A_575, %mul3A_578 : vector<16xf32>
        %swap3A_580 = arith.constant 0 : i32
        %swap3A_581 = arith.index_cast %swap3A_580 : i32 to index
        %swap3A_582 = arith.index_cast %add3A_565 : i32 to index
        %swap3A_583 = arith.constant 0 : index
        %swap3A_584 = tpu.vector_load %arg7[%swap3A_581, %swap3A_582, %swap3A_583] {strides = array<i32>} : memref<2x80x128xf32, #tpu.memory_space<vmem>>, vector<16xf32>,
        tpu.vector_store %arg7[%swap3A_581, %swap3A_582, %swap3A_583], %mul3A_579 {strides = array<i32>} : memref<2x80x128xf32, #tpu.memory_space<vmem>>, vector<16xf32>,
        %get3A_585 = arith.constant 0 : i32
        %get3A_586 = arith.index_cast %get3A_585 : i32 to index
        %get3A_587 = arith.index_cast %add3A_565 : i32 to index
        %get3A_588 = arith.constant 16 : index
        %get3A_589 = tpu.vector_load %arg7[%get3A_586, %get3A_587, %get3A_588] {strides = array<i32>} : memref<2x80x128xf32, #tpu.memory_space<vmem>>, vector<16xf32>,
        %slice3A_590 = vector.extract_strided_slice %get3A_570 {offsets = [1], sizes = [1], strides = [1]} : vector<16xf32> to vector<1xf32>
        %squeeze3A_591 = vector.extract %slice3A_590[0] : f32 from vector<1xf32>
        %mul3A_592 = vector.broadcast %squeeze3A_591 : f32 to vector<16xf32>
        %mul3A_593 = arith.mulf %get3A_589, %mul3A_592 : vector<16xf32>
        %swap3A_594 = arith.constant 0 : i32
        %swap3A_595 = arith.index_cast %swap3A_594 : i32 to index
        %swap3A_596 = arith.index_cast %add3A_565 : i32 to index
        %swap3A_597 = arith.constant 16 : index
        %swap3A_598 = tpu.vector_load %arg7[%swap3A_595, %swap3A_596, %swap3A_597] {strides = array<i32>} : memref<2x80x128xf32, #tpu.memory_space<vmem>>, vector<16xf32>,
        tpu.vector_store %arg7[%swap3A_595, %swap3A_596, %swap3A_597], %mul3A_593 {strides = array<i32>} : memref<2x80x128xf32, #tpu.memory_space<vmem>>, vector<16xf32>,
        %get3A_599 = arith.constant 0 : i32
        %get3A_600 = arith.index_cast %get3A_599 : i32 to index
        %get3A_601 = arith.index_cast %add3A_565 : i32 to index
        %get3A_602 = arith.constant 32 : index
        %get3A_603 = tpu.vector_load %arg7[%get3A_600, %get3A_601, %get3A_602] {strides = array<i32>} : memref<2x80x128xf32, #tpu.memory_space<vmem>>, vector<16xf32>,
        %slice3A_604 = vector.extract_strided_slice %get3A_570 {offsets = [2], sizes = [1], strides = [1]} : vector<16xf32> to vector<1xf32>
        %squeeze3A_605 = vector.extract %slice3A_604[0] : f32 from vector<1xf32>
        %mul3A_606 = vector.broadcast %squeeze3A_605 : f32 to vector<16xf32>
        %mul3A_607 = arith.mulf %get3A_603, %mul3A_606 : vector<16xf32>
        %swap3A_608 = arith.constant 0 : i32
        %swap3A_609 = arith.index_cast %swap3A_608 : i32 to index
        %swap3A_610 = arith.index_cast %add3A_565 : i32 to index
        %swap3A_611 = arith.constant 32 : index
        %swap3A_612 = tpu.vector_load %arg7[%swap3A_609, %swap3A_610, %swap3A_611] {strides = array<i32>} : memref<2x80x128xf32, #tpu.memory_space<vmem>>, vector<16xf32>,
        tpu.vector_store %arg7[%swap3A_609, %swap3A_610, %swap3A_611], %mul3A_607 {strides = array<i32>} : memref<2x80x128xf32, #tpu.memory_space<vmem>>, vector<16xf32>,
        %get3A_613 = arith.constant 0 : i32
        %get3A_614 = arith.index_cast %get3A_613 : i32 to index
        %get3A_615 = arith.index_cast %add3A_565 : i32 to index
        %get3A_616 = arith.constant 48 : index
        %get3A_617 = tpu.vector_load %arg7[%get3A_614, %get3A_615, %get3A_616] {strides = array<i32>} : memref<2x80x128xf32, #tpu.memory_space<vmem>>, vector<16xf32>,
        %slice3A_618 = vector.extract_strided_slice %get3A_570 {offsets = [3], sizes = [1], strides = [1]} : vector<16xf32> to vector<1xf32>
        %squeeze3A_619 = vector.extract %slice3A_618[0] : f32 from vector<1xf32>
        %mul3A_620 = vector.broadcast %squeeze3A_619 : f32 to vector<16xf32>
        %mul3A_621 = arith.mulf %get3A_617, %mul3A_620 : vector<16xf32>
        %swap3A_622 = arith.constant 0 : i32
        %swap3A_623 = arith.index_cast %swap3A_622 : i32 to index
        %swap3A_624 = arith.index_cast %add3A_565 : i32 to index
        %swap3A_625 = arith.constant 48 : index
        %swap3A_626 = tpu.vector_load %arg7[%swap3A_623, %swap3A_624, %swap3A_625] {strides = array<i32>} : memref<2x80x128xf32, #tpu.memory_space<vmem>>, vector<16xf32>,
        tpu.vector_store %arg7[%swap3A_623, %swap3A_624, %swap3A_625], %mul3A_621 {strides = array<i32>} : memref<2x80x128xf32, #tpu.memory_space<vmem>>, vector<16xf32>,
        %get3A_627 = arith.constant 0 : i32
        %get3A_628 = arith.index_cast %get3A_627 : i32 to index
        %get3A_629 = arith.index_cast %add3A_565 : i32 to index
        %get3A_630 = arith.constant 64 : index
        %get3A_631 = tpu.vector_load %arg7[%get3A_628, %get3A_629, %get3A_630] {strides = array<i32>} : memref<2x80x128xf32, #tpu.memory_space<vmem>>, vector<16xf32>,
        %slice3A_632 = vector.extract_strided_slice %get3A_570 {offsets = [4], sizes = [1], strides = [1]} : vector<16xf32> to vector<1xf32>
        %squeeze3A_633 = vector.extract %slice3A_632[0] : f32 from vector<1xf32>
        %mul3A_634 = vector.broadcast %squeeze3A_633 : f32 to vector<16xf32>
        %mul3A_635 = arith.mulf %get3A_631, %mul3A_634 : vector<16xf32>
        %swap3A_636 = arith.constant 0 : i32
        %swap3A_637 = arith.index_cast %swap3A_636 : i32 to index
        %swap3A_638 = arith.index_cast %add3A_565 : i32 to index
        %swap3A_639 = arith.constant 64 : index
        %swap3A_640 = tpu.vector_load %arg7[%swap3A_637, %swap3A_638, %swap3A_639] {strides = array<i32>} : memref<2x80x128xf32, #tpu.memory_space<vmem>>, vector<16xf32>,
        tpu.vector_store %arg7[%swap3A_637, %swap3A_638, %swap3A_639], %mul3A_635 {strides = array<i32>} : memref<2x80x128xf32, #tpu.memory_space<vmem>>, vector<16xf32>,
        %get3A_641 = arith.constant 0 : i32
        %get3A_642 = arith.index_cast %get3A_641 : i32 to index
        %get3A_643 = arith.index_cast %add3A_565 : i32 to index
        %get3A_644 = arith.constant 80 : index
        %get3A_645 = tpu.vector_load %arg7[%get3A_642, %get3A_643, %get3A_644] {strides = array<i32>} : memref<2x80x128xf32, #tpu.memory_space<vmem>>, vector<16xf32>,
        %slice3A_646 = vector.extract_strided_slice %get3A_570 {offsets = [5], sizes = [1], strides = [1]} : vector<16xf32> to vector<1xf32>
        %squeeze3A_647 = vector.extract %slice3A_646[0] : f32 from vector<1xf32>
        %mul3A_648 = vector.broadcast %squeeze3A_647 : f32 to vector<16xf32>
        %mul3A_649 = arith.mulf %get3A_645, %mul3A_648 : vector<16xf32>
        %swap3A_650 = arith.constant 0 : i32
        %swap3A_651 = arith.index_cast %swap3A_650 : i32 to index
        %swap3A_652 = arith.index_cast %add3A_565 : i32 to index
        %swap3A_653 = arith.constant 80 : index
        %swap3A_654 = tpu.vector_load %arg7[%swap3A_651, %swap3A_652, %swap3A_653] {strides = array<i32>} : memref<2x80x128xf32, #tpu.memory_space<vmem>>, vector<16xf32>,
        tpu.vector_store %arg7[%swap3A_651, %swap3A_652, %swap3A_653], %mul3A_649 {strides = array<i32>} : memref<2x80x128xf32, #tpu.memory_space<vmem>>, vector<16xf32>,
        %get3A_655 = arith.constant 0 : i32
        %get3A_656 = arith.index_cast %get3A_655 : i32 to index
        %get3A_657 = arith.index_cast %add3A_565 : i32 to index
        %get3A_658 = arith.constant 96 : index
        %get3A_659 = tpu.vector_load %arg7[%get3A_656, %get3A_657, %get3A_658] {strides = array<i32>} : memref<2x80x128xf32, #tpu.memory_space<vmem>>, vector<16xf32>,
        %slice3A_660 = vector.extract_strided_slice %get3A_570 {offsets = [6], sizes = [1], strides = [1]} : vector<16xf32> to vector<1xf32>
        %squeeze3A_661 = vector.extract %slice3A_660[0] : f32 from vector<1xf32>
        %mul3A_662 = vector.broadcast %squeeze3A_661 : f32 to vector<16xf32>
        %mul3A_663 = arith.mulf %get3A_659, %mul3A_662 : vector<16xf32>
        %swap3A_664 = arith.constant 0 : i32
        %swap3A_665 = arith.index_cast %swap3A_664 : i32 to index
        %swap3A_666 = arith.index_cast %add3A_565 : i32 to index
        %swap3A_667 = arith.constant 96 : index
        %swap3A_668 = tpu.vector_load %arg7[%swap3A_665, %swap3A_666, %swap3A_667] {strides = array<i32>} : memref<2x80x128xf32, #tpu.memory_space<vmem>>, vector<16xf32>,
        tpu.vector_store %arg7[%swap3A_665, %swap3A_666, %swap3A_667], %mul3A_663 {strides = array<i32>} : memref<2x80x128xf32, #tpu.memory_space<vmem>>, vector<16xf32>,
        %get3A_669 = arith.constant 0 : i32
        %get3A_670 = arith.index_cast %get3A_669 : i32 to index
        %get3A_671 = arith.index_cast %add3A_565 : i32 to index
        %get3A_672 = arith.constant 112 : index
        %get3A_673 = tpu.vector_load %arg7[%get3A_670, %get3A_671, %get3A_672] {strides = array<i32>} : memref<2x80x128xf32, #tpu.memory_space<vmem>>, vector<16xf32>,
        %slice3A_674 = vector.extract_strided_slice %get3A_570 {offsets = [7], sizes = [1], strides = [1]} : vector<16xf32> to vector<1xf32>
        %squeeze3A_675 = vector.extract %slice3A_674[0] : f32 from vector<1xf32>
        %mul3A_676 = vector.broadcast %squeeze3A_675 : f32 to vector<16xf32>
        %mul3A_677 = arith.mulf %get3A_673, %mul3A_676 : vector<16xf32>
        %swap3A_678 = arith.constant 0 : i32
        %swap3A_679 = arith.index_cast %swap3A_678 : i32 to index
        %swap3A_680 = arith.index_cast %add3A_565 : i32 to index
        %swap3A_681 = arith.constant 112 : index
        %swap3A_682 = tpu.vector_load %arg7[%swap3A_679, %swap3A_680, %swap3A_681] {strides = array<i32>} : memref<2x80x128xf32, #tpu.memory_space<vmem>>, vector<16xf32>,
        tpu.vector_store %arg7[%swap3A_679, %swap3A_680, %swap3A_681], %mul3A_677 {strides = array<i32>} : memref<2x80x128xf32, #tpu.memory_space<vmem>>, vector<16xf32>,
        %scan3A_683 = arith.constant 2 : i32
        %scan3A_684 = arith.addi %scan3A_442, %scan3A_683 : i32
        %mul3A_685 = arith.constant 1 : i32
        %mul3A_686 = arith.muli %scan3A_684, %mul3A_685 : i32
        %add3A_687 = arith.constant 0 : i32
        %add3A_688 = arith.addi %add3A_687, %mul3A_686 : i32
        %get3A_689 = arith.constant 0 : i32
        %get3A_690 = arith.index_cast %get3A_689 : i32 to index
        %get3A_691 = arith.index_cast %add3A_688 : i32 to index
        %get3A_692 = arith.constant 0 : index
        %get3A_693 = tpu.vector_load %arg8[%get3A_690, %get3A_691, %get3A_692] {strides = array<i32>} : memref<2x80x16xf32, #tpu.memory_space<vmem>>, vector<16xf32>,
        %get3A_694 = arith.constant 0 : i32
        %get3A_695 = arith.index_cast %get3A_694 : i32 to index
        %get3A_696 = arith.index_cast %add3A_688 : i32 to index
        %get3A_697 = arith.constant 0 : index
        %get3A_698 = tpu.vector_load %arg7[%get3A_695, %get3A_696, %get3A_697] {strides = array<i32>} : memref<2x80x128xf32, #tpu.memory_space<vmem>>, vector<16xf32>,
        %slice3A_699 = vector.extract_strided_slice %get3A_693 {offsets = [0], sizes = [1], strides = [1]} : vector<16xf32> to vector<1xf32>
        %squeeze3A_700 = vector.extract %slice3A_699[0] : f32 from vector<1xf32>
        %mul3A_701 = vector.broadcast %squeeze3A_700 : f32 to vector<16xf32>
        %mul3A_702 = arith.mulf %get3A_698, %mul3A_701 : vector<16xf32>
        %swap3A_703 = arith.constant 0 : i32
        %swap3A_704 = arith.index_cast %swap3A_703 : i32 to index
        %swap3A_705 = arith.index_cast %add3A_688 : i32 to index
        %swap3A_706 = arith.constant 0 : index
        %swap3A_707 = tpu.vector_load %arg7[%swap3A_704, %swap3A_705, %swap3A_706] {strides = array<i32>} : memref<2x80x128xf32, #tpu.memory_space<vmem>>, vector<16xf32>,
        tpu.vector_store %arg7[%swap3A_704, %swap3A_705, %swap3A_706], %mul3A_702 {strides = array<i32>} : memref<2x80x128xf32, #tpu.memory_space<vmem>>, vector<16xf32>,
        %get3A_708 = arith.constant 0 : i32
        %get3A_709 = arith.index_cast %get3A_708 : i32 to index
        %get3A_710 = arith.index_cast %add3A_688 : i32 to index
        %get3A_711 = arith.constant 16 : index
        %get3A_712 = tpu.vector_load %arg7[%get3A_709, %get3A_710, %get3A_711] {strides = array<i32>} : memref<2x80x128xf32, #tpu.memory_space<vmem>>, vector<16xf32>,
        %slice3A_713 = vector.extract_strided_slice %get3A_693 {offsets = [1], sizes = [1], strides = [1]} : vector<16xf32> to vector<1xf32>
        %squeeze3A_714 = vector.extract %slice3A_713[0] : f32 from vector<1xf32>
        %mul3A_715 = vector.broadcast %squeeze3A_714 : f32 to vector<16xf32>
        %mul3A_716 = arith.mulf %get3A_712, %mul3A_715 : vector<16xf32>
        %swap3A_717 = arith.constant 0 : i32
        %swap3A_718 = arith.index_cast %swap3A_717 : i32 to index
        %swap3A_719 = arith.index_cast %add3A_688 : i32 to index
        %swap3A_720 = arith.constant 16 : index
        %swap3A_721 = tpu.vector_load %arg7[%swap3A_718, %swap3A_719, %swap3A_720] {strides = array<i32>} : memref<2x80x128xf32, #tpu.memory_space<vmem>>, vector<16xf32>,
        tpu.vector_store %arg7[%swap3A_718, %swap3A_719, %swap3A_720], %mul3A_716 {strides = array<i32>} : memref<2x80x128xf32, #tpu.memory_space<vmem>>, vector<16xf32>,
        %get3A_722 = arith.constant 0 : i32
        %get3A_723 = arith.index_cast %get3A_722 : i32 to index
        %get3A_724 = arith.index_cast %add3A_688 : i32 to index
        %get3A_725 = arith.constant 32 : index
        %get3A_726 = tpu.vector_load %arg7[%get3A_723, %get3A_724, %get3A_725] {strides = array<i32>} : memref<2x80x128xf32, #tpu.memory_space<vmem>>, vector<16xf32>,
        %slice3A_727 = vector.extract_strided_slice %get3A_693 {offsets = [2], sizes = [1], strides = [1]} : vector<16xf32> to vector<1xf32>
        %squeeze3A_728 = vector.extract %slice3A_727[0] : f32 from vector<1xf32>
        %mul3A_729 = vector.broadcast %squeeze3A_728 : f32 to vector<16xf32>
        %mul3A_730 = arith.mulf %get3A_726, %mul3A_729 : vector<16xf32>
        %swap3A_731 = arith.constant 0 : i32
        %swap3A_732 = arith.index_cast %swap3A_731 : i32 to index
        %swap3A_733 = arith.index_cast %add3A_688 : i32 to index
        %swap3A_734 = arith.constant 32 : index
        %swap3A_735 = tpu.vector_load %arg7[%swap3A_732, %swap3A_733, %swap3A_734] {strides = array<i32>} : memref<2x80x128xf32, #tpu.memory_space<vmem>>, vector<16xf32>,
        tpu.vector_store %arg7[%swap3A_732, %swap3A_733, %swap3A_734], %mul3A_730 {strides = array<i32>} : memref<2x80x128xf32, #tpu.memory_space<vmem>>, vector<16xf32>,
        %get3A_736 = arith.constant 0 : i32
        %get3A_737 = arith.index_cast %get3A_736 : i32 to index
        %get3A_738 = arith.index_cast %add3A_688 : i32 to index
        %get3A_739 = arith.constant 48 : index
        %get3A_740 = tpu.vector_load %arg7[%get3A_737, %get3A_738, %get3A_739] {strides = array<i32>} : memref<2x80x128xf32, #tpu.memory_space<vmem>>, vector<16xf32>,
        %slice3A_741 = vector.extract_strided_slice %get3A_693 {offsets = [3], sizes = [1], strides = [1]} : vector<16xf32> to vector<1xf32>
        %squeeze3A_742 = vector.extract %slice3A_741[0] : f32 from vector<1xf32>
        %mul3A_743 = vector.broadcast %squeeze3A_742 : f32 to vector<16xf32>
        %mul3A_744 = arith.mulf %get3A_740, %mul3A_743 : vector<16xf32>
        %swap3A_745 = arith.constant 0 : i32
        %swap3A_746 = arith.index_cast %swap3A_745 : i32 to index
        %swap3A_747 = arith.index_cast %add3A_688 : i32 to index
        %swap3A_748 = arith.constant 48 : index
        %swap3A_749 = tpu.vector_load %arg7[%swap3A_746, %swap3A_747, %swap3A_748] {strides = array<i32>} : memref<2x80x128xf32, #tpu.memory_space<vmem>>, vector<16xf32>,
        tpu.vector_store %arg7[%swap3A_746, %swap3A_747, %swap3A_748], %mul3A_744 {strides = array<i32>} : memref<2x80x128xf32, #tpu.memory_space<vmem>>, vector<16xf32>,
        %get3A_750 = arith.constant 0 : i32
        %get3A_751 = arith.index_cast %get3A_750 : i32 to index
        %get3A_752 = arith.index_cast %add3A_688 : i32 to index
        %get3A_753 = arith.constant 64 : index
        %get3A_754 = tpu.vector_load %arg7[%get3A_751, %get3A_752, %get3A_753] {strides = array<i32>} : memref<2x80x128xf32, #tpu.memory_space<vmem>>, vector<16xf32>,
        %slice3A_755 = vector.extract_strided_slice %get3A_693 {offsets = [4], sizes = [1], strides = [1]} : vector<16xf32> to vector<1xf32>
        %squeeze3A_756 = vector.extract %slice3A_755[0] : f32 from vector<1xf32>
        %mul3A_757 = vector.broadcast %squeeze3A_756 : f32 to vector<16xf32>
        %mul3A_758 = arith.mulf %get3A_754, %mul3A_757 : vector<16xf32>
        %swap3A_759 = arith.constant 0 : i32
        %swap3A_760 = arith.index_cast %swap3A_759 : i32 to index
        %swap3A_761 = arith.index_cast %add3A_688 : i32 to index
        %swap3A_762 = arith.constant 64 : index
        %swap3A_763 = tpu.vector_load %arg7[%swap3A_760, %swap3A_761, %swap3A_762] {strides = array<i32>} : memref<2x80x128xf32, #tpu.memory_space<vmem>>, vector<16xf32>,
        tpu.vector_store %arg7[%swap3A_760, %swap3A_761, %swap3A_762], %mul3A_758 {strides = array<i32>} : memref<2x80x128xf32, #tpu.memory_space<vmem>>, vector<16xf32>,
        %get3A_764 = arith.constant 0 : i32
        %get3A_765 = arith.index_cast %get3A_764 : i32 to index
        %get3A_766 = arith.index_cast %add3A_688 : i32 to index
        %get3A_767 = arith.constant 80 : index
        %get3A_768 = tpu.vector_load %arg7[%get3A_765, %get3A_766, %get3A_767] {strides = array<i32>} : memref<2x80x128xf32, #tpu.memory_space<vmem>>, vector<16xf32>,
        %slice3A_769 = vector.extract_strided_slice %get3A_693 {offsets = [5], sizes = [1], strides = [1]} : vector<16xf32> to vector<1xf32>
        %squeeze3A_770 = vector.extract %slice3A_769[0] : f32 from vector<1xf32>
        %mul3A_771 = vector.broadcast %squeeze3A_770 : f32 to vector<16xf32>
        %mul3A_772 = arith.mulf %get3A_768, %mul3A_771 : vector<16xf32>
        %swap3A_773 = arith.constant 0 : i32
        %swap3A_774 = arith.index_cast %swap3A_773 : i32 to index
        %swap3A_775 = arith.index_cast %add3A_688 : i32 to index
        %swap3A_776 = arith.constant 80 : index
        %swap3A_777 = tpu.vector_load %arg7[%swap3A_774, %swap3A_775, %swap3A_776] {strides = array<i32>} : memref<2x80x128xf32, #tpu.memory_space<vmem>>, vector<16xf32>,
        tpu.vector_store %arg7[%swap3A_774, %swap3A_775, %swap3A_776], %mul3A_772 {strides = array<i32>} : memref<2x80x128xf32, #tpu.memory_space<vmem>>, vector<16xf32>,
        %get3A_778 = arith.constant 0 : i32
        %get3A_779 = arith.index_cast %get3A_778 : i32 to index
        %get3A_780 = arith.index_cast %add3A_688 : i32 to index
        %get3A_781 = arith.constant 96 : index
        %get3A_782 = tpu.vector_load %arg7[%get3A_779, %get3A_780, %get3A_781] {strides = array<i32>} : memref<2x80x128xf32, #tpu.memory_space<vmem>>, vector<16xf32>,
        %slice3A_783 = vector.extract_strided_slice %get3A_693 {offsets = [6], sizes = [1], strides = [1]} : vector<16xf32> to vector<1xf32>
        %squeeze3A_784 = vector.extract %slice3A_783[0] : f32 from vector<1xf32>
        %mul3A_785 = vector.broadcast %squeeze3A_784 : f32 to vector<16xf32>
        %mul3A_786 = arith.mulf %get3A_782, %mul3A_785 : vector<16xf32>
        %swap3A_787 = arith.constant 0 : i32
        %swap3A_788 = arith.index_cast %swap3A_787 : i32 to index
        %swap3A_789 = arith.index_cast %add3A_688 : i32 to index
        %swap3A_790 = arith.constant 96 : index
        %swap3A_791 = tpu.vector_load %arg7[%swap3A_788, %swap3A_789, %swap3A_790] {strides = array<i32>} : memref<2x80x128xf32, #tpu.memory_space<vmem>>, vector<16xf32>,
        tpu.vector_store %arg7[%swap3A_788, %swap3A_789, %swap3A_790], %mul3A_786 {strides = array<i32>} : memref<2x80x128xf32, #tpu.memory_space<vmem>>, vector<16xf32>,
        %get3A_792 = arith.constant 0 : i32
        %get3A_793 = arith.index_cast %get3A_792 : i32 to index
        %get3A_794 = arith.index_cast %add3A_688 : i32 to index
        %get3A_795 = arith.constant 112 : index
        %get3A_796 = tpu.vector_load %arg7[%get3A_793, %get3A_794, %get3A_795] {strides = array<i32>} : memref<2x80x128xf32, #tpu.memory_space<vmem>>, vector<16xf32>,
        %slice3A_797 = vector.extract_strided_slice %get3A_693 {offsets = [7], sizes = [1], strides = [1]} : vector<16xf32> to vector<1xf32>
        %squeeze3A_798 = vector.extract %slice3A_797[0] : f32 from vector<1xf32>
        %mul3A_799 = vector.broadcast %squeeze3A_798 : f32 to vector<16xf32>
        %mul3A_800 = arith.mulf %get3A_796, %mul3A_799 : vector<16xf32>
        %swap3A_801 = arith.constant 0 : i32
        %swap3A_802 = arith.index_cast %swap3A_801 : i32 to index
        %swap3A_803 = arith.index_cast %add3A_688 : i32 to index
        %swap3A_804 = arith.constant 112 : index
        %swap3A_805 = tpu.vector_load %arg7[%swap3A_802, %swap3A_803, %swap3A_804] {strides = array<i32>} : memref<2x80x128xf32, #tpu.memory_space<vmem>>, vector<16xf32>,
        tpu.vector_store %arg7[%swap3A_802, %swap3A_803, %swap3A_804], %mul3A_800 {strides = array<i32>} : memref<2x80x128xf32, #tpu.memory_space<vmem>>, vector<16xf32>,
        %scan3A_806 = arith.constant 3 : i32
        %scan3A_807 = arith.addi %scan3A_442, %scan3A_806 : i32
        %mul3A_808 = arith.constant 1 : i32
        %mul3A_809 = arith.muli %scan3A_807, %mul3A_808 : i32
        %add3A_810 = arith.constant 0 : i32
        %add3A_811 = arith.addi %add3A_810, %mul3A_809 : i32
        %get3A_812 = arith.constant 0 : i32
        %get3A_813 = arith.index_cast %get3A_812 : i32 to index
        %get3A_814 = arith.index_cast %add3A_811 : i32 to index
        %get3A_815 = arith.constant 0 : index
        %get3A_816 = tpu.vector_load %arg8[%get3A_813, %get3A_814, %get3A_815] {strides = array<i32>} : memref<2x80x16xf32, #tpu.memory_space<vmem>>, vector<16xf32>,
        %get3A_817 = arith.constant 0 : i32
        %get3A_818 = arith.index_cast %get3A_817 : i32 to index
        %get3A_819 = arith.index_cast %add3A_811 : i32 to index
        %get3A_820 = arith.constant 0 : index
        %get3A_821 = tpu.vector_load %arg7[%get3A_818, %get3A_819, %get3A_820] {strides = array<i32>} : memref<2x80x128xf32, #tpu.memory_space<vmem>>, vector<16xf32>,
        %slice3A_822 = vector.extract_strided_slice %get3A_816 {offsets = [0], sizes = [1], strides = [1]} : vector<16xf32> to vector<1xf32>
        %squeeze3A_823 = vector.extract %slice3A_822[0] : f32 from vector<1xf32>
        %mul3A_824 = vector.broadcast %squeeze3A_823 : f32 to vector<16xf32>
        %mul3A_825 = arith.mulf %get3A_821, %mul3A_824 : vector<16xf32>
        %swap3A_826 = arith.constant 0 : i32
        %swap3A_827 = arith.index_cast %swap3A_826 : i32 to index
        %swap3A_828 = arith.index_cast %add3A_811 : i32 to index
        %swap3A_829 = arith.constant 0 : index
        %swap3A_830 = tpu.vector_load %arg7[%swap3A_827, %swap3A_828, %swap3A_829] {strides = array<i32>} : memref<2x80x128xf32, #tpu.memory_space<vmem>>, vector<16xf32>,
        tpu.vector_store %arg7[%swap3A_827, %swap3A_828, %swap3A_829], %mul3A_825 {strides = array<i32>} : memref<2x80x128xf32, #tpu.memory_space<vmem>>, vector<16xf32>,
        %get3A_831 = arith.constant 0 : i32
        %get3A_832 = arith.index_cast %get3A_831 : i32 to index
        %get3A_833 = arith.index_cast %add3A_811 : i32 to index
        %get3A_834 = arith.constant 16 : index
        %get3A_835 = tpu.vector_load %arg7[%get3A_832, %get3A_833, %get3A_834] {strides = array<i32>} : memref<2x80x128xf32, #tpu.memory_space<vmem>>, vector<16xf32>,
        %slice3A_836 = vector.extract_strided_slice %get3A_816 {offsets = [1], sizes = [1], strides = [1]} : vector<16xf32> to vector<1xf32>
        %squeeze3A_837 = vector.extract %slice3A_836[0] : f32 from vector<1xf32>
        %mul3A_838 = vector.broadcast %squeeze3A_837 : f32 to vector<16xf32>
        %mul3A_839 = arith.mulf %get3A_835, %mul3A_838 : vector<16xf32>
        %swap3A_840 = arith.constant 0 : i32
        %swap3A_841 = arith.index_cast %swap3A_840 : i32 to index
        %swap3A_842 = arith.index_cast %add3A_811 : i32 to index
        %swap3A_843 = arith.constant 16 : index
        %swap3A_844 = tpu.vector_load %arg7[%swap3A_841, %swap3A_842, %swap3A_843] {strides = array<i32>} : memref<2x80x128xf32, #tpu.memory_space<vmem>>, vector<16xf32>,
        tpu.vector_store %arg7[%swap3A_841, %swap3A_842, %swap3A_843], %mul3A_839 {strides = array<i32>} : memref<2x80x128xf32, #tpu.memory_space<vmem>>, vector<16xf32>,
        %get3A_845 = arith.constant 0 : i32
        %get3A_846 = arith.index_cast %get3A_845 : i32 to index
        %get3A_847 = arith.index_cast %add3A_811 : i32 to index
        %get3A_848 = arith.constant 32 : index
        %get3A_849 = tpu.vector_load %arg7[%get3A_846, %get3A_847, %get3A_848] {strides = array<i32>} : memref<2x80x128xf32, #tpu.memory_space<vmem>>, vector<16xf32>,
        %slice3A_850 = vector.extract_strided_slice %get3A_816 {offsets = [2], sizes = [1], strides = [1]} : vector<16xf32> to vector<1xf32>
        %squeeze3A_851 = vector.extract %slice3A_850[0] : f32 from vector<1xf32>
        %mul3A_852 = vector.broadcast %squeeze3A_851 : f32 to vector<16xf32>
        %mul3A_853 = arith.mulf %get3A_849, %mul3A_852 : vector<16xf32>
        %swap3A_854 = arith.constant 0 : i32
        %swap3A_855 = arith.index_cast %swap3A_854 : i32 to index
        %swap3A_856 = arith.index_cast %add3A_811 : i32 to index
        %swap3A_857 = arith.constant 32 : index
        %swap3A_858 = tpu.vector_load %arg7[%swap3A_855, %swap3A_856, %swap3A_857] {strides = array<i32>} : memref<2x80x128xf32, #tpu.memory_space<vmem>>, vector<16xf32>,
        tpu.vector_store %arg7[%swap3A_855, %swap3A_856, %swap3A_857], %mul3A_853 {strides = array<i32>} : memref<2x80x128xf32, #tpu.memory_space<vmem>>, vector<16xf32>,
        %get3A_859 = arith.constant 0 : i32
        %get3A_860 = arith.index_cast %get3A_859 : i32 to index
        %get3A_861 = arith.index_cast %add3A_811 : i32 to index
        %get3A_862 = arith.constant 48 : index
        %get3A_863 = tpu.vector_load %arg7[%get3A_860, %get3A_861, %get3A_862] {strides = array<i32>} : memref<2x80x128xf32, #tpu.memory_space<vmem>>, vector<16xf32>,
        %slice3A_864 = vector.extract_strided_slice %get3A_816 {offsets = [3], sizes = [1], strides = [1]} : vector<16xf32> to vector<1xf32>
        %squeeze3A_865 = vector.extract %slice3A_864[0] : f32 from vector<1xf32>
        %mul3A_866 = vector.broadcast %squeeze3A_865 : f32 to vector<16xf32>
        %mul3A_867 = arith.mulf %get3A_863, %mul3A_866 : vector<16xf32>
        %swap3A_868 = arith.constant 0 : i32
        %swap3A_869 = arith.index_cast %swap3A_868 : i32 to index
        %swap3A_870 = arith.index_cast %add3A_811 : i32 to index
        %swap3A_871 = arith.constant 48 : index
        %swap3A_872 = tpu.vector_load %arg7[%swap3A_869, %swap3A_870, %swap3A_871] {strides = array<i32>} : memref<2x80x128xf32, #tpu.memory_space<vmem>>, vector<16xf32>,
        tpu.vector_store %arg7[%swap3A_869, %swap3A_870, %swap3A_871], %mul3A_867 {strides = array<i32>} : memref<2x80x128xf32, #tpu.memory_space<vmem>>, vector<16xf32>,
        %get3A_873 = arith.constant 0 : i32
        %get3A_874 = arith.index_cast %get3A_873 : i32 to index
        %get3A_875 = arith.index_cast %add3A_811 : i32 to index
        %get3A_876 = arith.constant 64 : index
        %get3A_877 = tpu.vector_load %arg7[%get3A_874, %get3A_875, %get3A_876] {strides = array<i32>} : memref<2x80x128xf32, #tpu.memory_space<vmem>>, vector<16xf32>,
        %slice3A_878 = vector.extract_strided_slice %get3A_816 {offsets = [4], sizes = [1], strides = [1]} : vector<16xf32> to vector<1xf32>
        %squeeze3A_879 = vector.extract %slice3A_878[0] : f32 from vector<1xf32>
        %mul3A_880 = vector.broadcast %squeeze3A_879 : f32 to vector<16xf32>
        %mul3A_881 = arith.mulf %get3A_877, %mul3A_880 : vector<16xf32>
        %swap3A_882 = arith.constant 0 : i32
        %swap3A_883 = arith.index_cast %swap3A_882 : i32 to index
        %swap3A_884 = arith.index_cast %add3A_811 : i32 to index
        %swap3A_885 = arith.constant 64 : index
        %swap3A_886 = tpu.vector_load %arg7[%swap3A_883, %swap3A_884, %swap3A_885] {strides = array<i32>} : memref<2x80x128xf32, #tpu.memory_space<vmem>>, vector<16xf32>,
        tpu.vector_store %arg7[%swap3A_883, %swap3A_884, %swap3A_885], %mul3A_881 {strides = array<i32>} : memref<2x80x128xf32, #tpu.memory_space<vmem>>, vector<16xf32>,
        %get3A_887 = arith.constant 0 : i32
        %get3A_888 = arith.index_cast %get3A_887 : i32 to index
        %get3A_889 = arith.index_cast %add3A_811 : i32 to index
        %get3A_890 = arith.constant 80 : index
        %get3A_891 = tpu.vector_load %arg7[%get3A_888, %get3A_889, %get3A_890] {strides = array<i32>} : memref<2x80x128xf32, #tpu.memory_space<vmem>>, vector<16xf32>,
        %slice3A_892 = vector.extract_strided_slice %get3A_816 {offsets = [5], sizes = [1], strides = [1]} : vector<16xf32> to vector<1xf32>
        %squeeze3A_893 = vector.extract %slice3A_892[0] : f32 from vector<1xf32>
        %mul3A_894 = vector.broadcast %squeeze3A_893 : f32 to vector<16xf32>
        %mul3A_895 = arith.mulf %get3A_891, %mul3A_894 : vector<16xf32>
        %swap3A_896 = arith.constant 0 : i32
        %swap3A_897 = arith.index_cast %swap3A_896 : i32 to index
        %swap3A_898 = arith.index_cast %add3A_811 : i32 to index
        %swap3A_899 = arith.constant 80 : index
        %swap3A_900 = tpu.vector_load %arg7[%swap3A_897, %swap3A_898, %swap3A_899] {strides = array<i32>} : memref<2x80x128xf32, #tpu.memory_space<vmem>>, vector<16xf32>,
        tpu.vector_store %arg7[%swap3A_897, %swap3A_898, %swap3A_899], %mul3A_895 {strides = array<i32>} : memref<2x80x128xf32, #tpu.memory_space<vmem>>, vector<16xf32>,
        %get3A_901 = arith.constant 0 : i32
        %get3A_902 = arith.index_cast %get3A_901 : i32 to index
        %get3A_903 = arith.index_cast %add3A_811 : i32 to index
        %get3A_904 = arith.constant 96 : index
        %get3A_905 = tpu.vector_load %arg7[%get3A_902, %get3A_903, %get3A_904] {strides = array<i32>} : memref<2x80x128xf32, #tpu.memory_space<vmem>>, vector<16xf32>,
        %slice3A_906 = vector.extract_strided_slice %get3A_816 {offsets = [6], sizes = [1], strides = [1]} : vector<16xf32> to vector<1xf32>
        %squeeze3A_907 = vector.extract %slice3A_906[0] : f32 from vector<1xf32>
        %mul3A_908 = vector.broadcast %squeeze3A_907 : f32 to vector<16xf32>
        %mul3A_909 = arith.mulf %get3A_905, %mul3A_908 : vector<16xf32>
        %swap3A_910 = arith.constant 0 : i32
        %swap3A_911 = arith.index_cast %swap3A_910 : i32 to index
        %swap3A_912 = arith.index_cast %add3A_811 : i32 to index
        %swap3A_913 = arith.constant 96 : index
        %swap3A_914 = tpu.vector_load %arg7[%swap3A_911, %swap3A_912, %swap3A_913] {strides = array<i32>} : memref<2x80x128xf32, #tpu.memory_space<vmem>>, vector<16xf32>,
        tpu.vector_store %arg7[%swap3A_911, %swap3A_912, %swap3A_913], %mul3A_909 {strides = array<i32>} : memref<2x80x128xf32, #tpu.memory_space<vmem>>, vector<16xf32>,
        %get3A_915 = arith.constant 0 : i32
        %get3A_916 = arith.index_cast %get3A_915 : i32 to index
        %get3A_917 = arith.index_cast %add3A_811 : i32 to index
        %get3A_918 = arith.constant 112 : index
        %get3A_919 = tpu.vector_load %arg7[%get3A_916, %get3A_917, %get3A_918] {strides = array<i32>} : memref<2x80x128xf32, #tpu.memory_space<vmem>>, vector<16xf32>,
        %slice3A_920 = vector.extract_strided_slice %get3A_816 {offsets = [7], sizes = [1], strides = [1]} : vector<16xf32> to vector<1xf32>
        %squeeze3A_921 = vector.extract %slice3A_920[0] : f32 from vector<1xf32>
        %mul3A_922 = vector.broadcast %squeeze3A_921 : f32 to vector<16xf32>
        %mul3A_923 = arith.mulf %get3A_919, %mul3A_922 : vector<16xf32>
        %swap3A_924 = arith.constant 0 : i32
        %swap3A_925 = arith.index_cast %swap3A_924 : i32 to index
        %swap3A_926 = arith.index_cast %add3A_811 : i32 to index
        %swap3A_927 = arith.constant 112 : index
        %swap3A_928 = tpu.vector_load %arg7[%swap3A_925, %swap3A_926, %swap3A_927] {strides = array<i32>} : memref<2x80x128xf32, #tpu.memory_space<vmem>>, vector<16xf32>,
        tpu.vector_store %arg7[%swap3A_925, %swap3A_926, %swap3A_927], %mul3A_923 {strides = array<i32>} : memref<2x80x128xf32, #tpu.memory_space<vmem>>, vector<16xf32>,
      }
      %scan3A_413 = arith.constant 80 : i32
      %dma_wait3A_414 = arith.constant 1 : i32
      %dma_wait3A_415 = arith.constant 1 : i32
      %dma_wait3A_416 = arith.constant 0 : i32
      %dma_wait3A_417 = arith.constant 0 : i32
      %dma_wait3A_418 = tpu.memref_slice %arg7[%dma_wait3A_414, %dma_wait3A_416, %dma_wait3A_417] : memref<2x80x128xf32, #tpu.memory_space<vmem>> -> memref<1x80x128xf32, #tpu.memory_space<vmem>>
      %dma_wait3A_419 = tpu.memref_squeeze %dma_wait3A_418 : memref<1x80x128xf32, #tpu.memory_space<vmem>> -> memref<80x128xf32, #tpu.memory_space<vmem>>
      %dma_wait3A_420 = arith.constant 0 : i32
      %dma_wait3A_421 = tpu.memref_slice %arg9[%dma_wait3A_415, %dma_wait3A_420] : memref<2x80xi32, #tpu.memory_space<vmem>> -> memref<1x80xi32, #tpu.memory_space<vmem>>
      %dma_wait3A_422 = tpu.memref_squeeze %dma_wait3A_421 : memref<1x80xi32, #tpu.memory_space<vmem>> -> memref<80xi32, #tpu.memory_space<vmem>>
      %dma_wait3A_423 = arith.constant 0 : i32
      %dma_wait3A_424 = arith.constant 0 : i32
      %dma_wait3A_425 = tpu.memref_slice %arg10[%dma_wait3A_423, %dma_wait3A_424] : memref<10000x128xf32, #tpu.memory_space<vmem_shared>> -> memref<10000x128xf32, #tpu.memory_space<vmem_shared>>
      tpu.wait_indirect_dma semaphore(%arg12 : memref<!tpu.dma_semaphore, #tpu.memory_space<semaphore_mem>>) src(%dma_wait3A_419 : memref<80x128xf32, #tpu.memory_space<vmem>>) dst(%dma_wait3A_425 : memref<10000x128xf32, #tpu.memory_space<vmem_shared>>)
      %add3A_426 = arith.constant 1 : i32
      %add3A_427 = arith.addi %add3A_358, %add3A_426 : i32
      %lt3A = arith.constant 125 : i32
      %lt3A_428 = arith.cmpi slt, %add3A_427, %lt3A : i32
      %convert_element_type3A = arith.extui %lt3A_428 : i1 to i32
      %cond3A = arith.constant 0 : i32
      %cond3A_429 = arith.cmpi ne, %convert_element_type3A, %cond3A : i32
      scf.if %cond3A_429 {
        %add3A_442 = arith.constant 1 : i32
        %add3A_443 = arith.addi %add3A_358, %add3A_442 : i32
        %mul3A_444 = arith.constant 80 : i32
        %mul3A_445 = arith.muli %add3A_443, %mul3A_444 : i32
        %add3A_446 = arith.addi %mul3A_3, %mul3A_445 : i32
        %multiple_of3A_447 = tpu.assume_multiple %add3A_446, 8 : i32
        %dma_start3A_448 = arith.constant 1 : i32
        %dma_start3A_449 = arith.constant 1 : i32
        %dma_start3A_450 = arith.constant 0 : i32
        %dma_start3A_451 = arith.constant 0 : i32
        %dma_start3A_452 = tpu.memref_slice %arg7[%dma_start3A_448, %dma_start3A_450, %dma_start3A_451] : memref<2x80x128xf32, #tpu.memory_space<vmem>> -> memref<1x80x128xf32, #tpu.memory_space<vmem>>
        %dma_start3A_453 = tpu.memref_squeeze %dma_start3A_452 : memref<1x80x128xf32, #tpu.memory_space<vmem>> -> memref<80x128xf32, #tpu.memory_space<vmem>>
        %dma_start3A_454 = arith.constant 0 : i32
        %dma_start3A_455 = tpu.memref_slice %arg2[%multiple_of3A_447, %dma_start3A_454] : memref<320000x128xf32, #tpu.memory_space<hbm>> -> memref<80x128xf32, #tpu.memory_space<hbm>>
        %dma_start3A_456 = tpu.memref_slice %arg11[%dma_start3A_449] : memref<2x!tpu.dma_semaphore, #tpu.memory_space<semaphore_mem>> -> memref<1x!tpu.dma_semaphore, #tpu.memory_space<semaphore_mem>>
        %dma_start3A_457 = tpu.memref_squeeze %dma_start3A_456 : memref<1x!tpu.dma_semaphore, #tpu.memory_space<semaphore_mem>> -> memref<!tpu.dma_semaphore, #tpu.memory_space<semaphore_mem>>
        %dma_start3A_458 = arith.constant 0 : i32
        %dma_start3A_459 = arith.constant 0 : i32
        %dma_start3A_460 = tpu.memref_slice %arg7[%dma_start3A_448, %dma_start3A_458, %dma_start3A_459] : memref<2x80x128xf32, #tpu.memory_space<vmem>> -> memref<1x80x128xf32, #tpu.memory_space<vmem>>
        %dma_start3A_461 = tpu.memref_squeeze %dma_start3A_460 : memref<1x80x128xf32, #tpu.memory_space<vmem>> -> memref<80x128xf32, #tpu.memory_space<vmem>>
        %dma_start3A_462 = arith.constant 0 : i32
        %dma_start3A_463 = tpu.memref_slice %arg2[%multiple_of3A_447, %dma_start3A_462] : memref<320000x128xf32, #tpu.memory_space<hbm>> -> memref<80x128xf32, #tpu.memory_space<hbm>>
        tpu.enqueue_dma source(%dma_start3A_463 : memref<80x128xf32, #tpu.memory_space<hbm>>) target(%dma_start3A_461 : memref<80x128xf32, #tpu.memory_space<vmem>>) target_semaphore(%dma_start3A_457 : memref<!tpu.dma_semaphore, #tpu.memory_space<semaphore_mem>>)
        %dma_start3A_464 = arith.constant 1 : i32
        %dma_start3A_465 = arith.constant 1 : i32
        %dma_start3A_466 = arith.constant 0 : i32
        %dma_start3A_467 = arith.constant 0 : i32
        %dma_start3A_468 = tpu.memref_slice %arg8[%dma_start3A_464, %dma_start3A_466, %dma_start3A_467] : memref<2x80x16xf32, #tpu.memory_space<vmem>> -> memref<1x80x16xf32, #tpu.memory_space<vmem>>
        %dma_start3A_469 = tpu.memref_squeeze %dma_start3A_468 : memref<1x80x16xf32, #tpu.memory_space<vmem>> -> memref<80x16xf32, #tpu.memory_space<vmem>>
        %dma_start3A_470 = arith.constant 0 : i32
        %dma_start3A_471 = tpu.memref_slice %arg3[%multiple_of3A_447, %dma_start3A_470] : memref<320000x16xf32, #tpu.memory_space<hbm>> -> memref<80x16xf32, #tpu.memory_space<hbm>>
        %dma_start3A_472 = tpu.memref_slice %arg11[%dma_start3A_465] : memref<2x!tpu.dma_semaphore, #tpu.memory_space<semaphore_mem>> -> memref<1x!tpu.dma_semaphore, #tpu.memory_space<semaphore_mem>>
        %dma_start3A_473 = tpu.memref_squeeze %dma_start3A_472 : memref<1x!tpu.dma_semaphore, #tpu.memory_space<semaphore_mem>> -> memref<!tpu.dma_semaphore, #tpu.memory_space<semaphore_mem>>
        %dma_start3A_474 = arith.constant 0 : i32
        %dma_start3A_475 = arith.constant 0 : i32
        %dma_start3A_476 = tpu.memref_slice %arg8[%dma_start3A_464, %dma_start3A_474, %dma_start3A_475] : memref<2x80x16xf32, #tpu.memory_space<vmem>> -> memref<1x80x16xf32, #tpu.memory_space<vmem>>
        %dma_start3A_477 = tpu.memref_squeeze %dma_start3A_476 : memref<1x80x16xf32, #tpu.memory_space<vmem>> -> memref<80x16xf32, #tpu.memory_space<vmem>>
        %dma_start3A_478 = arith.constant 0 : i32
        %dma_start3A_479 = tpu.memref_slice %arg3[%multiple_of3A_447, %dma_start3A_478] : memref<320000x16xf32, #tpu.memory_space<hbm>> -> memref<80x16xf32, #tpu.memory_space<hbm>>
        tpu.enqueue_dma source(%dma_start3A_479 : memref<80x16xf32, #tpu.memory_space<hbm>>) target(%dma_start3A_477 : memref<80x16xf32, #tpu.memory_space<vmem>>) target_semaphore(%dma_start3A_473 : memref<!tpu.dma_semaphore, #tpu.memory_space<semaphore_mem>>)
        %dma_start3A_480 = arith.constant 1 : i32
        %dma_start3A_481 = arith.constant 1 : i32
        %dma_start3A_482 = arith.constant 0 : i32
        %dma_start3A_483 = tpu.memref_slice %arg9[%dma_start3A_480, %dma_start3A_482] : memref<2x80xi32, #tpu.memory_space<vmem>> -> memref<1x80xi32, #tpu.memory_space<vmem>>
        %dma_start3A_484 = tpu.memref_squeeze %dma_start3A_483 : memref<1x80xi32, #tpu.memory_space<vmem>> -> memref<80xi32, #tpu.memory_space<vmem>>
        %dma_start3A_485 = tpu.memref_slice %arg4[%multiple_of3A_447] : memref<320000xi32, #tpu.memory_space<hbm>> -> memref<80xi32, #tpu.memory_space<hbm>>
        %dma_start3A_486 = tpu.memref_slice %arg11[%dma_start3A_481] : memref<2x!tpu.dma_semaphore, #tpu.memory_space<semaphore_mem>> -> memref<1x!tpu.dma_semaphore, #tpu.memory_space<semaphore_mem>>
        %dma_start3A_487 = tpu.memref_squeeze %dma_start3A_486 : memref<1x!tpu.dma_semaphore, #tpu.memory_space<semaphore_mem>> -> memref<!tpu.dma_semaphore, #tpu.memory_space<semaphore_mem>>
        %dma_start3A_488 = arith.constant 0 : i32
        %dma_start3A_489 = tpu.memref_slice %arg9[%dma_start3A_480, %dma_start3A_488] : memref<2x80xi32, #tpu.memory_space<vmem>> -> memref<1x80xi32, #tpu.memory_space<vmem>>
        %dma_start3A_490 = tpu.memref_squeeze %dma_start3A_489 : memref<1x80xi32, #tpu.memory_space<vmem>> -> memref<80xi32, #tpu.memory_space<vmem>>
        %dma_start3A_491 = tpu.memref_slice %arg4[%multiple_of3A_447] : memref<320000xi32, #tpu.memory_space<hbm>> -> memref<80xi32, #tpu.memory_space<hbm>>
        tpu.enqueue_dma source(%dma_start3A_491 : memref<80xi32, #tpu.memory_space<hbm>>) target(%dma_start3A_490 : memref<80xi32, #tpu.memory_space<vmem>>) target_semaphore(%dma_start3A_487 : memref<!tpu.dma_semaphore, #tpu.memory_space<semaphore_mem>>)
      } else {
      }
      %dma_start3A_430 = arith.constant 0 : i32
      %dma_start3A_431 = arith.constant 0 : i32
      %dma_start3A_432 = arith.constant 0 : i32
      %dma_start3A_433 = arith.constant 0 : i32
      %dma_start3A_434 = tpu.memref_slice %arg7[%dma_start3A_430, %dma_start3A_432, %dma_start3A_433] : memref<2x80x128xf32, #tpu.memory_space<vmem>> -> memref<1x80x128xf32, #tpu.memory_space<vmem>>
      %dma_start3A_435 = tpu.memref_squeeze %dma_start3A_434 : memref<1x80x128xf32, #tpu.memory_space<vmem>> -> memref<80x128xf32, #tpu.memory_space<vmem>>
      %dma_start3A_436 = arith.constant 0 : i32
      %dma_start3A_437 = tpu.memref_slice %arg9[%dma_start3A_431, %dma_start3A_436] : memref<2x80xi32, #tpu.memory_space<vmem>> -> memref<1x80xi32, #tpu.memory_space<vmem>>
      %dma_start3A_438 = tpu.memref_squeeze %dma_start3A_437 : memref<1x80xi32, #tpu.memory_space<vmem>> -> memref<80xi32, #tpu.memory_space<vmem>>
      %dma_start3A_439 = arith.constant 0 : i32
      %dma_start3A_440 = arith.constant 0 : i32
      %dma_start3A_441 = tpu.memref_slice %arg10[%dma_start3A_439, %dma_start3A_440] : memref<10000x128xf32, #tpu.memory_space<vmem_shared>> -> memref<10000x128xf32, #tpu.memory_space<vmem_shared>>
      tpu.enqueue_indirect_dma source(%dma_start3A_435 : memref<80x128xf32, #tpu.memory_space<vmem>>) target(%dma_start3A_441 : memref<10000x128xf32, #tpu.memory_space<vmem_shared>>) offsets(%dma_start3A_438 : memref<80xi32, #tpu.memory_space<vmem>>) semaphore(%arg12 : memref<!tpu.dma_semaphore, #tpu.memory_space<semaphore_mem>>) {add = true}
    }
    %scan3A_185 = arith.constant 62 : i32
    %dma_wait3A_186 = arith.constant 0 : i32
    %dma_wait3A_187 = arith.constant 0 : i32
    %dma_wait3A_188 = arith.constant 0 : i32
    %dma_wait3A_189 = arith.constant 0 : i32
    %dma_wait3A_190 = tpu.memref_slice %arg7[%dma_wait3A_186, %dma_wait3A_188, %dma_wait3A_189] : memref<2x80x128xf32, #tpu.memory_space<vmem>> -> memref<1x80x128xf32, #tpu.memory_space<vmem>>
    %dma_wait3A_191 = tpu.memref_squeeze %dma_wait3A_190 : memref<1x80x128xf32, #tpu.memory_space<vmem>> -> memref<80x128xf32, #tpu.memory_space<vmem>>
    %dma_wait3A_192 = arith.constant 0 : i32
    %dma_wait3A_193 = tpu.memref_slice %arg9[%dma_wait3A_187, %dma_wait3A_192] : memref<2x80xi32, #tpu.memory_space<vmem>> -> memref<1x80xi32, #tpu.memory_space<vmem>>
    %dma_wait3A_194 = tpu.memref_squeeze %dma_wait3A_193 : memref<1x80xi32, #tpu.memory_space<vmem>> -> memref<80xi32, #tpu.memory_space<vmem>>
    %dma_wait3A_195 = arith.constant 0 : i32
    %dma_wait3A_196 = arith.constant 0 : i32
    %dma_wait3A_197 = tpu.memref_slice %arg10[%dma_wait3A_195, %dma_wait3A_196] : memref<10000x128xf32, #tpu.memory_space<vmem_shared>> -> memref<10000x128xf32, #tpu.memory_space<vmem_shared>>
    tpu.wait_indirect_dma semaphore(%arg12 : memref<!tpu.dma_semaphore, #tpu.memory_space<semaphore_mem>>) src(%dma_wait3A_191 : memref<80x128xf32, #tpu.memory_space<vmem>>) dst(%dma_wait3A_197 : memref<10000x128xf32, #tpu.memory_space<vmem_shared>>)
    %barrier3A_198 = arith.constant 0 : index
    tpu.barrier barrier_id(%barrier3A_198)
    %sub3A_199 = arith.constant 125 : i32
    %sub3A_200 = arith.subi %sub3A_199, %arg1 : i32
    %sub3A_201 = arith.constant 16 : i32
    %sub3A_202 = arith.constant 1 : i32
    %sub3A_203 = arith.subi %sub3A_201, %sub3A_202 : i32
    %add3A_204 = arith.addi %sub3A_200, %sub3A_203 : i32
    %div3A_205 = arith.constant 16 : i32
    %div3A_206 = arith.divsi %add3A_204, %div3A_205 : i32
    %while3A_207 = arith.constant 16 : i32
    %while3A_208 = arith.constant 0 : i32
    %while3A_209 = arith.subi %div3A_206, %while3A_208 : i32
    %while3A_210 = arith.addi %while3A_208, %while3A_209 : i32
    %while3A_211 = arith.constant 1 : i32
    %while3A_212 = arith.divsi %while3A_209, %while3A_211 : i32
    %while3A_213 = arith.muli %while3A_212, %while3A_211 : i32
    %while3A_214 = arith.addi %while3A_208, %while3A_213 : i32
    %while3A_215 = arith.constant 1 : i32
    scf.for %while3A_217 = %while3A_208 to %while3A_214 step %while3A_215  : i32 {
      %mul3A_218 = arith.muli %while3A_217, %while3A_207 : i32
      %add3A_219 = arith.addi %arg1, %mul3A_218 : i32
      %mul3A_220 = arith.constant 80 : i32
      %mul3A_221 = arith.muli %add3A_219, %mul3A_220 : i32
      %multiple_of3A_222 = tpu.assume_multiple %mul3A_221, 8 : i32
      %eq3A = arith.constant 0 : i32
      %eq3A_223 = arith.cmpi eq, %arg0, %eq3A : i32
      %convert_element_type3A = arith.extui %eq3A_223 : i1 to i32
      %cond3A = arith.constant 0 : i32
      %cond3A_224 = arith.cmpi ne, %convert_element_type3A, %cond3A : i32
      scf.if %cond3A_224 {
        "tpu.region"() ({
          %run_scoped3A = tpu.sem_alloc : memref<!tpu.dma_semaphore, #tpu.memory_space<semaphore_mem>>
          %dma_start3A_230 = arith.constant 0 : i32
          %dma_start3A_231 = tpu.memref_slice %arg5[%multiple_of3A_222, %dma_start3A_230] : memref<10000x128xf32, #tpu.memory_space<hbm>> -> memref<80x128xf32, #tpu.memory_space<hbm>>
          %dma_start3A_232 = arith.constant 0 : i32
          %dma_start3A_233 = tpu.memref_slice %arg10[%multiple_of3A_222, %dma_start3A_232] : memref<10000x128xf32, #tpu.memory_space<vmem_shared>> -> memref<80x128xf32, #tpu.memory_space<vmem_shared>>
          tpu.enqueue_dma source(%dma_start3A_233 : memref<80x128xf32, #tpu.memory_space<vmem_shared>>) target(%dma_start3A_231 : memref<80x128xf32, #tpu.memory_space<hbm>>) target_semaphore(%run_scoped3A : memref<!tpu.dma_semaphore, #tpu.memory_space<semaphore_mem>>)
          %dma_wait3A_234 = arith.constant 0 : i32
          %dma_wait3A_235 = tpu.memref_slice %arg5[%multiple_of3A_222, %dma_wait3A_234] : memref<10000x128xf32, #tpu.memory_space<hbm>> -> memref<80x128xf32, #tpu.memory_space<hbm>>
          %dma_wait3A_236 = arith.constant 0 : i32
          %dma_wait3A_237 = tpu.memref_slice %arg10[%multiple_of3A_222, %dma_wait3A_236] : memref<10000x128xf32, #tpu.memory_space<vmem_shared>> -> memref<80x128xf32, #tpu.memory_space<vmem_shared>>
          tpu.wait_dma2 semaphore(%run_scoped3A : memref<!tpu.dma_semaphore, #tpu.memory_space<semaphore_mem>>) src(%dma_wait3A_237 : memref<80x128xf32, #tpu.memory_space<vmem_shared>>) dst(%dma_wait3A_235 : memref<80x128xf32, #tpu.memory_space<hbm>>)
          tpu.yield
        }) : () -> ()
      } else {
      }
      %eq3A_225 = arith.constant 1 : i32
      %eq3A_226 = arith.cmpi eq, %arg0, %eq3A_225 : i32
      %convert_element_type3A_227 = arith.extui %eq3A_226 : i1 to i32
      %cond3A_228 = arith.constant 0 : i32
      %cond3A_229 = arith.cmpi ne, %convert_element_type3A_227, %cond3A_228 : i32
      scf.if %cond3A_229 {
        "tpu.region"() ({
          %run_scoped3A = tpu.sem_alloc : memref<!tpu.dma_semaphore, #tpu.memory_space<semaphore_mem>>
          %dma_start3A_230 = arith.constant 0 : i32
          %dma_start3A_231 = tpu.memref_slice %arg6[%multiple_of3A_222, %dma_start3A_230] : memref<10000x128xf32, #tpu.memory_space<hbm>> -> memref<80x128xf32, #tpu.memory_space<hbm>>
          %dma_start3A_232 = arith.constant 0 : i32
          %dma_start3A_233 = tpu.memref_slice %arg10[%multiple_of3A_222, %dma_start3A_232] : memref<10000x128xf32, #tpu.memory_space<vmem_shared>> -> memref<80x128xf32, #tpu.memory_space<vmem_shared>>
          tpu.enqueue_dma source(%dma_start3A_233 : memref<80x128xf32, #tpu.memory_space<vmem_shared>>) target(%dma_start3A_231 : memref<80x128xf32, #tpu.memory_space<hbm>>) target_semaphore(%run_scoped3A : memref<!tpu.dma_semaphore, #tpu.memory_space<semaphore_mem>>)
          %dma_wait3A_234 = arith.constant 0 : i32
          %dma_wait3A_235 = tpu.memref_slice %arg6[%multiple_of3A_222, %dma_wait3A_234] : memref<10000x128xf32, #tpu.memory_space<hbm>> -> memref<80x128xf32, #tpu.memory_space<hbm>>
          %dma_wait3A_236 = arith.constant 0 : i32
          %dma_wait3A_237 = tpu.memref_slice %arg10[%multiple_of3A_222, %dma_wait3A_236] : memref<10000x128xf32, #tpu.memory_space<vmem_shared>> -> memref<80x128xf32, #tpu.memory_space<vmem_shared>>
          tpu.wait_dma2 semaphore(%run_scoped3A : memref<!tpu.dma_semaphore, #tpu.memory_space<semaphore_mem>>) src(%dma_wait3A_237 : memref<80x128xf32, #tpu.memory_space<vmem_shared>>) dst(%dma_wait3A_235 : memref<80x128xf32, #tpu.memory_space<hbm>>)
          tpu.yield
        }) : () -> ()
      } else {
      }
    }
    %while3A_216 = arith.constant 1 : i32
    scf.for %while3A_217 = %while3A_214 to %while3A_210 step %while3A_216  : i32 {
      %mul3A_218 = arith.muli %while3A_217, %while3A_207 : i32
      %add3A_219 = arith.addi %arg1, %mul3A_218 : i32
      %mul3A_220 = arith.constant 80 : i32
      %mul3A_221 = arith.muli %add3A_219, %mul3A_220 : i32
      %multiple_of3A_222 = tpu.assume_multiple %mul3A_221, 8 : i32
      %eq3A = arith.constant 0 : i32
      %eq3A_223 = arith.cmpi eq, %arg0, %eq3A : i32
      %convert_element_type3A = arith.extui %eq3A_223 : i1 to i32
      %cond3A = arith.constant 0 : i32
      %cond3A_224 = arith.cmpi ne, %convert_element_type3A, %cond3A : i32
      scf.if %cond3A_224 {
        "tpu.region"() ({
          %run_scoped3A = tpu.sem_alloc : memref<!tpu.dma_semaphore, #tpu.memory_space<semaphore_mem>>
          %dma_start3A_230 = arith.constant 0 : i32
          %dma_start3A_231 = tpu.memref_slice %arg5[%multiple_of3A_222, %dma_start3A_230] : memref<10000x128xf32, #tpu.memory_space<hbm>> -> memref<80x128xf32, #tpu.memory_space<hbm>>
          %dma_start3A_232 = arith.constant 0 : i32
          %dma_start3A_233 = tpu.memref_slice %arg10[%multiple_of3A_222, %dma_start3A_232] : memref<10000x128xf32, #tpu.memory_space<vmem_shared>> -> memref<80x128xf32, #tpu.memory_space<vmem_shared>>
          tpu.enqueue_dma source(%dma_start3A_233 : memref<80x128xf32, #tpu.memory_space<vmem_shared>>) target(%dma_start3A_231 : memref<80x128xf32, #tpu.memory_space<hbm>>) target_semaphore(%run_scoped3A : memref<!tpu.dma_semaphore, #tpu.memory_space<semaphore_mem>>)
          %dma_wait3A_234 = arith.constant 0 : i32
          %dma_wait3A_235 = tpu.memref_slice %arg5[%multiple_of3A_222, %dma_wait3A_234] : memref<10000x128xf32, #tpu.memory_space<hbm>> -> memref<80x128xf32, #tpu.memory_space<hbm>>
          %dma_wait3A_236 = arith.constant 0 : i32
          %dma_wait3A_237 = tpu.memref_slice %arg10[%multiple_of3A_222, %dma_wait3A_236] : memref<10000x128xf32, #tpu.memory_space<vmem_shared>> -> memref<80x128xf32, #tpu.memory_space<vmem_shared>>
          tpu.wait_dma2 semaphore(%run_scoped3A : memref<!tpu.dma_semaphore, #tpu.memory_space<semaphore_mem>>) src(%dma_wait3A_237 : memref<80x128xf32, #tpu.memory_space<vmem_shared>>) dst(%dma_wait3A_235 : memref<80x128xf32, #tpu.memory_space<hbm>>)
          tpu.yield
        }) : () -> ()
      } else {
      }
      %eq3A_225 = arith.constant 1 : i32
      %eq3A_226 = arith.cmpi eq, %arg0, %eq3A_225 : i32
      %convert_element_type3A_227 = arith.extui %eq3A_226 : i1 to i32
      %cond3A_228 = arith.constant 0 : i32
      %cond3A_229 = arith.cmpi ne, %convert_element_type3A_227, %cond3A_228 : i32
      scf.if %cond3A_229 {
        "tpu.region"() ({
          %run_scoped3A = tpu.sem_alloc : memref<!tpu.dma_semaphore, #tpu.memory_space<semaphore_mem>>
          %dma_start3A_230 = arith.constant 0 : i32
          %dma_start3A_231 = tpu.memref_slice %arg6[%multiple_of3A_222, %dma_start3A_230] : memref<10000x128xf32, #tpu.memory_space<hbm>> -> memref<80x128xf32, #tpu.memory_space<hbm>>
          %dma_start3A_232 = arith.constant 0 : i32
          %dma_start3A_233 = tpu.memref_slice %arg10[%multiple_of3A_222, %dma_start3A_232] : memref<10000x128xf32, #tpu.memory_space<vmem_shared>> -> memref<80x128xf32, #tpu.memory_space<vmem_shared>>
          tpu.enqueue_dma source(%dma_start3A_233 : memref<80x128xf32, #tpu.memory_space<vmem_shared>>) target(%dma_start3A_231 : memref<80x128xf32, #tpu.memory_space<hbm>>) target_semaphore(%run_scoped3A : memref<!tpu.dma_semaphore, #tpu.memory_space<semaphore_mem>>)
          %dma_wait3A_234 = arith.constant 0 : i32
          %dma_wait3A_235 = tpu.memref_slice %arg6[%multiple_of3A_222, %dma_wait3A_234] : memref<10000x128xf32, #tpu.memory_space<hbm>> -> memref<80x128xf32, #tpu.memory_space<hbm>>
          %dma_wait3A_236 = arith.constant 0 : i32
          %dma_wait3A_237 = tpu.memref_slice %arg10[%multiple_of3A_222, %dma_wait3A_236] : memref<10000x128xf32, #tpu.memory_space<vmem_shared>> -> memref<80x128xf32, #tpu.memory_space<vmem_shared>>
          tpu.wait_dma2 semaphore(%run_scoped3A : memref<!tpu.dma_semaphore, #tpu.memory_space<semaphore_mem>>) src(%dma_wait3A_237 : memref<80x128xf32, #tpu.memory_space<vmem_shared>>) dst(%dma_wait3A_235 : memref<80x128xf32, #tpu.memory_space<hbm>>)
          tpu.yield
        }) : () -> ()
      } else {
      }
    }
    return
  }
}

module attributes {stable_mosaic.version = 14 : i64} {
  func.func @_w_body(%arg0: i32, %arg1: memref<8000x128xf32, #tpu.memory_space<vmem>>, %arg2: memref<128x16xf32, #tpu.memory_space<vmem>>, %arg3: memref<8000x16xf32, #tpu.memory_space<vmem>>) attributes {dimension_semantics = [#tpu.dimension_semantics<arbitrary>], iteration_bounds = array<i64: 40>, scalar_prefetch = 0 : i64, scratch_operands = 0 : i64, tpu.core_type = #tpu.core_type<tc>, window_params = [{transform_indices = @transform_0, window_bounds = array<i64: 8000, 128>}, {pipeline_mode = #tpu.pipeline_mode<synchronous>, transform_indices = @transform_1, window_bounds = array<i64: 128, 16>}, {transform_indices = @transform_2, window_bounds = array<i64: 8000, 16>}]} {
    %get3A = arith.constant 0 : index
    %get3A_0 = arith.constant 0 : index
    %get3A_1 = vector.load %arg1[%get3A, %get3A_0] : memref<8000x128xf32, #tpu.memory_space<vmem>>, vector<8000x128xf32>
    %get3A_2 = arith.constant 0 : index
    %get3A_3 = arith.constant 0 : index
    %get3A_4 = vector.load %arg2[%get3A_2, %get3A_3] : memref<128x16xf32, #tpu.memory_space<vmem>>, vector<128x16xf32>
    %dot_general3A = arith.constant dense<0.000000e+00> : vector<8000x16xf32>
    %dot_general3A_5 = tpu.matmul %get3A_1, %get3A_4, %dot_general3A {dimension_numbers = #tpu.dot_dimension_numbers<[1], [0], [0], [1], [0, 0, 1, 1], [], []>, transpose_lhs_hint = false} : vector<8000x128xf32>, vector<128x16xf32>, vector<8000x16xf32> -> vector<8000x16xf32>
    %gt3A = arith.constant 0.000000e+00 : f32
    %gt3A_6 = vector.broadcast %gt3A : f32 to vector<8000x16xf32>
    %gt3A_7 = arith.cmpf ogt, %dot_general3A_5, %gt3A_6 : vector<8000x16xf32>
    %mul3A = arith.constant 0.00999999977 : f32
    %mul3A_8 = vector.broadcast %mul3A : f32 to vector<8000x16xf32>
    %mul3A_9 = arith.mulf %mul3A_8, %dot_general3A_5 : vector<8000x16xf32>
    %select_n3A = arith.select %gt3A_7, %dot_general3A_5, %mul3A_9 : vector<8000x16xi1>, vector<8000x16xf32>
    %exp3A = math.exp %select_n3A : vector<8000x16xf32>
    %swap3A = arith.constant 0 : index
    %swap3A_10 = arith.constant 0 : index
    %swap3A_11 = vector.load %arg3[%swap3A, %swap3A_10] : memref<8000x16xf32, #tpu.memory_space<vmem>>, vector<8000x16xf32>
    tpu.vector_store %arg3[%swap3A, %swap3A_10], %exp3A {strides = array<i32>} : memref<8000x16xf32, #tpu.memory_space<vmem>>, vector<8000x16xf32>,
    return
  }
  func.func @transform_0(%arg0: i32) -> (i32, i32) {
    %c0_i32 = arith.constant 0 : i32
    %c0_i32_0 = arith.constant 0 : i32
    return %arg0, %c0_i32 : i32, i32
  }
  func.func @transform_1(%arg0: i32) -> (i32, i32) {
    %c0_i32 = arith.constant 0 : i32
    %c0_i32_0 = arith.constant 0 : i32
    %c0_i32_1 = arith.constant 0 : i32
    return %c0_i32, %c0_i32_0 : i32, i32
  }
  func.func @transform_2(%arg0: i32) -> (i32, i32) {
    %c0_i32 = arith.constant 0 : i32
    %c0_i32_0 = arith.constant 0 : i32
    return %arg0, %c0_i32 : i32, i32
  }
}

module attributes {stable_mosaic.version = 14 : i64} {
  func.func @_combine_body(%arg0: i32, %arg1: memref<625x2048xf32, #tpu.memory_space<vmem>>, %arg2: memref<625x2048xf32, #tpu.memory_space<vmem>>, %arg3: memref<32x625x128xf32, #tpu.memory_space<vmem>>, %arg4: memref<128x2048xf32, #tpu.memory_space<vmem>>, %arg5: memref<625x2048xf32, #tpu.memory_space<vmem>>) attributes {dimension_semantics = [#tpu.dimension_semantics<arbitrary>], iteration_bounds = array<i64: 1>, scalar_prefetch = 0 : i64, scratch_operands = 0 : i64, tpu.core_type = #tpu.core_type<tc>, window_params = [{pipeline_mode = #tpu.pipeline_mode<synchronous>, transform_indices = @transform_0, window_bounds = array<i64: 625, 2048>}, {pipeline_mode = #tpu.pipeline_mode<synchronous>, transform_indices = @transform_1, window_bounds = array<i64: 625, 2048>}, {pipeline_mode = #tpu.pipeline_mode<synchronous>, transform_indices = @transform_2, window_bounds = array<i64: 32, 625, 128>}, {pipeline_mode = #tpu.pipeline_mode<synchronous>, transform_indices = @transform_3, window_bounds = array<i64: 128, 2048>}, {pipeline_mode = #tpu.pipeline_mode<synchronous>, transform_indices = @transform_4, window_bounds = array<i64: 625, 2048>}]} {
    %get3A = arith.constant 0 : index
    %get3A_0 = arith.constant 0 : index
    %get3A_1 = vector.load %arg1[%get3A, %get3A_0] : memref<625x2048xf32, #tpu.memory_space<vmem>>, vector<625x2048xf32>
    %get3A_2 = arith.constant 0 : index
    %get3A_3 = arith.constant 0 : index
    %get3A_4 = vector.load %arg2[%get3A_2, %get3A_3] : memref<625x2048xf32, #tpu.memory_space<vmem>>, vector<625x2048xf32>
    %add3A = arith.addf %get3A_1, %get3A_4 : vector<625x2048xf32>
    %get3A_5 = arith.constant 0 : index
    %get3A_6 = arith.constant 0 : index
    %get3A_7 = arith.constant 0 : index
    %get3A_8 = vector.load %arg3[%get3A_5, %get3A_6, %get3A_7] : memref<32x625x128xf32, #tpu.memory_space<vmem>>, vector<32x625x128xf32>
    %reduce_sum3A = arith.constant dense<0.000000e+00> : vector<625x128xf32>
    %reduce_sum3A_9 = vector.multi_reduction <add>, %get3A_8, %reduce_sum3A [0] : vector<32x625x128xf32> to vector<625x128xf32>
    %get3A_10 = arith.constant 0 : index
    %get3A_11 = arith.constant 0 : index
    %get3A_12 = vector.load %arg4[%get3A_10, %get3A_11] : memref<128x2048xf32, #tpu.memory_space<vmem>>, vector<128x2048xf32>
    %dot_general3A = arith.constant dense<0.000000e+00> : vector<625x2048xf32>
    %dot_general3A_13 = tpu.matmul %reduce_sum3A_9, %get3A_12, %dot_general3A {dimension_numbers = #tpu.dot_dimension_numbers<[1], [0], [0], [1], [0, 0, 1, 1], [], []>, transpose_lhs_hint = false} : vector<625x128xf32>, vector<128x2048xf32>, vector<625x2048xf32> -> vector<625x2048xf32>
    %gt3A = arith.constant 0.000000e+00 : f32
    %gt3A_14 = vector.broadcast %gt3A : f32 to vector<625x2048xf32>
    %gt3A_15 = arith.cmpf ogt, %dot_general3A_13, %gt3A_14 : vector<625x2048xf32>
    %jit3A = arith.constant 1.000000e+00 : f32
    %broadcast_in_dim3A = vector.broadcast %jit3A : f32 to vector<625x2048xf32>
    %select_n3A = arith.select %gt3A_15, %dot_general3A_13, %broadcast_in_dim3A : vector<625x2048xi1>, vector<625x2048xf32>
    %div3A = arith.divf %add3A, %select_n3A : vector<625x2048xf32>
    %gt3A_16 = arith.constant 0.000000e+00 : f32
    %gt3A_17 = vector.broadcast %gt3A_16 : f32 to vector<625x2048xf32>
    %gt3A_18 = arith.cmpf ogt, %div3A, %gt3A_17 : vector<625x2048xf32>
    %exp3A = math.exp %div3A : vector<625x2048xf32>
    %sub3A = arith.constant 1.000000e+00 : f32
    %sub3A_19 = vector.broadcast %sub3A : f32 to vector<625x2048xf32>
    %sub3A_20 = arith.subf %exp3A, %sub3A_19 : vector<625x2048xf32>
    %select_n3A_21 = arith.select %gt3A_18, %div3A, %sub3A_20 : vector<625x2048xi1>, vector<625x2048xf32>
    %swap3A = arith.constant 0 : index
    %swap3A_22 = arith.constant 0 : index
    %swap3A_23 = vector.load %arg5[%swap3A, %swap3A_22] : memref<625x2048xf32, #tpu.memory_space<vmem>>, vector<625x2048xf32>
    tpu.vector_store %arg5[%swap3A, %swap3A_22], %select_n3A_21 {strides = array<i32>} : memref<625x2048xf32, #tpu.memory_space<vmem>>, vector<625x2048xf32>,
    return
  }
  func.func @transform_0(%arg0: i32) -> (i32, i32) {
    %c0_i32 = arith.constant 0 : i32
    %c0_i32_0 = arith.constant 0 : i32
    %c0_i32_1 = arith.constant 0 : i32
    return %c0_i32, %c0_i32_0 : i32, i32
  }
  func.func @transform_1(%arg0: i32) -> (i32, i32) {
    %c0_i32 = arith.constant 0 : i32
    %c0_i32_0 = arith.constant 0 : i32
    %c0_i32_1 = arith.constant 0 : i32
    return %c0_i32, %c0_i32_0 : i32, i32
  }
  func.func @transform_2(%arg0: i32) -> (i32, i32, i32) {
    %c0_i32 = arith.constant 0 : i32
    %c0_i32_0 = arith.constant 0 : i32
    %c0_i32_1 = arith.constant 0 : i32
    %c0_i32_2 = arith.constant 0 : i32
    return %c0_i32, %c0_i32_0, %c0_i32_1 : i32, i32, i32
  }
  func.func @transform_3(%arg0: i32) -> (i32, i32) {
    %c0_i32 = arith.constant 0 : i32
    %c0_i32_0 = arith.constant 0 : i32
    %c0_i32_1 = arith.constant 0 : i32
    return %c0_i32, %c0_i32_0 : i32, i32
  }
  func.func @transform_4(%arg0: i32) -> (i32, i32) {
    %c0_i32 = arith.constant 0 : i32
    %c0_i32_0 = arith.constant 0 : i32
    %c0_i32_1 = arith.constant 0 : i32
    return %c0_i32, %c0_i32_0 : i32, i32
  }
}

</mosaic_0001>

<sc_bundles>
// kernel: kernel.6.cloned.1.call-start
scs
__scs_entry_jumppad:
0x0: {  	(pc) =	sbr.rel $0x88, $3  }
0x1: {  	(tag) =	ssettag $0x0;
	lr =	simm.s32 $0x1  }
0x2: {  	[smem:$0x3F9E] =	sst lr;
	_ =	strace $0xD0000000  }
0x3: {  	_ = 	snop  }
0x4: {  	_ = 	snop  }
0x5: {  	_ = 	snop  }
0x6: {  	_ = 	snop  }
0x7: {  	_ = 	snop  }
__scs_overlays_trampoline_lowered:
0x8: {  	[smem:$0x3FAD] =	sst s0  }
0x9: {  	[smem:$0x3FAE] =	sst s1  }
0xa: {  	[smem:$0x3FAF] =	sst s2  }
0xb: {  	[smem:$0x3FB0] =	sst s3  }
0xc: {  	[smem:$0x3FB1] =	sst s4  }
0xd: {  	[smem:$0x3FB2] =	sst s5  }
0xe: {  	[smem:$0x3FB3] =	sst s6  }
0xf: {  	[smem:$0x3FB4] =	sst s7  }
0x10: {  	[smem:$0x3FB5] =	sst s8  }
0x11: {  	[smem:$0x3FB6] =	sst s9;
	s0 =	simm.s32 @!p0 $0x0  }
0x12: {  	s1 =	sld [smem:$0x3F9C];
	s0 =	simm.s32 @p0 $0x1  }
0x13: {  	[smem:$0x3FB7] =	sst s0;
	s0 =	simm.s32 @!p1 $0x0  }
0x14: {  	s2 =	sld [smem:$0x3F9B];
	s0 =	simm.s32 @p1 $0x1  }
0x15: {  	[smem:$0x3FB8] =	sst s0;
	s0 =	simm.s32 @!p2 $0x0  }
0x16: {  	s3 =	sld [smem:$0x3FDB];
	s0 =	simm.s32 @p2 $0x1  }
0x17: {  	s4 =	simm.s32 $0x1BF5;
	[smem:$0x3FBA] =	sst s0  }
0x18: {  	s0 =	sld [smem:$0x3F9D];
	_ =	swait.ge [sflag:s4], $0x0  }
0x19: {  	s7 =	sld [smem:$0x3F9E]  }
0x1a: {  	s8 =	sadd.s32 $0xFFFFE003, lr  }
0x1b: {  	s9 =	sadd.s32 $0xFFFFFEF7, lr;
	s5 =	simm.s32 $0xFFFFFFFF;
	p2 =	slt.u32 s8, $0xFFFFF086  }
0x1c: {  	p1 =	slt.u32 s9, $0xF7A;
	s5 =	simm.s32 @!p2 $0x0  }
0x1d: {  	s5 =	simm.s32 @p1 $0x1;
	p0 =	seq.s32 s7, s2  }
0x1e: {  	s7 =	smul.u32 @!p0 $0xF7A, s2;
	p2 =	seq.s32 @!p0 s5, $0x0  }
0x1f: {  	s9 =	smul.u32 $0xF7A, s1;
	s8 =	simm.s32 @!p0 $0x1BF5;
	p2 =	por !p2, p0  }
0x20: {  	[sflag:s8] =	ssyncset.s32 @!p0 $0xFFFFF086;
	s6 =	sadd.s32 @!p0 s3, s7;
	s7 =	simm.s32 @!p0 $0x108  }
0x21: {  	s3 =	sadd.s32 s3, s9;
	s6 =	sadd.s32 @!p0 $0x88, s6;
	s7 =	simm.s32 @p2 $0x1082  }
0x22: {  	[simem:s7], [sflag:s8] =	dma.local @!p0 [hbm:s6], $0xF7A  }
0x23: {  	s9 =	sor.u32 $0xD0000000, s2;
	s6 =	simm.s32 $0x108;
	_ =	swait.ge @!p0 [sflag:s8], $0x0  }
0x24: {  	s3 =	sadd.s32 $0x88, s3;
	s6 =	simm.s32 @!p1 $0x1082;
	[sflag:s4] =	ssyncset.s32 $0xFFFFF086  }
0x25: {  	[simem:s6], [sflag:s4] =	dma.local [hbm:s3], $0xF7A  }
0x26: {  	[smem:$0x3F9E] =	sst s1;
	(tag) =	ssettag s2;
	_ =	strace s9  }
0x27: {  	s1 =	sld [smem:$0x3FAE]  }
0x28: {  	s2 =	sld [smem:$0x3FAF]  }
0x29: {  	s4 =	sld [smem:$0x3FB1]  }
0x2a: {  	p0 =	seq.s32 s5, $0x0;
	s5 =	sld [smem:$0x3FB2]  }
0x2b: {  	s6 =	sld [smem:$0x3FB3]  }
0x2c: {  	s7 =	sld [smem:$0x3FB4]  }
0x2d: {  	s3 =	simm.s32 $0x108;
	s8 =	sld [smem:$0x3FB5]  }
0x2e: {  	s3 =	simm.s32 @!p0 $0x1082;
	s9 =	sld [smem:$0x3FB6]  }
0x2f: {  	lr =	sadd.s32 s0, s3;
	s0 =	sld [smem:$0x3FAD]  }
0x30: {  	s3 =	sld [smem:$0x3FB0]  }
0x31: {  	[smem:$0x3FB9] =	sst s10  }
0x32: {  	s10 =	sld [smem:$0x3FB7];
	_ =	sdelay $0x3  }
0x33: {  	p0 =	seq.s32 s10, $0x1;
	s10 =	sld [smem:$0x3FB9];
	_ =	sdelay $0x3  }
0x34: {  	[smem:$0x3FB9] =	sst s10  }
0x35: {  	s10 =	sld [smem:$0x3FB8];
	_ =	sdelay $0x3  }
0x36: {  	p1 =	seq.s32 s10, $0x1;
	s10 =	sld [smem:$0x3FB9];
	_ =	sdelay $0x3  }
0x37: {  	[smem:$0x3FB9] =	sst s10  }
0x38: {  	s10 =	sld [smem:$0x3FBA]  }
0x39: {  	_ = 	snop;
	(pc) =	sbr.ind lr, $3  }
0x3a: {  	_ = 	snop  }
0x3b: {  	_ = 	snop  }
0x3c: {  	p2 =	seq.s32 s10, $0x1;
	s10 =	sld [smem:$0x3FB9]  }
0x3d: {  	_ =	shalt  }
0x3e: {  	_ =	shalt  }
0x3f: {  	_ =	shalt  }
0x40: {  	_ =	shalt  }
0x41: {  	_ =	shalt  }
0x42: {  	_ =	shalt  }
0x43: {  	_ =	shalt  }
0x44: {  	_ =	shalt  }
0x45: {  	_ =	shalt  }
0x46: {  	_ =	shalt  }
0x47: {  	_ =	shalt  }
0x48: {  	_ =	shalt  }
0x49: {  	_ =	shalt  }
0x4a: {  	_ =	shalt  }
0x4b: {  	_ =	shalt  }
0x4c: {  	_ =	shalt  }
0x4d: {  	_ =	shalt  }
0x4e: {  	_ =	shalt  }
0x4f: {  	_ =	shalt  }
0x50: {  	_ =	shalt  }
0x51: {  	_ =	shalt  }
0x52: {  	_ =	shalt  }
0x53: {  	_ =	shalt  }
0x54: {  	_ =	shalt  }
0x55: {  	_ =	shalt  }
0x56: {  	_ =	shalt  }
0x57: {  	_ =	shalt  }
0x58: {  	_ =	shalt  }
0x59: {  	_ =	shalt  }
0x5a: {  	_ =	shalt  }
0x5b: {  	_ =	shalt  }
0x5c: {  	_ =	shalt  }
0x5d: {  	_ =	shalt  }
0x5e: {  	_ =	shalt  }
0x5f: {  	_ =	shalt  }
0x60: {  	_ =	shalt  }
0x61: {  	_ =	shalt  }
0x62: {  	_ =	shalt  }
0x63: {  	_ =	shalt  }
0x64: {  	_ =	shalt  }
0x65: {  	_ =	shalt  }
0x66: {  	_ =	shalt  }
0x67: {  	_ =	shalt  }
0x68: {  	_ =	shalt  }
0x69: {  	_ =	shalt  }
0x6a: {  	_ =	shalt  }
0x6b: {  	_ =	shalt  }
0x6c: {  	_ =	shalt  }
0x6d: {  	_ =	shalt  }
0x6e: {  	_ =	shalt  }
0x6f: {  	_ =	shalt  }
0x70: {  	_ =	shalt  }
0x71: {  	_ =	shalt  }
0x72: {  	_ =	shalt  }
0x73: {  	_ =	shalt  }
0x74: {  	_ =	shalt  }
0x75: {  	_ =	shalt  }
0x76: {  	_ =	shalt  }
0x77: {  	_ =	shalt  }
0x78: {  	_ =	shalt  }
0x79: {  	_ =	shalt  }
0x7a: {  	_ =	shalt  }
0x7b: {  	_ =	shalt  }
0x7c: {  	_ =	shalt  }
0x7d: {  	_ =	shalt  }
0x7e: {  	_ =	shalt  }
0x7f: {  	_ =	shalt  }
0x80: {  	_ =	shalt  }
0x81: {  	_ =	shalt  }
0x82: {  	_ =	shalt  }
0x83: {  	_ =	shalt  }
0x84: {  	_ =	shalt  }
0x85: {  	_ =	shalt  }
0x86: {  	_ =	shalt  }
0x87: {  	_ =	shalt  }
.Lfunc_end0:
.L_simem_size_0:
called_computation_lowered:
.L_overlay_start_0:
0x88: {  	s2 =	sld [smem:$0x3FD9]  }
0x89: {  	s3 =	sld [smem:$0x3FFE];
	_ =	sdelay $0x1  }
0x8a: {  	s1 =	srdreg.scid  }
0x8b: {  	s0 =	sand.u32 $0x1, s1  }
0x8c: {  	s17 =	sshll.u32 s0, $0xA;
	s2 =	sadd.s32 s3, s2  }
0x8d: {  	s2 =	sadd.s32 s2, s17  }
0x8e: {  	[smem:$0x3FC5] =	sst s2  }
0x8f: {  	_ = 	snop  }
0x90: {  	s2 =	sld [smem:$0x3FC9]  }
0x91: {  	s18 =	sld [smem:$0x3FD0];
	(tm) =	ssettm $0x1  }
0x92: {  	s4 =	sld [smem:$0x3FFB];
	_ =	sdelay $0x3  }
0x93: {  	_ =	strace s4  }
0x94: {  	s4 =	sld [smem:$0x3FFC];
	_ =	sdelay $0x3  }
0x95: {  	_ =	strace s4  }
0x96: {  	s4 =	sld [smem:$0x3FFD];
	_ =	sdelay $0x3  }
0x97: {  	_ =	strace s4  }
0x98: {  	_ =	strace $0x8FFFFFFF  }
0x99: {  	s19 =	sld [smem:$0x3FDB];
	_ =	sdelay $0x1  }
0x9a: {  	s5 =	simm.s32 $_scs_section_size  }
0x9b: {  	s6 =	simm.s32 $_size__tile_overlayer_lowered;
	s7 =	simm.s32 $_tile_overlayer_lowered  }
0x9c: {  	s22 =	simm.s32 $0x1BFF;
	s21 =	sshll.u32 s7, $0x1;
	s4 =	sadd.s32 s5, s19  }
0x9d: {  	s8 =	simm.s32 $0x0;
	s20 =	sshll.u32 s6, $0x1;
	s6 =	sadd.s32 s21, s4  }
0x9e: {  	[timem:s8], [sflag:s22] =	dma.local [hbm:s6], s20  }
0x9f: {  	_ =	swait.ge [sflag:s22], s20  }
0xa0: {  	s5 =	ssub.s32 $0x0, s20;
	[sflag:s22] =	ssyncset.done $0x0  }
0xa1: {  	[sflag:s22] =	ssyncadd.s32 s5;
	_ =	sdelay $0x1  }
0xa2: {  	s23 =	simm.s32 $0x1B8B  }
0xa3: {  	_ =	swait.ge [sflag:s23], $0x1  }
0xa4: {  	[sflag:s23] =	ssyncset.done $0x0  }
0xa5: {  	s25 =	simm.s32 $0x1B8E;
	s24 =	sld [smem:$0x3FFE];
	[sflag:s23] =	ssyncadd.s32 $0xFFFFFFFF  }
0xa6: {  	s26 =	simm.s32 $execute0_lowered;
	[smem:$0x3FD2] =	sst s25  }
0xa7: {  	s6 =	sshll.u32 s26, $0x1;
	_ =	strace $0x80000046;
	[dreg:$0x1] =	wrdreg $0xFFFFFFFF  }
0xa8: {  	s28 =	simm.s32 $_size_execute0_lowered;
	s4 =	sadd.s32 s4, s6;
	[dreg:$0x0] =	wrdreg $0x0  }
0xa9: {  	s6 =	sshll.u32 s28, $0x1;
	[dreg:$0x2] =	wrdreg s4  }
0xaa: {  	[dreg:$0x3] =	wrdreg s6  }
0xab: {  	[dreg:$0x4] =	wrdreg $0xC0  }
0xac: {  	_ =	task [dreg:s8], $0x5FFFF  }
0xad: {  	[dreg:$0x1] =	wrdreg $0xFFFFFFFF  }
0xae: {  	[dreg:$0x0] =	wrdreg $0x60  }
0xaf: {  	[dreg:$0x2] =	wrdreg s2  }
0xb0: {  	[dreg:$0x3] =	wrdreg s24  }
0xb1: {  	[dreg:$0x4] =	wrdreg s18  }
0xb2: {  	[dreg:$0x5] =	wrdreg $0xA1000  }
0xb3: {  	[dreg:$0x6] =	wrdreg $0x9  }
0xb4: {  	_ =	task.clear_ibuf [dreg:s8], $0x7FFFF;
	_ =	strace $0x90000046  }
0xb5: {  	s29 =	simm.s32 $0x9;
	_ =	strace $0x80000048  }
0xb6: {  	_ =	swait.ge [sflag:s29], $0x1  }
0xb7: {  	[sflag:s29] =	ssyncadd.s32 $0xFFFFFFFF  }
0xb8: {  	_ =	strace $0x90000048  }
0xb9: {  	_ =	sfence  }
0xba: {  	s30 =	sld [smem:$0x0];
	_ =	sdelay $0x2  }
0xbb: {  	s31 =	sshll.u32 s1, $0xD;
	s1 =	sshrl.u32 s1, $0x2  }
0xbc: {  	s3 =	sand.u32 $0x4000, s31;
	s1 =	sadd.s32 s1, s30  }
0xbd: {  	s0 =	sor.u32 s3, s0;
	s1 =	sshll.u32 s1, $0x11  }
0xbe: {  	s0 =	sor.u32 s1, s0  }
0xbf: {  	s0 =	sadd.s32 $0x8F2B, s0  }
0xc0: {  	[sflag:s0] =	ssyncadd.remote.s32 $0x1  }
0xc1: {  	_ =	sfence.sel $0xFFFF  }
0xc2: {  	[dreg:$0x0] =	wrdreg $0xFFFFFFFF;
	(pc) =	sbr.abs _section_cstart, $3  }
0xc3: {  	[dreg:$0x1] =	wrdreg $0xFFFFFFFF  }
0xc4: {  	_ =	task.clear_ibuf [dreg:s8], $0x2FFFF;
	_ =	strace $0x9FFFFFFF  }
0xc5: {  	(tm) =	ssettm $0x7FFFFFFF  }
tec
execute0_lowered:
.L_overlay_start_1:
0x0: {  	(tag) =	ssettag $0x1  }
0x1: {  	s1 =	rddreg [dreg:$0x0]  }
0x2: {  	s0 =	rddreg [dreg:$0x1]  }
0x3: {  	s2 =	rddreg [dreg:$0x2]  }
0x4: {  	s3 =	rddreg [dreg:$0x3];
	s4 =	simm.s32 $0x0;
	s14 =	stileid.u32  }
0x5: {  	s5 =	srdreg.scid;
	s28 =	simm.s32 $0x50;
	s29 =	simm.s32 $0x2  }
0x6: {  	s30 =	simm.s32 $0x3;
	s31 =	simm.s32 $0x0;
	[smem:$0x7FF] =	sst s4  }
0x7: {  	s7 =	sand.u32 $0x1, s5;
	s6 =	sshll.u32 s14, $0x1;
	s8 =	smul.u32 $0x500, s14  }
0x8: {  	s5 =	sadd.s32 $0xA800, s0;
	s13 =	ssub.s32 $0x8C, s14;
	s22 =	smul.u32 $0xA000, s14  }
0x9: {  	_ =	strace $0x80000047;
	s9 =	sor.u32 s7, s6;
	s6 =	sadd.s32 $0xA00, s0  }
0xa: {  	s10 =	ssub.s32 $0x2, s7;
	s17 =	sshrl.u32 s13, $0x4;
	s11 =	smul.u32 $0x2710, s9  }
0xb: {  	p0 =	sne.s32 s7, $0x0;
	s12 =	sshrl.u32 s10, $0x1;
	s9 =	smul.u32 $0x27100, s9  }
0xc: {  	s0 =	sadd.s32 s8, s0;
	s25 =	sshrl.u32 s22, $0x2;
	s26 =	sadd.s32 s8, s2  }
0xd: {  	s22 =	simm.s32 $0xA000;
	s10 =	ssub.s32 s10, s12;
	s0 =	sadd.s32 $0x4EC800, s0  }
0xe: {  	[dreg:$0xe] =	wrdreg s26;
	s26 =	simm.s32 $0xA080;
	s13 =	sadd.s32 s1, s9  }
0xf: {  	s15 =	sshrl.u32 s11, $0x3;
	s16 =	sadd.s32 $0x50, s11;
	[dreg:$0xd] =	wrdreg s0  }
0x10: {  	s9 =	sadd.s32 s5, s9;
	s14 =	sadd.s32 $0xA0, s11;
	[dreg:$0x5] =	wrdreg s13  }
0x11: {  	s24 =	smax.u32 s10, $0x1;
	[dreg:$0x6] =	wrdreg s9;
	s18 =	sadd.s32 s6, s15  }
0x12: {  	s19 =	sshll.u32 s16, $0x4;
	s21 =	sshrl.u32 s16, $0x3;
	[dreg:$0xb] =	wrdreg s24  }
0x13: {  	s15 =	sadd.s32 $0xF0, s11;
	[dreg:$0x7] =	wrdreg s18;
	s20 =	sadd.s32 s1, s19  }
0x14: {  	s24 =	simm.s32 $0x2800;
	s9 =	sadd.s32 s5, s19;
	[dreg:$0x8] =	wrdreg s20  }
0x15: {  	s23 =	sadd.s32 s6, s21;
	s21 =	simm.s32 $0x5000;
	[dreg:$0x9] =	wrdreg s9  }
0x16: {  	[dreg:$0xa] =	wrdreg s23;
	s9 =	sadd.s32 s25, s3;
	s20 =	simm.s32 $0x4  }
0x17: {  	v0 =	vimm.f32 $0.0e+00;
	s23 =	simm.s32 $0x1;
	s25 =	simm.s32 $0x7800;
	[dreg:$0xc] =	wrdreg s9  }
.LBB2_1:
0x18: {  	s0 =	simm.s32 $0x0;
	s2 =	simm.s32 $0x200  }
.LBB2_2:
0x19: {  	p1 =	sne.s32 s2, $0x9E00;
	[tilespmem:s0+$0x70] =	vst v0  }
0x1a: {  	[tilespmem:s0+$0x0] =	vst v0  }
0x1b: {  	[tilespmem:s0+$0x10] =	vst v0  }
.Ltmp0:
0x1c: {  	[tilespmem:s0+$0x20] =	vst v0;
	(pc) =	sbr.rel @p1 .LBB2_2-.Ltmp0, $4  }
0x1d: {  	[tilespmem:s0+$0x30] =	vst v0  }
0x1e: {  	[tilespmem:s0+$0x40] =	vst v0  }
0x1f: {  	[tilespmem:s0+$0x50] =	vst v0  }
0x20: {  	[tilespmem:s0+$0x60] =	vst v0;
	s0 =	sshra.s32 s2, $0x2;
	s2 =	sadd.s32 $0x200, s2  }
0x21: {  	[tilespmem:s0+$0x70] =	vst v0  }
0x22: {  	[tilespmem:s0+$0x0] =	vst v0  }
0x23: {  	[tilespmem:s0+$0x10] =	vst v0  }
0x24: {  	[tilespmem:s0+$0x20] =	vst v0  }
0x25: {  	[tilespmem:s0+$0x30] =	vst v0  }
0x26: {  	[tilespmem:s0+$0x40] =	vst v0;
	p1 =	sne.s32 s17, $0x1  }
.Ltmp1:
0x27: {  	[tilespmem:s0+$0x50] =	vst v0;
	(pc) =	sbr.rel @!p1 .LBB2_5-.Ltmp1, $4  }
0x28: {  	[tilespmem:s0+$0x60] =	vst v0;
	s2 =	rddreg [dreg:$0xc]  }
0x29: {  	[spmem:s2] =	stream.linear.scatter [tilespmem:s4], [sflag:$0x4], $0x2800, $0x38;
	[tilespmem:$0x1D980] =	vst v63  }
0x2a: {  	_ =	swait.ge [sflag:s20], $0x2800  }
0x2b: {  	s0 =	sadd.s32 $0xFFFFFFFF, s17;
	[sflag:s20] =	ssyncset.done $0x0  }
.LBB2_4:
0x2c: {  	p1 =	sne.s32 s0, $0x1;
	[sflag:s20] =	ssyncadd.s32 $0xFFFFD800;
	s2 =	sadd.s32 $0x28000, s2  }
.Ltmp2:
0x2d: {  	s0 =	sadd.s32 $0xFFFFFFFF, s0;
	(pc) =	sbr.rel @p1 .LBB2_4-.Ltmp2, $4  }
0x2e: {  	_ = 	snop  }
0x2f: {  	[spmem:s2] =	stream.linear.scatter [tilespmem:s4], [sflag:$0x4], $0x2800, $0x38;
	[tilespmem:$0x1D980] =	vst v63  }
0x30: {  	_ =	swait.ge [sflag:s20], $0x2800  }
0x31: {  	[sflag:s20] =	ssyncset.done $0x0  }
.LBB2_5:
0x32: {  	[sflag:s20] =	ssyncadd.s32 $0xFFFFD800  }
0x33: {  	[bflag:$0x0] =	sbarrier.arrive $0xFFFF  }
0x34: {  	s0 =	rddreg [dreg:$0x5]  }
0x35: {  	[tilespmem:s4], [sflag:$0x1] =	stream.linear.gather [hbm4b:s0+s4], $0x2800, $0x38;
	[tilespmem:$0x1D980] =	vst v63  }
0x36: {  	s18 =	rddreg [dreg:$0x6]  }
0x37: {  	[tilespmem:s21], [sflag:$0x1] =	stream.linear.gather [hbm4b:s18+s4], $0x2800, $0x38;
	[tilespmem:$0x1D980] =	vst v63  }
0x38: {  	s19 =	rddreg [dreg:$0x7]  }
0x39: {  	[tilespmem:s22], [sflag:$0x1] =	stream.linear.gather [hbm4b:s19+s4], $0x50, $0x38;
	[tilespmem:$0x1D980] =	vst v63  }
0x3a: {  	_ =	swait.ge [sflag:s23], $0x2800  }
0x3b: {  	[sflag:s23] =	ssyncset.done $0x0  }
0x3c: {  	[sflag:s23] =	ssyncadd.s32 $0xFFFFD800  }
0x3d: {  	_ =	swait.ge [sflag:s23], $0x2800  }
0x3e: {  	[sflag:s23] =	ssyncset.done $0x0  }
0x3f: {  	[sflag:s23] =	ssyncadd.s32 $0xFFFFD800  }
0x40: {  	_ =	swait.ge [sflag:s23], $0x50  }
0x41: {  	[sflag:s23] =	ssyncset.done $0x0  }
0x42: {  	s8 =	simm.s32 $0x5100;
	[sflag:s23] =	ssyncadd.s32 $0xFFFFFFB0  }
0x43: {  	v1 =	vld [tilespmem:s8+$0xFFFFFF00]  }
0x44: {  	s0 =	simm.s32 $0x100  }
0x45: {  	v3 =	vld [tilespmem:s0+$0xFFFFFF00]  }
0x46: {  	v4 =	vld [tilespmem:s0+$0xFFFFFF20]  }
0x47: {  	v5 =	vld [tilespmem:s0+$0xFFFFFF70]  }
0x48: {  	v2 =	vld [tilespmem:s0+$0xFFFFFF50];
	v6 =	vbroadcast v1, $0x0  }
0x49: {  	v7 =	vld [tilespmem:s0+$0xFFFFFF40];
	v9 =	vbroadcast v1, $0x2  }
0x4a: {  	v8 =	vld [tilespmem:s0+$0xFFFFFF60];
	v10 =	vbroadcast v1, $0x7;
	v3 =	vmul.f32 v6, v3  }
0x4b: {  	v12 =	vld [tilespmem:s0+$0xFFFFFF10];
	v57 =	vbroadcast v1, $0x5;
	v4 =	vmul.f32 v4, v9  }
0x4c: {  	v11 =	vld [tilespmem:s0+$0xFFFFFF30];
	v6 =	vbroadcast v1, $0x4;
	v5 =	vmul.f32 v5, v10;
	[tilespmem:s0+$0xFFFFFF00] =	vst v3  }
0x4d: {  	v2 =	vmul.f32 v2, v57;
	v3 =	vbroadcast v1, $0x6;
	[tilespmem:s0+$0xFFFFFF20] =	vst v4  }
0x4e: {  	v4 =	vmul.f32 v7, v6;
	v6 =	vbroadcast v1, $0x1;
	[tilespmem:s0+$0xFFFFFF70] =	vst v5  }
0x4f: {  	v1 =	vbroadcast v1, $0x3;
	[tilespmem:s0+$0xFFFFFF50] =	vst v2;
	v3 =	vmul.f32 v8, v3  }
0x50: {  	[tilespmem:s0+$0xFFFFFF40] =	vst v4;
	v4 =	vmul.f32 v12, v6  }
0x51: {  	v1 =	vmul.f32 v11, v1;
	[tilespmem:s0+$0xFFFFFF60] =	vst v3  }
0x52: {  	[tilespmem:s0+$0xFFFFFF10] =	vst v4  }
0x53: {  	[tilespmem:s0+$0xFFFFFF30] =	vst v1  }
0x54: {  	v2 =	vld [tilespmem:s8+$0xFFFFFF80];
	_ =	sdelay $0x1  }
0x55: {  	v3 =	vld [tilespmem:s0+$0xFFFFFF80]  }
0x56: {  	v4 =	vld [tilespmem:s0+$0xFFFFFFF0]  }
0x57: {  	v5 =	vld [tilespmem:s0+$0xFFFFFFD0]  }
0x58: {  	v7 =	vld [tilespmem:s0+$0xFFFFFF90];
	v6 =	vbroadcast v2, $0x0  }
0x59: {  	v58 =	vld [tilespmem:s0+$0xFFFFFFB0];
	v59 =	vbroadcast v2, $0x7  }
0x5a: {  	v60 =	vld [tilespmem:s0+$0xFFFFFFA0];
	v61 =	vbroadcast v2, $0x5;
	v3 =	vmul.f32 v6, v3  }
0x5b: {  	v62 =	vld [tilespmem:s0+$0xFFFFFFC0];
	v6 =	vbroadcast v2, $0x1;
	v4 =	vmul.f32 v4, v59  }
0x5c: {  	v63 =	vld [tilespmem:s0+$0xFFFFFFE0];
	v13 =	vbroadcast v2, $0x3;
	[tilespmem:s0+$0xFFFFFF80] =	vst v3;
	v3 =	vmul.f32 v5, v61  }
0x5d: {  	v5 =	vbroadcast v2, $0x2;
	v6 =	vmul.f32 v7, v6;
	[tilespmem:s0+$0xFFFFFFF0] =	vst v4  }
0x5e: {  	v4 =	vbroadcast v2, $0x4;
	v7 =	vmul.f32 v58, v13;
	[tilespmem:s0+$0xFFFFFFD0] =	vst v3  }
0x5f: {  	v2 =	vbroadcast v2, $0x6;
	v3 =	vmul.f32 v60, v5;
	[tilespmem:s0+$0xFFFFFF90] =	vst v6  }
0x60: {  	v4 =	vmul.f32 v62, v4;
	[tilespmem:s0+$0xFFFFFFB0] =	vst v7  }
0x61: {  	v2 =	vmul.f32 v63, v2;
	[tilespmem:s0+$0xFFFFFFA0] =	vst v3  }
0x62: {  	[tilespmem:s0+$0xFFFFFFC0] =	vst v4  }
0x63: {  	v1 =	vld [tilespmem:s0+$0x20];
	[tilespmem:s0+$0xFFFFFFE0] =	vst v2  }
0x64: {  	v3 =	vld [tilespmem:s8+$0x0]  }
0x65: {  	v2 =	vld [tilespmem:s0+$0x30]  }
0x66: {  	s10 =	simm.s32 $0x0;
	s11 =	simm.s32 $0x100;
	s9 =	simm.s32 $0x5100;
	v4 =	vld [tilespmem:s0+$0x50]  }
.LBB2_6:
0x67: {  	s10 =	sadd.s32 $0x4, s10;
	v5 =	vld [tilespmem:s0+$0x0];
	s11 =	sadd.s32 $0x200, s11;
	s8 =	sadd.s32 $0x200, s8  }
0x68: {  	p1 =	slt.u32 s10, $0x4C;
	v6 =	vld [tilespmem:s0+$0x40]  }
0x69: {  	v7 =	vbroadcast v3, $0x0;
	v8 =	vld [tilespmem:s0+$0x10];
	v9 =	vbroadcast v3, $0x5  }
0x6a: {  	v10 =	vbroadcast v3, $0x2;
	v11 =	vbroadcast v3, $0x6;
	v12 =	vld [tilespmem:s0+$0x70]  }
0x6b: {  	v13 =	vbroadcast v3, $0x4;
	v4 =	vmul.f32 v4, v9;
	v9 =	vld [tilespmem:s0+$0x60]  }
0x6c: {  	v14 =	vbroadcast v3, $0x1;
	v1 =	vmul.f32 v1, v10  }
0x6d: {  	v6 =	vmul.f32 v6, v13;
	[tilespmem:s0+$0x50] =	vst v4;
	v4 =	vbroadcast v3, $0x7  }
0x6e: {  	v8 =	vmul.f32 v8, v14;
	[tilespmem:s0+$0x20] =	vst v1;
	v1 =	vbroadcast v3, $0x3  }
0x6f: {  	v3 =	vmul.f32 v7, v5;
	[tilespmem:s0+$0x40] =	vst v6;
	v4 =	vmul.f32 v12, v4  }
0x70: {  	[tilespmem:s0+$0x10] =	vst v8;
	v2 =	vmul.f32 v2, v1;
	v5 =	vmul.f32 v9, v11  }
0x71: {  	[tilespmem:s0+$0x0] =	vst v3  }
0x72: {  	v1 =	vld [tilespmem:s11+$0x20];
	[tilespmem:s0+$0x30] =	vst v2  }
0x73: {  	[tilespmem:s0+$0x60] =	vst v5  }
0x74: {  	[tilespmem:s0+$0x70] =	vst v4;
	v2 =	vld [tilespmem:s0+$0x80]  }
0x75: {  	v3 =	vld [tilespmem:s9+$0x80];
	s9 =	smov.u32 s8  }
0x76: {  	v4 =	vld [tilespmem:s0+$0xD0]  }
0x77: {  	v5 =	vld [tilespmem:s0+$0xA0]  }
0x78: {  	v6 =	vld [tilespmem:s0+$0xB0]  }
0x79: {  	v7 =	vld [tilespmem:s0+$0xC0]  }
0x7a: {  	v8 =	vbroadcast v3, $0x0;
	v9 =	vbroadcast v3, $0x1;
	v10 =	vld [tilespmem:s0+$0xE0]  }
0x7b: {  	v11 =	vbroadcast v3, $0x2;
	v12 =	vbroadcast v3, $0x3;
	v13 =	vld [tilespmem:s0+$0xF0]  }
0x7c: {  	v15 =	vbroadcast v3, $0x4;
	v16 =	vbroadcast v3, $0x5;
	v14 =	vld [tilespmem:s0+$0x90]  }
0x7d: {  	v6 =	vmul.f32 v6, v12;
	v12 =	vbroadcast v3, $0x6  }
0x7e: {  	v3 =	vbroadcast v3, $0x7;
	v7 =	vmul.f32 v7, v15  }
0x7f: {  	v4 =	vmul.f32 v4, v16;
	[tilespmem:s0+$0xB0] =	vst v6;
	v6 =	vmul.f32 v10, v12  }
0x80: {  	v2 =	vmul.f32 v8, v2;
	[tilespmem:s0+$0xC0] =	vst v7;
	v3 =	vmul.f32 v13, v3  }
0x81: {  	v5 =	vmul.f32 v5, v11;
	v7 =	vmul.f32 v14, v9;
	[tilespmem:s0+$0xD0] =	vst v4  }
0x82: {  	[tilespmem:s0+$0xF0] =	vst v3  }
0x83: {  	[tilespmem:s0+$0x80] =	vst v2  }
0x84: {  	[tilespmem:s0+$0xE0] =	vst v6  }
0x85: {  	[tilespmem:s0+$0xA0] =	vst v5  }
0x86: {  	v2 =	vld [tilespmem:s11+$0xFFFFFF50];
	[tilespmem:s0+$0x90] =	vst v7;
	s0 =	smov.u32 s11  }
0x87: {  	v3 =	vld [tilespmem:s8+$0xFFFFFF00]  }
0x88: {  	v4 =	vld [tilespmem:s11+$0xFFFFFF60]  }
0x89: {  	v5 =	vld [tilespmem:s11+$0xFFFFFF00]  }
0x8a: {  	v6 =	vld [tilespmem:s11+$0xFFFFFF20]  }
0x8b: {  	v7 =	vld [tilespmem:s11+$0xFFFFFF70]  }
0x8c: {  	v8 =	vbroadcast v3, $0x0;
	v9 =	vld [tilespmem:s11+$0xFFFFFF40];
	v10 =	vbroadcast v3, $0x7  }
0x8d: {  	v11 =	vbroadcast v3, $0x2;
	v13 =	vbroadcast v3, $0x4;
	v12 =	vld [tilespmem:s11+$0xFFFFFF30]  }
0x8e: {  	v14 =	vbroadcast v3, $0x5;
	v5 =	vmul.f32 v8, v5;
	v8 =	vld [tilespmem:s11+$0xFFFFFF10]  }
0x8f: {  	v6 =	vmul.f32 v6, v11;
	v11 =	vbroadcast v3, $0x3  }
0x90: {  	[tilespmem:s11+$0xFFFFFF00] =	vst v5;
	v5 =	vbroadcast v3, $0x6;
	v7 =	vmul.f32 v7, v10  }
0x91: {  	v3 =	vbroadcast v3, $0x1;
	[tilespmem:s11+$0xFFFFFF20] =	vst v6;
	v6 =	vmul.f32 v9, v13  }
0x92: {  	v9 =	vmul.f32 v12, v11;
	v4 =	vmul.f32 v4, v5;
	[tilespmem:s11+$0xFFFFFF70] =	vst v7  }
0x93: {  	v2 =	vmul.f32 v2, v14;
	v3 =	vmul.f32 v8, v3;
	[tilespmem:s11+$0xFFFFFF40] =	vst v6  }
0x94: {  	[tilespmem:s11+$0xFFFFFF60] =	vst v4  }
0x95: {  	[tilespmem:s11+$0xFFFFFF50] =	vst v2  }
0x96: {  	[tilespmem:s11+$0xFFFFFF10] =	vst v3  }
0x97: {  	[tilespmem:s11+$0xFFFFFF30] =	vst v9;
	v2 =	vld [tilespmem:s11+$0xFFFFFFB0]  }
0x98: {  	v3 =	vld [tilespmem:s8+$0xFFFFFF80]  }
0x99: {  	v4 =	vld [tilespmem:s11+$0xFFFFFFD0]  }
0x9a: {  	v5 =	vld [tilespmem:s11+$0xFFFFFFF0]  }
0x9b: {  	v6 =	vld [tilespmem:s11+$0xFFFFFFA0]  }
0x9c: {  	v7 =	vld [tilespmem:s11+$0xFFFFFF80]  }
0x9d: {  	v8 =	vbroadcast v3, $0x0;
	v9 =	vbroadcast v3, $0x1;
	v10 =	vld [tilespmem:s11+$0xFFFFFFE0]  }
0x9e: {  	v11 =	vbroadcast v3, $0x2;
	v12 =	vbroadcast v3, $0x3;
	v13 =	vld [tilespmem:s11+$0xFFFFFFC0]  }
0x9f: {  	v15 =	vbroadcast v3, $0x4;
	v16 =	vbroadcast v3, $0x5;
	v14 =	vld [tilespmem:s11+$0xFFFFFF90]  }
0xa0: {  	v17 =	vbroadcast v3, $0x6;
	v3 =	vbroadcast v3, $0x7  }
0xa1: {  	v6 =	vmul.f32 v6, v11;
	v7 =	vmul.f32 v8, v7  }
0xa2: {  	v3 =	vmul.f32 v5, v3;
	v8 =	vmul.f32 v10, v17  }
0xa3: {  	v4 =	vmul.f32 v4, v16;
	[tilespmem:s11+$0xFFFFFF80] =	vst v7;
	v5 =	vmul.f32 v13, v15  }
0xa4: {  	v2 =	vmul.f32 v2, v12;
	v7 =	vmul.f32 v14, v9;
	[tilespmem:s11+$0xFFFFFFF0] =	vst v3  }
0xa5: {  	[tilespmem:s11+$0xFFFFFFD0] =	vst v4  }
0xa6: {  	[tilespmem:s11+$0xFFFFFF90] =	vst v7  }
0xa7: {  	[tilespmem:s11+$0xFFFFFFB0] =	vst v2  }
0xa8: {  	[tilespmem:s11+$0xFFFFFFA0] =	vst v6  }
.Ltmp3:
0xa9: {  	[tilespmem:s11+$0xFFFFFFC0] =	vst v5;
	(pc) =	sbr.rel @p1 .LBB2_6-.Ltmp3, $4  }
0xaa: {  	[tilespmem:s11+$0xFFFFFFE0] =	vst v8  }
0xab: {  	v3 =	vld [tilespmem:s8+$0x0]  }
0xac: {  	v2 =	vld [tilespmem:s11+$0x30]  }
0xad: {  	v4 =	vld [tilespmem:s11+$0x50]  }
0xae: {  	_ = 	snop  }
0xaf: {  	v5 =	vld [tilespmem:s0+$0x40]  }
0xb0: {  	v6 =	vld [tilespmem:s0+$0x10];
	v7 =	vbroadcast v3, $0x5  }
0xb1: {  	v8 =	vld [tilespmem:s0+$0x0];
	v9 =	vbroadcast v3, $0x2  }
0xb2: {  	v11 =	vbroadcast v3, $0x4;
	v4 =	vmul.f32 v4, v7  }
0xb3: {  	v45 =	vld [tilespmem:s0+$0x60];
	v12 =	vbroadcast v3, $0x1;
	v1 =	vmul.f32 v1, v9  }
0xb4: {  	v10 =	vld [tilespmem:s0+$0x70];
	v46 =	vbroadcast v3, $0x0;
	v5 =	vmul.f32 v5, v11;
	[tilespmem:s0+$0x50] =	vst v4  }
0xb5: {  	v47 =	vmul.f32 v6, v12;
	[tilespmem:s0+$0x20] =	vst v1;
	v1 =	vbroadcast v3, $0x3  }
0xb6: {  	v48 =	vbroadcast v3, $0x6;
	v8 =	vmul.f32 v46, v8;
	[tilespmem:s0+$0x40] =	vst v5  }
0xb7: {  	v3 =	vbroadcast v3, $0x7;
	[tilespmem:s0+$0x10] =	vst v47;
	v1 =	vmul.f32 v2, v1  }
0xb8: {  	[tilespmem:s0+$0x0] =	vst v8;
	v2 =	vmul.f32 v45, v48  }
0xb9: {  	v3 =	vmul.f32 v10, v3;
	[tilespmem:s0+$0x30] =	vst v1  }
0xba: {  	[tilespmem:s0+$0x60] =	vst v2  }
0xbb: {  	[tilespmem:s0+$0x70] =	vst v3  }
0xbc: {  	v1 =	vld [tilespmem:s9+$0x80];
	_ =	sdelay $0x1  }
0xbd: {  	v3 =	vld [tilespmem:s0+$0xB0]  }
0xbe: {  	v49 =	vld [tilespmem:s0+$0xC0]  }
0xbf: {  	v52 =	vld [tilespmem:s0+$0xF0]  }
0xc0: {  	v2 =	vld [tilespmem:s0+$0x80];
	v51 =	vbroadcast v1, $0x3  }
0xc1: {  	v53 =	vld [tilespmem:s0+$0xA0];
	v54 =	vbroadcast v1, $0x4;
	v56 =	vbroadcast v1, $0x5  }
0xc2: {  	v50 =	vld [tilespmem:s0+$0xD0];
	v58 =	vbroadcast v1, $0x7;
	v3 =	vmul.f32 v3, v51  }
0xc3: {  	v57 =	vld [tilespmem:s0+$0x90];
	v59 =	vbroadcast v1, $0x0;
	v4 =	vmul.f32 v49, v54  }
0xc4: {  	v55 =	vld [tilespmem:s0+$0xE0];
	v62 =	vbroadcast v1, $0x2;
	v61 =	vmul.f32 v52, v58;
	[tilespmem:s0+$0xB0] =	vst v3  }
0xc5: {  	v60 =	vbroadcast v1, $0x6;
	v2 =	vmul.f32 v59, v2;
	[tilespmem:s0+$0xC0] =	vst v4  }
0xc6: {  	v1 =	vbroadcast v1, $0x1;
	v63 =	vmul.f32 v53, v62;
	[tilespmem:s0+$0xF0] =	vst v61  }
0xc7: {  	v3 =	vmul.f32 v50, v56;
	[tilespmem:s0+$0x80] =	vst v2  }
0xc8: {  	v1 =	vmul.f32 v57, v1;
	[tilespmem:s0+$0xA0] =	vst v63  }
0xc9: {  	[tilespmem:s0+$0xD0] =	vst v3;
	v3 =	vmul.f32 v55, v60  }
0xca: {  	[tilespmem:s0+$0x90] =	vst v1  }
0xcb: {  	s2 =	rddreg [dreg:$0x8];
	[tilespmem:s0+$0xE0] =	vst v3;
	s0 =	simm.s32 $0x0  }
0xcc: {  	[tilespmem:s24], [sflag:$0x2] =	stream.linear.gather [hbm4b:s2+s0], $0x2800, $0x38;
	[tilespmem:$0x1D980] =	vst v63  }
0xcd: {  	s18 =	rddreg [dreg:$0x9]  }
0xce: {  	[tilespmem:s25], [sflag:$0x2] =	stream.linear.gather [hbm4b:s18+s0], $0x2800, $0x38;
	[tilespmem:$0x1D980] =	vst v63  }
0xcf: {  	s19 =	rddreg [dreg:$0xa]  }
0xd0: {  	[tilespmem:s26], [sflag:$0x2] =	stream.linear.gather [hbm4b:s19+s0], $0x50, $0x38;
	[tilespmem:$0x1D980] =	vst v63  }
0xd1: {  	_ = 	snop  }
0xd2: {  	[spmem:s3] =	stream.indirect.scatter.add.f32 [tilespmem:s0], [sflag:$0x3], $0x80, s22, s28, $0xb8;
	[tilespmem:$0x1D980] =	vst v63  }
.LBB2_8:
0xd3: {  	_ =	swait.ge [sflag:s29], $0x2800  }
0xd4: {  	[sflag:s29] =	ssyncset.done $0x0  }
0xd5: {  	[sflag:s29] =	ssyncadd.s32 $0xFFFFD800  }
0xd6: {  	_ =	swait.ge [sflag:s29], $0x2800  }
0xd7: {  	[sflag:s29] =	ssyncset.done $0x0  }
0xd8: {  	[sflag:s29] =	ssyncadd.s32 $0xFFFFD800  }
0xd9: {  	_ =	swait.ge [sflag:s29], $0x50  }
0xda: {  	[sflag:s29] =	ssyncset.done $0x0  }
0xdb: {  	s8 =	simm.s32 $0x7980;
	[sflag:s29] =	ssyncadd.s32 $0xFFFFFFB0  }
0xdc: {  	v1 =	vld [tilespmem:s8+$0xFFFFFE80]  }
0xdd: {  	s9 =	simm.s32 $0x29F0  }
0xde: {  	v3 =	vld [tilespmem:s9+$0xFFFFFE10]  }
0xdf: {  	v4 =	vld [tilespmem:s9+$0xFFFFFE30]  }
0xe0: {  	v5 =	vld [tilespmem:s9+$0xFFFFFE80]  }
0xe1: {  	v2 =	vld [tilespmem:s9+$0xFFFFFE60];
	v6 =	vbroadcast v1, $0x0  }
0xe2: {  	v7 =	vld [tilespmem:s9+$0xFFFFFE50];
	v9 =	vbroadcast v1, $0x2  }
0xe3: {  	v8 =	vld [tilespmem:s9+$0xFFFFFE70];
	v10 =	vbroadcast v1, $0x7;
	v3 =	vmul.f32 v6, v3  }
0xe4: {  	v12 =	vld [tilespmem:s9+$0xFFFFFE20];
	v57 =	vbroadcast v1, $0x5;
	v4 =	vmul.f32 v4, v9  }
0xe5: {  	v11 =	vld [tilespmem:s9+$0xFFFFFE40];
	v6 =	vbroadcast v1, $0x4;
	v5 =	vmul.f32 v5, v10;
	[tilespmem:s9+$0xFFFFFE10] =	vst v3  }
0xe6: {  	v2 =	vmul.f32 v2, v57;
	v3 =	vbroadcast v1, $0x6;
	[tilespmem:s9+$0xFFFFFE30] =	vst v4  }
0xe7: {  	v4 =	vmul.f32 v7, v6;
	v6 =	vbroadcast v1, $0x1;
	[tilespmem:s9+$0xFFFFFE80] =	vst v5  }
0xe8: {  	v1 =	vbroadcast v1, $0x3;
	[tilespmem:s9+$0xFFFFFE60] =	vst v2;
	v3 =	vmul.f32 v8, v3  }
0xe9: {  	[tilespmem:s9+$0xFFFFFE50] =	vst v4;
	v4 =	vmul.f32 v12, v6  }
0xea: {  	v1 =	vmul.f32 v11, v1;
	[tilespmem:s9+$0xFFFFFE70] =	vst v3  }
0xeb: {  	[tilespmem:s9+$0xFFFFFE20] =	vst v4  }
0xec: {  	[tilespmem:s9+$0xFFFFFE40] =	vst v1  }
0xed: {  	v2 =	vld [tilespmem:s8+$0xFFFFFF00];
	_ =	sdelay $0x1  }
0xee: {  	v3 =	vld [tilespmem:s9+$0xFFFFFE90]  }
0xef: {  	v4 =	vld [tilespmem:s9+$0xFFFFFF00]  }
0xf0: {  	v5 =	vld [tilespmem:s9+$0xFFFFFEE0]  }
0xf1: {  	v7 =	vld [tilespmem:s9+$0xFFFFFEA0];
	v6 =	vbroadcast v2, $0x0  }
0xf2: {  	v58 =	vld [tilespmem:s9+$0xFFFFFEC0];
	v59 =	vbroadcast v2, $0x7  }
0xf3: {  	v60 =	vld [tilespmem:s9+$0xFFFFFEB0];
	v61 =	vbroadcast v2, $0x5;
	v3 =	vmul.f32 v6, v3  }
0xf4: {  	v62 =	vld [tilespmem:s9+$0xFFFFFED0];
	v6 =	vbroadcast v2, $0x1;
	v4 =	vmul.f32 v4, v59  }
0xf5: {  	v63 =	vld [tilespmem:s9+$0xFFFFFEF0];
	v13 =	vbroadcast v2, $0x3;
	[tilespmem:s9+$0xFFFFFE90] =	vst v3;
	v3 =	vmul.f32 v5, v61  }
0xf6: {  	v5 =	vbroadcast v2, $0x2;
	v6 =	vmul.f32 v7, v6;
	[tilespmem:s9+$0xFFFFFF00] =	vst v4  }
0xf7: {  	v4 =	vbroadcast v2, $0x4;
	v7 =	vmul.f32 v58, v13;
	[tilespmem:s9+$0xFFFFFEE0] =	vst v3  }
0xf8: {  	v2 =	vbroadcast v2, $0x6;
	v3 =	vmul.f32 v60, v5;
	[tilespmem:s9+$0xFFFFFEA0] =	vst v6  }
0xf9: {  	v4 =	vmul.f32 v62, v4;
	[tilespmem:s9+$0xFFFFFEC0] =	vst v7  }
0xfa: {  	v2 =	vmul.f32 v63, v2;
	[tilespmem:s9+$0xFFFFFEB0] =	vst v3  }
0xfb: {  	[tilespmem:s9+$0xFFFFFED0] =	vst v4  }
0xfc: {  	v1 =	vld [tilespmem:s9+$0xFFFFFF30];
	[tilespmem:s9+$0xFFFFFEF0] =	vst v2  }
0xfd: {  	v3 =	vld [tilespmem:s8+$0xFFFFFF80]  }
0xfe: {  	v2 =	vld [tilespmem:s9+$0xFFFFFF40]  }
0xff: {  	s11 =	simm.s32 $0x0;
	s12 =	simm.s32 $0x29F0;
	s10 =	simm.s32 $0x7980;
	v4 =	vld [tilespmem:s9+$0xFFFFFF60]  }
.LBB2_9:
0x100: {  	s11 =	sadd.s32 $0x4, s11;
	v5 =	vld [tilespmem:s9+$0xFFFFFF10];
	s8 =	sadd.s32 $0x200, s8;
	s12 =	sadd.s32 $0x200, s12  }
0x101: {  	p1 =	slt.u32 s11, $0x4C;
	v6 =	vld [tilespmem:s9+$0xFFFFFF50]  }
0x102: {  	v7 =	vbroadcast v3, $0x0;
	v8 =	vld [tilespmem:s9+$0xFFFFFF20];
	v9 =	vbroadcast v3, $0x5  }
0x103: {  	v10 =	vbroadcast v3, $0x2;
	v11 =	vbroadcast v3, $0x6;
	v12 =	vld [tilespmem:s9+$0xFFFFFF80]  }
0x104: {  	v13 =	vbroadcast v3, $0x4;
	v4 =	vmul.f32 v4, v9;
	v9 =	vld [tilespmem:s9+$0xFFFFFF70]  }
0x105: {  	v14 =	vbroadcast v3, $0x1;
	v1 =	vmul.f32 v1, v10  }
0x106: {  	v6 =	vmul.f32 v6, v13;
	[tilespmem:s9+$0xFFFFFF60] =	vst v4;
	v4 =	vbroadcast v3, $0x7  }
0x107: {  	v8 =	vmul.f32 v8, v14;
	[tilespmem:s9+$0xFFFFFF30] =	vst v1;
	v1 =	vbroadcast v3, $0x3  }
0x108: {  	v3 =	vmul.f32 v7, v5;
	[tilespmem:s9+$0xFFFFFF50] =	vst v6;
	v4 =	vmul.f32 v12, v4  }
0x109: {  	[tilespmem:s9+$0xFFFFFF20] =	vst v8;
	v2 =	vmul.f32 v2, v1;
	v5 =	vmul.f32 v9, v11  }
0x10a: {  	[tilespmem:s9+$0xFFFFFF10] =	vst v3  }
0x10b: {  	v1 =	vld [tilespmem:s12+$0xFFFFFF30];
	[tilespmem:s9+$0xFFFFFF40] =	vst v2  }
0x10c: {  	[tilespmem:s9+$0xFFFFFF70] =	vst v5  }
0x10d: {  	[tilespmem:s9+$0xFFFFFF80] =	vst v4;
	v2 =	vld [tilespmem:s9+$0xFFFFFFF0]  }
0x10e: {  	v3 =	vld [tilespmem:s10+$0x0];
	s10 =	smov.u32 s8  }
0x10f: {  	v4 =	vld [tilespmem:s9+$0xFFFFFF90]  }
0x110: {  	v5 =	vld [tilespmem:s9+$0xFFFFFFE0]  }
0x111: {  	v6 =	vld [tilespmem:s9+$0xFFFFFFC0]  }
0x112: {  	v7 =	vld [tilespmem:s9+$0xFFFFFFD0]  }
0x113: {  	v8 =	vbroadcast v3, $0x0;
	v9 =	vbroadcast v3, $0x1;
	v10 =	vld [tilespmem:s9+$0xFFFFFFB0]  }
0x114: {  	v11 =	vbroadcast v3, $0x2;
	v12 =	vbroadcast v3, $0x3;
	v13 =	vld [tilespmem:s9+$0x0]  }
0x115: {  	v15 =	vbroadcast v3, $0x4;
	v16 =	vbroadcast v3, $0x5;
	v14 =	vld [tilespmem:s9+$0xFFFFFFA0]  }
0x116: {  	v6 =	vmul.f32 v6, v12;
	v12 =	vbroadcast v3, $0x6  }
0x117: {  	v3 =	vbroadcast v3, $0x7;
	v7 =	vmul.f32 v7, v15  }
0x118: {  	v5 =	vmul.f32 v5, v16;
	[tilespmem:s9+$0xFFFFFFC0] =	vst v6;
	v2 =	vmul.f32 v2, v12  }
0x119: {  	v4 =	vmul.f32 v8, v4;
	[tilespmem:s9+$0xFFFFFFD0] =	vst v7;
	v3 =	vmul.f32 v13, v3  }
0x11a: {  	v7 =	vmul.f32 v10, v11;
	v6 =	vmul.f32 v14, v9;
	[tilespmem:s9+$0xFFFFFFE0] =	vst v5  }
0x11b: {  	[tilespmem:s9+$0x0] =	vst v3  }
0x11c: {  	[tilespmem:s9+$0xFFFFFF90] =	vst v4  }
0x11d: {  	[tilespmem:s9+$0xFFFFFFF0] =	vst v2  }
0x11e: {  	[tilespmem:s9+$0xFFFFFFB0] =	vst v7  }
0x11f: {  	v2 =	vld [tilespmem:s12+$0xFFFFFE60];
	[tilespmem:s9+$0xFFFFFFA0] =	vst v6;
	s9 =	smov.u32 s12  }
0x120: {  	v3 =	vld [tilespmem:s8+$0xFFFFFE80]  }
0x121: {  	v4 =	vld [tilespmem:s12+$0xFFFFFE70]  }
0x122: {  	v5 =	vld [tilespmem:s12+$0xFFFFFE10]  }
0x123: {  	v6 =	vld [tilespmem:s12+$0xFFFFFE30]  }
0x124: {  	v7 =	vld [tilespmem:s12+$0xFFFFFE80]  }
0x125: {  	v8 =	vbroadcast v3, $0x0;
	v9 =	vld [tilespmem:s12+$0xFFFFFE50];
	v10 =	vbroadcast v3, $0x7  }
0x126: {  	v11 =	vbroadcast v3, $0x2;
	v13 =	vbroadcast v3, $0x4;
	v12 =	vld [tilespmem:s12+$0xFFFFFE40]  }
0x127: {  	v14 =	vbroadcast v3, $0x5;
	v5 =	vmul.f32 v8, v5;
	v8 =	vld [tilespmem:s12+$0xFFFFFE20]  }
0x128: {  	v6 =	vmul.f32 v6, v11;
	v11 =	vbroadcast v3, $0x3  }
0x129: {  	[tilespmem:s12+$0xFFFFFE10] =	vst v5;
	v5 =	vbroadcast v3, $0x6;
	v7 =	vmul.f32 v7, v10  }
0x12a: {  	v3 =	vbroadcast v3, $0x1;
	[tilespmem:s12+$0xFFFFFE30] =	vst v6;
	v6 =	vmul.f32 v9, v13  }
0x12b: {  	v9 =	vmul.f32 v12, v11;
	v4 =	vmul.f32 v4, v5;
	[tilespmem:s12+$0xFFFFFE80] =	vst v7  }
0x12c: {  	v2 =	vmul.f32 v2, v14;
	v3 =	vmul.f32 v8, v3;
	[tilespmem:s12+$0xFFFFFE50] =	vst v6  }
0x12d: {  	[tilespmem:s12+$0xFFFFFE70] =	vst v4  }
0x12e: {  	[tilespmem:s12+$0xFFFFFE60] =	vst v2  }
0x12f: {  	[tilespmem:s12+$0xFFFFFE20] =	vst v3  }
0x130: {  	[tilespmem:s12+$0xFFFFFE40] =	vst v9;
	v2 =	vld [tilespmem:s12+$0xFFFFFEC0]  }
0x131: {  	v3 =	vld [tilespmem:s8+$0xFFFFFF00]  }
0x132: {  	v4 =	vld [tilespmem:s12+$0xFFFFFEE0]  }
0x133: {  	v5 =	vld [tilespmem:s12+$0xFFFFFF00]  }
0x134: {  	v6 =	vld [tilespmem:s12+$0xFFFFFEB0]  }
0x135: {  	v7 =	vld [tilespmem:s12+$0xFFFFFE90]  }
0x136: {  	v8 =	vbroadcast v3, $0x0;
	v9 =	vbroadcast v3, $0x1;
	v10 =	vld [tilespmem:s12+$0xFFFFFEF0]  }
0x137: {  	v11 =	vbroadcast v3, $0x2;
	v12 =	vbroadcast v3, $0x3;
	v13 =	vld [tilespmem:s12+$0xFFFFFED0]  }
0x138: {  	v15 =	vbroadcast v3, $0x4;
	v16 =	vbroadcast v3, $0x5;
	v14 =	vld [tilespmem:s12+$0xFFFFFEA0]  }
0x139: {  	v17 =	vbroadcast v3, $0x6;
	v3 =	vbroadcast v3, $0x7  }
0x13a: {  	v6 =	vmul.f32 v6, v11;
	v7 =	vmul.f32 v8, v7  }
0x13b: {  	v3 =	vmul.f32 v5, v3;
	v8 =	vmul.f32 v10, v17  }
0x13c: {  	v4 =	vmul.f32 v4, v16;
	[tilespmem:s12+$0xFFFFFE90] =	vst v7;
	v5 =	vmul.f32 v13, v15  }
0x13d: {  	v2 =	vmul.f32 v2, v12;
	v7 =	vmul.f32 v14, v9;
	[tilespmem:s12+$0xFFFFFF00] =	vst v3  }
0x13e: {  	[tilespmem:s12+$0xFFFFFEE0] =	vst v4  }
0x13f: {  	[tilespmem:s12+$0xFFFFFEA0] =	vst v7  }
0x140: {  	[tilespmem:s12+$0xFFFFFEC0] =	vst v2  }
0x141: {  	[tilespmem:s12+$0xFFFFFEB0] =	vst v6  }
.Ltmp4:
0x142: {  	[tilespmem:s12+$0xFFFFFED0] =	vst v5;
	(pc) =	sbr.rel @p1 .LBB2_9-.Ltmp4, $4  }
0x143: {  	[tilespmem:s12+$0xFFFFFEF0] =	vst v8  }
0x144: {  	v3 =	vld [tilespmem:s8+$0xFFFFFF80]  }
0x145: {  	v2 =	vld [tilespmem:s12+$0xFFFFFF40]  }
0x146: {  	v4 =	vld [tilespmem:s12+$0xFFFFFF60]  }
0x147: {  	v5 =	vld [tilespmem:s9+$0xFFFFFF50]  }
0x148: {  	v8 =	vld [tilespmem:s9+$0xFFFFFF10]  }
0x149: {  	v6 =	vld [tilespmem:s9+$0xFFFFFF20];
	v7 =	vbroadcast v3, $0x5  }
0x14a: {  	v9 =	vbroadcast v3, $0x2;
	v11 =	vbroadcast v3, $0x4  }
0x14b: {  	v45 =	vbroadcast v3, $0x0;
	v4 =	vmul.f32 v4, v7  }
0x14c: {  	v10 =	vld [tilespmem:s9+$0xFFFFFF80];
	v12 =	vbroadcast v3, $0x1;
	v1 =	vmul.f32 v1, v9  }
0x14d: {  	v7 =	vld [tilespmem:s9+$0xFFFFFF70];
	v5 =	vmul.f32 v5, v11;
	v8 =	vmul.f32 v45, v8;
	[tilespmem:s9+$0xFFFFFF60] =	vst v4  }
0x14e: {  	v4 =	vmul.f32 v6, v12;
	[tilespmem:s9+$0xFFFFFF30] =	vst v1;
	v1 =	vbroadcast v3, $0x3  }
0x14f: {  	v6 =	vbroadcast v3, $0x6;
	v3 =	vbroadcast v3, $0x7;
	[tilespmem:s9+$0xFFFFFF50] =	vst v5  }
0x150: {  	[tilespmem:s9+$0xFFFFFF10] =	vst v8;
	v1 =	vmul.f32 v2, v1  }
0x151: {  	[tilespmem:s9+$0xFFFFFF20] =	vst v4;
	v3 =	vmul.f32 v10, v3  }
0x152: {  	v2 =	vmul.f32 v7, v6;
	[tilespmem:s9+$0xFFFFFF40] =	vst v1  }
0x153: {  	[tilespmem:s9+$0xFFFFFF80] =	vst v3  }
0x154: {  	[tilespmem:s9+$0xFFFFFF70] =	vst v2  }
0x155: {  	v1 =	vld [tilespmem:s10+$0x0];
	_ =	sdelay $0x1  }
0x156: {  	v3 =	vld [tilespmem:s9+$0xFFFFFFC0]  }
0x157: {  	v4 =	vld [tilespmem:s9+$0xFFFFFFD0]  }
0x158: {  	v46 =	vld [tilespmem:s9+$0xFFFFFF90]  }
0x159: {  	v5 =	vld [tilespmem:s9+$0xFFFFFFE0];
	v6 =	vbroadcast v1, $0x3  }
0x15a: {  	v7 =	vld [tilespmem:s9+$0x0];
	v47 =	vbroadcast v1, $0x4  }
0x15b: {  	v2 =	vld [tilespmem:s9+$0xFFFFFFF0];
	v51 =	vbroadcast v1, $0x0;
	v3 =	vmul.f32 v3, v6  }
0x15c: {  	v48 =	vld [tilespmem:s9+$0xFFFFFFB0];
	v49 =	vbroadcast v1, $0x5;
	v4 =	vmul.f32 v4, v47  }
0x15d: {  	v50 =	vbroadcast v1, $0x7;
	v6 =	vld [tilespmem:s9+$0xFFFFFFA0];
	v8 =	vmul.f32 v51, v46;
	[tilespmem:s9+$0xFFFFFFC0] =	vst v3  }
0x15e: {  	v3 =	vmul.f32 v5, v49;
	v5 =	vbroadcast v1, $0x6;
	[tilespmem:s9+$0xFFFFFFD0] =	vst v4  }
0x15f: {  	v4 =	vmul.f32 v7, v50;
	v7 =	vbroadcast v1, $0x2;
	[tilespmem:s9+$0xFFFFFF90] =	vst v8  }
0x160: {  	v1 =	vbroadcast v1, $0x1;
	[tilespmem:s9+$0xFFFFFFE0] =	vst v3;
	v2 =	vmul.f32 v2, v5  }
0x161: {  	[tilespmem:s9+$0x0] =	vst v4;
	v3 =	vmul.f32 v48, v7  }
0x162: {  	v1 =	vmul.f32 v6, v1;
	[tilespmem:s9+$0xFFFFFFF0] =	vst v2  }
0x163: {  	s8 =	smul.u32 $0xA0, s0;
	[tilespmem:s9+$0xFFFFFFB0] =	vst v3  }
0x164: {  	[tilespmem:s9+$0xFFFFFFA0] =	vst v1  }
0x165: {  	s2 =	sadd.s32 s8, s14;
	_ =	swait.ge [sflag:s30], $0x2800  }
0x166: {  	s7 =	sshll.u32 s2, $0x4;
	[sflag:s30] =	ssyncset.done $0x0  }
0x167: {  	s19 =	sadd.s32 s1, s7;
	[sflag:s30] =	ssyncadd.s32 $0xFFFFD800  }
0x168: {  	[tilespmem:s4], [sflag:$0x1] =	stream.linear.gather [hbm4b:s19+s4], $0x2800, $0x38;
	[tilespmem:$0x1D980] =	vst v63  }
0x169: {  	s2 =	sshrl.u32 s2, $0x3;
	s7 =	sadd.s32 s5, s7  }
0x16a: {  	[tilespmem:s21], [sflag:$0x1] =	stream.linear.gather [hbm4b:s7+s4], $0x2800, $0x38;
	[tilespmem:$0x1D980] =	vst v63  }
0x16b: {  	s2 =	sadd.s32 s6, s2  }
0x16c: {  	[tilespmem:s22], [sflag:$0x1] =	stream.linear.gather [hbm4b:s2+s4], $0x50, $0x38;
	[tilespmem:$0x1D980] =	vst v63  }
0x16d: {  	_ = 	snop  }
0x16e: {  	[spmem:s3] =	stream.indirect.scatter.add.f32 [tilespmem:s24], [sflag:$0x3], $0x80, s26, s28, $0xb8;
	[tilespmem:$0x1D980] =	vst v63  }
0x16f: {  	_ =	swait.ge [sflag:s23], $0x2800  }
0x170: {  	[sflag:s23] =	ssyncset.done $0x0  }
0x171: {  	[sflag:s23] =	ssyncadd.s32 $0xFFFFD800  }
0x172: {  	_ =	swait.ge [sflag:s23], $0x2800  }
0x173: {  	[sflag:s23] =	ssyncset.done $0x0  }
0x174: {  	[sflag:s23] =	ssyncadd.s32 $0xFFFFD800  }
0x175: {  	_ =	swait.ge [sflag:s23], $0x50  }
0x176: {  	[sflag:s23] =	ssyncset.done $0x0  }
0x177: {  	s10 =	simm.s32 $0x5100;
	[sflag:s23] =	ssyncadd.s32 $0xFFFFFFB0  }
0x178: {  	v1 =	vld [tilespmem:s10+$0xFFFFFF00]  }
0x179: {  	s9 =	simm.s32 $0x100  }
0x17a: {  	v3 =	vld [tilespmem:s9+$0xFFFFFF00]  }
0x17b: {  	v4 =	vld [tilespmem:s9+$0xFFFFFF20]  }
0x17c: {  	v5 =	vld [tilespmem:s9+$0xFFFFFF70]  }
0x17d: {  	v2 =	vld [tilespmem:s9+$0xFFFFFF50];
	v6 =	vbroadcast v1, $0x0  }
0x17e: {  	v7 =	vld [tilespmem:s9+$0xFFFFFF40];
	v53 =	vbroadcast v1, $0x2  }
0x17f: {  	v52 =	vld [tilespmem:s9+$0xFFFFFF60];
	v54 =	vbroadcast v1, $0x7;
	v3 =	vmul.f32 v6, v3  }
0x180: {  	v56 =	vld [tilespmem:s9+$0xFFFFFF10];
	v57 =	vbroadcast v1, $0x5;
	v4 =	vmul.f32 v4, v53  }
0x181: {  	v55 =	vld [tilespmem:s9+$0xFFFFFF30];
	v6 =	vbroadcast v1, $0x4;
	v5 =	vmul.f32 v5, v54;
	[tilespmem:s9+$0xFFFFFF00] =	vst v3  }
0x182: {  	v2 =	vmul.f32 v2, v57;
	v3 =	vbroadcast v1, $0x6;
	[tilespmem:s9+$0xFFFFFF20] =	vst v4  }
0x183: {  	v4 =	vmul.f32 v7, v6;
	v6 =	vbroadcast v1, $0x1;
	[tilespmem:s9+$0xFFFFFF70] =	vst v5  }
0x184: {  	v1 =	vbroadcast v1, $0x3;
	[tilespmem:s9+$0xFFFFFF50] =	vst v2;
	v3 =	vmul.f32 v52, v3  }
0x185: {  	[tilespmem:s9+$0xFFFFFF40] =	vst v4;
	v4 =	vmul.f32 v56, v6  }
0x186: {  	v1 =	vmul.f32 v55, v1;
	[tilespmem:s9+$0xFFFFFF60] =	vst v3  }
0x187: {  	[tilespmem:s9+$0xFFFFFF10] =	vst v4  }
0x188: {  	[tilespmem:s9+$0xFFFFFF30] =	vst v1  }
0x189: {  	v2 =	vld [tilespmem:s10+$0xFFFFFF80];
	_ =	sdelay $0x1  }
0x18a: {  	v3 =	vld [tilespmem:s9+$0xFFFFFF80]  }
0x18b: {  	v4 =	vld [tilespmem:s9+$0xFFFFFFF0]  }
0x18c: {  	v5 =	vld [tilespmem:s9+$0xFFFFFFD0]  }
0x18d: {  	v7 =	vld [tilespmem:s9+$0xFFFFFF90];
	v6 =	vbroadcast v2, $0x0  }
0x18e: {  	v58 =	vld [tilespmem:s9+$0xFFFFFFB0];
	v59 =	vbroadcast v2, $0x7  }
0x18f: {  	v60 =	vld [tilespmem:s9+$0xFFFFFFA0];
	v61 =	vbroadcast v2, $0x5;
	v3 =	vmul.f32 v6, v3  }
0x190: {  	v62 =	vld [tilespmem:s9+$0xFFFFFFC0];
	v6 =	vbroadcast v2, $0x1;
	v4 =	vmul.f32 v4, v59  }
0x191: {  	v63 =	vld [tilespmem:s9+$0xFFFFFFE0];
	v13 =	vbroadcast v2, $0x3;
	[tilespmem:s9+$0xFFFFFF80] =	vst v3;
	v3 =	vmul.f32 v5, v61  }
0x192: {  	v5 =	vbroadcast v2, $0x2;
	v6 =	vmul.f32 v7, v6;
	[tilespmem:s9+$0xFFFFFFF0] =	vst v4  }
0x193: {  	v4 =	vbroadcast v2, $0x4;
	v7 =	vmul.f32 v58, v13;
	[tilespmem:s9+$0xFFFFFFD0] =	vst v3  }
0x194: {  	v2 =	vbroadcast v2, $0x6;
	v3 =	vmul.f32 v60, v5;
	[tilespmem:s9+$0xFFFFFF90] =	vst v6  }
0x195: {  	v4 =	vmul.f32 v62, v4;
	[tilespmem:s9+$0xFFFFFFB0] =	vst v7  }
0x196: {  	v2 =	vmul.f32 v63, v2;
	[tilespmem:s9+$0xFFFFFFA0] =	vst v3  }
0x197: {  	[tilespmem:s9+$0xFFFFFFC0] =	vst v4  }
0x198: {  	v1 =	vld [tilespmem:s9+$0x20];
	[tilespmem:s9+$0xFFFFFFE0] =	vst v2  }
0x199: {  	v3 =	vld [tilespmem:s10+$0x0]  }
0x19a: {  	v2 =	vld [tilespmem:s9+$0x30]  }
0x19b: {  	s12 =	simm.s32 $0x0;
	s13 =	simm.s32 $0x100;
	s11 =	simm.s32 $0x5100;
	v4 =	vld [tilespmem:s9+$0x50]  }
.LBB2_11:
0x19c: {  	s12 =	sadd.s32 $0x4, s12;
	v5 =	vld [tilespmem:s9+$0x0];
	s13 =	sadd.s32 $0x200, s13;
	s10 =	sadd.s32 $0x200, s10  }
0x19d: {  	p1 =	slt.u32 s12, $0x4C;
	v6 =	vld [tilespmem:s9+$0x40]  }
0x19e: {  	v7 =	vbroadcast v3, $0x0;
	v8 =	vld [tilespmem:s9+$0x10];
	v9 =	vbroadcast v3, $0x5  }
0x19f: {  	v10 =	vbroadcast v3, $0x2;
	v11 =	vbroadcast v3, $0x6;
	v12 =	vld [tilespmem:s9+$0x70]  }
0x1a0: {  	v13 =	vbroadcast v3, $0x4;
	v4 =	vmul.f32 v4, v9;
	v9 =	vld [tilespmem:s9+$0x60]  }
0x1a1: {  	v14 =	vbroadcast v3, $0x1;
	v1 =	vmul.f32 v1, v10  }
0x1a2: {  	v6 =	vmul.f32 v6, v13;
	[tilespmem:s9+$0x50] =	vst v4;
	v4 =	vbroadcast v3, $0x7  }
0x1a3: {  	v8 =	vmul.f32 v8, v14;
	[tilespmem:s9+$0x20] =	vst v1;
	v1 =	vbroadcast v3, $0x3  }
0x1a4: {  	v3 =	vmul.f32 v7, v5;
	[tilespmem:s9+$0x40] =	vst v6;
	v4 =	vmul.f32 v12, v4  }
0x1a5: {  	[tilespmem:s9+$0x10] =	vst v8;
	v2 =	vmul.f32 v2, v1;
	v5 =	vmul.f32 v9, v11  }
0x1a6: {  	[tilespmem:s9+$0x0] =	vst v3  }
0x1a7: {  	v1 =	vld [tilespmem:s13+$0x20];
	[tilespmem:s9+$0x30] =	vst v2  }
0x1a8: {  	[tilespmem:s9+$0x60] =	vst v5  }
0x1a9: {  	[tilespmem:s9+$0x70] =	vst v4;
	v2 =	vld [tilespmem:s9+$0x80]  }
0x1aa: {  	v3 =	vld [tilespmem:s11+$0x80];
	s11 =	smov.u32 s10  }
0x1ab: {  	v4 =	vld [tilespmem:s9+$0xD0]  }
0x1ac: {  	v5 =	vld [tilespmem:s9+$0xA0]  }
0x1ad: {  	v6 =	vld [tilespmem:s9+$0xB0]  }
0x1ae: {  	v7 =	vld [tilespmem:s9+$0xC0]  }
0x1af: {  	v8 =	vbroadcast v3, $0x0;
	v9 =	vbroadcast v3, $0x1;
	v10 =	vld [tilespmem:s9+$0xE0]  }
0x1b0: {  	v11 =	vbroadcast v3, $0x2;
	v12 =	vbroadcast v3, $0x3;
	v13 =	vld [tilespmem:s9+$0xF0]  }
0x1b1: {  	v15 =	vbroadcast v3, $0x4;
	v16 =	vbroadcast v3, $0x5;
	v14 =	vld [tilespmem:s9+$0x90]  }
0x1b2: {  	v6 =	vmul.f32 v6, v12;
	v12 =	vbroadcast v3, $0x6  }
0x1b3: {  	v3 =	vbroadcast v3, $0x7;
	v7 =	vmul.f32 v7, v15  }
0x1b4: {  	v4 =	vmul.f32 v4, v16;
	[tilespmem:s9+$0xB0] =	vst v6;
	v6 =	vmul.f32 v10, v12  }
0x1b5: {  	v2 =	vmul.f32 v8, v2;
	[tilespmem:s9+$0xC0] =	vst v7;
	v3 =	vmul.f32 v13, v3  }
0x1b6: {  	v5 =	vmul.f32 v5, v11;
	v7 =	vmul.f32 v14, v9;
	[tilespmem:s9+$0xD0] =	vst v4  }
0x1b7: {  	[tilespmem:s9+$0xF0] =	vst v3  }
0x1b8: {  	[tilespmem:s9+$0x80] =	vst v2  }
0x1b9: {  	[tilespmem:s9+$0xE0] =	vst v6  }
0x1ba: {  	[tilespmem:s9+$0xA0] =	vst v5  }
0x1bb: {  	v2 =	vld [tilespmem:s13+$0xFFFFFF50];
	[tilespmem:s9+$0x90] =	vst v7;
	s9 =	smov.u32 s13  }
0x1bc: {  	v3 =	vld [tilespmem:s10+$0xFFFFFF00]  }
0x1bd: {  	v4 =	vld [tilespmem:s13+$0xFFFFFF60]  }
0x1be: {  	v5 =	vld [tilespmem:s13+$0xFFFFFF00]  }
0x1bf: {  	v6 =	vld [tilespmem:s13+$0xFFFFFF20]  }
0x1c0: {  	v7 =	vld [tilespmem:s13+$0xFFFFFF70]  }
0x1c1: {  	v8 =	vbroadcast v3, $0x0;
	v9 =	vld [tilespmem:s13+$0xFFFFFF40];
	v10 =	vbroadcast v3, $0x7  }
0x1c2: {  	v11 =	vbroadcast v3, $0x2;
	v13 =	vbroadcast v3, $0x4;
	v12 =	vld [tilespmem:s13+$0xFFFFFF30]  }
0x1c3: {  	v14 =	vbroadcast v3, $0x5;
	v5 =	vmul.f32 v8, v5;
	v8 =	vld [tilespmem:s13+$0xFFFFFF10]  }
0x1c4: {  	v6 =	vmul.f32 v6, v11;
	v11 =	vbroadcast v3, $0x3  }
0x1c5: {  	[tilespmem:s13+$0xFFFFFF00] =	vst v5;
	v5 =	vbroadcast v3, $0x6;
	v7 =	vmul.f32 v7, v10  }
0x1c6: {  	v3 =	vbroadcast v3, $0x1;
	[tilespmem:s13+$0xFFFFFF20] =	vst v6;
	v6 =	vmul.f32 v9, v13  }
0x1c7: {  	v9 =	vmul.f32 v12, v11;
	v4 =	vmul.f32 v4, v5;
	[tilespmem:s13+$0xFFFFFF70] =	vst v7  }
0x1c8: {  	v2 =	vmul.f32 v2, v14;
	v3 =	vmul.f32 v8, v3;
	[tilespmem:s13+$0xFFFFFF40] =	vst v6  }
0x1c9: {  	[tilespmem:s13+$0xFFFFFF60] =	vst v4  }
0x1ca: {  	[tilespmem:s13+$0xFFFFFF50] =	vst v2  }
0x1cb: {  	[tilespmem:s13+$0xFFFFFF10] =	vst v3  }
0x1cc: {  	[tilespmem:s13+$0xFFFFFF30] =	vst v9;
	v2 =	vld [tilespmem:s13+$0xFFFFFFB0]  }
0x1cd: {  	v3 =	vld [tilespmem:s10+$0xFFFFFF80]  }
0x1ce: {  	v4 =	vld [tilespmem:s13+$0xFFFFFFD0]  }
0x1cf: {  	v5 =	vld [tilespmem:s13+$0xFFFFFFF0]  }
0x1d0: {  	v6 =	vld [tilespmem:s13+$0xFFFFFFA0]  }
0x1d1: {  	v7 =	vld [tilespmem:s13+$0xFFFFFF80]  }
0x1d2: {  	v8 =	vbroadcast v3, $0x0;
	v9 =	vbroadcast v3, $0x1;
	v10 =	vld [tilespmem:s13+$0xFFFFFFE0]  }
0x1d3: {  	v11 =	vbroadcast v3, $0x2;
	v12 =	vbroadcast v3, $0x3;
	v13 =	vld [tilespmem:s13+$0xFFFFFFC0]  }
0x1d4: {  	v15 =	vbroadcast v3, $0x4;
	v16 =	vbroadcast v3, $0x5;
	v14 =	vld [tilespmem:s13+$0xFFFFFF90]  }
0x1d5: {  	v17 =	vbroadcast v3, $0x6;
	v3 =	vbroadcast v3, $0x7  }
0x1d6: {  	v6 =	vmul.f32 v6, v11;
	v7 =	vmul.f32 v8, v7  }
0x1d7: {  	v3 =	vmul.f32 v5, v3;
	v8 =	vmul.f32 v10, v17  }
0x1d8: {  	v4 =	vmul.f32 v4, v16;
	[tilespmem:s13+$0xFFFFFF80] =	vst v7;
	v5 =	vmul.f32 v13, v15  }
0x1d9: {  	v2 =	vmul.f32 v2, v12;
	v7 =	vmul.f32 v14, v9;
	[tilespmem:s13+$0xFFFFFFF0] =	vst v3  }
0x1da: {  	[tilespmem:s13+$0xFFFFFFD0] =	vst v4  }
0x1db: {  	[tilespmem:s13+$0xFFFFFF90] =	vst v7  }
0x1dc: {  	[tilespmem:s13+$0xFFFFFFB0] =	vst v2  }
0x1dd: {  	[tilespmem:s13+$0xFFFFFFA0] =	vst v6  }
.Ltmp5:
0x1de: {  	[tilespmem:s13+$0xFFFFFFC0] =	vst v5;
	(pc) =	sbr.rel @p1 .LBB2_11-.Ltmp5, $4  }
0x1df: {  	[tilespmem:s13+$0xFFFFFFE0] =	vst v8  }
0x1e0: {  	v3 =	vld [tilespmem:s10+$0x0]  }
0x1e1: {  	v2 =	vld [tilespmem:s13+$0x30]  }
0x1e2: {  	v4 =	vld [tilespmem:s13+$0x50]  }
0x1e3: {  	_ = 	snop  }
0x1e4: {  	v5 =	vld [tilespmem:s9+$0x40]  }
0x1e5: {  	v6 =	vld [tilespmem:s9+$0x10];
	v7 =	vbroadcast v3, $0x5  }
0x1e6: {  	v8 =	vld [tilespmem:s9+$0x0];
	v9 =	vbroadcast v3, $0x2  }
0x1e7: {  	v11 =	vbroadcast v3, $0x4;
	v4 =	vmul.f32 v4, v7  }
0x1e8: {  	v45 =	vld [tilespmem:s9+$0x60];
	v12 =	vbroadcast v3, $0x1;
	v1 =	vmul.f32 v1, v9  }
0x1e9: {  	v10 =	vld [tilespmem:s9+$0x70];
	v46 =	vbroadcast v3, $0x0;
	v5 =	vmul.f32 v5, v11;
	[tilespmem:s9+$0x50] =	vst v4  }
0x1ea: {  	v47 =	vmul.f32 v6, v12;
	[tilespmem:s9+$0x20] =	vst v1;
	v1 =	vbroadcast v3, $0x3  }
0x1eb: {  	v48 =	vbroadcast v3, $0x6;
	v8 =	vmul.f32 v46, v8;
	[tilespmem:s9+$0x40] =	vst v5  }
0x1ec: {  	v3 =	vbroadcast v3, $0x7;
	[tilespmem:s9+$0x10] =	vst v47;
	v1 =	vmul.f32 v2, v1  }
0x1ed: {  	[tilespmem:s9+$0x0] =	vst v8;
	v2 =	vmul.f32 v45, v48  }
0x1ee: {  	v3 =	vmul.f32 v10, v3;
	[tilespmem:s9+$0x30] =	vst v1  }
0x1ef: {  	[tilespmem:s9+$0x60] =	vst v2  }
0x1f0: {  	[tilespmem:s9+$0x70] =	vst v3  }
0x1f1: {  	v1 =	vld [tilespmem:s11+$0x80];
	_ =	sdelay $0x1  }
0x1f2: {  	v3 =	vld [tilespmem:s9+$0xB0]  }
0x1f3: {  	v49 =	vld [tilespmem:s9+$0xC0]  }
0x1f4: {  	v52 =	vld [tilespmem:s9+$0xF0]  }
0x1f5: {  	v2 =	vld [tilespmem:s9+$0x80];
	v51 =	vbroadcast v1, $0x3  }
0x1f6: {  	v53 =	vld [tilespmem:s9+$0xA0];
	v54 =	vbroadcast v1, $0x4;
	v56 =	vbroadcast v1, $0x5  }
0x1f7: {  	v50 =	vld [tilespmem:s9+$0xD0];
	v58 =	vbroadcast v1, $0x7;
	v3 =	vmul.f32 v3, v51  }
0x1f8: {  	v57 =	vld [tilespmem:s9+$0x90];
	v59 =	vbroadcast v1, $0x0;
	v4 =	vmul.f32 v49, v54  }
0x1f9: {  	v55 =	vld [tilespmem:s9+$0xE0];
	v62 =	vbroadcast v1, $0x2;
	v61 =	vmul.f32 v52, v58;
	[tilespmem:s9+$0xB0] =	vst v3  }
0x1fa: {  	v60 =	vbroadcast v1, $0x6;
	v2 =	vmul.f32 v59, v2;
	[tilespmem:s9+$0xC0] =	vst v4  }
0x1fb: {  	v1 =	vbroadcast v1, $0x1;
	v63 =	vmul.f32 v53, v62;
	[tilespmem:s9+$0xF0] =	vst v61  }
0x1fc: {  	v3 =	vmul.f32 v50, v56;
	[tilespmem:s9+$0x80] =	vst v2  }
0x1fd: {  	v1 =	vmul.f32 v57, v1;
	[tilespmem:s9+$0xA0] =	vst v63  }
0x1fe: {  	p1 =	seq.s32 s0, $0x3D;
	[tilespmem:s9+$0xD0] =	vst v3;
	v3 =	vmul.f32 v55, v60  }
.Ltmp6:
0x1ff: {  	[tilespmem:s9+$0x90] =	vst v1;
	(pc) =	sbr.rel @p1 .LBB2_14-.Ltmp6, $4  }
0x200: {  	[tilespmem:s9+$0xE0] =	vst v3  }
0x201: {  	_ =	swait.ge [sflag:s30], $0x2800  }
0x202: {  	[sflag:s30] =	ssyncset.done $0x0  }
0x203: {  	[sflag:s30] =	ssyncadd.s32 $0xFFFFD800  }
0x204: {  	s2 =	sadd.s32 s8, s15  }
0x205: {  	s7 =	sshll.u32 s2, $0x4  }
0x206: {  	s19 =	sadd.s32 s1, s7  }
0x207: {  	[tilespmem:s24], [sflag:$0x2] =	stream.linear.gather [hbm4b:s19+s4], $0x2800, $0x38;
	[tilespmem:$0x1D980] =	vst v63  }
0x208: {  	s7 =	sadd.s32 s5, s7  }
0x209: {  	[tilespmem:s25], [sflag:$0x2] =	stream.linear.gather [hbm4b:s7+s4], $0x2800, $0x38;
	[tilespmem:$0x1D980] =	vst v63  }
.Ltmp7:
0x20a: {  	s2 =	sshrl.u32 s2, $0x3;
	(pc) =	sbr.rel .LBB2_8-.Ltmp7, $4  }
0x20b: {  	s2 =	sadd.s32 s6, s2  }
0x20c: {  	[tilespmem:s26], [sflag:$0x2] =	stream.linear.gather [hbm4b:s2+s4], $0x50, $0x38;
	[tilespmem:$0x1D980] =	vst v63  }
0x20d: {  	s0 =	sadd.s32 $0x1, s0  }
0x20e: {  	[spmem:s3] =	stream.indirect.scatter.add.f32 [tilespmem:s4], [sflag:$0x3], $0x80, s22, s28, $0xb8;
	[tilespmem:$0x1D980] =	vst v63  }
.LBB2_14:
0x20f: {  	[spmem:s3] =	stream.indirect.scatter.add.f32 [tilespmem:s4], [sflag:$0x3], $0x80, s22, s28, $0xb8;
	[tilespmem:$0x1D980] =	vst v63  }
0x210: {  	s7 =	sadd.s32 $0xFFFFFFFF, s17;
	_ =	swait.ge [sflag:s30], $0x2800  }
0x211: {  	p2 =	sne.s32 s7, $0x0;
	[sflag:s30] =	ssyncset.done $0x0  }
.Ltmp8:
0x212: {  	[sflag:s30] =	ssyncadd.s32 $0xFFFFD800;
	(pc) =	sbr.rel @!p2 .LBB2_17-.Ltmp8, $4  }
0x213: {  	[bflag:$0x0] =	sbarrier.arrive $0xFFFF  }
0x214: {  	s10 =	rddreg [dreg:$0xc]  }
0x215: {  	p1 =	por $0x0, $0x0;
	s0 =	stileid.u32;
	s18 =	rddreg [dreg:$0xd]  }
0x216: {  	s8 =	sshll.u32 @p0 s0, $0x6;
	s0 =	sshll.u32 @!p0 s0, $0x6;
	s11 =	rddreg [dreg:$0xe]  }
0x217: {  	s12 =	sor.u32 @p0 $0x1C04, s8;
	s11 =	rddreg [dreg:$0xc];
	s13 =	simm.s32 @p0 $0x4  }
0x218: {  	s16 =	rddreg [dreg:$0xd];
	s7 =	sadd.s32 $0xFFFFFFFF, s7;
	s2 =	sshrl.u32 @p0 s11, $0x3  }
0x219: {  	[hbm:s16], [sflag:s12] =	dma.local @p0 [spmem:s2], $0x500  }
0x21a: {  	s9 =	simm.s32 @!p0 $0x5;
	p2 =	sne.s32 s7, $0x0;
	_ =	swait.ge @p0 [sflag:s13], $0x500  }
.Ltmp9:
0x21b: {  	s10 =	sshrl.u32 @!p0 s11, $0x3;
	[sflag:s13] =	ssyncset.done @p0 $0x0;
	(pc) =	sbr.rel @!p2 .LBB2_17-.Ltmp9, $4  }
0x21c: {  	s2 =	sor.u32 @!p0 $0x1C05, s0;
	s19 =	rddreg [dreg:$0xe];
	[sflag:s13] =	ssyncadd.s32 @p0 $0xFFFFFB00  }
0x21d: {  	[hbm:s19], [sflag:s2] =	dma.local @!p0 [spmem:s10], $0x500  }
0x21e: {  	p1 =	por $0x1, $0x1;
	s18 =	sadd.s32 $0x5000, s16;
	_ =	swait.ge @!p0 [sflag:s9], $0x500  }
0x21f: {  	s10 =	sadd.s32 $0x28000, s11;
	s11 =	sadd.s32 $0x5000, s19;
	[sflag:s9] =	ssyncset.done @!p0 $0x0  }
.LBB2_16:
0x220: {  	s7 =	sadd.s32 $0xFFFFFFFF, s7;
	[sflag:s9] =	ssyncadd.s32 @!p0 $0xFFFFFB00  }
0x221: {  	s16 =	sshrl.u32 @p0 s10, $0x3  }
0x222: {  	[hbm:s18], [sflag:s12] =	dma.local @p0 [spmem:s16], $0x500  }
0x223: {  	p2 =	sne.s32 s7, $0x0;
	_ =	swait.ge @p0 [sflag:s13], $0x500  }
.Ltmp10:
0x224: {  	[sflag:s13] =	ssyncset.done @p0 $0x0;
	(pc) =	sbr.rel @p2 .LBB2_16-.Ltmp10, $4  }
0x225: {  	s16 =	sshrl.u32 @!p0 s10, $0x3;
	[sflag:s13] =	ssyncadd.s32 @p0 $0xFFFFFB00  }
0x226: {  	[hbm:s11], [sflag:s2] =	dma.local @!p0 [spmem:s16], $0x500  }
0x227: {  	s10 =	sadd.s32 $0x28000, s10;
	_ =	swait.ge @!p0 [sflag:s9], $0x500  }
0x228: {  	s18 =	sadd.s32 $0x5000, s18;
	s11 =	sadd.s32 $0x5000, s11;
	[sflag:s9] =	ssyncset.done @!p0 $0x0  }
.LBB2_17:
0x229: {  	p1 =	por p0, !p1;
	s2 =	sor.u32 @p0 $0x1C04, s8  }
0x22a: {  	s7 =	sshrl.u32 @p0 s10, $0x3;
	s8 =	simm.s32 @p0 $0x4;
	[sflag:s9] =	ssyncadd.s32 @!p1 $0xFFFFFB00  }
0x22b: {  	[hbm:s18], [sflag:s2] =	dma.local @p0 [spmem:s7], $0x500  }
0x22c: {  	_ =	swait.ge @p0 [sflag:s8], $0x500  }
0x22d: {  	s0 =	sor.u32 @!p0 $0x1C05, s0;
	[sflag:s8] =	ssyncset.done @p0 $0x0  }
0x22e: {  	s2 =	simm.s32 @!p0 $0x5;
	s7 =	sshrl.u32 @!p0 s10, $0x3;
	[sflag:s8] =	ssyncadd.s32 @p0 $0xFFFFFB00  }
0x22f: {  	[hbm:s11], [sflag:s0] =	dma.local @!p0 [spmem:s7], $0x500  }
0x230: {  	_ =	swait.ge @!p0 [sflag:s2], $0x500  }
0x231: {  	s31 =	sadd.s32 $0x1, s31;
	s19 =	rddreg [dreg:$0xb]  }
0x232: {  	p1 =	sne.s32 s31, s19  }
.Ltmp11:
0x233: {  	_ = 	snop;
	(pc) =	sbr.rel @p1 .LBB2_1-.Ltmp11, $3  }
0x234: {  	_ =	sdelay $0x1  }
0x235: {  	[sflag:s2] =	ssyncset.done @!p0 $0x0  }
0x236: {  	[sflag:s2] =	ssyncadd.s32 @!p0 $0xFFFFFB00  }
0x237: {  	_ =	sfence.sel $0x180000  }
0x238: {  	[bflag:$0x0] =	sbarrier.arrive $0xFFFF  }
0x239: {  	_ =	strace $0x90000047  }
0x23a: {  	s0 =	stileid.u32;
	[bflag:$0x2] =	sbarrier.arrive $0xFFFF  }
0x23b: {  	p0 =	sne.s32 s0, $0x0;
	s0 =	rddreg [dreg:$0x4]  }
0x23c: {  	s0 =	sadd.s32 @!p0 $0x100000, s0  }
0x23d: {  	[sflag:s0] =	ssyncadd.tile.s32 @!p0 $0x1;
	_ =	shalt  }
.Lfunc_end2:
_tile_overlayer_lowered:
.L_overlay_start_2:
0x23e: {  	(tag) =	ssettag $0x2  }
0x23f: {  	s0 =	rddreg [dreg:$0x0];
	s2 =	stileid.u32  }
0x240: {  	s1 =	rddreg [dreg:$0x1];
	p0 =	sne.s32 s2, $0x0  }
0x241: {  	s3 =	rddreg [dreg:$0x2];
	[bflag:$0x3] =	sbarrier.arrive $0xFFFF;
	s2 =	simm.s32 @!p0 $0x1C04  }
0x242: {  	[timem:s3], [sflag:s2] =	dma.local @!p0 [hbm:s0], s1  }
0x243: {  	s0 =	simm.s32 @!p0 $0x4  }
0x244: {  	_ =	swait.ge @!p0 [sflag:s0], s1  }
0x245: {  	s1 =	ssub.s32 @!p0 $0x0, s1;
	[sflag:s0] =	ssyncset.done @!p0 $0x0  }
0x246: {  	[sflag:s0] =	ssyncadd.s32 @!p0 s1  }
0x247: {  	[bflag:$0x3] =	sbarrier.arrive $0xFFFF  }
0x248: {  	_ =	shalt  }

// kernel: kernel.9.cloned.1.call-start
scs
__scs_entry_jumppad:
0x0: {  	(pc) =	sbr.rel $0x88, $3  }
0x1: {  	(tag) =	ssettag $0x0;
	lr =	simm.s32 $0x1  }
0x2: {  	[smem:$0x3F9E] =	sst lr;
	_ =	strace $0xD0000000  }
0x3: {  	_ = 	snop  }
0x4: {  	_ = 	snop  }
0x5: {  	_ = 	snop  }
0x6: {  	_ = 	snop  }
0x7: {  	_ = 	snop  }
__scs_overlays_trampoline_lowered:
0x8: {  	[smem:$0x3FAD] =	sst s0  }
0x9: {  	[smem:$0x3FAE] =	sst s1  }
0xa: {  	[smem:$0x3FAF] =	sst s2  }
0xb: {  	[smem:$0x3FB0] =	sst s3  }
0xc: {  	[smem:$0x3FB1] =	sst s4  }
0xd: {  	[smem:$0x3FB2] =	sst s5  }
0xe: {  	[smem:$0x3FB3] =	sst s6  }
0xf: {  	[smem:$0x3FB4] =	sst s7  }
0x10: {  	[smem:$0x3FB5] =	sst s8  }
0x11: {  	[smem:$0x3FB6] =	sst s9;
	s0 =	simm.s32 @!p0 $0x0  }
0x12: {  	s1 =	sld [smem:$0x3F9C];
	s0 =	simm.s32 @p0 $0x1  }
0x13: {  	[smem:$0x3FB7] =	sst s0;
	s0 =	simm.s32 @!p1 $0x0  }
0x14: {  	s2 =	sld [smem:$0x3F9B];
	s0 =	simm.s32 @p1 $0x1  }
0x15: {  	[smem:$0x3FB8] =	sst s0;
	s0 =	simm.s32 @!p2 $0x0  }
0x16: {  	s3 =	sld [smem:$0x3FDB];
	s0 =	simm.s32 @p2 $0x1  }
0x17: {  	s4 =	simm.s32 $0x1BF5;
	[smem:$0x3FBA] =	sst s0  }
0x18: {  	s0 =	sld [smem:$0x3F9D];
	_ =	swait.ge [sflag:s4], $0x0  }
0x19: {  	s7 =	sld [smem:$0x3F9E]  }
0x1a: {  	s8 =	sadd.s32 $0xFFFFE003, lr  }
0x1b: {  	s9 =	sadd.s32 $0xFFFFFEF7, lr;
	s5 =	simm.s32 $0xFFFFFFFF;
	p2 =	slt.u32 s8, $0xFFFFF086  }
0x1c: {  	p1 =	slt.u32 s9, $0xF7A;
	s5 =	simm.s32 @!p2 $0x0  }
0x1d: {  	s5 =	simm.s32 @p1 $0x1;
	p0 =	seq.s32 s7, s2  }
0x1e: {  	s7 =	smul.u32 @!p0 $0xF7A, s2;
	p2 =	seq.s32 @!p0 s5, $0x0  }
0x1f: {  	s9 =	smul.u32 $0xF7A, s1;
	s8 =	simm.s32 @!p0 $0x1BF5;
	p2 =	por !p2, p0  }
0x20: {  	[sflag:s8] =	ssyncset.s32 @!p0 $0xFFFFF086;
	s6 =	sadd.s32 @!p0 s3, s7;
	s7 =	simm.s32 @!p0 $0x108  }
0x21: {  	s3 =	sadd.s32 s3, s9;
	s6 =	sadd.s32 @!p0 $0x88, s6;
	s7 =	simm.s32 @p2 $0x1082  }
0x22: {  	[simem:s7], [sflag:s8] =	dma.local @!p0 [hbm:s6], $0xF7A  }
0x23: {  	s9 =	sor.u32 $0xD0000000, s2;
	s6 =	simm.s32 $0x108;
	_ =	swait.ge @!p0 [sflag:s8], $0x0  }
0x24: {  	s3 =	sadd.s32 $0x88, s3;
	s6 =	simm.s32 @!p1 $0x1082;
	[sflag:s4] =	ssyncset.s32 $0xFFFFF086  }
0x25: {  	[simem:s6], [sflag:s4] =	dma.local [hbm:s3], $0xF7A  }
0x26: {  	[smem:$0x3F9E] =	sst s1;
	(tag) =	ssettag s2;
	_ =	strace s9  }
0x27: {  	s1 =	sld [smem:$0x3FAE]  }
0x28: {  	s2 =	sld [smem:$0x3FAF]  }
0x29: {  	s4 =	sld [smem:$0x3FB1]  }
0x2a: {  	p0 =	seq.s32 s5, $0x0;
	s5 =	sld [smem:$0x3FB2]  }
0x2b: {  	s6 =	sld [smem:$0x3FB3]  }
0x2c: {  	s7 =	sld [smem:$0x3FB4]  }
0x2d: {  	s3 =	simm.s32 $0x108;
	s8 =	sld [smem:$0x3FB5]  }
0x2e: {  	s3 =	simm.s32 @!p0 $0x1082;
	s9 =	sld [smem:$0x3FB6]  }
0x2f: {  	lr =	sadd.s32 s0, s3;
	s0 =	sld [smem:$0x3FAD]  }
0x30: {  	s3 =	sld [smem:$0x3FB0]  }
0x31: {  	[smem:$0x3FB9] =	sst s10  }
0x32: {  	s10 =	sld [smem:$0x3FB7];
	_ =	sdelay $0x3  }
0x33: {  	p0 =	seq.s32 s10, $0x1;
	s10 =	sld [smem:$0x3FB9];
	_ =	sdelay $0x3  }
0x34: {  	[smem:$0x3FB9] =	sst s10  }
0x35: {  	s10 =	sld [smem:$0x3FB8];
	_ =	sdelay $0x3  }
0x36: {  	p1 =	seq.s32 s10, $0x1;
	s10 =	sld [smem:$0x3FB9];
	_ =	sdelay $0x3  }
0x37: {  	[smem:$0x3FB9] =	sst s10  }
0x38: {  	s10 =	sld [smem:$0x3FBA]  }
0x39: {  	_ = 	snop;
	(pc) =	sbr.ind lr, $3  }
0x3a: {  	_ = 	snop  }
0x3b: {  	_ = 	snop  }
0x3c: {  	p2 =	seq.s32 s10, $0x1;
	s10 =	sld [smem:$0x3FB9]  }
0x3d: {  	_ =	shalt  }
0x3e: {  	_ =	shalt  }
0x3f: {  	_ =	shalt  }
0x40: {  	_ =	shalt  }
0x41: {  	_ =	shalt  }
0x42: {  	_ =	shalt  }
0x43: {  	_ =	shalt  }
0x44: {  	_ =	shalt  }
0x45: {  	_ =	shalt  }
0x46: {  	_ =	shalt  }
0x47: {  	_ =	shalt  }
0x48: {  	_ =	shalt  }
0x49: {  	_ =	shalt  }
0x4a: {  	_ =	shalt  }
0x4b: {  	_ =	shalt  }
0x4c: {  	_ =	shalt  }
0x4d: {  	_ =	shalt  }
0x4e: {  	_ =	shalt  }
0x4f: {  	_ =	shalt  }
0x50: {  	_ =	shalt  }
0x51: {  	_ =	shalt  }
0x52: {  	_ =	shalt  }
0x53: {  	_ =	shalt  }
0x54: {  	_ =	shalt  }
0x55: {  	_ =	shalt  }
0x56: {  	_ =	shalt  }
0x57: {  	_ =	shalt  }
0x58: {  	_ =	shalt  }
0x59: {  	_ =	shalt  }
0x5a: {  	_ =	shalt  }
0x5b: {  	_ =	shalt  }
0x5c: {  	_ =	shalt  }
0x5d: {  	_ =	shalt  }
0x5e: {  	_ =	shalt  }
0x5f: {  	_ =	shalt  }
0x60: {  	_ =	shalt  }
0x61: {  	_ =	shalt  }
0x62: {  	_ =	shalt  }
0x63: {  	_ =	shalt  }
0x64: {  	_ =	shalt  }
0x65: {  	_ =	shalt  }
0x66: {  	_ =	shalt  }
0x67: {  	_ =	shalt  }
0x68: {  	_ =	shalt  }
0x69: {  	_ =	shalt  }
0x6a: {  	_ =	shalt  }
0x6b: {  	_ =	shalt  }
0x6c: {  	_ =	shalt  }
0x6d: {  	_ =	shalt  }
0x6e: {  	_ =	shalt  }
0x6f: {  	_ =	shalt  }
0x70: {  	_ =	shalt  }
0x71: {  	_ =	shalt  }
0x72: {  	_ =	shalt  }
0x73: {  	_ =	shalt  }
0x74: {  	_ =	shalt  }
0x75: {  	_ =	shalt  }
0x76: {  	_ =	shalt  }
0x77: {  	_ =	shalt  }
0x78: {  	_ =	shalt  }
0x79: {  	_ =	shalt  }
0x7a: {  	_ =	shalt  }
0x7b: {  	_ =	shalt  }
0x7c: {  	_ =	shalt  }
0x7d: {  	_ =	shalt  }
0x7e: {  	_ =	shalt  }
0x7f: {  	_ =	shalt  }
0x80: {  	_ =	shalt  }
0x81: {  	_ =	shalt  }
0x82: {  	_ =	shalt  }
0x83: {  	_ =	shalt  }
0x84: {  	_ =	shalt  }
0x85: {  	_ =	shalt  }
0x86: {  	_ =	shalt  }
0x87: {  	_ =	shalt  }
.Lfunc_end0:
.L_simem_size_0:
called_computation.1_lowered:
.L_overlay_start_0:
0x88: {  	s2 =	sld [smem:$0x3FD9]  }
0x89: {  	s3 =	sld [smem:$0x3FFE];
	_ =	sdelay $0x1  }
0x8a: {  	s1 =	srdreg.scid  }
0x8b: {  	s0 =	sand.u32 $0x1, s1  }
0x8c: {  	s17 =	sshll.u32 s0, $0xA;
	s2 =	sadd.s32 s3, s2  }
0x8d: {  	s2 =	sadd.s32 s2, s17  }
0x8e: {  	[smem:$0x3FC5] =	sst s2  }
0x8f: {  	_ = 	snop  }
0x90: {  	(tm) =	ssettm $0x1  }
0x91: {  	s18 =	sld [smem:$0x3FFB];
	_ =	sdelay $0x3  }
0x92: {  	_ =	strace s18  }
0x93: {  	s2 =	sld [smem:$0x3FFC];
	_ =	sdelay $0x3  }
0x94: {  	_ =	strace s2  }
0x95: {  	s2 =	sld [smem:$0x3FFD];
	_ =	sdelay $0x3  }
0x96: {  	_ =	strace s2  }
0x97: {  	_ =	strace $0x8FFFFFFF  }
0x98: {  	s19 =	sld [smem:$0x3FDB];
	_ =	sdelay $0x1  }
0x99: {  	s20 =	simm.s32 $_scs_section_size  }
0x9a: {  	s4 =	simm.s32 $_size__tile_overlayer_lowered;
	s5 =	simm.s32 $_tile_overlayer_lowered  }
0x9b: {  	s6 =	simm.s32 $0x1BFF;
	s21 =	sshll.u32 s5, $0x1;
	s3 =	sadd.s32 s20, s19  }
0x9c: {  	s22 =	simm.s32 $0x0;
	s4 =	sshll.u32 s4, $0x1;
	s5 =	sadd.s32 s21, s3  }
0x9d: {  	[timem:s22], [sflag:s6] =	dma.local [hbm:s5], s4  }
0x9e: {  	_ =	swait.ge [sflag:s6], s4  }
0x9f: {  	s4 =	ssub.s32 $0x0, s4;
	[sflag:s6] =	ssyncset.done $0x0  }
0xa0: {  	[sflag:s6] =	ssyncadd.s32 s4;
	_ =	sdelay $0x1  }
0xa1: {  	s23 =	simm.s32 $0x1B8B  }
0xa2: {  	_ =	swait.ge [sflag:s23], $0x1  }
0xa3: {  	[sflag:s23] =	ssyncset.done $0x0  }
0xa4: {  	[sflag:s23] =	ssyncadd.s32 $0xFFFFFFFF  }
0xa5: {  	s4 =	sld [smem:$0x0]  }
0xa6: {  	s5 =	sand.u32 $0xFFFFFFFE, s1  }
0xa7: {  	p0 =	sne.s32 s1, s5  }
0xa8: {  	s5 =	sshll.u32 @p0 s5, $0xE  }
0xa9: {  	s5 =	sadd.s32 @p0 $0x11B8D, s5;
	s6 =	sshll.u32 @p0 s4, $0x11  }
0xaa: {  	s5 =	sor.u32 @p0 s6, s5  }
0xab: {  	[sflag:s5] =	ssyncadd.remote.s32 @p0 $0x1;
	_ =	sdelay $0x1  }
0xac: {  	s5 =	simm.s32 @p0 $0x1B8D  }
0xad: {  	_ =	swait.eq @p0 [sflag:s5], $0x1  }
0xae: {  	[sflag:s5] =	ssyncadd.s32 @p0 $0xFFFFFFFF  }
0xaf: {  	s6 =	sshll.u32 @!p0 s1, $0xE  }
0xb0: {  	s6 =	sor.u32 @!p0 $0x4000, s6;
	s5 =	simm.s32 @!p0 $0x1B8D  }
0xb1: {  	s4 =	sshll.u32 @!p0 s4, $0x11;
	s6 =	sadd.s32 @!p0 $0x11B8D, s6;
	_ =	swait.eq @!p0 [sflag:s5], $0x1  }
0xb2: {  	s4 =	sor.u32 @!p0 s4, s6;
	[sflag:s5] =	ssyncadd.s32 @!p0 $0xFFFFFFFF  }
0xb3: {  	s25 =	simm.s32 $0x1B8E;
	s24 =	sld [smem:$0x3FFE];
	[sflag:s4] =	ssyncadd.remote.s32 @!p0 $0x1  }
0xb4: {  	s26 =	simm.s32 $execute0_lowered;
	[smem:$0x3FD2] =	sst s25  }
0xb5: {  	s5 =	sshll.u32 s26, $0x1;
	_ =	strace $0x80000049;
	[dreg:$0x1] =	wrdreg $0xFFFFFFFF  }
0xb6: {  	s28 =	simm.s32 $_size_execute0_lowered;
	s3 =	sadd.s32 s3, s5;
	[dreg:$0x0] =	wrdreg $0x0  }
0xb7: {  	s5 =	sshll.u32 s28, $0x1;
	[dreg:$0x2] =	wrdreg s3  }
0xb8: {  	[dreg:$0x3] =	wrdreg s5  }
0xb9: {  	[dreg:$0x4] =	wrdreg $0xC0  }
0xba: {  	_ =	task [dreg:s22], $0x5FFFF  }
0xbb: {  	[dreg:$0x1] =	wrdreg $0xFFFFFFFF  }
0xbc: {  	[dreg:$0x0] =	wrdreg $0x60  }
0xbd: {  	[dreg:$0x2] =	wrdreg s24  }
0xbe: {  	[dreg:$0x3] =	wrdreg $0xA  }
0xbf: {  	_ =	task.clear_ibuf [dreg:s22], $0x4FFFF;
	_ =	strace $0x90000049  }
0xc0: {  	s29 =	simm.s32 $0xA;
	_ =	strace $0x8000004B  }
0xc1: {  	_ =	swait.ge [sflag:s29], $0x1  }
0xc2: {  	[sflag:s29] =	ssyncadd.s32 $0xFFFFFFFF  }
0xc3: {  	_ =	strace $0x9000004B  }
0xc4: {  	_ =	sfence  }
0xc5: {  	s30 =	sld [smem:$0x0];
	_ =	sdelay $0x2  }
0xc6: {  	s31 =	sshll.u32 s1, $0xD;
	s1 =	sshrl.u32 s1, $0x2  }
0xc7: {  	s4 =	sand.u32 $0x4000, s31;
	s1 =	sadd.s32 s1, s30  }
0xc8: {  	s0 =	sor.u32 s4, s0;
	s1 =	sshll.u32 s1, $0x11  }
0xc9: {  	s0 =	sor.u32 s1, s0  }
0xca: {  	s0 =	sadd.s32 $0x8F2B, s0  }
0xcb: {  	[sflag:s0] =	ssyncadd.remote.s32 $0x1  }
0xcc: {  	_ =	sfence.sel $0xFFFF  }
0xcd: {  	[dreg:$0x0] =	wrdreg $0xFFFFFFFF;
	(pc) =	sbr.abs _section_cstart, $3  }
0xce: {  	[dreg:$0x1] =	wrdreg $0xFFFFFFFF  }
0xcf: {  	_ =	task.clear_ibuf [dreg:s22], $0x2FFFF;
	_ =	strace $0x9FFFFFFF  }
0xd0: {  	(tm) =	ssettm $0x7FFFFFFF  }
0xd1: {  	_ =	shalt  }
tec
execute0_lowered:
.L_overlay_start_1:
0x0: {  	(tag) =	ssettag $0x1  }
0x1: {  	s5 =	rddreg [dreg:$0x0]  }
0x2: {  	s0 =	rddreg [dreg:$0x1]  }
0x3: {  	s3 =	srdreg.scid;
	s1 =	stileid.u32  }
0x4: {  	s2 =	simm.s32 $0x0;
	s13 =	simm.s32 $0x5000;
	s14 =	simm.s32 $0x1  }
0x5: {  	s15 =	simm.s32 $0x2800;
	s16 =	simm.s32 $0x5080;
	s17 =	simm.s32 $0x5100  }
0x6: {  	s18 =	simm.s32 $0x2;
	s19 =	simm.s32 $0x80;
	s20 =	simm.s32 $0x400  }
0x7: {  	s21 =	simm.s32 $0x3;
	s22 =	simm.s32 $0x0;
	s6 =	sand.u32 $0x1, s3  }
0x8: {  	s25 =	sshll.u32 s1, $0x1;
	[smem:$0x7FF] =	sst s2;
	s26 =	sshrl.u32 s1, $0x2  }
0x9: {  	s3 =	sadd.s32 $0xA800, s5;
	s4 =	sadd.s32 $0xA00, s5;
	s7 =	sor.u32 s6, s25  }
0xa: {  	_ =	strace $0x8000004A;
	s8 =	smul.u32 $0x9C400, s26;
	s6 =	ssub.s32 $0x2, s6  }
0xb: {  	s9 =	sshll.u32 s7, $0x7;
	s10 =	smul.u32 $0x2710, s7;
	s28 =	sshrl.u32 s6, $0x1  }
0xc: {  	s7 =	smul.u32 $0x27100, s7;
	s9 =	sand.u32 $0x380, s9;
	s12 =	ssub.s32 s6, s28  }
0xd: {  	s8 =	sor.u32 s8, s9;
	s29 =	sadd.s32 $0x50, s10;
	s30 =	sshrl.u32 s10, $0x3  }
0xe: {  	s9 =	sadd.s32 $0xA0, s10;
	s10 =	sadd.s32 $0xF0, s10;
	s12 =	smax.u32 s12, $0x1  }
0xf: {  	s8 =	sshrl.u32 s8, $0x3;
	s31 =	sshll.u32 s29, $0x4;
	s6 =	sadd.s32 s4, s30  }
0x10: {  	s11 =	sadd.s32 s8, s5;
	s5 =	sadd.s32 s3, s7;
	s8 =	sshrl.u32 s29, $0x3  }
0x11: {  	v0 =	vimm.f32 $0.0e+00;
	v1 =	vlaneseq.u32;
	s7 =	sadd.s32 s3, s31;
	s8 =	sadd.s32 s4, s8;
	s11 =	sadd.s32 $0x513A00, s11  }
.LBB2_1:
0x12: {  	[tilespmem:s2], [sflag:$0x1] =	stream.linear.gather [hbm4b:s5+s2], $0x2800, $0x38;
	[tilespmem:$0x18980] =	vst v63  }
0x13: {  	s23 =	simm.s32 $0x40;
	s24 =	simm.s32 $0x0  }
0x14: {  	[tilespmem:s13], [sflag:$0x1] =	stream.linear.gather [hbm4b:s6+s2], $0x50, $0x38;
	[tilespmem:$0x18980] =	vst v63  }
.LBB2_2:
0x15: {  	p0 =	sne.s32 s23, $0x4E1C0;
	[tilespmem:s24+$0x5100] =	vst v0;
	s24 =	smov.u32 s23;
	s23 =	sadd.s32 $0x40, s23  }
.Ltmp0:
0x16: {  	(pc) =	sbr.rel @p0 .LBB2_2-.Ltmp0, $2  }
0x17: {  	_ =	sdelay $0x2  }
0x18: {  	s24 =	sshra.s32 s24, $0x2  }
0x19: {  	[tilespmem:s24+$0x5100] =	vst v0  }
0x1a: {  	_ =	swait.ge [sflag:s14], $0x2800  }
0x1b: {  	[sflag:s14] =	ssyncset.done $0x0  }
0x1c: {  	[sflag:s14] =	ssyncadd.s32 $0xFFFFD800  }
0x1d: {  	_ =	swait.ge [sflag:s14], $0x50  }
0x1e: {  	[sflag:s14] =	ssyncset.done $0x0  }
0x1f: {  	s23 =	simm.s32 $0x0;
	[sflag:s14] =	ssyncadd.s32 $0xFFFFFFB0  }
0x20: {  	[tilespmem:s15], [sflag:$0x2] =	stream.linear.gather [hbm4b:s7+s23], $0x2800, $0x38;
	[tilespmem:$0x18980] =	vst v63  }
0x21: {  	s31 =	simm.s32 $0x0  }
0x22: {  	[tilespmem:s16], [sflag:$0x2] =	stream.linear.gather [hbm4b:s8+s23], $0x50, $0x38;
	[tilespmem:$0x18980] =	vst v63  }
0x23: {  	v2 =	vld [tilespmem:s31+$0x5000];
	_ =	sdelay $0x4  }
0x24: {  	v2 =	vshll.u32 v2, $0x3  }
0x25: {  	v3 =	vbroadcast v2, $0x0  }
0x26: {  	s24 =	simm.s32 $0x400  }
0x27: {  	v4 =	vld [tilespmem:s24+$0xFFFFFC00];
	v3 =	vadd.s32 v1, v3;
	_ =	sdelay $0x3  }
0x28: {  	v5 =	vbroadcast v2, $0x1  }
0x29: {  	[tilespmem:v3+s17+$0x0] =	vst.idx.add.f32.msk $0xff, v4  }
0x2a: {  	v4 =	vadd.s32 v1, v5;
	v3 =	vld [tilespmem:s24+$0xFFFFFC80];
	_ =	sdelay $0x3  }
0x2b: {  	v5 =	vbroadcast v2, $0x2  }
0x2c: {  	[tilespmem:v4+s17+$0x0] =	vst.idx.add.f32.msk $0xff, v3  }
0x2d: {  	v4 =	vadd.s32 v1, v5;
	v3 =	vld [tilespmem:s24+$0xFFFFFD00];
	_ =	sdelay $0x3  }
0x2e: {  	v5 =	vbroadcast v2, $0x3  }
0x2f: {  	[tilespmem:v4+s17+$0x0] =	vst.idx.add.f32.msk $0xff, v3  }
0x30: {  	v4 =	vadd.s32 v1, v5;
	v3 =	vld [tilespmem:s24+$0xFFFFFD80];
	_ =	sdelay $0x3  }
0x31: {  	v5 =	vbroadcast v2, $0x4  }
0x32: {  	[tilespmem:v4+s17+$0x0] =	vst.idx.add.f32.msk $0xff, v3  }
0x33: {  	v4 =	vadd.s32 v1, v5;
	v3 =	vld [tilespmem:s24+$0xFFFFFE00];
	_ =	sdelay $0x3  }
0x34: {  	v5 =	vbroadcast v2, $0x5  }
0x35: {  	[tilespmem:v4+s17+$0x0] =	vst.idx.add.f32.msk $0xff, v3  }
0x36: {  	v4 =	vadd.s32 v1, v5;
	v3 =	vld [tilespmem:s24+$0xFFFFFE80];
	_ =	sdelay $0x3  }
0x37: {  	v5 =	vbroadcast v2, $0x6  }
0x38: {  	[tilespmem:v4+s17+$0x0] =	vst.idx.add.f32.msk $0xff, v3  }
0x39: {  	v4 =	vadd.s32 v1, v5;
	v3 =	vld [tilespmem:s24+$0xFFFFFF00];
	_ =	sdelay $0x3  }
0x3a: {  	v5 =	vbroadcast v2, $0x7  }
0x3b: {  	[tilespmem:v4+s17+$0x0] =	vst.idx.add.f32.msk $0xff, v3  }
0x3c: {  	v4 =	vadd.s32 v1, v5;
	v3 =	vld [tilespmem:s24+$0xFFFFFF80];
	_ =	sdelay $0x3  }
0x3d: {  	v5 =	vbroadcast v2, $0x8  }
0x3e: {  	[tilespmem:v4+s17+$0x0] =	vst.idx.add.f32.msk $0xff, v3  }
0x3f: {  	v4 =	vadd.s32 v1, v5;
	v3 =	vld [tilespmem:s24+$0x0];
	_ =	sdelay $0x3  }
0x40: {  	v5 =	vbroadcast v2, $0x9  }
0x41: {  	[tilespmem:v4+s17+$0x0] =	vst.idx.add.f32.msk $0xff, v3  }
0x42: {  	v4 =	vadd.s32 v1, v5;
	v3 =	vld [tilespmem:s24+$0x80];
	_ =	sdelay $0x3  }
0x43: {  	v5 =	vbroadcast v2, $0xA  }
0x44: {  	[tilespmem:v4+s17+$0x0] =	vst.idx.add.f32.msk $0xff, v3  }
0x45: {  	v4 =	vadd.s32 v1, v5;
	v3 =	vld [tilespmem:s24+$0x100];
	_ =	sdelay $0x3  }
0x46: {  	v5 =	vbroadcast v2, $0xB  }
0x47: {  	[tilespmem:v4+s17+$0x0] =	vst.idx.add.f32.msk $0xff, v3  }
0x48: {  	v4 =	vadd.s32 v1, v5;
	v3 =	vld [tilespmem:s24+$0x180];
	_ =	sdelay $0x3  }
0x49: {  	v5 =	vbroadcast v2, $0xC  }
0x4a: {  	[tilespmem:v4+s17+$0x0] =	vst.idx.add.f32.msk $0xff, v3  }
0x4b: {  	v4 =	vadd.s32 v1, v5;
	v3 =	vld [tilespmem:s24+$0x200];
	_ =	sdelay $0x1  }
0x4c: {  	(v2sf) =	vpush v2, $0xF;
	_ =	sdelay $0x1  }
0x4d: {  	v5 =	vbroadcast v2, $0xD  }
0x4e: {  	[tilespmem:v4+s17+$0x0] =	vst.idx.add.f32.msk $0xff, v3  }
0x4f: {  	v4 =	vadd.s32 v1, v5;
	v3 =	vld [tilespmem:s24+$0x280];
	_ =	sdelay $0x3  }
0x50: {  	v2 =	vbroadcast v2, $0xE  }
0x51: {  	[tilespmem:v4+s17+$0x0] =	vst.idx.add.f32.msk $0xff, v3  }
0x52: {  	v2 =	vadd.s32 v1, v2;
	v3 =	vld [tilespmem:s24+$0x300];
	_ =	sdelay $0x4  }
0x53: {  	s26 =	spop (v2sf);
	[tilespmem:v2+s17+$0x0] =	vst.idx.add.f32.msk $0xff, v3  }
0x54: {  	s25 =	simm.s32 $0x40;
	s28 =	simm.s32 $0x80;
	v3 =	vadd.s32 s26, v1;
	v2 =	vld [tilespmem:s24+$0x380]  }
.LBB2_4:
0x55: {  	_ =	sdelay $0x2  }
0x56: {  	s29 =	sshra.s32 s25, $0x2  }
0x57: {  	s24 =	sadd.s32 $0x800, s24;
	s25 =	smov.u32 s28;
	s26 =	sadd.s32 $0x40, s28;
	[tilespmem:v3+s17+$0x0] =	vst.idx.add.f32.msk $0xff, v2  }
0x58: {  	p0 =	sne.s32 s28, $0x100;
	v2 =	vld [tilespmem:s29+$0x5000];
	_ =	sdelay $0x4  }
0x59: {  	v2 =	vshll.u32 v2, $0x3  }
0x5a: {  	v3 =	vbroadcast v2, $0x0;
	v4 =	vbroadcast v2, $0x1;
	(v2sf) =	vpush v2, $0xF  }
0x5b: {  	v5 =	vbroadcast v2, $0x2;
	v6 =	vbroadcast v2, $0x3  }
0x5c: {  	v8 =	vbroadcast v2, $0x4;
	v9 =	vbroadcast v2, $0x5;
	v7 =	vld [tilespmem:s24+$0xFFFFFC00];
	v3 =	vadd.s32 v1, v3  }
0x5d: {  	v10 =	vbroadcast v2, $0x6;
	v11 =	vbroadcast v2, $0x7  }
0x5e: {  	v12 =	vbroadcast v2, $0x8;
	v13 =	vbroadcast v2, $0x9  }
0x5f: {  	v14 =	vbroadcast v2, $0xA;
	v15 =	vbroadcast v2, $0xB  }
0x60: {  	v16 =	vbroadcast v2, $0xC;
	v17 =	vbroadcast v2, $0xD  }
0x61: {  	v2 =	vbroadcast v2, $0xE;
	[tilespmem:v3+s17+$0x0] =	vst.idx.add.f32.msk $0xff, v7  }
0x62: {  	v4 =	vadd.s32 v1, v4;
	v3 =	vld [tilespmem:s24+$0xFFFFFC80];
	_ =	sdelay $0x4  }
0x63: {  	[tilespmem:v4+s17+$0x0] =	vst.idx.add.f32.msk $0xff, v3  }
0x64: {  	v4 =	vadd.s32 v1, v5;
	v3 =	vld [tilespmem:s24+$0xFFFFFD00]  }
0x65: {  	s28 =	spop (v2sf);
	_ =	sdelay $0x3  }
0x66: {  	[tilespmem:v4+s17+$0x0] =	vst.idx.add.f32.msk $0xff, v3  }
0x67: {  	v4 =	vadd.s32 v1, v6;
	v3 =	vld [tilespmem:s24+$0xFFFFFD80];
	_ =	sdelay $0x4  }
0x68: {  	[tilespmem:v4+s17+$0x0] =	vst.idx.add.f32.msk $0xff, v3  }
0x69: {  	v4 =	vadd.s32 v1, v8;
	v3 =	vld [tilespmem:s24+$0xFFFFFE00];
	_ =	sdelay $0x4  }
0x6a: {  	[tilespmem:v4+s17+$0x0] =	vst.idx.add.f32.msk $0xff, v3  }
0x6b: {  	v4 =	vadd.s32 v1, v9;
	v3 =	vld [tilespmem:s24+$0xFFFFFE80];
	_ =	sdelay $0x4  }
0x6c: {  	[tilespmem:v4+s17+$0x0] =	vst.idx.add.f32.msk $0xff, v3  }
0x6d: {  	v4 =	vadd.s32 v1, v10;
	v3 =	vld [tilespmem:s24+$0xFFFFFF00];
	_ =	sdelay $0x4  }
0x6e: {  	[tilespmem:v4+s17+$0x0] =	vst.idx.add.f32.msk $0xff, v3  }
0x6f: {  	v4 =	vadd.s32 v1, v11;
	v3 =	vld [tilespmem:s24+$0xFFFFFF80];
	_ =	sdelay $0x4  }
0x70: {  	[tilespmem:v4+s17+$0x0] =	vst.idx.add.f32.msk $0xff, v3  }
0x71: {  	v4 =	vadd.s32 v1, v12;
	v3 =	vld [tilespmem:s24+$0x0];
	_ =	sdelay $0x4  }
0x72: {  	[tilespmem:v4+s17+$0x0] =	vst.idx.add.f32.msk $0xff, v3  }
0x73: {  	v4 =	vadd.s32 v1, v13;
	v3 =	vld [tilespmem:s24+$0x80];
	_ =	sdelay $0x4  }
0x74: {  	[tilespmem:v4+s17+$0x0] =	vst.idx.add.f32.msk $0xff, v3  }
0x75: {  	v4 =	vadd.s32 v1, v14;
	v3 =	vld [tilespmem:s24+$0x100];
	_ =	sdelay $0x4  }
0x76: {  	[tilespmem:v4+s17+$0x0] =	vst.idx.add.f32.msk $0xff, v3  }
0x77: {  	v4 =	vadd.s32 v1, v15;
	v3 =	vld [tilespmem:s24+$0x180];
	_ =	sdelay $0x4  }
0x78: {  	[tilespmem:v4+s17+$0x0] =	vst.idx.add.f32.msk $0xff, v3  }
0x79: {  	v4 =	vadd.s32 v1, v16;
	v3 =	vld [tilespmem:s24+$0x200];
	_ =	sdelay $0x4  }
0x7a: {  	[tilespmem:v4+s17+$0x0] =	vst.idx.add.f32.msk $0xff, v3  }
0x7b: {  	v4 =	vadd.s32 v1, v17;
	v3 =	vld [tilespmem:s24+$0x280];
	_ =	sdelay $0x4  }
0x7c: {  	[tilespmem:v4+s17+$0x0] =	vst.idx.add.f32.msk $0xff, v3  }
0x7d: {  	v2 =	vadd.s32 v1, v2;
	v3 =	vld [tilespmem:s24+$0x300];
	_ =	sdelay $0x1  }
.Ltmp1:
0x7e: {  	(pc) =	sbr.rel @p0 .LBB2_4-.Ltmp1, $3  }
0x7f: {  	_ =	sdelay $0x1  }
0x80: {  	[tilespmem:v2+s17+$0x0] =	vst.idx.add.f32.msk $0xff, v3  }
0x81: {  	v3 =	vadd.s32 s28, v1;
	s28 =	smov.u32 s26;
	v2 =	vld [tilespmem:s24+$0x380]  }
0x82: {  	_ =	sdelay $0x3  }
0x83: {  	s25 =	sshra.s32 s25, $0x2;
	[tilespmem:v3+s17+$0x0] =	vst.idx.add.f32.msk $0xff, v2  }
0x84: {  	v2 =	vld [tilespmem:s25+$0x5000];
	_ =	sdelay $0x4  }
0x85: {  	v2 =	vshll.u32 v2, $0x3  }
0x86: {  	v3 =	vbroadcast v2, $0x0  }
0x87: {  	s24 =	sadd.s32 $0x800, s24  }
0x88: {  	v4 =	vld [tilespmem:s24+$0xFFFFFC00];
	v3 =	vadd.s32 v1, v3;
	_ =	sdelay $0x3  }
0x89: {  	v5 =	vbroadcast v2, $0x1  }
0x8a: {  	[tilespmem:v3+s17+$0x0] =	vst.idx.add.f32.msk $0xff, v4  }
0x8b: {  	v39 =	vadd.s32 v1, v5;
	v3 =	vld [tilespmem:s24+$0xFFFFFC80];
	_ =	sdelay $0x3  }
0x8c: {  	v40 =	vbroadcast v2, $0x2  }
0x8d: {  	[tilespmem:v39+s17+$0x0] =	vst.idx.add.f32.msk $0xff, v3  }
0x8e: {  	v41 =	vadd.s32 v1, v40;
	v3 =	vld [tilespmem:s24+$0xFFFFFD00];
	_ =	sdelay $0x3  }
0x8f: {  	v42 =	vbroadcast v2, $0x3  }
0x90: {  	[tilespmem:v41+s17+$0x0] =	vst.idx.add.f32.msk $0xff, v3  }
0x91: {  	v43 =	vadd.s32 v1, v42;
	v3 =	vld [tilespmem:s24+$0xFFFFFD80];
	_ =	sdelay $0x3  }
0x92: {  	v44 =	vbroadcast v2, $0x4  }
0x93: {  	[tilespmem:v43+s17+$0x0] =	vst.idx.add.f32.msk $0xff, v3  }
0x94: {  	v45 =	vadd.s32 v1, v44;
	v3 =	vld [tilespmem:s24+$0xFFFFFE00];
	_ =	sdelay $0x3  }
0x95: {  	v46 =	vbroadcast v2, $0x5  }
0x96: {  	[tilespmem:v45+s17+$0x0] =	vst.idx.add.f32.msk $0xff, v3  }
0x97: {  	v47 =	vadd.s32 v1, v46;
	v3 =	vld [tilespmem:s24+$0xFFFFFE80];
	_ =	sdelay $0x3  }
0x98: {  	v48 =	vbroadcast v2, $0x6  }
0x99: {  	[tilespmem:v47+s17+$0x0] =	vst.idx.add.f32.msk $0xff, v3  }
0x9a: {  	v49 =	vadd.s32 v1, v48;
	v3 =	vld [tilespmem:s24+$0xFFFFFF00];
	_ =	sdelay $0x3  }
0x9b: {  	v50 =	vbroadcast v2, $0x7  }
0x9c: {  	[tilespmem:v49+s17+$0x0] =	vst.idx.add.f32.msk $0xff, v3  }
0x9d: {  	v51 =	vadd.s32 v1, v50;
	v3 =	vld [tilespmem:s24+$0xFFFFFF80];
	_ =	sdelay $0x3  }
0x9e: {  	v52 =	vbroadcast v2, $0x8  }
0x9f: {  	[tilespmem:v51+s17+$0x0] =	vst.idx.add.f32.msk $0xff, v3  }
0xa0: {  	v53 =	vadd.s32 v1, v52;
	v3 =	vld [tilespmem:s24+$0x0];
	_ =	sdelay $0x3  }
0xa1: {  	v54 =	vbroadcast v2, $0x9  }
0xa2: {  	[tilespmem:v53+s17+$0x0] =	vst.idx.add.f32.msk $0xff, v3  }
0xa3: {  	v55 =	vadd.s32 v1, v54;
	v3 =	vld [tilespmem:s24+$0x80];
	_ =	sdelay $0x3  }
0xa4: {  	v56 =	vbroadcast v2, $0xA  }
0xa5: {  	[tilespmem:v55+s17+$0x0] =	vst.idx.add.f32.msk $0xff, v3  }
0xa6: {  	v57 =	vadd.s32 v1, v56;
	v3 =	vld [tilespmem:s24+$0x100];
	_ =	sdelay $0x3  }
0xa7: {  	v58 =	vbroadcast v2, $0xB  }
0xa8: {  	[tilespmem:v57+s17+$0x0] =	vst.idx.add.f32.msk $0xff, v3  }
0xa9: {  	v59 =	vadd.s32 v1, v58;
	v3 =	vld [tilespmem:s24+$0x180];
	_ =	sdelay $0x3  }
0xaa: {  	v60 =	vbroadcast v2, $0xC  }
0xab: {  	[tilespmem:v59+s17+$0x0] =	vst.idx.add.f32.msk $0xff, v3  }
0xac: {  	v61 =	vadd.s32 v1, v60;
	v3 =	vld [tilespmem:s24+$0x200];
	_ =	sdelay $0x1  }
0xad: {  	(v2sf) =	vpush v2, $0xF;
	_ =	sdelay $0x1  }
0xae: {  	v62 =	vbroadcast v2, $0xD  }
0xaf: {  	[tilespmem:v61+s17+$0x0] =	vst.idx.add.f32.msk $0xff, v3  }
0xb0: {  	v63 =	vadd.s32 v1, v62;
	v3 =	vld [tilespmem:s24+$0x280];
	_ =	sdelay $0x3  }
0xb1: {  	v2 =	vbroadcast v2, $0xE  }
0xb2: {  	[tilespmem:v63+s17+$0x0] =	vst.idx.add.f32.msk $0xff, v3  }
0xb3: {  	v2 =	vadd.s32 v1, v2;
	v3 =	vld [tilespmem:s24+$0x300];
	_ =	sdelay $0x4  }
0xb4: {  	s31 =	spop (v2sf);
	[tilespmem:v2+s17+$0x0] =	vst.idx.add.f32.msk $0xff, v3  }
0xb5: {  	v3 =	vadd.s32 s31, v1;
	v2 =	vld [tilespmem:s24+$0x380];
	_ =	sdelay $0x4  }
0xb6: {  	[tilespmem:v3+s17+$0x0] =	vst.idx.add.f32.msk $0xff, v2  }
.LBB2_6:
0xb7: {  	_ =	swait.ge [sflag:s18], $0x2800  }
0xb8: {  	s24 =	smul.u32 $0xA0, s23;
	[sflag:s18] =	ssyncset.done $0x0  }
0xb9: {  	[sflag:s18] =	ssyncadd.s32 $0xFFFFD800  }
0xba: {  	s25 =	sadd.s32 s24, s9;
	_ =	swait.ge [sflag:s18], $0x50  }
0xbb: {  	s28 =	simm.s32 $0x0;
	s26 =	sshll.u32 s25, $0x4;
	[sflag:s18] =	ssyncset.done $0x0  }
0xbc: {  	s25 =	sshrl.u32 s25, $0x3;
	s26 =	sadd.s32 s3, s26;
	[sflag:s18] =	ssyncadd.s32 $0xFFFFFFB0  }
0xbd: {  	[tilespmem:s28], [sflag:$0x1] =	stream.linear.gather [hbm4b:s26+s28], $0x2800, $0x38;
	[tilespmem:$0x18980] =	vst v63  }
0xbe: {  	s30 =	simm.s32 $0x0;
	s25 =	sadd.s32 s4, s25  }
0xbf: {  	[tilespmem:s13], [sflag:$0x1] =	stream.linear.gather [hbm4b:s25+s28], $0x50, $0x38;
	[tilespmem:$0x18980] =	vst v63  }
0xc0: {  	v2 =	vld [tilespmem:s30+$0x5080];
	_ =	sdelay $0x4  }
0xc1: {  	v2 =	vshll.u32 v2, $0x3  }
0xc2: {  	v3 =	vbroadcast v2, $0x0  }
0xc3: {  	s25 =	simm.s32 $0x2F80  }
0xc4: {  	v4 =	vld [tilespmem:s25+$0xFFFFF880];
	v3 =	vadd.s32 v1, v3;
	_ =	sdelay $0x3  }
0xc5: {  	v5 =	vbroadcast v2, $0x1  }
0xc6: {  	[tilespmem:v3+s17+$0x0] =	vst.idx.add.f32.msk $0xff, v4  }
0xc7: {  	v4 =	vadd.s32 v1, v5;
	v3 =	vld [tilespmem:s25+$0xFFFFF900];
	_ =	sdelay $0x3  }
0xc8: {  	v5 =	vbroadcast v2, $0x2  }
0xc9: {  	[tilespmem:v4+s17+$0x0] =	vst.idx.add.f32.msk $0xff, v3  }
0xca: {  	v4 =	vadd.s32 v1, v5;
	v3 =	vld [tilespmem:s25+$0xFFFFF980];
	_ =	sdelay $0x3  }
0xcb: {  	v5 =	vbroadcast v2, $0x3  }
0xcc: {  	[tilespmem:v4+s17+$0x0] =	vst.idx.add.f32.msk $0xff, v3  }
0xcd: {  	v4 =	vadd.s32 v1, v5;
	v3 =	vld [tilespmem:s25+$0xFFFFFA00];
	_ =	sdelay $0x3  }
0xce: {  	v5 =	vbroadcast v2, $0x4  }
0xcf: {  	[tilespmem:v4+s17+$0x0] =	vst.idx.add.f32.msk $0xff, v3  }
0xd0: {  	v4 =	vadd.s32 v1, v5;
	v3 =	vld [tilespmem:s25+$0xFFFFFA80];
	_ =	sdelay $0x3  }
0xd1: {  	v5 =	vbroadcast v2, $0x5  }
0xd2: {  	[tilespmem:v4+s17+$0x0] =	vst.idx.add.f32.msk $0xff, v3  }
0xd3: {  	v4 =	vadd.s32 v1, v5;
	v3 =	vld [tilespmem:s25+$0xFFFFFB00];
	_ =	sdelay $0x3  }
0xd4: {  	v5 =	vbroadcast v2, $0x6  }
0xd5: {  	[tilespmem:v4+s17+$0x0] =	vst.idx.add.f32.msk $0xff, v3  }
0xd6: {  	v4 =	vadd.s32 v1, v5;
	v3 =	vld [tilespmem:s25+$0xFFFFFB80];
	_ =	sdelay $0x3  }
0xd7: {  	v5 =	vbroadcast v2, $0x7  }
0xd8: {  	[tilespmem:v4+s17+$0x0] =	vst.idx.add.f32.msk $0xff, v3  }
0xd9: {  	v4 =	vadd.s32 v1, v5;
	v3 =	vld [tilespmem:s25+$0xFFFFFC00];
	_ =	sdelay $0x3  }
0xda: {  	v5 =	vbroadcast v2, $0x8  }
0xdb: {  	[tilespmem:v4+s17+$0x0] =	vst.idx.add.f32.msk $0xff, v3  }
0xdc: {  	v4 =	vadd.s32 v1, v5;
	v3 =	vld [tilespmem:s25+$0xFFFFFC80];
	_ =	sdelay $0x3  }
0xdd: {  	v5 =	vbroadcast v2, $0x9  }
0xde: {  	[tilespmem:v4+s17+$0x0] =	vst.idx.add.f32.msk $0xff, v3  }
0xdf: {  	v4 =	vadd.s32 v1, v5;
	v3 =	vld [tilespmem:s25+$0xFFFFFD00];
	_ =	sdelay $0x3  }
0xe0: {  	v5 =	vbroadcast v2, $0xA  }
0xe1: {  	[tilespmem:v4+s17+$0x0] =	vst.idx.add.f32.msk $0xff, v3  }
0xe2: {  	v4 =	vadd.s32 v1, v5;
	v3 =	vld [tilespmem:s25+$0xFFFFFD80];
	_ =	sdelay $0x3  }
0xe3: {  	v5 =	vbroadcast v2, $0xB  }
0xe4: {  	[tilespmem:v4+s17+$0x0] =	vst.idx.add.f32.msk $0xff, v3  }
0xe5: {  	v4 =	vadd.s32 v1, v5;
	v3 =	vld [tilespmem:s25+$0xFFFFFE00];
	_ =	sdelay $0x3  }
0xe6: {  	v5 =	vbroadcast v2, $0xC  }
0xe7: {  	[tilespmem:v4+s17+$0x0] =	vst.idx.add.f32.msk $0xff, v3  }
0xe8: {  	v4 =	vadd.s32 v1, v5;
	v3 =	vld [tilespmem:s25+$0xFFFFFE80];
	_ =	sdelay $0x1  }
0xe9: {  	(v2sf) =	vpush v2, $0xF;
	_ =	sdelay $0x1  }
0xea: {  	v5 =	vbroadcast v2, $0xD  }
0xeb: {  	[tilespmem:v4+s17+$0x0] =	vst.idx.add.f32.msk $0xff, v3  }
0xec: {  	v4 =	vadd.s32 v1, v5;
	v3 =	vld [tilespmem:s25+$0xFFFFFF00];
	_ =	sdelay $0x3  }
0xed: {  	v2 =	vbroadcast v2, $0xE  }
0xee: {  	[tilespmem:v4+s17+$0x0] =	vst.idx.add.f32.msk $0xff, v3  }
0xef: {  	v2 =	vadd.s32 v1, v2;
	v3 =	vld [tilespmem:s25+$0xFFFFFF80];
	_ =	sdelay $0x4  }
0xf0: {  	s31 =	spop (v2sf);
	[tilespmem:v2+s17+$0x0] =	vst.idx.add.f32.msk $0xff, v3  }
0xf1: {  	s29 =	simm.s32 $0x80;
	s26 =	simm.s32 $0x40;
	v3 =	vadd.s32 s31, v1;
	v2 =	vld [tilespmem:s25+$0x0]  }
.LBB2_7:
0xf2: {  	_ =	sdelay $0x2  }
0xf3: {  	s30 =	sshra.s32 s26, $0x2  }
0xf4: {  	s25 =	sadd.s32 $0x800, s25;
	s26 =	smov.u32 s29;
	s28 =	sadd.s32 $0x40, s29;
	[tilespmem:v3+s17+$0x0] =	vst.idx.add.f32.msk $0xff, v2  }
0xf5: {  	p0 =	sne.s32 s29, $0x100;
	v2 =	vld [tilespmem:s30+$0x5080];
	_ =	sdelay $0x4  }
0xf6: {  	v2 =	vshll.u32 v2, $0x3  }
0xf7: {  	v3 =	vbroadcast v2, $0x0;
	v4 =	vbroadcast v2, $0x1;
	(v2sf) =	vpush v2, $0xF  }
0xf8: {  	v5 =	vbroadcast v2, $0x2;
	v6 =	vbroadcast v2, $0x3  }
0xf9: {  	v8 =	vbroadcast v2, $0x4;
	v9 =	vbroadcast v2, $0x5;
	v7 =	vld [tilespmem:s25+$0xFFFFF880];
	v3 =	vadd.s32 v1, v3  }
0xfa: {  	v10 =	vbroadcast v2, $0x6;
	v11 =	vbroadcast v2, $0x7  }
0xfb: {  	v12 =	vbroadcast v2, $0x8;
	v13 =	vbroadcast v2, $0x9  }
0xfc: {  	v14 =	vbroadcast v2, $0xA;
	v15 =	vbroadcast v2, $0xB  }
0xfd: {  	v16 =	vbroadcast v2, $0xC;
	v17 =	vbroadcast v2, $0xD  }
0xfe: {  	v2 =	vbroadcast v2, $0xE;
	[tilespmem:v3+s17+$0x0] =	vst.idx.add.f32.msk $0xff, v7  }
0xff: {  	v4 =	vadd.s32 v1, v4;
	v3 =	vld [tilespmem:s25+$0xFFFFF900];
	_ =	sdelay $0x4  }
0x100: {  	[tilespmem:v4+s17+$0x0] =	vst.idx.add.f32.msk $0xff, v3  }
0x101: {  	v4 =	vadd.s32 v1, v5;
	v3 =	vld [tilespmem:s25+$0xFFFFF980]  }
0x102: {  	s29 =	spop (v2sf);
	_ =	sdelay $0x3  }
0x103: {  	[tilespmem:v4+s17+$0x0] =	vst.idx.add.f32.msk $0xff, v3  }
0x104: {  	v4 =	vadd.s32 v1, v6;
	v3 =	vld [tilespmem:s25+$0xFFFFFA00];
	_ =	sdelay $0x4  }
0x105: {  	[tilespmem:v4+s17+$0x0] =	vst.idx.add.f32.msk $0xff, v3  }
0x106: {  	v4 =	vadd.s32 v1, v8;
	v3 =	vld [tilespmem:s25+$0xFFFFFA80];
	_ =	sdelay $0x4  }
0x107: {  	[tilespmem:v4+s17+$0x0] =	vst.idx.add.f32.msk $0xff, v3  }
0x108: {  	v4 =	vadd.s32 v1, v9;
	v3 =	vld [tilespmem:s25+$0xFFFFFB00];
	_ =	sdelay $0x4  }
0x109: {  	[tilespmem:v4+s17+$0x0] =	vst.idx.add.f32.msk $0xff, v3  }
0x10a: {  	v4 =	vadd.s32 v1, v10;
	v3 =	vld [tilespmem:s25+$0xFFFFFB80];
	_ =	sdelay $0x4  }
0x10b: {  	[tilespmem:v4+s17+$0x0] =	vst.idx.add.f32.msk $0xff, v3  }
0x10c: {  	v4 =	vadd.s32 v1, v11;
	v3 =	vld [tilespmem:s25+$0xFFFFFC00];
	_ =	sdelay $0x4  }
0x10d: {  	[tilespmem:v4+s17+$0x0] =	vst.idx.add.f32.msk $0xff, v3  }
0x10e: {  	v4 =	vadd.s32 v1, v12;
	v3 =	vld [tilespmem:s25+$0xFFFFFC80];
	_ =	sdelay $0x4  }
0x10f: {  	[tilespmem:v4+s17+$0x0] =	vst.idx.add.f32.msk $0xff, v3  }
0x110: {  	v4 =	vadd.s32 v1, v13;
	v3 =	vld [tilespmem:s25+$0xFFFFFD00];
	_ =	sdelay $0x4  }
0x111: {  	[tilespmem:v4+s17+$0x0] =	vst.idx.add.f32.msk $0xff, v3  }
0x112: {  	v4 =	vadd.s32 v1, v14;
	v3 =	vld [tilespmem:s25+$0xFFFFFD80];
	_ =	sdelay $0x4  }
0x113: {  	[tilespmem:v4+s17+$0x0] =	vst.idx.add.f32.msk $0xff, v3  }
0x114: {  	v4 =	vadd.s32 v1, v15;
	v3 =	vld [tilespmem:s25+$0xFFFFFE00];
	_ =	sdelay $0x4  }
0x115: {  	[tilespmem:v4+s17+$0x0] =	vst.idx.add.f32.msk $0xff, v3  }
0x116: {  	v4 =	vadd.s32 v1, v16;
	v3 =	vld [tilespmem:s25+$0xFFFFFE80];
	_ =	sdelay $0x4  }
0x117: {  	[tilespmem:v4+s17+$0x0] =	vst.idx.add.f32.msk $0xff, v3  }
0x118: {  	v4 =	vadd.s32 v1, v17;
	v3 =	vld [tilespmem:s25+$0xFFFFFF00];
	_ =	sdelay $0x4  }
0x119: {  	[tilespmem:v4+s17+$0x0] =	vst.idx.add.f32.msk $0xff, v3  }
0x11a: {  	v2 =	vadd.s32 v1, v2;
	v3 =	vld [tilespmem:s25+$0xFFFFFF80];
	_ =	sdelay $0x1  }
.Ltmp2:
0x11b: {  	(pc) =	sbr.rel @p0 .LBB2_7-.Ltmp2, $3  }
0x11c: {  	_ =	sdelay $0x1  }
0x11d: {  	[tilespmem:v2+s17+$0x0] =	vst.idx.add.f32.msk $0xff, v3  }
0x11e: {  	v3 =	vadd.s32 s29, v1;
	s29 =	smov.u32 s28;
	v2 =	vld [tilespmem:s25+$0x0]  }
0x11f: {  	_ =	sdelay $0x3  }
0x120: {  	s26 =	sshra.s32 s26, $0x2;
	[tilespmem:v3+s17+$0x0] =	vst.idx.add.f32.msk $0xff, v2  }
0x121: {  	v2 =	vld [tilespmem:s26+$0x5080];
	_ =	sdelay $0x4  }
0x122: {  	v2 =	vshll.u32 v2, $0x3  }
0x123: {  	v3 =	vbroadcast v2, $0x0  }
0x124: {  	s25 =	sadd.s32 $0x800, s25  }
0x125: {  	v4 =	vld [tilespmem:s25+$0xFFFFF880];
	v3 =	vadd.s32 v1, v3;
	_ =	sdelay $0x3  }
0x126: {  	v5 =	vbroadcast v2, $0x1  }
0x127: {  	[tilespmem:v3+s17+$0x0] =	vst.idx.add.f32.msk $0xff, v4  }
0x128: {  	v4 =	vadd.s32 v1, v5;
	v3 =	vld [tilespmem:s25+$0xFFFFF900];
	_ =	sdelay $0x3  }
0x129: {  	v5 =	vbroadcast v2, $0x2  }
0x12a: {  	[tilespmem:v4+s17+$0x0] =	vst.idx.add.f32.msk $0xff, v3  }
0x12b: {  	v4 =	vadd.s32 v1, v5;
	v3 =	vld [tilespmem:s25+$0xFFFFF980];
	_ =	sdelay $0x3  }
0x12c: {  	v5 =	vbroadcast v2, $0x3  }
0x12d: {  	[tilespmem:v4+s17+$0x0] =	vst.idx.add.f32.msk $0xff, v3  }
0x12e: {  	v4 =	vadd.s32 v1, v5;
	v3 =	vld [tilespmem:s25+$0xFFFFFA00];
	_ =	sdelay $0x3  }
0x12f: {  	v5 =	vbroadcast v2, $0x4  }
0x130: {  	[tilespmem:v4+s17+$0x0] =	vst.idx.add.f32.msk $0xff, v3  }
0x131: {  	v4 =	vadd.s32 v1, v5;
	v3 =	vld [tilespmem:s25+$0xFFFFFA80];
	_ =	sdelay $0x3  }
0x132: {  	v5 =	vbroadcast v2, $0x5  }
0x133: {  	[tilespmem:v4+s17+$0x0] =	vst.idx.add.f32.msk $0xff, v3  }
0x134: {  	v4 =	vadd.s32 v1, v5;
	v3 =	vld [tilespmem:s25+$0xFFFFFB00];
	_ =	sdelay $0x3  }
0x135: {  	v5 =	vbroadcast v2, $0x6  }
0x136: {  	[tilespmem:v4+s17+$0x0] =	vst.idx.add.f32.msk $0xff, v3  }
0x137: {  	v4 =	vadd.s32 v1, v5;
	v3 =	vld [tilespmem:s25+$0xFFFFFB80];
	_ =	sdelay $0x3  }
0x138: {  	v5 =	vbroadcast v2, $0x7  }
0x139: {  	[tilespmem:v4+s17+$0x0] =	vst.idx.add.f32.msk $0xff, v3  }
0x13a: {  	v4 =	vadd.s32 v1, v5;
	v3 =	vld [tilespmem:s25+$0xFFFFFC00];
	_ =	sdelay $0x3  }
0x13b: {  	v5 =	vbroadcast v2, $0x8  }
0x13c: {  	[tilespmem:v4+s17+$0x0] =	vst.idx.add.f32.msk $0xff, v3  }
0x13d: {  	v4 =	vadd.s32 v1, v5;
	v3 =	vld [tilespmem:s25+$0xFFFFFC80];
	_ =	sdelay $0x3  }
0x13e: {  	v5 =	vbroadcast v2, $0x9  }
0x13f: {  	[tilespmem:v4+s17+$0x0] =	vst.idx.add.f32.msk $0xff, v3  }
0x140: {  	v4 =	vadd.s32 v1, v5;
	v3 =	vld [tilespmem:s25+$0xFFFFFD00];
	_ =	sdelay $0x3  }
0x141: {  	v5 =	vbroadcast v2, $0xA  }
0x142: {  	[tilespmem:v4+s17+$0x0] =	vst.idx.add.f32.msk $0xff, v3  }
0x143: {  	v4 =	vadd.s32 v1, v5;
	v3 =	vld [tilespmem:s25+$0xFFFFFD80];
	_ =	sdelay $0x3  }
0x144: {  	v5 =	vbroadcast v2, $0xB  }
0x145: {  	[tilespmem:v4+s17+$0x0] =	vst.idx.add.f32.msk $0xff, v3  }
0x146: {  	v4 =	vadd.s32 v1, v5;
	v3 =	vld [tilespmem:s25+$0xFFFFFE00];
	_ =	sdelay $0x3  }
0x147: {  	v5 =	vbroadcast v2, $0xC  }
0x148: {  	[tilespmem:v4+s17+$0x0] =	vst.idx.add.f32.msk $0xff, v3  }
0x149: {  	v4 =	vadd.s32 v1, v5;
	v3 =	vld [tilespmem:s25+$0xFFFFFE80];
	_ =	sdelay $0x1  }
0x14a: {  	(v2sf) =	vpush v2, $0xF;
	_ =	sdelay $0x1  }
0x14b: {  	v5 =	vbroadcast v2, $0xD  }
0x14c: {  	[tilespmem:v4+s17+$0x0] =	vst.idx.add.f32.msk $0xff, v3  }
0x14d: {  	v4 =	vadd.s32 v1, v5;
	v3 =	vld [tilespmem:s25+$0xFFFFFF00];
	_ =	sdelay $0x3  }
0x14e: {  	v2 =	vbroadcast v2, $0xE  }
0x14f: {  	[tilespmem:v4+s17+$0x0] =	vst.idx.add.f32.msk $0xff, v3  }
0x150: {  	v2 =	vadd.s32 v1, v2;
	v3 =	vld [tilespmem:s25+$0xFFFFFF80];
	_ =	sdelay $0x4  }
0x151: {  	s29 =	spop (v2sf);
	[tilespmem:v2+s17+$0x0] =	vst.idx.add.f32.msk $0xff, v3  }
0x152: {  	v3 =	vadd.s32 s29, v1;
	v2 =	vld [tilespmem:s25+$0x0];
	_ =	sdelay $0x4  }
0x153: {  	[tilespmem:v3+s17+$0x0] =	vst.idx.add.f32.msk $0xff, v2  }
0x154: {  	_ =	swait.ge [sflag:s14], $0x2800  }
0x155: {  	[sflag:s14] =	ssyncset.done $0x0  }
0x156: {  	p0 =	seq.s32 s23, $0x3D;
	[sflag:s14] =	ssyncadd.s32 $0xFFFFD800  }
0x157: {  	s24 =	sadd.s32 @!p0 s24, s10;
	s28 =	simm.s32 @!p0 $0x2800;
	_ =	swait.ge [sflag:s14], $0x50  }
0x158: {  	s26 =	simm.s32 @!p0 $0x0;
	s25 =	sshll.u32 @!p0 s24, $0x4;
	[sflag:s14] =	ssyncset.done $0x0  }
0x159: {  	s24 =	sshrl.u32 @!p0 s24, $0x3;
	s25 =	sadd.s32 @!p0 s3, s25;
	[sflag:s14] =	ssyncadd.s32 $0xFFFFFFB0  }
0x15a: {  	[tilespmem:s28], [sflag:$0x2] =	stream.linear.gather @!p0 [hbm4b:s25+s26], $0x2800, $0x38;
	[tilespmem:$0x18980] =	vst v63  }
0x15b: {  	s30 =	simm.s32 $0x0;
	s24 =	sadd.s32 @!p0 s4, s24;
	s25 =	simm.s32 @!p0 $0x5080  }
0x15c: {  	[tilespmem:s25], [sflag:$0x2] =	stream.linear.gather @!p0 [hbm4b:s24+s26], $0x50, $0x38;
	[tilespmem:$0x18980] =	vst v63  }
0x15d: {  	v2 =	vld [tilespmem:s30+$0x5000];
	_ =	sdelay $0x4  }
0x15e: {  	v2 =	vshll.u32 v2, $0x3  }
0x15f: {  	v3 =	vbroadcast v2, $0x0  }
0x160: {  	s24 =	simm.s32 $0x400  }
0x161: {  	v4 =	vld [tilespmem:s24+$0xFFFFFC00];
	v3 =	vadd.s32 v1, v3;
	_ =	sdelay $0x3  }
0x162: {  	v5 =	vbroadcast v2, $0x1  }
0x163: {  	[tilespmem:v3+s17+$0x0] =	vst.idx.add.f32.msk $0xff, v4  }
0x164: {  	v4 =	vadd.s32 v1, v5;
	v3 =	vld [tilespmem:s24+$0xFFFFFC80];
	_ =	sdelay $0x3  }
0x165: {  	v5 =	vbroadcast v2, $0x2  }
0x166: {  	[tilespmem:v4+s17+$0x0] =	vst.idx.add.f32.msk $0xff, v3  }
0x167: {  	v4 =	vadd.s32 v1, v5;
	v3 =	vld [tilespmem:s24+$0xFFFFFD00];
	_ =	sdelay $0x3  }
0x168: {  	v5 =	vbroadcast v2, $0x3  }
0x169: {  	[tilespmem:v4+s17+$0x0] =	vst.idx.add.f32.msk $0xff, v3  }
0x16a: {  	v4 =	vadd.s32 v1, v5;
	v3 =	vld [tilespmem:s24+$0xFFFFFD80];
	_ =	sdelay $0x3  }
0x16b: {  	v5 =	vbroadcast v2, $0x4  }
0x16c: {  	[tilespmem:v4+s17+$0x0] =	vst.idx.add.f32.msk $0xff, v3  }
0x16d: {  	v4 =	vadd.s32 v1, v5;
	v3 =	vld [tilespmem:s24+$0xFFFFFE00];
	_ =	sdelay $0x3  }
0x16e: {  	v5 =	vbroadcast v2, $0x5  }
0x16f: {  	[tilespmem:v4+s17+$0x0] =	vst.idx.add.f32.msk $0xff, v3  }
0x170: {  	v4 =	vadd.s32 v1, v5;
	v3 =	vld [tilespmem:s24+$0xFFFFFE80];
	_ =	sdelay $0x3  }
0x171: {  	v5 =	vbroadcast v2, $0x6  }
0x172: {  	[tilespmem:v4+s17+$0x0] =	vst.idx.add.f32.msk $0xff, v3  }
0x173: {  	v4 =	vadd.s32 v1, v5;
	v3 =	vld [tilespmem:s24+$0xFFFFFF00];
	_ =	sdelay $0x3  }
0x174: {  	v5 =	vbroadcast v2, $0x7  }
0x175: {  	[tilespmem:v4+s17+$0x0] =	vst.idx.add.f32.msk $0xff, v3  }
0x176: {  	v4 =	vadd.s32 v1, v5;
	v3 =	vld [tilespmem:s24+$0xFFFFFF80];
	_ =	sdelay $0x3  }
0x177: {  	v5 =	vbroadcast v2, $0x8  }
0x178: {  	[tilespmem:v4+s17+$0x0] =	vst.idx.add.f32.msk $0xff, v3  }
0x179: {  	v4 =	vadd.s32 v1, v5;
	v3 =	vld [tilespmem:s24+$0x0];
	_ =	sdelay $0x3  }
0x17a: {  	v5 =	vbroadcast v2, $0x9  }
0x17b: {  	[tilespmem:v4+s17+$0x0] =	vst.idx.add.f32.msk $0xff, v3  }
0x17c: {  	v4 =	vadd.s32 v1, v5;
	v3 =	vld [tilespmem:s24+$0x80];
	_ =	sdelay $0x3  }
0x17d: {  	v5 =	vbroadcast v2, $0xA  }
0x17e: {  	[tilespmem:v4+s17+$0x0] =	vst.idx.add.f32.msk $0xff, v3  }
0x17f: {  	v4 =	vadd.s32 v1, v5;
	v3 =	vld [tilespmem:s24+$0x100];
	_ =	sdelay $0x3  }
0x180: {  	v5 =	vbroadcast v2, $0xB  }
0x181: {  	[tilespmem:v4+s17+$0x0] =	vst.idx.add.f32.msk $0xff, v3  }
0x182: {  	v4 =	vadd.s32 v1, v5;
	v3 =	vld [tilespmem:s24+$0x180];
	_ =	sdelay $0x3  }
0x183: {  	v5 =	vbroadcast v2, $0xC  }
0x184: {  	[tilespmem:v4+s17+$0x0] =	vst.idx.add.f32.msk $0xff, v3  }
0x185: {  	v4 =	vadd.s32 v1, v5;
	v3 =	vld [tilespmem:s24+$0x200];
	_ =	sdelay $0x1  }
0x186: {  	(v2sf) =	vpush v2, $0xF;
	_ =	sdelay $0x1  }
0x187: {  	v5 =	vbroadcast v2, $0xD  }
0x188: {  	[tilespmem:v4+s17+$0x0] =	vst.idx.add.f32.msk $0xff, v3  }
0x189: {  	v4 =	vadd.s32 v1, v5;
	v3 =	vld [tilespmem:s24+$0x280];
	_ =	sdelay $0x3  }
0x18a: {  	v2 =	vbroadcast v2, $0xE  }
0x18b: {  	[tilespmem:v4+s17+$0x0] =	vst.idx.add.f32.msk $0xff, v3  }
0x18c: {  	v2 =	vadd.s32 v1, v2;
	v3 =	vld [tilespmem:s24+$0x300];
	_ =	sdelay $0x4  }
0x18d: {  	s31 =	spop (v2sf);
	[tilespmem:v2+s17+$0x0] =	vst.idx.add.f32.msk $0xff, v3  }
0x18e: {  	s28 =	simm.s32 $0x80;
	s25 =	simm.s32 $0x40;
	v3 =	vadd.s32 s31, v1;
	v2 =	vld [tilespmem:s24+$0x380]  }
.LBB2_9:
0x18f: {  	_ =	sdelay $0x2  }
0x190: {  	s29 =	sshra.s32 s25, $0x2  }
0x191: {  	s24 =	sadd.s32 $0x800, s24;
	s25 =	smov.u32 s28;
	s26 =	sadd.s32 $0x40, s28;
	[tilespmem:v3+s17+$0x0] =	vst.idx.add.f32.msk $0xff, v2  }
0x192: {  	p0 =	sne.s32 s28, $0x100;
	v2 =	vld [tilespmem:s29+$0x5000];
	_ =	sdelay $0x4  }
0x193: {  	v2 =	vshll.u32 v2, $0x3  }
0x194: {  	v3 =	vbroadcast v2, $0x0;
	v4 =	vbroadcast v2, $0x1;
	(v2sf) =	vpush v2, $0xF  }
0x195: {  	v5 =	vbroadcast v2, $0x2;
	v6 =	vbroadcast v2, $0x3  }
0x196: {  	v8 =	vbroadcast v2, $0x4;
	v9 =	vbroadcast v2, $0x5;
	v7 =	vld [tilespmem:s24+$0xFFFFFC00];
	v3 =	vadd.s32 v1, v3  }
0x197: {  	v10 =	vbroadcast v2, $0x6;
	v11 =	vbroadcast v2, $0x7  }
0x198: {  	v12 =	vbroadcast v2, $0x8;
	v13 =	vbroadcast v2, $0x9  }
0x199: {  	v14 =	vbroadcast v2, $0xA;
	v15 =	vbroadcast v2, $0xB  }
0x19a: {  	v16 =	vbroadcast v2, $0xC;
	v17 =	vbroadcast v2, $0xD  }
0x19b: {  	v2 =	vbroadcast v2, $0xE;
	[tilespmem:v3+s17+$0x0] =	vst.idx.add.f32.msk $0xff, v7  }
0x19c: {  	v4 =	vadd.s32 v1, v4;
	v3 =	vld [tilespmem:s24+$0xFFFFFC80];
	_ =	sdelay $0x4  }
0x19d: {  	[tilespmem:v4+s17+$0x0] =	vst.idx.add.f32.msk $0xff, v3  }
0x19e: {  	v4 =	vadd.s32 v1, v5;
	v3 =	vld [tilespmem:s24+$0xFFFFFD00]  }
0x19f: {  	s28 =	spop (v2sf);
	_ =	sdelay $0x3  }
0x1a0: {  	[tilespmem:v4+s17+$0x0] =	vst.idx.add.f32.msk $0xff, v3  }
0x1a1: {  	v4 =	vadd.s32 v1, v6;
	v3 =	vld [tilespmem:s24+$0xFFFFFD80];
	_ =	sdelay $0x4  }
0x1a2: {  	[tilespmem:v4+s17+$0x0] =	vst.idx.add.f32.msk $0xff, v3  }
0x1a3: {  	v4 =	vadd.s32 v1, v8;
	v3 =	vld [tilespmem:s24+$0xFFFFFE00];
	_ =	sdelay $0x4  }
0x1a4: {  	[tilespmem:v4+s17+$0x0] =	vst.idx.add.f32.msk $0xff, v3  }
0x1a5: {  	v4 =	vadd.s32 v1, v9;
	v3 =	vld [tilespmem:s24+$0xFFFFFE80];
	_ =	sdelay $0x4  }
0x1a6: {  	[tilespmem:v4+s17+$0x0] =	vst.idx.add.f32.msk $0xff, v3  }
0x1a7: {  	v4 =	vadd.s32 v1, v10;
	v3 =	vld [tilespmem:s24+$0xFFFFFF00];
	_ =	sdelay $0x4  }
0x1a8: {  	[tilespmem:v4+s17+$0x0] =	vst.idx.add.f32.msk $0xff, v3  }
0x1a9: {  	v4 =	vadd.s32 v1, v11;
	v3 =	vld [tilespmem:s24+$0xFFFFFF80];
	_ =	sdelay $0x4  }
0x1aa: {  	[tilespmem:v4+s17+$0x0] =	vst.idx.add.f32.msk $0xff, v3  }
0x1ab: {  	v4 =	vadd.s32 v1, v12;
	v3 =	vld [tilespmem:s24+$0x0];
	_ =	sdelay $0x4  }
0x1ac: {  	[tilespmem:v4+s17+$0x0] =	vst.idx.add.f32.msk $0xff, v3  }
0x1ad: {  	v4 =	vadd.s32 v1, v13;
	v3 =	vld [tilespmem:s24+$0x80];
	_ =	sdelay $0x4  }
0x1ae: {  	[tilespmem:v4+s17+$0x0] =	vst.idx.add.f32.msk $0xff, v3  }
0x1af: {  	v4 =	vadd.s32 v1, v14;
	v3 =	vld [tilespmem:s24+$0x100];
	_ =	sdelay $0x4  }
0x1b0: {  	[tilespmem:v4+s17+$0x0] =	vst.idx.add.f32.msk $0xff, v3  }
0x1b1: {  	v4 =	vadd.s32 v1, v15;
	v3 =	vld [tilespmem:s24+$0x180];
	_ =	sdelay $0x4  }
0x1b2: {  	[tilespmem:v4+s17+$0x0] =	vst.idx.add.f32.msk $0xff, v3  }
0x1b3: {  	v4 =	vadd.s32 v1, v16;
	v3 =	vld [tilespmem:s24+$0x200];
	_ =	sdelay $0x4  }
0x1b4: {  	[tilespmem:v4+s17+$0x0] =	vst.idx.add.f32.msk $0xff, v3  }
0x1b5: {  	v4 =	vadd.s32 v1, v17;
	v3 =	vld [tilespmem:s24+$0x280];
	_ =	sdelay $0x4  }
0x1b6: {  	[tilespmem:v4+s17+$0x0] =	vst.idx.add.f32.msk $0xff, v3  }
0x1b7: {  	v2 =	vadd.s32 v1, v2;
	v3 =	vld [tilespmem:s24+$0x300];
	_ =	sdelay $0x1  }
.Ltmp3:
0x1b8: {  	(pc) =	sbr.rel @p0 .LBB2_9-.Ltmp3, $3  }
0x1b9: {  	_ =	sdelay $0x1  }
0x1ba: {  	[tilespmem:v2+s17+$0x0] =	vst.idx.add.f32.msk $0xff, v3  }
0x1bb: {  	v3 =	vadd.s32 s28, v1;
	s28 =	smov.u32 s26;
	v2 =	vld [tilespmem:s24+$0x380]  }
0x1bc: {  	_ =	sdelay $0x3  }
0x1bd: {  	s25 =	sshra.s32 s25, $0x2;
	[tilespmem:v3+s17+$0x0] =	vst.idx.add.f32.msk $0xff, v2  }
0x1be: {  	v2 =	vld [tilespmem:s25+$0x5000];
	_ =	sdelay $0x4  }
0x1bf: {  	v2 =	vshll.u32 v2, $0x3  }
0x1c0: {  	v3 =	vbroadcast v2, $0x0  }
0x1c1: {  	s24 =	sadd.s32 $0x800, s24  }
0x1c2: {  	v4 =	vld [tilespmem:s24+$0xFFFFFC00];
	v3 =	vadd.s32 v1, v3;
	_ =	sdelay $0x3  }
0x1c3: {  	v5 =	vbroadcast v2, $0x1  }
0x1c4: {  	[tilespmem:v3+s17+$0x0] =	vst.idx.add.f32.msk $0xff, v4  }
0x1c5: {  	v39 =	vadd.s32 v1, v5;
	v3 =	vld [tilespmem:s24+$0xFFFFFC80];
	_ =	sdelay $0x3  }
0x1c6: {  	v40 =	vbroadcast v2, $0x2  }
0x1c7: {  	[tilespmem:v39+s17+$0x0] =	vst.idx.add.f32.msk $0xff, v3  }
0x1c8: {  	v41 =	vadd.s32 v1, v40;
	v3 =	vld [tilespmem:s24+$0xFFFFFD00];
	_ =	sdelay $0x3  }
0x1c9: {  	v42 =	vbroadcast v2, $0x3  }
0x1ca: {  	[tilespmem:v41+s17+$0x0] =	vst.idx.add.f32.msk $0xff, v3  }
0x1cb: {  	v43 =	vadd.s32 v1, v42;
	v3 =	vld [tilespmem:s24+$0xFFFFFD80];
	_ =	sdelay $0x3  }
0x1cc: {  	v44 =	vbroadcast v2, $0x4  }
0x1cd: {  	[tilespmem:v43+s17+$0x0] =	vst.idx.add.f32.msk $0xff, v3  }
0x1ce: {  	v45 =	vadd.s32 v1, v44;
	v3 =	vld [tilespmem:s24+$0xFFFFFE00];
	_ =	sdelay $0x3  }
0x1cf: {  	v46 =	vbroadcast v2, $0x5  }
0x1d0: {  	[tilespmem:v45+s17+$0x0] =	vst.idx.add.f32.msk $0xff, v3  }
0x1d1: {  	v47 =	vadd.s32 v1, v46;
	v3 =	vld [tilespmem:s24+$0xFFFFFE80];
	_ =	sdelay $0x3  }
0x1d2: {  	v48 =	vbroadcast v2, $0x6  }
0x1d3: {  	[tilespmem:v47+s17+$0x0] =	vst.idx.add.f32.msk $0xff, v3  }
0x1d4: {  	v49 =	vadd.s32 v1, v48;
	v3 =	vld [tilespmem:s24+$0xFFFFFF00];
	_ =	sdelay $0x3  }
0x1d5: {  	v50 =	vbroadcast v2, $0x7  }
0x1d6: {  	[tilespmem:v49+s17+$0x0] =	vst.idx.add.f32.msk $0xff, v3  }
0x1d7: {  	v51 =	vadd.s32 v1, v50;
	v3 =	vld [tilespmem:s24+$0xFFFFFF80];
	_ =	sdelay $0x3  }
0x1d8: {  	v52 =	vbroadcast v2, $0x8  }
0x1d9: {  	[tilespmem:v51+s17+$0x0] =	vst.idx.add.f32.msk $0xff, v3  }
0x1da: {  	v53 =	vadd.s32 v1, v52;
	v3 =	vld [tilespmem:s24+$0x0];
	_ =	sdelay $0x3  }
0x1db: {  	v54 =	vbroadcast v2, $0x9  }
0x1dc: {  	[tilespmem:v53+s17+$0x0] =	vst.idx.add.f32.msk $0xff, v3  }
0x1dd: {  	v55 =	vadd.s32 v1, v54;
	v3 =	vld [tilespmem:s24+$0x80];
	_ =	sdelay $0x3  }
0x1de: {  	v56 =	vbroadcast v2, $0xA  }
0x1df: {  	[tilespmem:v55+s17+$0x0] =	vst.idx.add.f32.msk $0xff, v3  }
0x1e0: {  	v57 =	vadd.s32 v1, v56;
	v3 =	vld [tilespmem:s24+$0x100];
	_ =	sdelay $0x3  }
0x1e1: {  	v58 =	vbroadcast v2, $0xB  }
0x1e2: {  	[tilespmem:v57+s17+$0x0] =	vst.idx.add.f32.msk $0xff, v3  }
0x1e3: {  	v59 =	vadd.s32 v1, v58;
	v3 =	vld [tilespmem:s24+$0x180];
	_ =	sdelay $0x3  }
0x1e4: {  	v60 =	vbroadcast v2, $0xC  }
0x1e5: {  	[tilespmem:v59+s17+$0x0] =	vst.idx.add.f32.msk $0xff, v3  }
0x1e6: {  	v61 =	vadd.s32 v1, v60;
	v3 =	vld [tilespmem:s24+$0x200];
	_ =	sdelay $0x1  }
0x1e7: {  	(v2sf) =	vpush v2, $0xF;
	_ =	sdelay $0x1  }
0x1e8: {  	v62 =	vbroadcast v2, $0xD  }
0x1e9: {  	[tilespmem:v61+s17+$0x0] =	vst.idx.add.f32.msk $0xff, v3  }
0x1ea: {  	v63 =	vadd.s32 v1, v62;
	v3 =	vld [tilespmem:s24+$0x280];
	_ =	sdelay $0x3  }
0x1eb: {  	v2 =	vbroadcast v2, $0xE  }
0x1ec: {  	[tilespmem:v63+s17+$0x0] =	vst.idx.add.f32.msk $0xff, v3  }
0x1ed: {  	v2 =	vadd.s32 v1, v2;
	v3 =	vld [tilespmem:s24+$0x300];
	_ =	sdelay $0x4  }
0x1ee: {  	s23 =	sadd.s32 $0x1, s23;
	s31 =	spop (v2sf);
	[tilespmem:v2+s17+$0x0] =	vst.idx.add.f32.msk $0xff, v3  }
0x1ef: {  	p0 =	sne.s32 s23, $0x3E;
	v3 =	vadd.s32 s31, v1;
	v2 =	vld [tilespmem:s24+$0x380]  }
.Ltmp4:
0x1f0: {  	_ = 	snop;
	(pc) =	sbr.rel @p0 .LBB2_6-.Ltmp4, $2  }
0x1f1: {  	_ =	sdelay $0x2  }
0x1f2: {  	[tilespmem:v3+s17+$0x0] =	vst.idx.add.f32.msk $0xff, v2  }
0x1f3: {  	s22 =	sadd.s32 $0x1, s22  }
0x1f4: {  	p0 =	sne.s32 s22, s12  }
.Ltmp5:
0x1f5: {  	_ = 	snop;
	(pc) =	sbr.rel @p0 .LBB2_1-.Ltmp5, $4  }
0x1f6: {  	[hbm4b:s11+s19] =	stream.strided.scatter [tilespmem:s17], [sflag:$0x3], $0x13880, s20, s19, $0x38;
	[tilespmem:$0x18980] =	vst v63  }
0x1f7: {  	_ =	swait.ge [sflag:s21], $0x13880  }
0x1f8: {  	[sflag:s21] =	ssyncset.done $0x0  }
0x1f9: {  	[sflag:s21] =	ssyncadd.s32 $0xFFFEC780  }
0x1fa: {  	_ =	sfence.sel $0x180000  }
0x1fb: {  	[bflag:$0x0] =	sbarrier.arrive $0xFFFF  }
0x1fc: {  	p0 =	sne.s32 s1, $0x0;
	_ =	strace $0x9000004A  }
0x1fd: {  	s0 =	sadd.s32 @!p0 $0x100000, s0;
	[bflag:$0x2] =	sbarrier.arrive $0xFFFF  }
0x1fe: {  	[sflag:s0] =	ssyncadd.tile.s32 @!p0 $0x1;
	_ =	shalt  }
.Lfunc_end2:
_tile_overlayer_lowered:
.L_overlay_start_2:
0x1ff: {  	(tag) =	ssettag $0x2  }
0x200: {  	s0 =	rddreg [dreg:$0x0];
	s2 =	stileid.u32  }
0x201: {  	s1 =	rddreg [dreg:$0x1];
	p0 =	sne.s32 s2, $0x0  }
0x202: {  	s3 =	rddreg [dreg:$0x2];
	[bflag:$0x3] =	sbarrier.arrive $0xFFFF;
	s2 =	simm.s32 @!p0 $0x1C03  }
0x203: {  	[timem:s3], [sflag:s2] =	dma.local @!p0 [hbm:s0], s1  }
0x204: {  	s0 =	simm.s32 @!p0 $0x3  }
0x205: {  	_ =	swait.ge @!p0 [sflag:s0], s1  }
0x206: {  	s1 =	ssub.s32 @!p0 $0x0, s1;
	[sflag:s0] =	ssyncset.done @!p0 $0x0  }
0x207: {  	[sflag:s0] =	ssyncadd.s32 @!p0 s1  }
0x208: {  	[bflag:$0x3] =	sbarrier.arrive $0xFFFF  }
0x209: {  	_ =	shalt  }

</sc_bundles>
